<compile_context>
chip_gen: v7x
topology: tpu7x:2x2x1
jax: 0.10.2.dev20260603
libtpu: 0.0.44.dev20260713+nightly
codegen_flags: <defaults>
</compile_context>

<pallas_src>
import functools

import jax
import jax.numpy as jnp
from jax import lax
from jax.experimental import pallas as pl
from jax.experimental.pallas import tpu as pltpu
from jax.experimental.pallas import tpu_sc as plsc

_N = 50000
_E = 800000
_B = 2
_T = 12
_H = 32
_HZ = 12


_BN = 2048
_GRID = (_N + _BN - 1) // _BN


def _pre_body(x_ref, w1_ref, asrc_ref, adst_ref, h_ref, als_ref, ald_ref):
    x2 = x_ref[...].reshape(_B * _BN, _T)
    h2 = jnp.dot(x2, w1_ref[...], preferred_element_type=jnp.float32)
    h3 = h2.reshape(_B, _BN, _H)
    h_ref[...] = h3
    als_ref[...] = jnp.sum(h3 * asrc_ref[...].reshape(1, 1, _H), axis=-1)
    ald_ref[...] = jnp.sum(h3 * adst_ref[...].reshape(1, 1, _H), axis=-1)


def _mid_body(agg_ref, den_ref, w2_ref, b2_ref, w1_ref, asrc_ref, adst_ref,
              h_ref, als_ref, ald_ref):
    a3 = agg_ref[...] / (den_ref[...][:, :, None] + 1e-30)
    a2 = a3.reshape(_B * _BN, _H)
    x1 = jnp.maximum(
        jnp.dot(a2, w2_ref[...], preferred_element_type=jnp.float32)
        + b2_ref[...], 0.0)
    h2 = jnp.dot(x1, w1_ref[...], preferred_element_type=jnp.float32)
    h3 = h2.reshape(_B, _BN, _H)
    h_ref[...] = h3
    als_ref[...] = jnp.sum(h3 * asrc_ref[...].reshape(1, 1, _H), axis=-1)
    ald_ref[...] = jnp.sum(h3 * adst_ref[...].reshape(1, 1, _H), axis=-1)


def _post_body(agg_ref, den_ref, w2_ref, b2_ref, wb_ref, bb_ref, tw_ref,
               tb_ref, wf_ref, bf_ref, out_ref):
    a3 = agg_ref[...] / (den_ref[...][:, :, None] + 1e-30)
    a2 = a3.reshape(_B * _BN, _H)
    x2 = jnp.maximum(
        jnp.dot(a2, w2_ref[...], preferred_element_type=jnp.float32)
        + b2_ref[...], 0.0)
    so = jnp.dot(x2, wb_ref[...], preferred_element_type=jnp.float32) \
        + bb_ref[...]
    t = so
    for i in range(2):
        xp = jnp.concatenate(
            [jnp.zeros((_B * _BN, 2), jnp.float32), t[:, :_HZ - 2]], axis=1)
        t = jnp.maximum(tw_ref[i, 0] * xp + tw_ref[i, 1] * t + tb_ref[0, i],
                        0.0)
    fu = jnp.concatenate([so, t], axis=1)
    out = jnp.dot(fu, wf_ref[...], preferred_element_type=jnp.float32) \
        + bf_ref[...]
    out_ref[...] = out.reshape(_B, _BN, _HZ)


def _full(shape):
    return pl.BlockSpec(shape, lambda i: tuple(0 for _ in shape))


_pre_call = pl.pallas_call(
    _pre_body,
    grid=(_GRID,),
    in_specs=[
        pl.BlockSpec((_B, _BN, _T), lambda i: (0, i, 0)),
        _full((_T, _H)),
        _full((1, _H)),
        _full((1, _H)),
    ],
    out_specs=[
        pl.BlockSpec((_B, _BN, _H), lambda i: (0, i, 0)),
        pl.BlockSpec((_B, _BN), lambda i: (0, i)),
        pl.BlockSpec((_B, _BN), lambda i: (0, i)),
    ],
    out_shape=[
        jax.ShapeDtypeStruct((_B, _N, _H), jnp.float32),
        jax.ShapeDtypeStruct((_B, _N), jnp.float32),
        jax.ShapeDtypeStruct((_B, _N), jnp.float32),
    ],
)

_mid_call = pl.pallas_call(
    _mid_body,
    grid=(_GRID,),
    in_specs=[
        pl.BlockSpec((_B, _BN, _H), lambda i: (0, i, 0)),
        pl.BlockSpec((_B, _BN), lambda i: (0, i)),
        _full((_H, _T)),
        _full((1, _T)),
        _full((_T, _H)),
        _full((1, _H)),
        _full((1, _H)),
    ],
    out_specs=[
        pl.BlockSpec((_B, _BN, _H), lambda i: (0, i, 0)),
        pl.BlockSpec((_B, _BN), lambda i: (0, i)),
        pl.BlockSpec((_B, _BN), lambda i: (0, i)),
    ],
    out_shape=[
        jax.ShapeDtypeStruct((_B, _N, _H), jnp.float32),
        jax.ShapeDtypeStruct((_B, _N), jnp.float32),
        jax.ShapeDtypeStruct((_B, _N), jnp.float32),
    ],
)

_post_call = pl.pallas_call(
    _post_body,
    grid=(_GRID,),
    in_specs=[
        pl.BlockSpec((_B, _BN, _H), lambda i: (0, i, 0)),
        pl.BlockSpec((_B, _BN), lambda i: (0, i)),
        _full((_H, _T)),
        _full((1, _T)),
        _full((_T, _HZ)),
        _full((1, _HZ)),
        pl.BlockSpec(memory_space=pltpu.SMEM),
        pl.BlockSpec(memory_space=pltpu.SMEM),
        _full((2 * _HZ, _HZ)),
        _full((1, _HZ)),
    ],
    out_specs=pl.BlockSpec((_B, _BN, _HZ), lambda i: (0, i, 0)),
    out_shape=jax.ShapeDtypeStruct((_B, _N, _HZ), jnp.float32),
)


_K = 400
_TPE = _E // 16
_NCH = _TPE // _K
_NSTRIPE = _N // 16
_DZ = 3128


_KA = 208
_KB = 192


def _sc_body(h_hbm, als_hbm, ald_hbm, adj_hbm, z1_hbm, z2_hbm,
             agg_hbm, den_hbm,
             den_sh, agg_sh, als_sh, ald_sh,
             srcba, srcbb, dstba, dstbb, esba, esbb, edba, edbb,
             attnba, attnbb, rowsa, rowsb,
             sem0, sem1, sem2, sem3, sem4, sem5, sem6, sem7):
    c = lax.axis_index("c")
    s = lax.axis_index("s")
    h_v = h_hbm.at[c]

    @pl.when(s == 0)
    def _():
        pltpu.sync_copy(als_hbm.at[c], als_sh)
        pltpu.sync_copy(ald_hbm.at[c], ald_sh)

    _DR = _N - 15 * _DZ

    @pl.when(s < 15)
    def _():
        pltpu.sync_copy(z1_hbm.at[pl.ds(0, _DZ)],
                        den_sh.at[pl.ds(s * _DZ, _DZ)])

    @pl.when(s == 15)
    def _():
        pltpu.sync_copy(z1_hbm.at[pl.ds(0, _DR)],
                        den_sh.at[pl.ds(15 * _DZ, _DR)])

    pltpu.sync_copy(z2_hbm.at[pl.ds(0, _NSTRIPE)],
                    agg_sh.at[pl.ds(s * _NSTRIPE, _NSTRIPE)])

    plsc.subcore_barrier()

    def _mk_grp(esb, edb, attnb):
        def _grp(g, carry2):
            e = esb[pl.ds(g * 16, 16)] + edb[pl.ds(g * 16, 16)]
            e = jnp.where(e >= 0.0, e, 0.2 * e)
            attnb[pl.ds(g * 16, 16)] = jnp.exp(e)
            return carry2
        return _grp

    def _mk_scl(attnb, rows):
        def _scl(g, carry2):
            av = attnb[pl.ds(g * 16, 16)]
            for e in range(16):
                a = av[e]
                r = g * 16 + e
                rows[r, pl.ds(0, 16)] = rows[r, pl.ds(0, 16)] * a
                rows[r, pl.ds(16, 16)] = rows[r, pl.ds(16, 16)] * a
            return carry2
        return _scl

    def _pp_body(j, carry):
        ebase = s * _TPE + j * _K
        ca0 = pltpu.async_copy(adj_hbm.at[0, pl.ds(ebase, _KA)], srcba, sem0)
        cb0 = pltpu.async_copy(adj_hbm.at[1, pl.ds(ebase, _KA)], dstba, sem1)
        ca1 = pltpu.async_copy(adj_hbm.at[0, pl.ds(ebase + _KA, _KB)],
                               srcbb, sem2)
        cb1 = pltpu.async_copy(adj_hbm.at[1, pl.ds(ebase + _KA, _KB)],
                               dstbb, sem3)
        ca0.wait()
        cra = pltpu.async_copy(h_v.at[srcba], rowsa, sem4)
        cea = pltpu.async_copy(als_sh.at[srcba], esba, sem0)
        cb0.wait()
        cfa = pltpu.async_copy(ald_sh.at[dstba], edba, sem1)
        ca1.wait()
        crb = pltpu.async_copy(h_v.at[srcbb], rowsb, sem5)
        ceb = pltpu.async_copy(als_sh.at[srcbb], esbb, sem2)
        cb1.wait()
        cfb = pltpu.async_copy(ald_sh.at[dstbb], edbb, sem3)
        cea.wait()
        cfa.wait()
        lax.fori_loop(0, _KA // 16, _mk_grp(esba, edba, attnba), 0)
        cdena = pltpu.async_copy(attnba, den_sh.at[dstba], sem6, add=True)
        cra.wait()
        lax.fori_loop(0, _KA // 16, _mk_scl(attnba, rowsa), 0)
        csa = pltpu.async_copy(rowsa, agg_sh.at[dstba], sem7, add=True)
        ceb.wait()
        cfb.wait()
        lax.fori_loop(0, _KB // 16, _mk_grp(esbb, edbb, attnbb), 0)
        cdenb = pltpu.async_copy(attnbb, den_sh.at[dstbb], sem6, add=True)
        crb.wait()
        lax.fori_loop(0, _KB // 16, _mk_scl(attnbb, rowsb), 0)
        csb = pltpu.async_copy(rowsb, agg_sh.at[dstbb], sem7, add=True)
        cdena.wait()
        csa.wait()
        cdenb.wait()
        csb.wait()
        return carry

    lax.fori_loop(0, _NCH, _pp_body, 0)
    plsc.subcore_barrier()

    row0 = s * _NSTRIPE
    pltpu.sync_copy(agg_sh.at[pl.ds(row0, _NSTRIPE)],
                    agg_hbm.at[c, pl.ds(row0, _NSTRIPE)])

    @pl.when(s < 15)
    def _():
        pltpu.sync_copy(den_sh.at[pl.ds(s * _DZ, _DZ)],
                        den_hbm.at[c, pl.ds(s * _DZ, _DZ)])

    @pl.when(s == 15)
    def _():
        pltpu.sync_copy(den_sh.at[pl.ds(15 * _DZ, _DR)],
                        den_hbm.at[c, pl.ds(15 * _DZ, _DR)])


_sc_edge = pl.kernel(
    _sc_body,
    out_type=(jax.ShapeDtypeStruct((_B, _N, _H), jnp.float32),
              jax.ShapeDtypeStruct((_B, _N), jnp.float32)),
    mesh=plsc.VectorSubcoreMesh(core_axis_name="c", subcore_axis_name="s",
                                num_cores=2, num_subcores=16),
    compiler_params=pltpu.CompilerParams(use_tc_tiling_on_sc=False,
                                         needs_layout_passes=False),
    scratch_types=[
        pltpu.VMEM_SHARED((_N,), jnp.float32),
        pltpu.VMEM_SHARED((_N, _H), jnp.float32),
        pltpu.VMEM_SHARED((_N,), jnp.float32),
        pltpu.VMEM_SHARED((_N,), jnp.float32),
        pltpu.VMEM((_KA,), jnp.int32),
        pltpu.VMEM((_KB,), jnp.int32),
        pltpu.VMEM((_KA,), jnp.int32),
        pltpu.VMEM((_KB,), jnp.int32),
        pltpu.VMEM((_KA,), jnp.float32),
        pltpu.VMEM((_KB,), jnp.float32),
        pltpu.VMEM((_KA,), jnp.float32),
        pltpu.VMEM((_KB,), jnp.float32),
        pltpu.VMEM((_KA,), jnp.float32),
        pltpu.VMEM((_KB,), jnp.float32),
        pltpu.VMEM((_KA, _H), jnp.float32),
        pltpu.VMEM((_KB, _H), jnp.float32),
        pltpu.SemaphoreType.DMA,
        pltpu.SemaphoreType.DMA,
        pltpu.SemaphoreType.DMA,
        pltpu.SemaphoreType.DMA,
        pltpu.SemaphoreType.DMA,
        pltpu.SemaphoreType.DMA,
        pltpu.SemaphoreType.DMA,
        pltpu.SemaphoreType.DMA,
    ],
)


def kernel(x, adj_idx, W1, a_src, a_dst, W2, b2, Wb, bb, tcn_w, tcn_b,
           Wf, bf):
    z1 = jnp.zeros((3136,), jnp.float32)
    z2 = jnp.zeros((3136, _H), jnp.float32)
    h, als, ald = _pre_call(x, W1[0], a_src[0].reshape(1, _H),
                            a_dst[0].reshape(1, _H))
    agg0, den0 = _sc_edge(h, als, ald, adj_idx, z1, z2)
    h1, als1, ald1 = _mid_call(agg0, den0, W2[0],
                               b2[0].reshape(1, _T), W1[1],
                               a_src[1].reshape(1, _H),
                               a_dst[1].reshape(1, _H))
    agg1, den1 = _sc_edge(h1, als1, ald1, adj_idx, z1, z2)
    out = _post_call(agg1, den1, W2[1], b2[1].reshape(1, _T),
                     Wb, bb.reshape(1, _HZ), tcn_w, tcn_b.reshape(1, 2),
                     Wf, bf.reshape(1, _HZ))
    return out

# --- scband reference (transcript-rebuilt; emitter-appended) ---
"""Pipeline reference for scband-stmodel-69020124447077 (READ-ONLY COPY).

The authoritative reference and input builder live on the scoring server;
editing this copy changes nothing except your own understanding.
"""

import jax, jax.numpy as jnp
import numpy as np

N = 50000
E = 800000
B = 2
T = 12   # input_seq_length
HZ = 12  # horizon
H = 32   # hidden_dim
L = 2    # spatial_layers == temporal_layers == 2


def setup_inputs(seed: int = 0) -> dict:
    key = jax.random.key(seed)
    ks = jax.random.split(key, 16)
    x = jax.random.normal(ks[0], (B, N, T), dtype=jnp.float32)
    adj_idx = jax.random.randint(ks[1], (2, E), 0, N, dtype=jnp.int32)
    W1 = 0.2 * jax.random.normal(ks[2], (L, T, H), dtype=jnp.float32)
    a_src = 0.2 * jax.random.normal(ks[3], (L, H), dtype=jnp.float32)
    a_dst = 0.2 * jax.random.normal(ks[4], (L, H), dtype=jnp.float32)
    W2 = 0.2 * jax.random.normal(ks[5], (L, H, T), dtype=jnp.float32)
    b2 = jnp.zeros((L, T), dtype=jnp.float32)
    Wb = 0.2 * jax.random.normal(ks[6], (T, HZ), dtype=jnp.float32)
    bb = jnp.zeros((HZ,), dtype=jnp.float32)
    tcn_w = 0.2 * jax.random.normal(ks[7], (L, 2), dtype=jnp.float32)
    tcn_b = jnp.zeros((L,), dtype=jnp.float32)
    Wf = 0.2 * jax.random.normal(ks[8], (2 * HZ, HZ), dtype=jnp.float32)
    bf = jnp.zeros((HZ,), dtype=jnp.float32)
    return {"x": x, "adj_idx": adj_idx, "W1": W1, "a_src": a_src, "a_dst": a_dst,
            "W2": W2, "b2": b2, "Wb": Wb, "bb": bb, "tcn_w": tcn_w, "tcn_b": tcn_b,
            "Wf": Wf, "bf": bf}


def _gat(x, src, dst, W1l, asl, adl, W2l, b2l):
    # x: [B, N, T] -> h: [B, N, H]
    h = x @ W1l
    al_s = h @ asl  # [B, N]
    al_d = h @ adl  # [B, N]
    e = jax.nn.leaky_relu(al_s[:, src] + al_d[:, dst], 0.2)  # [B, E]
    eT = e.T  # [E, B]
    m = jax.ops.segment_max(eT, dst, num_segments=N)  # [N, B]
    ex = jnp.exp(eT - m[dst])
    den = jax.ops.segment_sum(ex, dst, num_segments=N)  # [N, B]
    attn = ex / (den[dst] + 1e-16)  # [E, B]
    hT = jnp.transpose(h, (1, 0, 2))  # [N, B, H]
    msg = hT[src] * attn[:, :, None]  # [E, B, H]  (edge gather, memory-bound)
    agg = jax.ops.segment_sum(msg, dst, num_segments=N)  # [N, B, H]
    out = jnp.transpose(agg, (1, 0, 2)) @ W2l + b2l  # [B, N, T]
    return out


def reference(x, adj_idx, W1, a_src, a_dst, W2, b2, Wb, bb, tcn_w, tcn_b, Wf, bf):
    src = adj_idx[0]
    dst = adj_idx[1]
    # spatial GAT blocks
    for i in range(L):
        x = jax.nn.relu(_gat(x, src, dst, W1[i], a_src[i], a_dst[i], W2[i], b2[i]))
    spatial_out = x @ Wb + bb  # bridge: [B, N, HZ]
    # temporal dilated TCN blocks (causal, kernel=2, dilation=2 along horizon)
    t = spatial_out
    for i in range(L):
        xp = jnp.pad(t, ((0, 0), (0, 0), (2, 0)))[:, :, :HZ]
        t = jax.nn.relu(tcn_w[i, 0] * xp + tcn_w[i, 1] * t + tcn_b[i])
    fusion_input = jnp.concatenate([spatial_out, t], axis=-1)  # [B, N, 2*HZ]
    fused = fusion_input @ Wf + bf  # [B, N, HZ]
    return fused

if __name__ == "__main__":
    import jax
    _d = setup_inputs()
    print(jax.jit(kernel)(*tuple(_d.values())))

</pallas_src>

<mosaic_0001>
#map = affine_map<(d0, d1) -> (0, 0, 0)>
#map1 = affine_map<(d0, d1) -> (0, 0)>
#map2 = affine_map<(d0, d1) -> (0)>
module attributes {stable_mosaic.version = 14 : i64} {
  func.func @_sc_body(%arg0: i32, %arg1: i32, %arg2: memref<2x50000x32xf32, #tpu.memory_space<hbm>>, %arg3: memref<2x50000xf32, #tpu.memory_space<hbm>>, %arg4: memref<2x50000xf32, #tpu.memory_space<hbm>>, %arg5: memref<2x800000xi32, #tpu.memory_space<hbm>>, %arg6: memref<3136xf32, #tpu.memory_space<hbm>>, %arg7: memref<3136x32xf32, #tpu.memory_space<hbm>>, %arg8: memref<2x50000x32xf32, #tpu.memory_space<hbm>>, %arg9: memref<2x50000xf32, #tpu.memory_space<hbm>>, %arg10: memref<50000xf32, #tpu.memory_space<vmem_shared>>, %arg11: memref<50000x32xf32, #tpu.memory_space<vmem_shared>>, %arg12: memref<50000xf32, #tpu.memory_space<vmem_shared>>, %arg13: memref<50000xf32, #tpu.memory_space<vmem_shared>>, %arg14: memref<208xi32, #tpu.memory_space<vmem>>, %arg15: memref<192xi32, #tpu.memory_space<vmem>>, %arg16: memref<208xi32, #tpu.memory_space<vmem>>, %arg17: memref<192xi32, #tpu.memory_space<vmem>>, %arg18: memref<208xf32, #tpu.memory_space<vmem>>, %arg19: memref<192xf32, #tpu.memory_space<vmem>>, %arg20: memref<208xf32, #tpu.memory_space<vmem>>, %arg21: memref<192xf32, #tpu.memory_space<vmem>>, %arg22: memref<208xf32, #tpu.memory_space<vmem>>, %arg23: memref<192xf32, #tpu.memory_space<vmem>>, %arg24: memref<208x32xf32, #tpu.memory_space<vmem>>, %arg25: memref<192x32xf32, #tpu.memory_space<vmem>>, %arg26: memref<!tpu.dma_semaphore, #tpu.memory_space<semaphore_mem>>, %arg27: memref<!tpu.dma_semaphore, #tpu.memory_space<semaphore_mem>>, %arg28: memref<!tpu.dma_semaphore, #tpu.memory_space<semaphore_mem>>, %arg29: memref<!tpu.dma_semaphore, #tpu.memory_space<semaphore_mem>>, %arg30: memref<!tpu.dma_semaphore, #tpu.memory_space<semaphore_mem>>, %arg31: memref<!tpu.dma_semaphore, #tpu.memory_space<semaphore_mem>>, %arg32: memref<!tpu.dma_semaphore, #tpu.memory_space<semaphore_mem>>, %arg33: memref<!tpu.dma_semaphore, #tpu.memory_space<semaphore_mem>>) attributes {dimension_semantics = [#tpu.dimension_semantics<core_parallel>, #tpu.dimension_semantics<subcore_parallel>], iteration_bounds = array<i64: 2, 16>, scalar_prefetch = 0 : i64, scratch_operands = 24 : i64, tpu.core_type = #tpu.core_type<sc_vector_subcore>, window_params = [{transform_indices = #map}, {transform_indices = #map1}, {transform_indices = #map1}, {transform_indices = #map1}, {transform_indices = #map2}, {transform_indices = #map1}, {transform_indices = #map}, {transform_indices = #map1}]} {
    %eq3A = arith.constant 0 : i32
    %eq3A_0 = arith.cmpi eq, %arg1, %eq3A : i32
    %convert_element_type3A = arith.extui %eq3A_0 : i1 to i32
    %cond3A = arith.constant 0 : i32
    %cond3A_1 = arith.cmpi ne, %convert_element_type3A, %cond3A : i32
    scf.if %cond3A_1 {
      "tpu.region"() ({
        %run_scoped3A = tpu.sem_alloc : memref<!tpu.dma_semaphore, #tpu.memory_space<semaphore_mem>>
        %dma_start3A = arith.constant 0 : i32
        %dma_start3A_30 = tpu.memref_slice %arg3[%arg0, %dma_start3A] : memref<2x50000xf32, #tpu.memory_space<hbm>> -> memref<1x50000xf32, #tpu.memory_space<hbm>>
        %dma_start3A_31 = tpu.memref_squeeze %dma_start3A_30 : memref<1x50000xf32, #tpu.memory_space<hbm>> -> memref<50000xf32, #tpu.memory_space<hbm>>
        tpu.enqueue_dma source(%dma_start3A_31 : memref<50000xf32, #tpu.memory_space<hbm>>) target(%arg12 : memref<50000xf32, #tpu.memory_space<vmem_shared>>) target_semaphore(%run_scoped3A : memref<!tpu.dma_semaphore, #tpu.memory_space<semaphore_mem>>)
        %dma_wait3A = arith.constant 0 : i32
        %dma_wait3A_32 = tpu.memref_slice %arg3[%arg0, %dma_wait3A] : memref<2x50000xf32, #tpu.memory_space<hbm>> -> memref<1x50000xf32, #tpu.memory_space<hbm>>
        %dma_wait3A_33 = tpu.memref_squeeze %dma_wait3A_32 : memref<1x50000xf32, #tpu.memory_space<hbm>> -> memref<50000xf32, #tpu.memory_space<hbm>>
        tpu.wait_dma2 semaphore(%run_scoped3A : memref<!tpu.dma_semaphore, #tpu.memory_space<semaphore_mem>>) src(%dma_wait3A_33 : memref<50000xf32, #tpu.memory_space<hbm>>) dst(%arg12 : memref<50000xf32, #tpu.memory_space<vmem_shared>>)
        tpu.yield
      }) : () -> ()
      "tpu.region"() ({
        %run_scoped3A = tpu.sem_alloc : memref<!tpu.dma_semaphore, #tpu.memory_space<semaphore_mem>>
        %dma_start3A = arith.constant 0 : i32
        %dma_start3A_30 = tpu.memref_slice %arg4[%arg0, %dma_start3A] : memref<2x50000xf32, #tpu.memory_space<hbm>> -> memref<1x50000xf32, #tpu.memory_space<hbm>>
        %dma_start3A_31 = tpu.memref_squeeze %dma_start3A_30 : memref<1x50000xf32, #tpu.memory_space<hbm>> -> memref<50000xf32, #tpu.memory_space<hbm>>
        tpu.enqueue_dma source(%dma_start3A_31 : memref<50000xf32, #tpu.memory_space<hbm>>) target(%arg13 : memref<50000xf32, #tpu.memory_space<vmem_shared>>) target_semaphore(%run_scoped3A : memref<!tpu.dma_semaphore, #tpu.memory_space<semaphore_mem>>)
        %dma_wait3A = arith.constant 0 : i32
        %dma_wait3A_32 = tpu.memref_slice %arg4[%arg0, %dma_wait3A] : memref<2x50000xf32, #tpu.memory_space<hbm>> -> memref<1x50000xf32, #tpu.memory_space<hbm>>
        %dma_wait3A_33 = tpu.memref_squeeze %dma_wait3A_32 : memref<1x50000xf32, #tpu.memory_space<hbm>> -> memref<50000xf32, #tpu.memory_space<hbm>>
        tpu.wait_dma2 semaphore(%run_scoped3A : memref<!tpu.dma_semaphore, #tpu.memory_space<semaphore_mem>>) src(%dma_wait3A_33 : memref<50000xf32, #tpu.memory_space<hbm>>) dst(%arg13 : memref<50000xf32, #tpu.memory_space<vmem_shared>>)
        tpu.yield
      }) : () -> ()
    } else {
    }
    %lt3A = arith.constant 15 : i32
    %lt3A_2 = arith.cmpi slt, %arg1, %lt3A : i32
    %convert_element_type3A_3 = arith.extui %lt3A_2 : i1 to i32
    %cond3A_4 = arith.constant 0 : i32
    %cond3A_5 = arith.cmpi ne, %convert_element_type3A_3, %cond3A_4 : i32
    scf.if %cond3A_5 {
      %mul3A_30 = arith.constant 3128 : i32
      %mul3A_31 = arith.muli %arg1, %mul3A_30 : i32
      "tpu.region"() ({
        %run_scoped3A = tpu.sem_alloc : memref<!tpu.dma_semaphore, #tpu.memory_space<semaphore_mem>>
        %dma_start3A = tpu.memref_slice %arg10[%mul3A_31] : memref<50000xf32, #tpu.memory_space<vmem_shared>> -> memref<3128xf32, #tpu.memory_space<vmem_shared>>
        %dma_start3A_32 = arith.constant 0 : i32
        %dma_start3A_33 = tpu.memref_slice %arg6[%dma_start3A_32] : memref<3136xf32, #tpu.memory_space<hbm>> -> memref<3128xf32, #tpu.memory_space<hbm>>
        tpu.enqueue_dma source(%dma_start3A_33 : memref<3128xf32, #tpu.memory_space<hbm>>) target(%dma_start3A : memref<3128xf32, #tpu.memory_space<vmem_shared>>) target_semaphore(%run_scoped3A : memref<!tpu.dma_semaphore, #tpu.memory_space<semaphore_mem>>)
        %dma_wait3A = tpu.memref_slice %arg10[%mul3A_31] : memref<50000xf32, #tpu.memory_space<vmem_shared>> -> memref<3128xf32, #tpu.memory_space<vmem_shared>>
        %dma_wait3A_34 = arith.constant 0 : i32
        %dma_wait3A_35 = tpu.memref_slice %arg6[%dma_wait3A_34] : memref<3136xf32, #tpu.memory_space<hbm>> -> memref<3128xf32, #tpu.memory_space<hbm>>
        tpu.wait_dma2 semaphore(%run_scoped3A : memref<!tpu.dma_semaphore, #tpu.memory_space<semaphore_mem>>) src(%dma_wait3A_35 : memref<3128xf32, #tpu.memory_space<hbm>>) dst(%dma_wait3A : memref<3128xf32, #tpu.memory_space<vmem_shared>>)
        tpu.yield
      }) : () -> ()
    } else {
    }
    %eq3A_6 = arith.constant 15 : i32
    %eq3A_7 = arith.cmpi eq, %arg1, %eq3A_6 : i32
    %convert_element_type3A_8 = arith.extui %eq3A_7 : i1 to i32
    %cond3A_9 = arith.constant 0 : i32
    %cond3A_10 = arith.cmpi ne, %convert_element_type3A_8, %cond3A_9 : i32
    scf.if %cond3A_10 {
      "tpu.region"() ({
        %run_scoped3A = tpu.sem_alloc : memref<!tpu.dma_semaphore, #tpu.memory_space<semaphore_mem>>
        %dma_start3A = arith.constant 46920 : i32
        %dma_start3A_30 = tpu.memref_slice %arg10[%dma_start3A] : memref<50000xf32, #tpu.memory_space<vmem_shared>> -> memref<3080xf32, #tpu.memory_space<vmem_shared>>
        %dma_start3A_31 = arith.constant 0 : i32
        %dma_start3A_32 = tpu.memref_slice %arg6[%dma_start3A_31] : memref<3136xf32, #tpu.memory_space<hbm>> -> memref<3080xf32, #tpu.memory_space<hbm>>
        tpu.enqueue_dma source(%dma_start3A_32 : memref<3080xf32, #tpu.memory_space<hbm>>) target(%dma_start3A_30 : memref<3080xf32, #tpu.memory_space<vmem_shared>>) target_semaphore(%run_scoped3A : memref<!tpu.dma_semaphore, #tpu.memory_space<semaphore_mem>>)
        %dma_wait3A = arith.constant 46920 : i32
        %dma_wait3A_33 = tpu.memref_slice %arg10[%dma_wait3A] : memref<50000xf32, #tpu.memory_space<vmem_shared>> -> memref<3080xf32, #tpu.memory_space<vmem_shared>>
        %dma_wait3A_34 = arith.constant 0 : i32
        %dma_wait3A_35 = tpu.memref_slice %arg6[%dma_wait3A_34] : memref<3136xf32, #tpu.memory_space<hbm>> -> memref<3080xf32, #tpu.memory_space<hbm>>
        tpu.wait_dma2 semaphore(%run_scoped3A : memref<!tpu.dma_semaphore, #tpu.memory_space<semaphore_mem>>) src(%dma_wait3A_35 : memref<3080xf32, #tpu.memory_space<hbm>>) dst(%dma_wait3A_33 : memref<3080xf32, #tpu.memory_space<vmem_shared>>)
        tpu.yield
      }) : () -> ()
    } else {
    }
    %mul3A = arith.constant 3125 : i32
    %mul3A_11 = arith.muli %arg1, %mul3A : i32
    "tpu.region"() ({
      %run_scoped3A = tpu.sem_alloc : memref<!tpu.dma_semaphore, #tpu.memory_space<semaphore_mem>>
      %dma_start3A = arith.constant 0 : i32
      %dma_start3A_30 = tpu.memref_slice %arg11[%mul3A_11, %dma_start3A] : memref<50000x32xf32, #tpu.memory_space<vmem_shared>> -> memref<3125x32xf32, #tpu.memory_space<vmem_shared>>
      %dma_start3A_31 = arith.constant 0 : i32
      %dma_start3A_32 = arith.constant 0 : i32
      %dma_start3A_33 = tpu.memref_slice %arg7[%dma_start3A_31, %dma_start3A_32] : memref<3136x32xf32, #tpu.memory_space<hbm>> -> memref<3125x32xf32, #tpu.memory_space<hbm>>
      tpu.enqueue_dma source(%dma_start3A_33 : memref<3125x32xf32, #tpu.memory_space<hbm>>) target(%dma_start3A_30 : memref<3125x32xf32, #tpu.memory_space<vmem_shared>>) target_semaphore(%run_scoped3A : memref<!tpu.dma_semaphore, #tpu.memory_space<semaphore_mem>>)
      %dma_wait3A = arith.constant 0 : i32
      %dma_wait3A_34 = tpu.memref_slice %arg11[%mul3A_11, %dma_wait3A] : memref<50000x32xf32, #tpu.memory_space<vmem_shared>> -> memref<3125x32xf32, #tpu.memory_space<vmem_shared>>
      %dma_wait3A_35 = arith.constant 0 : i32
      %dma_wait3A_36 = arith.constant 0 : i32
      %dma_wait3A_37 = tpu.memref_slice %arg7[%dma_wait3A_35, %dma_wait3A_36] : memref<3136x32xf32, #tpu.memory_space<hbm>> -> memref<3125x32xf32, #tpu.memory_space<hbm>>
      tpu.wait_dma2 semaphore(%run_scoped3A : memref<!tpu.dma_semaphore, #tpu.memory_space<semaphore_mem>>) src(%dma_wait3A_37 : memref<3125x32xf32, #tpu.memory_space<hbm>>) dst(%dma_wait3A_34 : memref<3125x32xf32, #tpu.memory_space<vmem_shared>>)
      tpu.yield
    }) : () -> ()
    %barrier3A = arith.constant 0 : index
    tpu.barrier barrier_id(%barrier3A)
    %scan3A = arith.constant 0 : i32
    %scan3A_12 = arith.constant 0 : i32
    %scan3A_13 = arith.constant 125 : i32
    %scan3A_14 = arith.addi %scan3A_12, %scan3A_13 : i32
    %scan3A_15 = arith.constant 1 : i32
    scf.for %scan3A_30 = %scan3A_12 to %scan3A_14 step %scan3A_15  : i32 {
      %mul3A_31 = arith.constant 50000 : i32
      %mul3A_32 = arith.muli %arg1, %mul3A_31 : i32
      %mul3A_33 = arith.constant 400 : i32
      %mul3A_34 = arith.muli %scan3A_30, %mul3A_33 : i32
      %add3A = arith.addi %mul3A_32, %mul3A_34 : i32
      %dma_start3A = arith.constant 0 : i32
      %dma_start3A_35 = tpu.memref_slice %arg5[%dma_start3A, %add3A] : memref<2x800000xi32, #tpu.memory_space<hbm>> -> memref<1x208xi32, #tpu.memory_space<hbm>>
      %dma_start3A_36 = tpu.memref_squeeze %dma_start3A_35 : memref<1x208xi32, #tpu.memory_space<hbm>> -> memref<208xi32, #tpu.memory_space<hbm>>
      %dma_start3A_37 = tpu.memref_slice %arg5[%dma_start3A, %add3A] : memref<2x800000xi32, #tpu.memory_space<hbm>> -> memref<1x208xi32, #tpu.memory_space<hbm>>
      %dma_start3A_38 = tpu.memref_squeeze %dma_start3A_37 : memref<1x208xi32, #tpu.memory_space<hbm>> -> memref<208xi32, #tpu.memory_space<hbm>>
      tpu.enqueue_dma source(%dma_start3A_38 : memref<208xi32, #tpu.memory_space<hbm>>) target(%arg14 : memref<208xi32, #tpu.memory_space<vmem>>) target_semaphore(%arg26 : memref<!tpu.dma_semaphore, #tpu.memory_space<semaphore_mem>>)
      %dma_start3A_39 = arith.constant 1 : i32
      %dma_start3A_40 = tpu.memref_slice %arg5[%dma_start3A_39, %add3A] : memref<2x800000xi32, #tpu.memory_space<hbm>> -> memref<1x208xi32, #tpu.memory_space<hbm>>
      %dma_start3A_41 = tpu.memref_squeeze %dma_start3A_40 : memref<1x208xi32, #tpu.memory_space<hbm>> -> memref<208xi32, #tpu.memory_space<hbm>>
      %dma_start3A_42 = tpu.memref_slice %arg5[%dma_start3A_39, %add3A] : memref<2x800000xi32, #tpu.memory_space<hbm>> -> memref<1x208xi32, #tpu.memory_space<hbm>>
      %dma_start3A_43 = tpu.memref_squeeze %dma_start3A_42 : memref<1x208xi32, #tpu.memory_space<hbm>> -> memref<208xi32, #tpu.memory_space<hbm>>
      tpu.enqueue_dma source(%dma_start3A_43 : memref<208xi32, #tpu.memory_space<hbm>>) target(%arg16 : memref<208xi32, #tpu.memory_space<vmem>>) target_semaphore(%arg27 : memref<!tpu.dma_semaphore, #tpu.memory_space<semaphore_mem>>)
      %add3A_44 = arith.constant 208 : i32
      %add3A_45 = arith.addi %add3A, %add3A_44 : i32
      %dma_start3A_46 = arith.constant 0 : i32
      %dma_start3A_47 = tpu.memref_slice %arg5[%dma_start3A_46, %add3A_45] : memref<2x800000xi32, #tpu.memory_space<hbm>> -> memref<1x192xi32, #tpu.memory_space<hbm>>
      %dma_start3A_48 = tpu.memref_squeeze %dma_start3A_47 : memref<1x192xi32, #tpu.memory_space<hbm>> -> memref<192xi32, #tpu.memory_space<hbm>>
      %dma_start3A_49 = tpu.memref_slice %arg5[%dma_start3A_46, %add3A_45] : memref<2x800000xi32, #tpu.memory_space<hbm>> -> memref<1x192xi32, #tpu.memory_space<hbm>>
      %dma_start3A_50 = tpu.memref_squeeze %dma_start3A_49 : memref<1x192xi32, #tpu.memory_space<hbm>> -> memref<192xi32, #tpu.memory_space<hbm>>
      tpu.enqueue_dma source(%dma_start3A_50 : memref<192xi32, #tpu.memory_space<hbm>>) target(%arg15 : memref<192xi32, #tpu.memory_space<vmem>>) target_semaphore(%arg28 : memref<!tpu.dma_semaphore, #tpu.memory_space<semaphore_mem>>)
      %add3A_51 = arith.constant 208 : i32
      %add3A_52 = arith.addi %add3A, %add3A_51 : i32
      %dma_start3A_53 = arith.constant 1 : i32
      %dma_start3A_54 = tpu.memref_slice %arg5[%dma_start3A_53, %add3A_52] : memref<2x800000xi32, #tpu.memory_space<hbm>> -> memref<1x192xi32, #tpu.memory_space<hbm>>
      %dma_start3A_55 = tpu.memref_squeeze %dma_start3A_54 : memref<1x192xi32, #tpu.memory_space<hbm>> -> memref<192xi32, #tpu.memory_space<hbm>>
      %dma_start3A_56 = tpu.memref_slice %arg5[%dma_start3A_53, %add3A_52] : memref<2x800000xi32, #tpu.memory_space<hbm>> -> memref<1x192xi32, #tpu.memory_space<hbm>>
      %dma_start3A_57 = tpu.memref_squeeze %dma_start3A_56 : memref<1x192xi32, #tpu.memory_space<hbm>> -> memref<192xi32, #tpu.memory_space<hbm>>
      tpu.enqueue_dma source(%dma_start3A_57 : memref<192xi32, #tpu.memory_space<hbm>>) target(%arg17 : memref<192xi32, #tpu.memory_space<vmem>>) target_semaphore(%arg29 : memref<!tpu.dma_semaphore, #tpu.memory_space<semaphore_mem>>)
      %dma_wait3A = arith.constant 0 : i32
      %dma_wait3A_58 = tpu.memref_slice %arg5[%dma_wait3A, %add3A] : memref<2x800000xi32, #tpu.memory_space<hbm>> -> memref<1x208xi32, #tpu.memory_space<hbm>>
      %dma_wait3A_59 = tpu.memref_squeeze %dma_wait3A_58 : memref<1x208xi32, #tpu.memory_space<hbm>> -> memref<208xi32, #tpu.memory_space<hbm>>
      %dma_wait3A_60 = tpu.memref_slice %arg5[%dma_wait3A, %add3A] : memref<2x800000xi32, #tpu.memory_space<hbm>> -> memref<1x208xi32, #tpu.memory_space<hbm>>
      %dma_wait3A_61 = tpu.memref_squeeze %dma_wait3A_60 : memref<1x208xi32, #tpu.memory_space<hbm>> -> memref<208xi32, #tpu.memory_space<hbm>>
      tpu.wait_dma2 semaphore(%arg26 : memref<!tpu.dma_semaphore, #tpu.memory_space<semaphore_mem>>) src(%dma_wait3A_61 : memref<208xi32, #tpu.memory_space<hbm>>) dst(%arg14 : memref<208xi32, #tpu.memory_space<vmem>>)
      %dma_start3A_62 = arith.constant 0 : i32
      %dma_start3A_63 = arith.constant 0 : i32
      %dma_start3A_64 = tpu.memref_slice %arg2[%arg0, %dma_start3A_62, %dma_start3A_63] : memref<2x50000x32xf32, #tpu.memory_space<hbm>> -> memref<1x50000x32xf32, #tpu.memory_space<hbm>>
      %dma_start3A_65 = tpu.memref_squeeze %dma_start3A_64 : memref<1x50000x32xf32, #tpu.memory_space<hbm>> -> memref<50000x32xf32, #tpu.memory_space<hbm>>
      %dma_start3A_66 = arith.constant 0 : i32
      %dma_start3A_67 = arith.constant 0 : i32
      %dma_start3A_68 = tpu.memref_slice %dma_start3A_65[%dma_start3A_66, %dma_start3A_67] : memref<50000x32xf32, #tpu.memory_space<hbm>> -> memref<50000x32xf32, #tpu.memory_space<hbm>>
      tpu.enqueue_indirect_dma source(%dma_start3A_68 : memref<50000x32xf32, #tpu.memory_space<hbm>>) target(%arg24 : memref<208x32xf32, #tpu.memory_space<vmem>>) offsets(%arg14 : memref<208xi32, #tpu.memory_space<vmem>>) semaphore(%arg30 : memref<!tpu.dma_semaphore, #tpu.memory_space<semaphore_mem>>)
      %dma_start3A_69 = arith.constant 0 : i32
      %dma_start3A_70 = tpu.memref_slice %arg12[%dma_start3A_69] : memref<50000xf32, #tpu.memory_space<vmem_shared>> -> memref<50000xf32, #tpu.memory_space<vmem_shared>>
      tpu.enqueue_indirect_dma source(%dma_start3A_70 : memref<50000xf32, #tpu.memory_space<vmem_shared>>) target(%arg18 : memref<208xf32, #tpu.memory_space<vmem>>) offsets(%arg14 : memref<208xi32, #tpu.memory_space<vmem>>) semaphore(%arg26 : memref<!tpu.dma_semaphore, #tpu.memory_space<semaphore_mem>>)
      %dma_wait3A_71 = arith.constant 1 : i32
      %dma_wait3A_72 = tpu.memref_slice %arg5[%dma_wait3A_71, %add3A] : memref<2x800000xi32, #tpu.memory_space<hbm>> -> memref<1x208xi32, #tpu.memory_space<hbm>>
      %dma_wait3A_73 = tpu.memref_squeeze %dma_wait3A_72 : memref<1x208xi32, #tpu.memory_space<hbm>> -> memref<208xi32, #tpu.memory_space<hbm>>
      %dma_wait3A_74 = tpu.memref_slice %arg5[%dma_wait3A_71, %add3A] : memref<2x800000xi32, #tpu.memory_space<hbm>> -> memref<1x208xi32, #tpu.memory_space<hbm>>
      %dma_wait3A_75 = tpu.memref_squeeze %dma_wait3A_74 : memref<1x208xi32, #tpu.memory_space<hbm>> -> memref<208xi32, #tpu.memory_space<hbm>>
      tpu.wait_dma2 semaphore(%arg27 : memref<!tpu.dma_semaphore, #tpu.memory_space<semaphore_mem>>) src(%dma_wait3A_75 : memref<208xi32, #tpu.memory_space<hbm>>) dst(%arg16 : memref<208xi32, #tpu.memory_space<vmem>>)
      %dma_start3A_76 = arith.constant 0 : i32
      %dma_start3A_77 = tpu.memref_slice %arg13[%dma_start3A_76] : memref<50000xf32, #tpu.memory_space<vmem_shared>> -> memref<50000xf32, #tpu.memory_space<vmem_shared>>
      tpu.enqueue_indirect_dma source(%dma_start3A_77 : memref<50000xf32, #tpu.memory_space<vmem_shared>>) target(%arg20 : memref<208xf32, #tpu.memory_space<vmem>>) offsets(%arg16 : memref<208xi32, #tpu.memory_space<vmem>>) semaphore(%arg27 : memref<!tpu.dma_semaphore, #tpu.memory_space<semaphore_mem>>)
      %dma_wait3A_78 = arith.constant 0 : i32
      %dma_wait3A_79 = tpu.memref_slice %arg5[%dma_wait3A_78, %add3A_45] : memref<2x800000xi32, #tpu.memory_space<hbm>> -> memref<1x192xi32, #tpu.memory_space<hbm>>
      %dma_wait3A_80 = tpu.memref_squeeze %dma_wait3A_79 : memref<1x192xi32, #tpu.memory_space<hbm>> -> memref<192xi32, #tpu.memory_space<hbm>>
      %dma_wait3A_81 = tpu.memref_slice %arg5[%dma_wait3A_78, %add3A_45] : memref<2x800000xi32, #tpu.memory_space<hbm>> -> memref<1x192xi32, #tpu.memory_space<hbm>>
      %dma_wait3A_82 = tpu.memref_squeeze %dma_wait3A_81 : memref<1x192xi32, #tpu.memory_space<hbm>> -> memref<192xi32, #tpu.memory_space<hbm>>
      tpu.wait_dma2 semaphore(%arg28 : memref<!tpu.dma_semaphore, #tpu.memory_space<semaphore_mem>>) src(%dma_wait3A_82 : memref<192xi32, #tpu.memory_space<hbm>>) dst(%arg15 : memref<192xi32, #tpu.memory_space<vmem>>)
      %dma_start3A_83 = arith.constant 0 : i32
      %dma_start3A_84 = arith.constant 0 : i32
      %dma_start3A_85 = tpu.memref_slice %arg2[%arg0, %dma_start3A_83, %dma_start3A_84] : memref<2x50000x32xf32, #tpu.memory_space<hbm>> -> memref<1x50000x32xf32, #tpu.memory_space<hbm>>
      %dma_start3A_86 = tpu.memref_squeeze %dma_start3A_85 : memref<1x50000x32xf32, #tpu.memory_space<hbm>> -> memref<50000x32xf32, #tpu.memory_space<hbm>>
      %dma_start3A_87 = arith.constant 0 : i32
      %dma_start3A_88 = arith.constant 0 : i32
      %dma_start3A_89 = tpu.memref_slice %dma_start3A_86[%dma_start3A_87, %dma_start3A_88] : memref<50000x32xf32, #tpu.memory_space<hbm>> -> memref<50000x32xf32, #tpu.memory_space<hbm>>
      tpu.enqueue_indirect_dma source(%dma_start3A_89 : memref<50000x32xf32, #tpu.memory_space<hbm>>) target(%arg25 : memref<192x32xf32, #tpu.memory_space<vmem>>) offsets(%arg15 : memref<192xi32, #tpu.memory_space<vmem>>) semaphore(%arg31 : memref<!tpu.dma_semaphore, #tpu.memory_space<semaphore_mem>>)
      %dma_start3A_90 = arith.constant 0 : i32
      %dma_start3A_91 = tpu.memref_slice %arg12[%dma_start3A_90] : memref<50000xf32, #tpu.memory_space<vmem_shared>> -> memref<50000xf32, #tpu.memory_space<vmem_shared>>
      tpu.enqueue_indirect_dma source(%dma_start3A_91 : memref<50000xf32, #tpu.memory_space<vmem_shared>>) target(%arg19 : memref<192xf32, #tpu.memory_space<vmem>>) offsets(%arg15 : memref<192xi32, #tpu.memory_space<vmem>>) semaphore(%arg28 : memref<!tpu.dma_semaphore, #tpu.memory_space<semaphore_mem>>)
      %dma_wait3A_92 = arith.constant 1 : i32
      %dma_wait3A_93 = tpu.memref_slice %arg5[%dma_wait3A_92, %add3A_52] : memref<2x800000xi32, #tpu.memory_space<hbm>> -> memref<1x192xi32, #tpu.memory_space<hbm>>
      %dma_wait3A_94 = tpu.memref_squeeze %dma_wait3A_93 : memref<1x192xi32, #tpu.memory_space<hbm>> -> memref<192xi32, #tpu.memory_space<hbm>>
      %dma_wait3A_95 = tpu.memref_slice %arg5[%dma_wait3A_92, %add3A_52] : memref<2x800000xi32, #tpu.memory_space<hbm>> -> memref<1x192xi32, #tpu.memory_space<hbm>>
      %dma_wait3A_96 = tpu.memref_squeeze %dma_wait3A_95 : memref<1x192xi32, #tpu.memory_space<hbm>> -> memref<192xi32, #tpu.memory_space<hbm>>
      tpu.wait_dma2 semaphore(%arg29 : memref<!tpu.dma_semaphore, #tpu.memory_space<semaphore_mem>>) src(%dma_wait3A_96 : memref<192xi32, #tpu.memory_space<hbm>>) dst(%arg17 : memref<192xi32, #tpu.memory_space<vmem>>)
      %dma_start3A_97 = arith.constant 0 : i32
      %dma_start3A_98 = tpu.memref_slice %arg13[%dma_start3A_97] : memref<50000xf32, #tpu.memory_space<vmem_shared>> -> memref<50000xf32, #tpu.memory_space<vmem_shared>>
      tpu.enqueue_indirect_dma source(%dma_start3A_98 : memref<50000xf32, #tpu.memory_space<vmem_shared>>) target(%arg21 : memref<192xf32, #tpu.memory_space<vmem>>) offsets(%arg17 : memref<192xi32, #tpu.memory_space<vmem>>) semaphore(%arg29 : memref<!tpu.dma_semaphore, #tpu.memory_space<semaphore_mem>>)
      %dma_wait3A_99 = arith.constant 0 : i32
      %dma_wait3A_100 = tpu.memref_slice %arg12[%dma_wait3A_99] : memref<50000xf32, #tpu.memory_space<vmem_shared>> -> memref<50000xf32, #tpu.memory_space<vmem_shared>>
      tpu.wait_indirect_dma semaphore(%arg26 : memref<!tpu.dma_semaphore, #tpu.memory_space<semaphore_mem>>) src(%dma_wait3A_100 : memref<50000xf32, #tpu.memory_space<vmem_shared>>) dst(%arg18 : memref<208xf32, #tpu.memory_space<vmem>>)
      %dma_wait3A_101 = arith.constant 0 : i32
      %dma_wait3A_102 = tpu.memref_slice %arg13[%dma_wait3A_101] : memref<50000xf32, #tpu.memory_space<vmem_shared>> -> memref<50000xf32, #tpu.memory_space<vmem_shared>>
      tpu.wait_indirect_dma semaphore(%arg27 : memref<!tpu.dma_semaphore, #tpu.memory_space<semaphore_mem>>) src(%dma_wait3A_102 : memref<50000xf32, #tpu.memory_space<vmem_shared>>) dst(%arg20 : memref<208xf32, #tpu.memory_space<vmem>>)
      %scan3A_103 = arith.constant 0 : i32
      %scan3A_104 = arith.constant 0 : i32
      %scan3A_105 = arith.constant 13 : i32
      %scan3A_106 = arith.addi %scan3A_104, %scan3A_105 : i32
      %scan3A_107 = arith.constant 1 : i32
      scf.for %scan3A_165 = %scan3A_104 to %scan3A_106 step %scan3A_107  : i32 {
        %mul3A_166 = arith.constant 16 : i32
        %mul3A_167 = arith.muli %scan3A_165, %mul3A_166 : i32
        %get3A = arith.index_cast %mul3A_167 : i32 to index
        %get3A_168 = tpu.vector_load %arg18[%get3A] {strides = array<i32>} : memref<208xf32, #tpu.memory_space<vmem>>, vector<16xf32>,
        %mul3A_169 = arith.constant 16 : i32
        %mul3A_170 = arith.muli %scan3A_165, %mul3A_169 : i32
        %get3A_171 = arith.index_cast %mul3A_170 : i32 to index
        %get3A_172 = tpu.vector_load %arg20[%get3A_171] {strides = array<i32>} : memref<208xf32, #tpu.memory_space<vmem>>, vector<16xf32>,
        %add3A_173 = arith.addf %get3A_168, %get3A_172 : vector<16xf32>
        %ge3A = arith.constant 0.000000e+00 : f32
        %ge3A_174 = vector.broadcast %ge3A : f32 to vector<16xf32>
        %ge3A_175 = arith.cmpf oge, %add3A_173, %ge3A_174 : vector<16xf32>
        %mul3A_176 = arith.constant 2.000000e-01 : f32
        %mul3A_177 = vector.broadcast %mul3A_176 : f32 to vector<16xf32>
        %mul3A_178 = arith.mulf %mul3A_177, %add3A_173 : vector<16xf32>
        %select_n3A = arith.select %ge3A_175, %add3A_173, %mul3A_178 : vector<16xi1>, vector<16xf32>
        %exp3A = math.exp %select_n3A : vector<16xf32>
        %mul3A_179 = arith.constant 16 : i32
        %mul3A_180 = arith.muli %scan3A_165, %mul3A_179 : i32
        %swap3A = arith.index_cast %mul3A_180 : i32 to index
        %swap3A_181 = tpu.vector_load %arg22[%swap3A] {strides = array<i32>} : memref<208xf32, #tpu.memory_space<vmem>>, vector<16xf32>,
        tpu.vector_store %arg22[%swap3A], %exp3A {strides = array<i32>} : memref<208xf32, #tpu.memory_space<vmem>>, vector<16xf32>,
      }
      %scan3A_108 = arith.constant 13 : i32
      %dma_start3A_109 = arith.constant 0 : i32
      %dma_start3A_110 = tpu.memref_slice %arg10[%dma_start3A_109] : memref<50000xf32, #tpu.memory_space<vmem_shared>> -> memref<50000xf32, #tpu.memory_space<vmem_shared>>
      tpu.enqueue_indirect_dma source(%arg22 : memref<208xf32, #tpu.memory_space<vmem>>) target(%dma_start3A_110 : memref<50000xf32, #tpu.memory_space<vmem_shared>>) offsets(%arg16 : memref<208xi32, #tpu.memory_space<vmem>>) semaphore(%arg32 : memref<!tpu.dma_semaphore, #tpu.memory_space<semaphore_mem>>) {add = true}
      %dma_wait3A_111 = arith.constant 0 : i32
      %dma_wait3A_112 = arith.constant 0 : i32
      %dma_wait3A_113 = tpu.memref_slice %arg2[%arg0, %dma_wait3A_111, %dma_wait3A_112] : memref<2x50000x32xf32, #tpu.memory_space<hbm>> -> memref<1x50000x32xf32, #tpu.memory_space<hbm>>
      %dma_wait3A_114 = tpu.memref_squeeze %dma_wait3A_113 : memref<1x50000x32xf32, #tpu.memory_space<hbm>> -> memref<50000x32xf32, #tpu.memory_space<hbm>>
      %dma_wait3A_115 = arith.constant 0 : i32
      %dma_wait3A_116 = arith.constant 0 : i32
      %dma_wait3A_117 = tpu.memref_slice %dma_wait3A_114[%dma_wait3A_115, %dma_wait3A_116] : memref<50000x32xf32, #tpu.memory_space<hbm>> -> memref<50000x32xf32, #tpu.memory_space<hbm>>
      tpu.wait_indirect_dma semaphore(%arg30 : memref<!tpu.dma_semaphore, #tpu.memory_space<semaphore_mem>>) src(%dma_wait3A_117 : memref<50000x32xf32, #tpu.memory_space<hbm>>) dst(%arg24 : memref<208x32xf32, #tpu.memory_space<vmem>>)
      %scan3A_118 = arith.constant 0 : i32
      %scan3A_119 = arith.constant 0 : i32
      %scan3A_120 = arith.constant 13 : i32
      %scan3A_121 = arith.addi %scan3A_119, %scan3A_120 : i32
      %scan3A_122 = arith.constant 1 : i32
      scf.for %scan3A_165 = %scan3A_119 to %scan3A_121 step %scan3A_122  : i32 {
        %mul3A_166 = arith.constant 16 : i32
        %mul3A_167 = arith.muli %scan3A_165, %mul3A_166 : i32
        %get3A = arith.index_cast %mul3A_167 : i32 to index
        %get3A_168 = tpu.vector_load %arg22[%get3A] {strides = array<i32>} : memref<208xf32, #tpu.memory_space<vmem>>, vector<16xf32>,
        %slice3A = vector.extract_strided_slice %get3A_168 {offsets = [0], sizes = [1], strides = [1]} : vector<16xf32> to vector<1xf32>
        %squeeze3A = vector.extract %slice3A[0] : f32 from vector<1xf32>
        %mul3A_169 = arith.constant 16 : i32
        %mul3A_170 = arith.muli %scan3A_165, %mul3A_169 : i32
        %add3A_171 = arith.constant 0 : i32
        %add3A_172 = arith.addi %mul3A_170, %add3A_171 : i32
        %get3A_173 = arith.index_cast %add3A_172 : i32 to index
        %get3A_174 = arith.constant 0 : index
        %get3A_175 = tpu.vector_load %arg24[%get3A_173, %get3A_174] {strides = array<i32>} : memref<208x32xf32, #tpu.memory_space<vmem>>, vector<16xf32>,
        %mul3A_176 = vector.broadcast %squeeze3A : f32 to vector<16xf32>
        %mul3A_177 = arith.mulf %get3A_175, %mul3A_176 : vector<16xf32>
        %swap3A = arith.index_cast %add3A_172 : i32 to index
        %swap3A_178 = arith.constant 0 : index
        %swap3A_179 = tpu.vector_load %arg24[%swap3A, %swap3A_178] {strides = array<i32>} : memref<208x32xf32, #tpu.memory_space<vmem>>, vector<16xf32>,
        tpu.vector_store %arg24[%swap3A, %swap3A_178], %mul3A_177 {strides = array<i32>} : memref<208x32xf32, #tpu.memory_space<vmem>>, vector<16xf32>,
        %get3A_180 = arith.index_cast %add3A_172 : i32 to index
        %get3A_181 = arith.constant 16 : index
        %get3A_182 = tpu.vector_load %arg24[%get3A_180, %get3A_181] {strides = array<i32>} : memref<208x32xf32, #tpu.memory_space<vmem>>, vector<16xf32>,
        %mul3A_183 = vector.broadcast %squeeze3A : f32 to vector<16xf32>
        %mul3A_184 = arith.mulf %get3A_182, %mul3A_183 : vector<16xf32>
        %swap3A_185 = arith.index_cast %add3A_172 : i32 to index
        %swap3A_186 = arith.constant 16 : index
        %swap3A_187 = tpu.vector_load %arg24[%swap3A_185, %swap3A_186] {strides = array<i32>} : memref<208x32xf32, #tpu.memory_space<vmem>>, vector<16xf32>,
        tpu.vector_store %arg24[%swap3A_185, %swap3A_186], %mul3A_184 {strides = array<i32>} : memref<208x32xf32, #tpu.memory_space<vmem>>, vector<16xf32>,
        %slice3A_188 = vector.extract_strided_slice %get3A_168 {offsets = [1], sizes = [1], strides = [1]} : vector<16xf32> to vector<1xf32>
        %squeeze3A_189 = vector.extract %slice3A_188[0] : f32 from vector<1xf32>
        %mul3A_190 = arith.constant 16 : i32
        %mul3A_191 = arith.muli %scan3A_165, %mul3A_190 : i32
        %add3A_192 = arith.constant 1 : i32
        %add3A_193 = arith.addi %mul3A_191, %add3A_192 : i32
        %get3A_194 = arith.index_cast %add3A_193 : i32 to index
        %get3A_195 = arith.constant 0 : index
        %get3A_196 = tpu.vector_load %arg24[%get3A_194, %get3A_195] {strides = array<i32>} : memref<208x32xf32, #tpu.memory_space<vmem>>, vector<16xf32>,
        %mul3A_197 = vector.broadcast %squeeze3A_189 : f32 to vector<16xf32>
        %mul3A_198 = arith.mulf %get3A_196, %mul3A_197 : vector<16xf32>
        %swap3A_199 = arith.index_cast %add3A_193 : i32 to index
        %swap3A_200 = arith.constant 0 : index
        %swap3A_201 = tpu.vector_load %arg24[%swap3A_199, %swap3A_200] {strides = array<i32>} : memref<208x32xf32, #tpu.memory_space<vmem>>, vector<16xf32>,
        tpu.vector_store %arg24[%swap3A_199, %swap3A_200], %mul3A_198 {strides = array<i32>} : memref<208x32xf32, #tpu.memory_space<vmem>>, vector<16xf32>,
        %get3A_202 = arith.index_cast %add3A_193 : i32 to index
        %get3A_203 = arith.constant 16 : index
        %get3A_204 = tpu.vector_load %arg24[%get3A_202, %get3A_203] {strides = array<i32>} : memref<208x32xf32, #tpu.memory_space<vmem>>, vector<16xf32>,
        %mul3A_205 = vector.broadcast %squeeze3A_189 : f32 to vector<16xf32>
        %mul3A_206 = arith.mulf %get3A_204, %mul3A_205 : vector<16xf32>
        %swap3A_207 = arith.index_cast %add3A_193 : i32 to index
        %swap3A_208 = arith.constant 16 : index
        %swap3A_209 = tpu.vector_load %arg24[%swap3A_207, %swap3A_208] {strides = array<i32>} : memref<208x32xf32, #tpu.memory_space<vmem>>, vector<16xf32>,
        tpu.vector_store %arg24[%swap3A_207, %swap3A_208], %mul3A_206 {strides = array<i32>} : memref<208x32xf32, #tpu.memory_space<vmem>>, vector<16xf32>,
        %slice3A_210 = vector.extract_strided_slice %get3A_168 {offsets = [2], sizes = [1], strides = [1]} : vector<16xf32> to vector<1xf32>
        %squeeze3A_211 = vector.extract %slice3A_210[0] : f32 from vector<1xf32>
        %mul3A_212 = arith.constant 16 : i32
        %mul3A_213 = arith.muli %scan3A_165, %mul3A_212 : i32
        %add3A_214 = arith.constant 2 : i32
        %add3A_215 = arith.addi %mul3A_213, %add3A_214 : i32
        %get3A_216 = arith.index_cast %add3A_215 : i32 to index
        %get3A_217 = arith.constant 0 : index
        %get3A_218 = tpu.vector_load %arg24[%get3A_216, %get3A_217] {strides = array<i32>} : memref<208x32xf32, #tpu.memory_space<vmem>>, vector<16xf32>,
        %mul3A_219 = vector.broadcast %squeeze3A_211 : f32 to vector<16xf32>
        %mul3A_220 = arith.mulf %get3A_218, %mul3A_219 : vector<16xf32>
        %swap3A_221 = arith.index_cast %add3A_215 : i32 to index
        %swap3A_222 = arith.constant 0 : index
        %swap3A_223 = tpu.vector_load %arg24[%swap3A_221, %swap3A_222] {strides = array<i32>} : memref<208x32xf32, #tpu.memory_space<vmem>>, vector<16xf32>,
        tpu.vector_store %arg24[%swap3A_221, %swap3A_222], %mul3A_220 {strides = array<i32>} : memref<208x32xf32, #tpu.memory_space<vmem>>, vector<16xf32>,
        %get3A_224 = arith.index_cast %add3A_215 : i32 to index
        %get3A_225 = arith.constant 16 : index
        %get3A_226 = tpu.vector_load %arg24[%get3A_224, %get3A_225] {strides = array<i32>} : memref<208x32xf32, #tpu.memory_space<vmem>>, vector<16xf32>,
        %mul3A_227 = vector.broadcast %squeeze3A_211 : f32 to vector<16xf32>
        %mul3A_228 = arith.mulf %get3A_226, %mul3A_227 : vector<16xf32>
        %swap3A_229 = arith.index_cast %add3A_215 : i32 to index
        %swap3A_230 = arith.constant 16 : index
        %swap3A_231 = tpu.vector_load %arg24[%swap3A_229, %swap3A_230] {strides = array<i32>} : memref<208x32xf32, #tpu.memory_space<vmem>>, vector<16xf32>,
        tpu.vector_store %arg24[%swap3A_229, %swap3A_230], %mul3A_228 {strides = array<i32>} : memref<208x32xf32, #tpu.memory_space<vmem>>, vector<16xf32>,
        %slice3A_232 = vector.extract_strided_slice %get3A_168 {offsets = [3], sizes = [1], strides = [1]} : vector<16xf32> to vector<1xf32>
        %squeeze3A_233 = vector.extract %slice3A_232[0] : f32 from vector<1xf32>
        %mul3A_234 = arith.constant 16 : i32
        %mul3A_235 = arith.muli %scan3A_165, %mul3A_234 : i32
        %add3A_236 = arith.constant 3 : i32
        %add3A_237 = arith.addi %mul3A_235, %add3A_236 : i32
        %get3A_238 = arith.index_cast %add3A_237 : i32 to index
        %get3A_239 = arith.constant 0 : index
        %get3A_240 = tpu.vector_load %arg24[%get3A_238, %get3A_239] {strides = array<i32>} : memref<208x32xf32, #tpu.memory_space<vmem>>, vector<16xf32>,
        %mul3A_241 = vector.broadcast %squeeze3A_233 : f32 to vector<16xf32>
        %mul3A_242 = arith.mulf %get3A_240, %mul3A_241 : vector<16xf32>
        %swap3A_243 = arith.index_cast %add3A_237 : i32 to index
        %swap3A_244 = arith.constant 0 : index
        %swap3A_245 = tpu.vector_load %arg24[%swap3A_243, %swap3A_244] {strides = array<i32>} : memref<208x32xf32, #tpu.memory_space<vmem>>, vector<16xf32>,
        tpu.vector_store %arg24[%swap3A_243, %swap3A_244], %mul3A_242 {strides = array<i32>} : memref<208x32xf32, #tpu.memory_space<vmem>>, vector<16xf32>,
        %get3A_246 = arith.index_cast %add3A_237 : i32 to index
        %get3A_247 = arith.constant 16 : index
        %get3A_248 = tpu.vector_load %arg24[%get3A_246, %get3A_247] {strides = array<i32>} : memref<208x32xf32, #tpu.memory_space<vmem>>, vector<16xf32>,
        %mul3A_249 = vector.broadcast %squeeze3A_233 : f32 to vector<16xf32>
        %mul3A_250 = arith.mulf %get3A_248, %mul3A_249 : vector<16xf32>
        %swap3A_251 = arith.index_cast %add3A_237 : i32 to index
        %swap3A_252 = arith.constant 16 : index
        %swap3A_253 = tpu.vector_load %arg24[%swap3A_251, %swap3A_252] {strides = array<i32>} : memref<208x32xf32, #tpu.memory_space<vmem>>, vector<16xf32>,
        tpu.vector_store %arg24[%swap3A_251, %swap3A_252], %mul3A_250 {strides = array<i32>} : memref<208x32xf32, #tpu.memory_space<vmem>>, vector<16xf32>,
        %slice3A_254 = vector.extract_strided_slice %get3A_168 {offsets = [4], sizes = [1], strides = [1]} : vector<16xf32> to vector<1xf32>
        %squeeze3A_255 = vector.extract %slice3A_254[0] : f32 from vector<1xf32>
        %mul3A_256 = arith.constant 16 : i32
        %mul3A_257 = arith.muli %scan3A_165, %mul3A_256 : i32
        %add3A_258 = arith.constant 4 : i32
        %add3A_259 = arith.addi %mul3A_257, %add3A_258 : i32
        %get3A_260 = arith.index_cast %add3A_259 : i32 to index
        %get3A_261 = arith.constant 0 : index
        %get3A_262 = tpu.vector_load %arg24[%get3A_260, %get3A_261] {strides = array<i32>} : memref<208x32xf32, #tpu.memory_space<vmem>>, vector<16xf32>,
        %mul3A_263 = vector.broadcast %squeeze3A_255 : f32 to vector<16xf32>
        %mul3A_264 = arith.mulf %get3A_262, %mul3A_263 : vector<16xf32>
        %swap3A_265 = arith.index_cast %add3A_259 : i32 to index
        %swap3A_266 = arith.constant 0 : index
        %swap3A_267 = tpu.vector_load %arg24[%swap3A_265, %swap3A_266] {strides = array<i32>} : memref<208x32xf32, #tpu.memory_space<vmem>>, vector<16xf32>,
        tpu.vector_store %arg24[%swap3A_265, %swap3A_266], %mul3A_264 {strides = array<i32>} : memref<208x32xf32, #tpu.memory_space<vmem>>, vector<16xf32>,
        %get3A_268 = arith.index_cast %add3A_259 : i32 to index
        %get3A_269 = arith.constant 16 : index
        %get3A_270 = tpu.vector_load %arg24[%get3A_268, %get3A_269] {strides = array<i32>} : memref<208x32xf32, #tpu.memory_space<vmem>>, vector<16xf32>,
        %mul3A_271 = vector.broadcast %squeeze3A_255 : f32 to vector<16xf32>
        %mul3A_272 = arith.mulf %get3A_270, %mul3A_271 : vector<16xf32>
        %swap3A_273 = arith.index_cast %add3A_259 : i32 to index
        %swap3A_274 = arith.constant 16 : index
        %swap3A_275 = tpu.vector_load %arg24[%swap3A_273, %swap3A_274] {strides = array<i32>} : memref<208x32xf32, #tpu.memory_space<vmem>>, vector<16xf32>,
        tpu.vector_store %arg24[%swap3A_273, %swap3A_274], %mul3A_272 {strides = array<i32>} : memref<208x32xf32, #tpu.memory_space<vmem>>, vector<16xf32>,
        %slice3A_276 = vector.extract_strided_slice %get3A_168 {offsets = [5], sizes = [1], strides = [1]} : vector<16xf32> to vector<1xf32>
        %squeeze3A_277 = vector.extract %slice3A_276[0] : f32 from vector<1xf32>
        %mul3A_278 = arith.constant 16 : i32
        %mul3A_279 = arith.muli %scan3A_165, %mul3A_278 : i32
        %add3A_280 = arith.constant 5 : i32
        %add3A_281 = arith.addi %mul3A_279, %add3A_280 : i32
        %get3A_282 = arith.index_cast %add3A_281 : i32 to index
        %get3A_283 = arith.constant 0 : index
        %get3A_284 = tpu.vector_load %arg24[%get3A_282, %get3A_283] {strides = array<i32>} : memref<208x32xf32, #tpu.memory_space<vmem>>, vector<16xf32>,
        %mul3A_285 = vector.broadcast %squeeze3A_277 : f32 to vector<16xf32>
        %mul3A_286 = arith.mulf %get3A_284, %mul3A_285 : vector<16xf32>
        %swap3A_287 = arith.index_cast %add3A_281 : i32 to index
        %swap3A_288 = arith.constant 0 : index
        %swap3A_289 = tpu.vector_load %arg24[%swap3A_287, %swap3A_288] {strides = array<i32>} : memref<208x32xf32, #tpu.memory_space<vmem>>, vector<16xf32>,
        tpu.vector_store %arg24[%swap3A_287, %swap3A_288], %mul3A_286 {strides = array<i32>} : memref<208x32xf32, #tpu.memory_space<vmem>>, vector<16xf32>,
        %get3A_290 = arith.index_cast %add3A_281 : i32 to index
        %get3A_291 = arith.constant 16 : index
        %get3A_292 = tpu.vector_load %arg24[%get3A_290, %get3A_291] {strides = array<i32>} : memref<208x32xf32, #tpu.memory_space<vmem>>, vector<16xf32>,
        %mul3A_293 = vector.broadcast %squeeze3A_277 : f32 to vector<16xf32>
        %mul3A_294 = arith.mulf %get3A_292, %mul3A_293 : vector<16xf32>
        %swap3A_295 = arith.index_cast %add3A_281 : i32 to index
        %swap3A_296 = arith.constant 16 : index
        %swap3A_297 = tpu.vector_load %arg24[%swap3A_295, %swap3A_296] {strides = array<i32>} : memref<208x32xf32, #tpu.memory_space<vmem>>, vector<16xf32>,
        tpu.vector_store %arg24[%swap3A_295, %swap3A_296], %mul3A_294 {strides = array<i32>} : memref<208x32xf32, #tpu.memory_space<vmem>>, vector<16xf32>,
        %slice3A_298 = vector.extract_strided_slice %get3A_168 {offsets = [6], sizes = [1], strides = [1]} : vector<16xf32> to vector<1xf32>
        %squeeze3A_299 = vector.extract %slice3A_298[0] : f32 from vector<1xf32>
        %mul3A_300 = arith.constant 16 : i32
        %mul3A_301 = arith.muli %scan3A_165, %mul3A_300 : i32
        %add3A_302 = arith.constant 6 : i32
        %add3A_303 = arith.addi %mul3A_301, %add3A_302 : i32
        %get3A_304 = arith.index_cast %add3A_303 : i32 to index
        %get3A_305 = arith.constant 0 : index
        %get3A_306 = tpu.vector_load %arg24[%get3A_304, %get3A_305] {strides = array<i32>} : memref<208x32xf32, #tpu.memory_space<vmem>>, vector<16xf32>,
        %mul3A_307 = vector.broadcast %squeeze3A_299 : f32 to vector<16xf32>
        %mul3A_308 = arith.mulf %get3A_306, %mul3A_307 : vector<16xf32>
        %swap3A_309 = arith.index_cast %add3A_303 : i32 to index
        %swap3A_310 = arith.constant 0 : index
        %swap3A_311 = tpu.vector_load %arg24[%swap3A_309, %swap3A_310] {strides = array<i32>} : memref<208x32xf32, #tpu.memory_space<vmem>>, vector<16xf32>,
        tpu.vector_store %arg24[%swap3A_309, %swap3A_310], %mul3A_308 {strides = array<i32>} : memref<208x32xf32, #tpu.memory_space<vmem>>, vector<16xf32>,
        %get3A_312 = arith.index_cast %add3A_303 : i32 to index
        %get3A_313 = arith.constant 16 : index
        %get3A_314 = tpu.vector_load %arg24[%get3A_312, %get3A_313] {strides = array<i32>} : memref<208x32xf32, #tpu.memory_space<vmem>>, vector<16xf32>,
        %mul3A_315 = vector.broadcast %squeeze3A_299 : f32 to vector<16xf32>
        %mul3A_316 = arith.mulf %get3A_314, %mul3A_315 : vector<16xf32>
        %swap3A_317 = arith.index_cast %add3A_303 : i32 to index
        %swap3A_318 = arith.constant 16 : index
        %swap3A_319 = tpu.vector_load %arg24[%swap3A_317, %swap3A_318] {strides = array<i32>} : memref<208x32xf32, #tpu.memory_space<vmem>>, vector<16xf32>,
        tpu.vector_store %arg24[%swap3A_317, %swap3A_318], %mul3A_316 {strides = array<i32>} : memref<208x32xf32, #tpu.memory_space<vmem>>, vector<16xf32>,
        %slice3A_320 = vector.extract_strided_slice %get3A_168 {offsets = [7], sizes = [1], strides = [1]} : vector<16xf32> to vector<1xf32>
        %squeeze3A_321 = vector.extract %slice3A_320[0] : f32 from vector<1xf32>
        %mul3A_322 = arith.constant 16 : i32
        %mul3A_323 = arith.muli %scan3A_165, %mul3A_322 : i32
        %add3A_324 = arith.constant 7 : i32
        %add3A_325 = arith.addi %mul3A_323, %add3A_324 : i32
        %get3A_326 = arith.index_cast %add3A_325 : i32 to index
        %get3A_327 = arith.constant 0 : index
        %get3A_328 = tpu.vector_load %arg24[%get3A_326, %get3A_327] {strides = array<i32>} : memref<208x32xf32, #tpu.memory_space<vmem>>, vector<16xf32>,
        %mul3A_329 = vector.broadcast %squeeze3A_321 : f32 to vector<16xf32>
        %mul3A_330 = arith.mulf %get3A_328, %mul3A_329 : vector<16xf32>
        %swap3A_331 = arith.index_cast %add3A_325 : i32 to index
        %swap3A_332 = arith.constant 0 : index
        %swap3A_333 = tpu.vector_load %arg24[%swap3A_331, %swap3A_332] {strides = array<i32>} : memref<208x32xf32, #tpu.memory_space<vmem>>, vector<16xf32>,
        tpu.vector_store %arg24[%swap3A_331, %swap3A_332], %mul3A_330 {strides = array<i32>} : memref<208x32xf32, #tpu.memory_space<vmem>>, vector<16xf32>,
        %get3A_334 = arith.index_cast %add3A_325 : i32 to index
        %get3A_335 = arith.constant 16 : index
        %get3A_336 = tpu.vector_load %arg24[%get3A_334, %get3A_335] {strides = array<i32>} : memref<208x32xf32, #tpu.memory_space<vmem>>, vector<16xf32>,
        %mul3A_337 = vector.broadcast %squeeze3A_321 : f32 to vector<16xf32>
        %mul3A_338 = arith.mulf %get3A_336, %mul3A_337 : vector<16xf32>
        %swap3A_339 = arith.index_cast %add3A_325 : i32 to index
        %swap3A_340 = arith.constant 16 : index
        %swap3A_341 = tpu.vector_load %arg24[%swap3A_339, %swap3A_340] {strides = array<i32>} : memref<208x32xf32, #tpu.memory_space<vmem>>, vector<16xf32>,
        tpu.vector_store %arg24[%swap3A_339, %swap3A_340], %mul3A_338 {strides = array<i32>} : memref<208x32xf32, #tpu.memory_space<vmem>>, vector<16xf32>,
        %slice3A_342 = vector.extract_strided_slice %get3A_168 {offsets = [8], sizes = [1], strides = [1]} : vector<16xf32> to vector<1xf32>
        %squeeze3A_343 = vector.extract %slice3A_342[0] : f32 from vector<1xf32>
        %mul3A_344 = arith.constant 16 : i32
        %mul3A_345 = arith.muli %scan3A_165, %mul3A_344 : i32
        %add3A_346 = arith.constant 8 : i32
        %add3A_347 = arith.addi %mul3A_345, %add3A_346 : i32
        %get3A_348 = arith.index_cast %add3A_347 : i32 to index
        %get3A_349 = arith.constant 0 : index
        %get3A_350 = tpu.vector_load %arg24[%get3A_348, %get3A_349] {strides = array<i32>} : memref<208x32xf32, #tpu.memory_space<vmem>>, vector<16xf32>,
        %mul3A_351 = vector.broadcast %squeeze3A_343 : f32 to vector<16xf32>
        %mul3A_352 = arith.mulf %get3A_350, %mul3A_351 : vector<16xf32>
        %swap3A_353 = arith.index_cast %add3A_347 : i32 to index
        %swap3A_354 = arith.constant 0 : index
        %swap3A_355 = tpu.vector_load %arg24[%swap3A_353, %swap3A_354] {strides = array<i32>} : memref<208x32xf32, #tpu.memory_space<vmem>>, vector<16xf32>,
        tpu.vector_store %arg24[%swap3A_353, %swap3A_354], %mul3A_352 {strides = array<i32>} : memref<208x32xf32, #tpu.memory_space<vmem>>, vector<16xf32>,
        %get3A_356 = arith.index_cast %add3A_347 : i32 to index
        %get3A_357 = arith.constant 16 : index
        %get3A_358 = tpu.vector_load %arg24[%get3A_356, %get3A_357] {strides = array<i32>} : memref<208x32xf32, #tpu.memory_space<vmem>>, vector<16xf32>,
        %mul3A_359 = vector.broadcast %squeeze3A_343 : f32 to vector<16xf32>
        %mul3A_360 = arith.mulf %get3A_358, %mul3A_359 : vector<16xf32>
        %swap3A_361 = arith.index_cast %add3A_347 : i32 to index
        %swap3A_362 = arith.constant 16 : index
        %swap3A_363 = tpu.vector_load %arg24[%swap3A_361, %swap3A_362] {strides = array<i32>} : memref<208x32xf32, #tpu.memory_space<vmem>>, vector<16xf32>,
        tpu.vector_store %arg24[%swap3A_361, %swap3A_362], %mul3A_360 {strides = array<i32>} : memref<208x32xf32, #tpu.memory_space<vmem>>, vector<16xf32>,
        %slice3A_364 = vector.extract_strided_slice %get3A_168 {offsets = [9], sizes = [1], strides = [1]} : vector<16xf32> to vector<1xf32>
        %squeeze3A_365 = vector.extract %slice3A_364[0] : f32 from vector<1xf32>
        %mul3A_366 = arith.constant 16 : i32
        %mul3A_367 = arith.muli %scan3A_165, %mul3A_366 : i32
        %add3A_368 = arith.constant 9 : i32
        %add3A_369 = arith.addi %mul3A_367, %add3A_368 : i32
        %get3A_370 = arith.index_cast %add3A_369 : i32 to index
        %get3A_371 = arith.constant 0 : index
        %get3A_372 = tpu.vector_load %arg24[%get3A_370, %get3A_371] {strides = array<i32>} : memref<208x32xf32, #tpu.memory_space<vmem>>, vector<16xf32>,
        %mul3A_373 = vector.broadcast %squeeze3A_365 : f32 to vector<16xf32>
        %mul3A_374 = arith.mulf %get3A_372, %mul3A_373 : vector<16xf32>
        %swap3A_375 = arith.index_cast %add3A_369 : i32 to index
        %swap3A_376 = arith.constant 0 : index
        %swap3A_377 = tpu.vector_load %arg24[%swap3A_375, %swap3A_376] {strides = array<i32>} : memref<208x32xf32, #tpu.memory_space<vmem>>, vector<16xf32>,
        tpu.vector_store %arg24[%swap3A_375, %swap3A_376], %mul3A_374 {strides = array<i32>} : memref<208x32xf32, #tpu.memory_space<vmem>>, vector<16xf32>,
        %get3A_378 = arith.index_cast %add3A_369 : i32 to index
        %get3A_379 = arith.constant 16 : index
        %get3A_380 = tpu.vector_load %arg24[%get3A_378, %get3A_379] {strides = array<i32>} : memref<208x32xf32, #tpu.memory_space<vmem>>, vector<16xf32>,
        %mul3A_381 = vector.broadcast %squeeze3A_365 : f32 to vector<16xf32>
        %mul3A_382 = arith.mulf %get3A_380, %mul3A_381 : vector<16xf32>
        %swap3A_383 = arith.index_cast %add3A_369 : i32 to index
        %swap3A_384 = arith.constant 16 : index
        %swap3A_385 = tpu.vector_load %arg24[%swap3A_383, %swap3A_384] {strides = array<i32>} : memref<208x32xf32, #tpu.memory_space<vmem>>, vector<16xf32>,
        tpu.vector_store %arg24[%swap3A_383, %swap3A_384], %mul3A_382 {strides = array<i32>} : memref<208x32xf32, #tpu.memory_space<vmem>>, vector<16xf32>,
        %slice3A_386 = vector.extract_strided_slice %get3A_168 {offsets = [10], sizes = [1], strides = [1]} : vector<16xf32> to vector<1xf32>
        %squeeze3A_387 = vector.extract %slice3A_386[0] : f32 from vector<1xf32>
        %mul3A_388 = arith.constant 16 : i32
        %mul3A_389 = arith.muli %scan3A_165, %mul3A_388 : i32
        %add3A_390 = arith.constant 10 : i32
        %add3A_391 = arith.addi %mul3A_389, %add3A_390 : i32
        %get3A_392 = arith.index_cast %add3A_391 : i32 to index
        %get3A_393 = arith.constant 0 : index
        %get3A_394 = tpu.vector_load %arg24[%get3A_392, %get3A_393] {strides = array<i32>} : memref<208x32xf32, #tpu.memory_space<vmem>>, vector<16xf32>,
        %mul3A_395 = vector.broadcast %squeeze3A_387 : f32 to vector<16xf32>
        %mul3A_396 = arith.mulf %get3A_394, %mul3A_395 : vector<16xf32>
        %swap3A_397 = arith.index_cast %add3A_391 : i32 to index
        %swap3A_398 = arith.constant 0 : index
        %swap3A_399 = tpu.vector_load %arg24[%swap3A_397, %swap3A_398] {strides = array<i32>} : memref<208x32xf32, #tpu.memory_space<vmem>>, vector<16xf32>,
        tpu.vector_store %arg24[%swap3A_397, %swap3A_398], %mul3A_396 {strides = array<i32>} : memref<208x32xf32, #tpu.memory_space<vmem>>, vector<16xf32>,
        %get3A_400 = arith.index_cast %add3A_391 : i32 to index
        %get3A_401 = arith.constant 16 : index
        %get3A_402 = tpu.vector_load %arg24[%get3A_400, %get3A_401] {strides = array<i32>} : memref<208x32xf32, #tpu.memory_space<vmem>>, vector<16xf32>,
        %mul3A_403 = vector.broadcast %squeeze3A_387 : f32 to vector<16xf32>
        %mul3A_404 = arith.mulf %get3A_402, %mul3A_403 : vector<16xf32>
        %swap3A_405 = arith.index_cast %add3A_391 : i32 to index
        %swap3A_406 = arith.constant 16 : index
        %swap3A_407 = tpu.vector_load %arg24[%swap3A_405, %swap3A_406] {strides = array<i32>} : memref<208x32xf32, #tpu.memory_space<vmem>>, vector<16xf32>,
        tpu.vector_store %arg24[%swap3A_405, %swap3A_406], %mul3A_404 {strides = array<i32>} : memref<208x32xf32, #tpu.memory_space<vmem>>, vector<16xf32>,
        %slice3A_408 = vector.extract_strided_slice %get3A_168 {offsets = [11], sizes = [1], strides = [1]} : vector<16xf32> to vector<1xf32>
        %squeeze3A_409 = vector.extract %slice3A_408[0] : f32 from vector<1xf32>
        %mul3A_410 = arith.constant 16 : i32
        %mul3A_411 = arith.muli %scan3A_165, %mul3A_410 : i32
        %add3A_412 = arith.constant 11 : i32
        %add3A_413 = arith.addi %mul3A_411, %add3A_412 : i32
        %get3A_414 = arith.index_cast %add3A_413 : i32 to index
        %get3A_415 = arith.constant 0 : index
        %get3A_416 = tpu.vector_load %arg24[%get3A_414, %get3A_415] {strides = array<i32>} : memref<208x32xf32, #tpu.memory_space<vmem>>, vector<16xf32>,
        %mul3A_417 = vector.broadcast %squeeze3A_409 : f32 to vector<16xf32>
        %mul3A_418 = arith.mulf %get3A_416, %mul3A_417 : vector<16xf32>
        %swap3A_419 = arith.index_cast %add3A_413 : i32 to index
        %swap3A_420 = arith.constant 0 : index
        %swap3A_421 = tpu.vector_load %arg24[%swap3A_419, %swap3A_420] {strides = array<i32>} : memref<208x32xf32, #tpu.memory_space<vmem>>, vector<16xf32>,
        tpu.vector_store %arg24[%swap3A_419, %swap3A_420], %mul3A_418 {strides = array<i32>} : memref<208x32xf32, #tpu.memory_space<vmem>>, vector<16xf32>,
        %get3A_422 = arith.index_cast %add3A_413 : i32 to index
        %get3A_423 = arith.constant 16 : index
        %get3A_424 = tpu.vector_load %arg24[%get3A_422, %get3A_423] {strides = array<i32>} : memref<208x32xf32, #tpu.memory_space<vmem>>, vector<16xf32>,
        %mul3A_425 = vector.broadcast %squeeze3A_409 : f32 to vector<16xf32>
        %mul3A_426 = arith.mulf %get3A_424, %mul3A_425 : vector<16xf32>
        %swap3A_427 = arith.index_cast %add3A_413 : i32 to index
        %swap3A_428 = arith.constant 16 : index
        %swap3A_429 = tpu.vector_load %arg24[%swap3A_427, %swap3A_428] {strides = array<i32>} : memref<208x32xf32, #tpu.memory_space<vmem>>, vector<16xf32>,
        tpu.vector_store %arg24[%swap3A_427, %swap3A_428], %mul3A_426 {strides = array<i32>} : memref<208x32xf32, #tpu.memory_space<vmem>>, vector<16xf32>,
        %slice3A_430 = vector.extract_strided_slice %get3A_168 {offsets = [12], sizes = [1], strides = [1]} : vector<16xf32> to vector<1xf32>
        %squeeze3A_431 = vector.extract %slice3A_430[0] : f32 from vector<1xf32>
        %mul3A_432 = arith.constant 16 : i32
        %mul3A_433 = arith.muli %scan3A_165, %mul3A_432 : i32
        %add3A_434 = arith.constant 12 : i32
        %add3A_435 = arith.addi %mul3A_433, %add3A_434 : i32
        %get3A_436 = arith.index_cast %add3A_435 : i32 to index
        %get3A_437 = arith.constant 0 : index
        %get3A_438 = tpu.vector_load %arg24[%get3A_436, %get3A_437] {strides = array<i32>} : memref<208x32xf32, #tpu.memory_space<vmem>>, vector<16xf32>,
        %mul3A_439 = vector.broadcast %squeeze3A_431 : f32 to vector<16xf32>
        %mul3A_440 = arith.mulf %get3A_438, %mul3A_439 : vector<16xf32>
        %swap3A_441 = arith.index_cast %add3A_435 : i32 to index
        %swap3A_442 = arith.constant 0 : index
        %swap3A_443 = tpu.vector_load %arg24[%swap3A_441, %swap3A_442] {strides = array<i32>} : memref<208x32xf32, #tpu.memory_space<vmem>>, vector<16xf32>,
        tpu.vector_store %arg24[%swap3A_441, %swap3A_442], %mul3A_440 {strides = array<i32>} : memref<208x32xf32, #tpu.memory_space<vmem>>, vector<16xf32>,
        %get3A_444 = arith.index_cast %add3A_435 : i32 to index
        %get3A_445 = arith.constant 16 : index
        %get3A_446 = tpu.vector_load %arg24[%get3A_444, %get3A_445] {strides = array<i32>} : memref<208x32xf32, #tpu.memory_space<vmem>>, vector<16xf32>,
        %mul3A_447 = vector.broadcast %squeeze3A_431 : f32 to vector<16xf32>
        %mul3A_448 = arith.mulf %get3A_446, %mul3A_447 : vector<16xf32>
        %swap3A_449 = arith.index_cast %add3A_435 : i32 to index
        %swap3A_450 = arith.constant 16 : index
        %swap3A_451 = tpu.vector_load %arg24[%swap3A_449, %swap3A_450] {strides = array<i32>} : memref<208x32xf32, #tpu.memory_space<vmem>>, vector<16xf32>,
        tpu.vector_store %arg24[%swap3A_449, %swap3A_450], %mul3A_448 {strides = array<i32>} : memref<208x32xf32, #tpu.memory_space<vmem>>, vector<16xf32>,
        %slice3A_452 = vector.extract_strided_slice %get3A_168 {offsets = [13], sizes = [1], strides = [1]} : vector<16xf32> to vector<1xf32>
        %squeeze3A_453 = vector.extract %slice3A_452[0] : f32 from vector<1xf32>
        %mul3A_454 = arith.constant 16 : i32
        %mul3A_455 = arith.muli %scan3A_165, %mul3A_454 : i32
        %add3A_456 = arith.constant 13 : i32
        %add3A_457 = arith.addi %mul3A_455, %add3A_456 : i32
        %get3A_458 = arith.index_cast %add3A_457 : i32 to index
        %get3A_459 = arith.constant 0 : index
        %get3A_460 = tpu.vector_load %arg24[%get3A_458, %get3A_459] {strides = array<i32>} : memref<208x32xf32, #tpu.memory_space<vmem>>, vector<16xf32>,
        %mul3A_461 = vector.broadcast %squeeze3A_453 : f32 to vector<16xf32>
        %mul3A_462 = arith.mulf %get3A_460, %mul3A_461 : vector<16xf32>
        %swap3A_463 = arith.index_cast %add3A_457 : i32 to index
        %swap3A_464 = arith.constant 0 : index
        %swap3A_465 = tpu.vector_load %arg24[%swap3A_463, %swap3A_464] {strides = array<i32>} : memref<208x32xf32, #tpu.memory_space<vmem>>, vector<16xf32>,
        tpu.vector_store %arg24[%swap3A_463, %swap3A_464], %mul3A_462 {strides = array<i32>} : memref<208x32xf32, #tpu.memory_space<vmem>>, vector<16xf32>,
        %get3A_466 = arith.index_cast %add3A_457 : i32 to index
        %get3A_467 = arith.constant 16 : index
        %get3A_468 = tpu.vector_load %arg24[%get3A_466, %get3A_467] {strides = array<i32>} : memref<208x32xf32, #tpu.memory_space<vmem>>, vector<16xf32>,
        %mul3A_469 = vector.broadcast %squeeze3A_453 : f32 to vector<16xf32>
        %mul3A_470 = arith.mulf %get3A_468, %mul3A_469 : vector<16xf32>
        %swap3A_471 = arith.index_cast %add3A_457 : i32 to index
        %swap3A_472 = arith.constant 16 : index
        %swap3A_473 = tpu.vector_load %arg24[%swap3A_471, %swap3A_472] {strides = array<i32>} : memref<208x32xf32, #tpu.memory_space<vmem>>, vector<16xf32>,
        tpu.vector_store %arg24[%swap3A_471, %swap3A_472], %mul3A_470 {strides = array<i32>} : memref<208x32xf32, #tpu.memory_space<vmem>>, vector<16xf32>,
        %slice3A_474 = vector.extract_strided_slice %get3A_168 {offsets = [14], sizes = [1], strides = [1]} : vector<16xf32> to vector<1xf32>
        %squeeze3A_475 = vector.extract %slice3A_474[0] : f32 from vector<1xf32>
        %mul3A_476 = arith.constant 16 : i32
        %mul3A_477 = arith.muli %scan3A_165, %mul3A_476 : i32
        %add3A_478 = arith.constant 14 : i32
        %add3A_479 = arith.addi %mul3A_477, %add3A_478 : i32
        %get3A_480 = arith.index_cast %add3A_479 : i32 to index
        %get3A_481 = arith.constant 0 : index
        %get3A_482 = tpu.vector_load %arg24[%get3A_480, %get3A_481] {strides = array<i32>} : memref<208x32xf32, #tpu.memory_space<vmem>>, vector<16xf32>,
        %mul3A_483 = vector.broadcast %squeeze3A_475 : f32 to vector<16xf32>
        %mul3A_484 = arith.mulf %get3A_482, %mul3A_483 : vector<16xf32>
        %swap3A_485 = arith.index_cast %add3A_479 : i32 to index
        %swap3A_486 = arith.constant 0 : index
        %swap3A_487 = tpu.vector_load %arg24[%swap3A_485, %swap3A_486] {strides = array<i32>} : memref<208x32xf32, #tpu.memory_space<vmem>>, vector<16xf32>,
        tpu.vector_store %arg24[%swap3A_485, %swap3A_486], %mul3A_484 {strides = array<i32>} : memref<208x32xf32, #tpu.memory_space<vmem>>, vector<16xf32>,
        %get3A_488 = arith.index_cast %add3A_479 : i32 to index
        %get3A_489 = arith.constant 16 : index
        %get3A_490 = tpu.vector_load %arg24[%get3A_488, %get3A_489] {strides = array<i32>} : memref<208x32xf32, #tpu.memory_space<vmem>>, vector<16xf32>,
        %mul3A_491 = vector.broadcast %squeeze3A_475 : f32 to vector<16xf32>
        %mul3A_492 = arith.mulf %get3A_490, %mul3A_491 : vector<16xf32>
        %swap3A_493 = arith.index_cast %add3A_479 : i32 to index
        %swap3A_494 = arith.constant 16 : index
        %swap3A_495 = tpu.vector_load %arg24[%swap3A_493, %swap3A_494] {strides = array<i32>} : memref<208x32xf32, #tpu.memory_space<vmem>>, vector<16xf32>,
        tpu.vector_store %arg24[%swap3A_493, %swap3A_494], %mul3A_492 {strides = array<i32>} : memref<208x32xf32, #tpu.memory_space<vmem>>, vector<16xf32>,
        %slice3A_496 = vector.extract_strided_slice %get3A_168 {offsets = [15], sizes = [1], strides = [1]} : vector<16xf32> to vector<1xf32>
        %squeeze3A_497 = vector.extract %slice3A_496[0] : f32 from vector<1xf32>
        %mul3A_498 = arith.constant 16 : i32
        %mul3A_499 = arith.muli %scan3A_165, %mul3A_498 : i32
        %add3A_500 = arith.constant 15 : i32
        %add3A_501 = arith.addi %mul3A_499, %add3A_500 : i32
        %get3A_502 = arith.index_cast %add3A_501 : i32 to index
        %get3A_503 = arith.constant 0 : index
        %get3A_504 = tpu.vector_load %arg24[%get3A_502, %get3A_503] {strides = array<i32>} : memref<208x32xf32, #tpu.memory_space<vmem>>, vector<16xf32>,
        %mul3A_505 = vector.broadcast %squeeze3A_497 : f32 to vector<16xf32>
        %mul3A_506 = arith.mulf %get3A_504, %mul3A_505 : vector<16xf32>
        %swap3A_507 = arith.index_cast %add3A_501 : i32 to index
        %swap3A_508 = arith.constant 0 : index
        %swap3A_509 = tpu.vector_load %arg24[%swap3A_507, %swap3A_508] {strides = array<i32>} : memref<208x32xf32, #tpu.memory_space<vmem>>, vector<16xf32>,
        tpu.vector_store %arg24[%swap3A_507, %swap3A_508], %mul3A_506 {strides = array<i32>} : memref<208x32xf32, #tpu.memory_space<vmem>>, vector<16xf32>,
        %get3A_510 = arith.index_cast %add3A_501 : i32 to index
        %get3A_511 = arith.constant 16 : index
        %get3A_512 = tpu.vector_load %arg24[%get3A_510, %get3A_511] {strides = array<i32>} : memref<208x32xf32, #tpu.memory_space<vmem>>, vector<16xf32>,
        %mul3A_513 = vector.broadcast %squeeze3A_497 : f32 to vector<16xf32>
        %mul3A_514 = arith.mulf %get3A_512, %mul3A_513 : vector<16xf32>
        %swap3A_515 = arith.index_cast %add3A_501 : i32 to index
        %swap3A_516 = arith.constant 16 : index
        %swap3A_517 = tpu.vector_load %arg24[%swap3A_515, %swap3A_516] {strides = array<i32>} : memref<208x32xf32, #tpu.memory_space<vmem>>, vector<16xf32>,
        tpu.vector_store %arg24[%swap3A_515, %swap3A_516], %mul3A_514 {strides = array<i32>} : memref<208x32xf32, #tpu.memory_space<vmem>>, vector<16xf32>,
      }
      %scan3A_123 = arith.constant 13 : i32
      %dma_start3A_124 = arith.constant 0 : i32
      %dma_start3A_125 = arith.constant 0 : i32
      %dma_start3A_126 = tpu.memref_slice %arg11[%dma_start3A_124, %dma_start3A_125] : memref<50000x32xf32, #tpu.memory_space<vmem_shared>> -> memref<50000x32xf32, #tpu.memory_space<vmem_shared>>
      tpu.enqueue_indirect_dma source(%arg24 : memref<208x32xf32, #tpu.memory_space<vmem>>) target(%dma_start3A_126 : memref<50000x32xf32, #tpu.memory_space<vmem_shared>>) offsets(%arg16 : memref<208xi32, #tpu.memory_space<vmem>>) semaphore(%arg33 : memref<!tpu.dma_semaphore, #tpu.memory_space<semaphore_mem>>) {add = true}
      %dma_wait3A_127 = arith.constant 0 : i32
      %dma_wait3A_128 = tpu.memref_slice %arg12[%dma_wait3A_127] : memref<50000xf32, #tpu.memory_space<vmem_shared>> -> memref<50000xf32, #tpu.memory_space<vmem_shared>>
      tpu.wait_indirect_dma semaphore(%arg28 : memref<!tpu.dma_semaphore, #tpu.memory_space<semaphore_mem>>) src(%dma_wait3A_128 : memref<50000xf32, #tpu.memory_space<vmem_shared>>) dst(%arg19 : memref<192xf32, #tpu.memory_space<vmem>>)
      %dma_wait3A_129 = arith.constant 0 : i32
      %dma_wait3A_130 = tpu.memref_slice %arg13[%dma_wait3A_129] : memref<50000xf32, #tpu.memory_space<vmem_shared>> -> memref<50000xf32, #tpu.memory_space<vmem_shared>>
      tpu.wait_indirect_dma semaphore(%arg29 : memref<!tpu.dma_semaphore, #tpu.memory_space<semaphore_mem>>) src(%dma_wait3A_130 : memref<50000xf32, #tpu.memory_space<vmem_shared>>) dst(%arg21 : memref<192xf32, #tpu.memory_space<vmem>>)
      %scan3A_131 = arith.constant 0 : i32
      %scan3A_132 = arith.constant 0 : i32
      %scan3A_133 = arith.constant 12 : i32
      %scan3A_134 = arith.addi %scan3A_132, %scan3A_133 : i32
      %scan3A_135 = arith.constant 1 : i32
      scf.for %scan3A_165 = %scan3A_132 to %scan3A_134 step %scan3A_135  : i32 {
        %mul3A_166 = arith.constant 16 : i32
        %mul3A_167 = arith.muli %scan3A_165, %mul3A_166 : i32
        %get3A = arith.index_cast %mul3A_167 : i32 to index
        %get3A_168 = tpu.vector_load %arg19[%get3A] {strides = array<i32>} : memref<192xf32, #tpu.memory_space<vmem>>, vector<16xf32>,
        %mul3A_169 = arith.constant 16 : i32
        %mul3A_170 = arith.muli %scan3A_165, %mul3A_169 : i32
        %get3A_171 = arith.index_cast %mul3A_170 : i32 to index
        %get3A_172 = tpu.vector_load %arg21[%get3A_171] {strides = array<i32>} : memref<192xf32, #tpu.memory_space<vmem>>, vector<16xf32>,
        %add3A_173 = arith.addf %get3A_168, %get3A_172 : vector<16xf32>
        %ge3A = arith.constant 0.000000e+00 : f32
        %ge3A_174 = vector.broadcast %ge3A : f32 to vector<16xf32>
        %ge3A_175 = arith.cmpf oge, %add3A_173, %ge3A_174 : vector<16xf32>
        %mul3A_176 = arith.constant 2.000000e-01 : f32
        %mul3A_177 = vector.broadcast %mul3A_176 : f32 to vector<16xf32>
        %mul3A_178 = arith.mulf %mul3A_177, %add3A_173 : vector<16xf32>
        %select_n3A = arith.select %ge3A_175, %add3A_173, %mul3A_178 : vector<16xi1>, vector<16xf32>
        %exp3A = math.exp %select_n3A : vector<16xf32>
        %mul3A_179 = arith.constant 16 : i32
        %mul3A_180 = arith.muli %scan3A_165, %mul3A_179 : i32
        %swap3A = arith.index_cast %mul3A_180 : i32 to index
        %swap3A_181 = tpu.vector_load %arg23[%swap3A] {strides = array<i32>} : memref<192xf32, #tpu.memory_space<vmem>>, vector<16xf32>,
        tpu.vector_store %arg23[%swap3A], %exp3A {strides = array<i32>} : memref<192xf32, #tpu.memory_space<vmem>>, vector<16xf32>,
      }
      %scan3A_136 = arith.constant 12 : i32
      %dma_start3A_137 = arith.constant 0 : i32
      %dma_start3A_138 = tpu.memref_slice %arg10[%dma_start3A_137] : memref<50000xf32, #tpu.memory_space<vmem_shared>> -> memref<50000xf32, #tpu.memory_space<vmem_shared>>
      tpu.enqueue_indirect_dma source(%arg23 : memref<192xf32, #tpu.memory_space<vmem>>) target(%dma_start3A_138 : memref<50000xf32, #tpu.memory_space<vmem_shared>>) offsets(%arg17 : memref<192xi32, #tpu.memory_space<vmem>>) semaphore(%arg32 : memref<!tpu.dma_semaphore, #tpu.memory_space<semaphore_mem>>) {add = true}
      %dma_wait3A_139 = arith.constant 0 : i32
      %dma_wait3A_140 = arith.constant 0 : i32
      %dma_wait3A_141 = tpu.memref_slice %arg2[%arg0, %dma_wait3A_139, %dma_wait3A_140] : memref<2x50000x32xf32, #tpu.memory_space<hbm>> -> memref<1x50000x32xf32, #tpu.memory_space<hbm>>
      %dma_wait3A_142 = tpu.memref_squeeze %dma_wait3A_141 : memref<1x50000x32xf32, #tpu.memory_space<hbm>> -> memref<50000x32xf32, #tpu.memory_space<hbm>>
      %dma_wait3A_143 = arith.constant 0 : i32
      %dma_wait3A_144 = arith.constant 0 : i32
      %dma_wait3A_145 = tpu.memref_slice %dma_wait3A_142[%dma_wait3A_143, %dma_wait3A_144] : memref<50000x32xf32, #tpu.memory_space<hbm>> -> memref<50000x32xf32, #tpu.memory_space<hbm>>
      tpu.wait_indirect_dma semaphore(%arg31 : memref<!tpu.dma_semaphore, #tpu.memory_space<semaphore_mem>>) src(%dma_wait3A_145 : memref<50000x32xf32, #tpu.memory_space<hbm>>) dst(%arg25 : memref<192x32xf32, #tpu.memory_space<vmem>>)
      %scan3A_146 = arith.constant 0 : i32
      %scan3A_147 = arith.constant 0 : i32
      %scan3A_148 = arith.constant 12 : i32
      %scan3A_149 = arith.addi %scan3A_147, %scan3A_148 : i32
      %scan3A_150 = arith.constant 1 : i32
      scf.for %scan3A_165 = %scan3A_147 to %scan3A_149 step %scan3A_150  : i32 {
        %mul3A_166 = arith.constant 16 : i32
        %mul3A_167 = arith.muli %scan3A_165, %mul3A_166 : i32
        %get3A = arith.index_cast %mul3A_167 : i32 to index
        %get3A_168 = tpu.vector_load %arg23[%get3A] {strides = array<i32>} : memref<192xf32, #tpu.memory_space<vmem>>, vector<16xf32>,
        %slice3A = vector.extract_strided_slice %get3A_168 {offsets = [0], sizes = [1], strides = [1]} : vector<16xf32> to vector<1xf32>
        %squeeze3A = vector.extract %slice3A[0] : f32 from vector<1xf32>
        %mul3A_169 = arith.constant 16 : i32
        %mul3A_170 = arith.muli %scan3A_165, %mul3A_169 : i32
        %add3A_171 = arith.constant 0 : i32
        %add3A_172 = arith.addi %mul3A_170, %add3A_171 : i32
        %get3A_173 = arith.index_cast %add3A_172 : i32 to index
        %get3A_174 = arith.constant 0 : index
        %get3A_175 = tpu.vector_load %arg25[%get3A_173, %get3A_174] {strides = array<i32>} : memref<192x32xf32, #tpu.memory_space<vmem>>, vector<16xf32>,
        %mul3A_176 = vector.broadcast %squeeze3A : f32 to vector<16xf32>
        %mul3A_177 = arith.mulf %get3A_175, %mul3A_176 : vector<16xf32>
        %swap3A = arith.index_cast %add3A_172 : i32 to index
        %swap3A_178 = arith.constant 0 : index
        %swap3A_179 = tpu.vector_load %arg25[%swap3A, %swap3A_178] {strides = array<i32>} : memref<192x32xf32, #tpu.memory_space<vmem>>, vector<16xf32>,
        tpu.vector_store %arg25[%swap3A, %swap3A_178], %mul3A_177 {strides = array<i32>} : memref<192x32xf32, #tpu.memory_space<vmem>>, vector<16xf32>,
        %get3A_180 = arith.index_cast %add3A_172 : i32 to index
        %get3A_181 = arith.constant 16 : index
        %get3A_182 = tpu.vector_load %arg25[%get3A_180, %get3A_181] {strides = array<i32>} : memref<192x32xf32, #tpu.memory_space<vmem>>, vector<16xf32>,
        %mul3A_183 = vector.broadcast %squeeze3A : f32 to vector<16xf32>
        %mul3A_184 = arith.mulf %get3A_182, %mul3A_183 : vector<16xf32>
        %swap3A_185 = arith.index_cast %add3A_172 : i32 to index
        %swap3A_186 = arith.constant 16 : index
        %swap3A_187 = tpu.vector_load %arg25[%swap3A_185, %swap3A_186] {strides = array<i32>} : memref<192x32xf32, #tpu.memory_space<vmem>>, vector<16xf32>,
        tpu.vector_store %arg25[%swap3A_185, %swap3A_186], %mul3A_184 {strides = array<i32>} : memref<192x32xf32, #tpu.memory_space<vmem>>, vector<16xf32>,
        %slice3A_188 = vector.extract_strided_slice %get3A_168 {offsets = [1], sizes = [1], strides = [1]} : vector<16xf32> to vector<1xf32>
        %squeeze3A_189 = vector.extract %slice3A_188[0] : f32 from vector<1xf32>
        %mul3A_190 = arith.constant 16 : i32
        %mul3A_191 = arith.muli %scan3A_165, %mul3A_190 : i32
        %add3A_192 = arith.constant 1 : i32
        %add3A_193 = arith.addi %mul3A_191, %add3A_192 : i32
        %get3A_194 = arith.index_cast %add3A_193 : i32 to index
        %get3A_195 = arith.constant 0 : index
        %get3A_196 = tpu.vector_load %arg25[%get3A_194, %get3A_195] {strides = array<i32>} : memref<192x32xf32, #tpu.memory_space<vmem>>, vector<16xf32>,
        %mul3A_197 = vector.broadcast %squeeze3A_189 : f32 to vector<16xf32>
        %mul3A_198 = arith.mulf %get3A_196, %mul3A_197 : vector<16xf32>
        %swap3A_199 = arith.index_cast %add3A_193 : i32 to index
        %swap3A_200 = arith.constant 0 : index
        %swap3A_201 = tpu.vector_load %arg25[%swap3A_199, %swap3A_200] {strides = array<i32>} : memref<192x32xf32, #tpu.memory_space<vmem>>, vector<16xf32>,
        tpu.vector_store %arg25[%swap3A_199, %swap3A_200], %mul3A_198 {strides = array<i32>} : memref<192x32xf32, #tpu.memory_space<vmem>>, vector<16xf32>,
        %get3A_202 = arith.index_cast %add3A_193 : i32 to index
        %get3A_203 = arith.constant 16 : index
        %get3A_204 = tpu.vector_load %arg25[%get3A_202, %get3A_203] {strides = array<i32>} : memref<192x32xf32, #tpu.memory_space<vmem>>, vector<16xf32>,
        %mul3A_205 = vector.broadcast %squeeze3A_189 : f32 to vector<16xf32>
        %mul3A_206 = arith.mulf %get3A_204, %mul3A_205 : vector<16xf32>
        %swap3A_207 = arith.index_cast %add3A_193 : i32 to index
        %swap3A_208 = arith.constant 16 : index
        %swap3A_209 = tpu.vector_load %arg25[%swap3A_207, %swap3A_208] {strides = array<i32>} : memref<192x32xf32, #tpu.memory_space<vmem>>, vector<16xf32>,
        tpu.vector_store %arg25[%swap3A_207, %swap3A_208], %mul3A_206 {strides = array<i32>} : memref<192x32xf32, #tpu.memory_space<vmem>>, vector<16xf32>,
        %slice3A_210 = vector.extract_strided_slice %get3A_168 {offsets = [2], sizes = [1], strides = [1]} : vector<16xf32> to vector<1xf32>
        %squeeze3A_211 = vector.extract %slice3A_210[0] : f32 from vector<1xf32>
        %mul3A_212 = arith.constant 16 : i32
        %mul3A_213 = arith.muli %scan3A_165, %mul3A_212 : i32
        %add3A_214 = arith.constant 2 : i32
        %add3A_215 = arith.addi %mul3A_213, %add3A_214 : i32
        %get3A_216 = arith.index_cast %add3A_215 : i32 to index
        %get3A_217 = arith.constant 0 : index
        %get3A_218 = tpu.vector_load %arg25[%get3A_216, %get3A_217] {strides = array<i32>} : memref<192x32xf32, #tpu.memory_space<vmem>>, vector<16xf32>,
        %mul3A_219 = vector.broadcast %squeeze3A_211 : f32 to vector<16xf32>
        %mul3A_220 = arith.mulf %get3A_218, %mul3A_219 : vector<16xf32>
        %swap3A_221 = arith.index_cast %add3A_215 : i32 to index
        %swap3A_222 = arith.constant 0 : index
        %swap3A_223 = tpu.vector_load %arg25[%swap3A_221, %swap3A_222] {strides = array<i32>} : memref<192x32xf32, #tpu.memory_space<vmem>>, vector<16xf32>,
        tpu.vector_store %arg25[%swap3A_221, %swap3A_222], %mul3A_220 {strides = array<i32>} : memref<192x32xf32, #tpu.memory_space<vmem>>, vector<16xf32>,
        %get3A_224 = arith.index_cast %add3A_215 : i32 to index
        %get3A_225 = arith.constant 16 : index
        %get3A_226 = tpu.vector_load %arg25[%get3A_224, %get3A_225] {strides = array<i32>} : memref<192x32xf32, #tpu.memory_space<vmem>>, vector<16xf32>,
        %mul3A_227 = vector.broadcast %squeeze3A_211 : f32 to vector<16xf32>
        %mul3A_228 = arith.mulf %get3A_226, %mul3A_227 : vector<16xf32>
        %swap3A_229 = arith.index_cast %add3A_215 : i32 to index
        %swap3A_230 = arith.constant 16 : index
        %swap3A_231 = tpu.vector_load %arg25[%swap3A_229, %swap3A_230] {strides = array<i32>} : memref<192x32xf32, #tpu.memory_space<vmem>>, vector<16xf32>,
        tpu.vector_store %arg25[%swap3A_229, %swap3A_230], %mul3A_228 {strides = array<i32>} : memref<192x32xf32, #tpu.memory_space<vmem>>, vector<16xf32>,
        %slice3A_232 = vector.extract_strided_slice %get3A_168 {offsets = [3], sizes = [1], strides = [1]} : vector<16xf32> to vector<1xf32>
        %squeeze3A_233 = vector.extract %slice3A_232[0] : f32 from vector<1xf32>
        %mul3A_234 = arith.constant 16 : i32
        %mul3A_235 = arith.muli %scan3A_165, %mul3A_234 : i32
        %add3A_236 = arith.constant 3 : i32
        %add3A_237 = arith.addi %mul3A_235, %add3A_236 : i32
        %get3A_238 = arith.index_cast %add3A_237 : i32 to index
        %get3A_239 = arith.constant 0 : index
        %get3A_240 = tpu.vector_load %arg25[%get3A_238, %get3A_239] {strides = array<i32>} : memref<192x32xf32, #tpu.memory_space<vmem>>, vector<16xf32>,
        %mul3A_241 = vector.broadcast %squeeze3A_233 : f32 to vector<16xf32>
        %mul3A_242 = arith.mulf %get3A_240, %mul3A_241 : vector<16xf32>
        %swap3A_243 = arith.index_cast %add3A_237 : i32 to index
        %swap3A_244 = arith.constant 0 : index
        %swap3A_245 = tpu.vector_load %arg25[%swap3A_243, %swap3A_244] {strides = array<i32>} : memref<192x32xf32, #tpu.memory_space<vmem>>, vector<16xf32>,
        tpu.vector_store %arg25[%swap3A_243, %swap3A_244], %mul3A_242 {strides = array<i32>} : memref<192x32xf32, #tpu.memory_space<vmem>>, vector<16xf32>,
        %get3A_246 = arith.index_cast %add3A_237 : i32 to index
        %get3A_247 = arith.constant 16 : index
        %get3A_248 = tpu.vector_load %arg25[%get3A_246, %get3A_247] {strides = array<i32>} : memref<192x32xf32, #tpu.memory_space<vmem>>, vector<16xf32>,
        %mul3A_249 = vector.broadcast %squeeze3A_233 : f32 to vector<16xf32>
        %mul3A_250 = arith.mulf %get3A_248, %mul3A_249 : vector<16xf32>
        %swap3A_251 = arith.index_cast %add3A_237 : i32 to index
        %swap3A_252 = arith.constant 16 : index
        %swap3A_253 = tpu.vector_load %arg25[%swap3A_251, %swap3A_252] {strides = array<i32>} : memref<192x32xf32, #tpu.memory_space<vmem>>, vector<16xf32>,
        tpu.vector_store %arg25[%swap3A_251, %swap3A_252], %mul3A_250 {strides = array<i32>} : memref<192x32xf32, #tpu.memory_space<vmem>>, vector<16xf32>,
        %slice3A_254 = vector.extract_strided_slice %get3A_168 {offsets = [4], sizes = [1], strides = [1]} : vector<16xf32> to vector<1xf32>
        %squeeze3A_255 = vector.extract %slice3A_254[0] : f32 from vector<1xf32>
        %mul3A_256 = arith.constant 16 : i32
        %mul3A_257 = arith.muli %scan3A_165, %mul3A_256 : i32
        %add3A_258 = arith.constant 4 : i32
        %add3A_259 = arith.addi %mul3A_257, %add3A_258 : i32
        %get3A_260 = arith.index_cast %add3A_259 : i32 to index
        %get3A_261 = arith.constant 0 : index
        %get3A_262 = tpu.vector_load %arg25[%get3A_260, %get3A_261] {strides = array<i32>} : memref<192x32xf32, #tpu.memory_space<vmem>>, vector<16xf32>,
        %mul3A_263 = vector.broadcast %squeeze3A_255 : f32 to vector<16xf32>
        %mul3A_264 = arith.mulf %get3A_262, %mul3A_263 : vector<16xf32>
        %swap3A_265 = arith.index_cast %add3A_259 : i32 to index
        %swap3A_266 = arith.constant 0 : index
        %swap3A_267 = tpu.vector_load %arg25[%swap3A_265, %swap3A_266] {strides = array<i32>} : memref<192x32xf32, #tpu.memory_space<vmem>>, vector<16xf32>,
        tpu.vector_store %arg25[%swap3A_265, %swap3A_266], %mul3A_264 {strides = array<i32>} : memref<192x32xf32, #tpu.memory_space<vmem>>, vector<16xf32>,
        %get3A_268 = arith.index_cast %add3A_259 : i32 to index
        %get3A_269 = arith.constant 16 : index
        %get3A_270 = tpu.vector_load %arg25[%get3A_268, %get3A_269] {strides = array<i32>} : memref<192x32xf32, #tpu.memory_space<vmem>>, vector<16xf32>,
        %mul3A_271 = vector.broadcast %squeeze3A_255 : f32 to vector<16xf32>
        %mul3A_272 = arith.mulf %get3A_270, %mul3A_271 : vector<16xf32>
        %swap3A_273 = arith.index_cast %add3A_259 : i32 to index
        %swap3A_274 = arith.constant 16 : index
        %swap3A_275 = tpu.vector_load %arg25[%swap3A_273, %swap3A_274] {strides = array<i32>} : memref<192x32xf32, #tpu.memory_space<vmem>>, vector<16xf32>,
        tpu.vector_store %arg25[%swap3A_273, %swap3A_274], %mul3A_272 {strides = array<i32>} : memref<192x32xf32, #tpu.memory_space<vmem>>, vector<16xf32>,
        %slice3A_276 = vector.extract_strided_slice %get3A_168 {offsets = [5], sizes = [1], strides = [1]} : vector<16xf32> to vector<1xf32>
        %squeeze3A_277 = vector.extract %slice3A_276[0] : f32 from vector<1xf32>
        %mul3A_278 = arith.constant 16 : i32
        %mul3A_279 = arith.muli %scan3A_165, %mul3A_278 : i32
        %add3A_280 = arith.constant 5 : i32
        %add3A_281 = arith.addi %mul3A_279, %add3A_280 : i32
        %get3A_282 = arith.index_cast %add3A_281 : i32 to index
        %get3A_283 = arith.constant 0 : index
        %get3A_284 = tpu.vector_load %arg25[%get3A_282, %get3A_283] {strides = array<i32>} : memref<192x32xf32, #tpu.memory_space<vmem>>, vector<16xf32>,
        %mul3A_285 = vector.broadcast %squeeze3A_277 : f32 to vector<16xf32>
        %mul3A_286 = arith.mulf %get3A_284, %mul3A_285 : vector<16xf32>
        %swap3A_287 = arith.index_cast %add3A_281 : i32 to index
        %swap3A_288 = arith.constant 0 : index
        %swap3A_289 = tpu.vector_load %arg25[%swap3A_287, %swap3A_288] {strides = array<i32>} : memref<192x32xf32, #tpu.memory_space<vmem>>, vector<16xf32>,
        tpu.vector_store %arg25[%swap3A_287, %swap3A_288], %mul3A_286 {strides = array<i32>} : memref<192x32xf32, #tpu.memory_space<vmem>>, vector<16xf32>,
        %get3A_290 = arith.index_cast %add3A_281 : i32 to index
        %get3A_291 = arith.constant 16 : index
        %get3A_292 = tpu.vector_load %arg25[%get3A_290, %get3A_291] {strides = array<i32>} : memref<192x32xf32, #tpu.memory_space<vmem>>, vector<16xf32>,
        %mul3A_293 = vector.broadcast %squeeze3A_277 : f32 to vector<16xf32>
        %mul3A_294 = arith.mulf %get3A_292, %mul3A_293 : vector<16xf32>
        %swap3A_295 = arith.index_cast %add3A_281 : i32 to index
        %swap3A_296 = arith.constant 16 : index
        %swap3A_297 = tpu.vector_load %arg25[%swap3A_295, %swap3A_296] {strides = array<i32>} : memref<192x32xf32, #tpu.memory_space<vmem>>, vector<16xf32>,
        tpu.vector_store %arg25[%swap3A_295, %swap3A_296], %mul3A_294 {strides = array<i32>} : memref<192x32xf32, #tpu.memory_space<vmem>>, vector<16xf32>,
        %slice3A_298 = vector.extract_strided_slice %get3A_168 {offsets = [6], sizes = [1], strides = [1]} : vector<16xf32> to vector<1xf32>
        %squeeze3A_299 = vector.extract %slice3A_298[0] : f32 from vector<1xf32>
        %mul3A_300 = arith.constant 16 : i32
        %mul3A_301 = arith.muli %scan3A_165, %mul3A_300 : i32
        %add3A_302 = arith.constant 6 : i32
        %add3A_303 = arith.addi %mul3A_301, %add3A_302 : i32
        %get3A_304 = arith.index_cast %add3A_303 : i32 to index
        %get3A_305 = arith.constant 0 : index
        %get3A_306 = tpu.vector_load %arg25[%get3A_304, %get3A_305] {strides = array<i32>} : memref<192x32xf32, #tpu.memory_space<vmem>>, vector<16xf32>,
        %mul3A_307 = vector.broadcast %squeeze3A_299 : f32 to vector<16xf32>
        %mul3A_308 = arith.mulf %get3A_306, %mul3A_307 : vector<16xf32>
        %swap3A_309 = arith.index_cast %add3A_303 : i32 to index
        %swap3A_310 = arith.constant 0 : index
        %swap3A_311 = tpu.vector_load %arg25[%swap3A_309, %swap3A_310] {strides = array<i32>} : memref<192x32xf32, #tpu.memory_space<vmem>>, vector<16xf32>,
        tpu.vector_store %arg25[%swap3A_309, %swap3A_310], %mul3A_308 {strides = array<i32>} : memref<192x32xf32, #tpu.memory_space<vmem>>, vector<16xf32>,
        %get3A_312 = arith.index_cast %add3A_303 : i32 to index
        %get3A_313 = arith.constant 16 : index
        %get3A_314 = tpu.vector_load %arg25[%get3A_312, %get3A_313] {strides = array<i32>} : memref<192x32xf32, #tpu.memory_space<vmem>>, vector<16xf32>,
        %mul3A_315 = vector.broadcast %squeeze3A_299 : f32 to vector<16xf32>
        %mul3A_316 = arith.mulf %get3A_314, %mul3A_315 : vector<16xf32>
        %swap3A_317 = arith.index_cast %add3A_303 : i32 to index
        %swap3A_318 = arith.constant 16 : index
        %swap3A_319 = tpu.vector_load %arg25[%swap3A_317, %swap3A_318] {strides = array<i32>} : memref<192x32xf32, #tpu.memory_space<vmem>>, vector<16xf32>,
        tpu.vector_store %arg25[%swap3A_317, %swap3A_318], %mul3A_316 {strides = array<i32>} : memref<192x32xf32, #tpu.memory_space<vmem>>, vector<16xf32>,
        %slice3A_320 = vector.extract_strided_slice %get3A_168 {offsets = [7], sizes = [1], strides = [1]} : vector<16xf32> to vector<1xf32>
        %squeeze3A_321 = vector.extract %slice3A_320[0] : f32 from vector<1xf32>
        %mul3A_322 = arith.constant 16 : i32
        %mul3A_323 = arith.muli %scan3A_165, %mul3A_322 : i32
        %add3A_324 = arith.constant 7 : i32
        %add3A_325 = arith.addi %mul3A_323, %add3A_324 : i32
        %get3A_326 = arith.index_cast %add3A_325 : i32 to index
        %get3A_327 = arith.constant 0 : index
        %get3A_328 = tpu.vector_load %arg25[%get3A_326, %get3A_327] {strides = array<i32>} : memref<192x32xf32, #tpu.memory_space<vmem>>, vector<16xf32>,
        %mul3A_329 = vector.broadcast %squeeze3A_321 : f32 to vector<16xf32>
        %mul3A_330 = arith.mulf %get3A_328, %mul3A_329 : vector<16xf32>
        %swap3A_331 = arith.index_cast %add3A_325 : i32 to index
        %swap3A_332 = arith.constant 0 : index
        %swap3A_333 = tpu.vector_load %arg25[%swap3A_331, %swap3A_332] {strides = array<i32>} : memref<192x32xf32, #tpu.memory_space<vmem>>, vector<16xf32>,
        tpu.vector_store %arg25[%swap3A_331, %swap3A_332], %mul3A_330 {strides = array<i32>} : memref<192x32xf32, #tpu.memory_space<vmem>>, vector<16xf32>,
        %get3A_334 = arith.index_cast %add3A_325 : i32 to index
        %get3A_335 = arith.constant 16 : index
        %get3A_336 = tpu.vector_load %arg25[%get3A_334, %get3A_335] {strides = array<i32>} : memref<192x32xf32, #tpu.memory_space<vmem>>, vector<16xf32>,
        %mul3A_337 = vector.broadcast %squeeze3A_321 : f32 to vector<16xf32>
        %mul3A_338 = arith.mulf %get3A_336, %mul3A_337 : vector<16xf32>
        %swap3A_339 = arith.index_cast %add3A_325 : i32 to index
        %swap3A_340 = arith.constant 16 : index
        %swap3A_341 = tpu.vector_load %arg25[%swap3A_339, %swap3A_340] {strides = array<i32>} : memref<192x32xf32, #tpu.memory_space<vmem>>, vector<16xf32>,
        tpu.vector_store %arg25[%swap3A_339, %swap3A_340], %mul3A_338 {strides = array<i32>} : memref<192x32xf32, #tpu.memory_space<vmem>>, vector<16xf32>,
        %slice3A_342 = vector.extract_strided_slice %get3A_168 {offsets = [8], sizes = [1], strides = [1]} : vector<16xf32> to vector<1xf32>
        %squeeze3A_343 = vector.extract %slice3A_342[0] : f32 from vector<1xf32>
        %mul3A_344 = arith.constant 16 : i32
        %mul3A_345 = arith.muli %scan3A_165, %mul3A_344 : i32
        %add3A_346 = arith.constant 8 : i32
        %add3A_347 = arith.addi %mul3A_345, %add3A_346 : i32
        %get3A_348 = arith.index_cast %add3A_347 : i32 to index
        %get3A_349 = arith.constant 0 : index
        %get3A_350 = tpu.vector_load %arg25[%get3A_348, %get3A_349] {strides = array<i32>} : memref<192x32xf32, #tpu.memory_space<vmem>>, vector<16xf32>,
        %mul3A_351 = vector.broadcast %squeeze3A_343 : f32 to vector<16xf32>
        %mul3A_352 = arith.mulf %get3A_350, %mul3A_351 : vector<16xf32>
        %swap3A_353 = arith.index_cast %add3A_347 : i32 to index
        %swap3A_354 = arith.constant 0 : index
        %swap3A_355 = tpu.vector_load %arg25[%swap3A_353, %swap3A_354] {strides = array<i32>} : memref<192x32xf32, #tpu.memory_space<vmem>>, vector<16xf32>,
        tpu.vector_store %arg25[%swap3A_353, %swap3A_354], %mul3A_352 {strides = array<i32>} : memref<192x32xf32, #tpu.memory_space<vmem>>, vector<16xf32>,
        %get3A_356 = arith.index_cast %add3A_347 : i32 to index
        %get3A_357 = arith.constant 16 : index
        %get3A_358 = tpu.vector_load %arg25[%get3A_356, %get3A_357] {strides = array<i32>} : memref<192x32xf32, #tpu.memory_space<vmem>>, vector<16xf32>,
        %mul3A_359 = vector.broadcast %squeeze3A_343 : f32 to vector<16xf32>
        %mul3A_360 = arith.mulf %get3A_358, %mul3A_359 : vector<16xf32>
        %swap3A_361 = arith.index_cast %add3A_347 : i32 to index
        %swap3A_362 = arith.constant 16 : index
        %swap3A_363 = tpu.vector_load %arg25[%swap3A_361, %swap3A_362] {strides = array<i32>} : memref<192x32xf32, #tpu.memory_space<vmem>>, vector<16xf32>,
        tpu.vector_store %arg25[%swap3A_361, %swap3A_362], %mul3A_360 {strides = array<i32>} : memref<192x32xf32, #tpu.memory_space<vmem>>, vector<16xf32>,
        %slice3A_364 = vector.extract_strided_slice %get3A_168 {offsets = [9], sizes = [1], strides = [1]} : vector<16xf32> to vector<1xf32>
        %squeeze3A_365 = vector.extract %slice3A_364[0] : f32 from vector<1xf32>
        %mul3A_366 = arith.constant 16 : i32
        %mul3A_367 = arith.muli %scan3A_165, %mul3A_366 : i32
        %add3A_368 = arith.constant 9 : i32
        %add3A_369 = arith.addi %mul3A_367, %add3A_368 : i32
        %get3A_370 = arith.index_cast %add3A_369 : i32 to index
        %get3A_371 = arith.constant 0 : index
        %get3A_372 = tpu.vector_load %arg25[%get3A_370, %get3A_371] {strides = array<i32>} : memref<192x32xf32, #tpu.memory_space<vmem>>, vector<16xf32>,
        %mul3A_373 = vector.broadcast %squeeze3A_365 : f32 to vector<16xf32>
        %mul3A_374 = arith.mulf %get3A_372, %mul3A_373 : vector<16xf32>
        %swap3A_375 = arith.index_cast %add3A_369 : i32 to index
        %swap3A_376 = arith.constant 0 : index
        %swap3A_377 = tpu.vector_load %arg25[%swap3A_375, %swap3A_376] {strides = array<i32>} : memref<192x32xf32, #tpu.memory_space<vmem>>, vector<16xf32>,
        tpu.vector_store %arg25[%swap3A_375, %swap3A_376], %mul3A_374 {strides = array<i32>} : memref<192x32xf32, #tpu.memory_space<vmem>>, vector<16xf32>,
        %get3A_378 = arith.index_cast %add3A_369 : i32 to index
        %get3A_379 = arith.constant 16 : index
        %get3A_380 = tpu.vector_load %arg25[%get3A_378, %get3A_379] {strides = array<i32>} : memref<192x32xf32, #tpu.memory_space<vmem>>, vector<16xf32>,
        %mul3A_381 = vector.broadcast %squeeze3A_365 : f32 to vector<16xf32>
        %mul3A_382 = arith.mulf %get3A_380, %mul3A_381 : vector<16xf32>
        %swap3A_383 = arith.index_cast %add3A_369 : i32 to index
        %swap3A_384 = arith.constant 16 : index
        %swap3A_385 = tpu.vector_load %arg25[%swap3A_383, %swap3A_384] {strides = array<i32>} : memref<192x32xf32, #tpu.memory_space<vmem>>, vector<16xf32>,
        tpu.vector_store %arg25[%swap3A_383, %swap3A_384], %mul3A_382 {strides = array<i32>} : memref<192x32xf32, #tpu.memory_space<vmem>>, vector<16xf32>,
        %slice3A_386 = vector.extract_strided_slice %get3A_168 {offsets = [10], sizes = [1], strides = [1]} : vector<16xf32> to vector<1xf32>
        %squeeze3A_387 = vector.extract %slice3A_386[0] : f32 from vector<1xf32>
        %mul3A_388 = arith.constant 16 : i32
        %mul3A_389 = arith.muli %scan3A_165, %mul3A_388 : i32
        %add3A_390 = arith.constant 10 : i32
        %add3A_391 = arith.addi %mul3A_389, %add3A_390 : i32
        %get3A_392 = arith.index_cast %add3A_391 : i32 to index
        %get3A_393 = arith.constant 0 : index
        %get3A_394 = tpu.vector_load %arg25[%get3A_392, %get3A_393] {strides = array<i32>} : memref<192x32xf32, #tpu.memory_space<vmem>>, vector<16xf32>,
        %mul3A_395 = vector.broadcast %squeeze3A_387 : f32 to vector<16xf32>
        %mul3A_396 = arith.mulf %get3A_394, %mul3A_395 : vector<16xf32>
        %swap3A_397 = arith.index_cast %add3A_391 : i32 to index
        %swap3A_398 = arith.constant 0 : index
        %swap3A_399 = tpu.vector_load %arg25[%swap3A_397, %swap3A_398] {strides = array<i32>} : memref<192x32xf32, #tpu.memory_space<vmem>>, vector<16xf32>,
        tpu.vector_store %arg25[%swap3A_397, %swap3A_398], %mul3A_396 {strides = array<i32>} : memref<192x32xf32, #tpu.memory_space<vmem>>, vector<16xf32>,
        %get3A_400 = arith.index_cast %add3A_391 : i32 to index
        %get3A_401 = arith.constant 16 : index
        %get3A_402 = tpu.vector_load %arg25[%get3A_400, %get3A_401] {strides = array<i32>} : memref<192x32xf32, #tpu.memory_space<vmem>>, vector<16xf32>,
        %mul3A_403 = vector.broadcast %squeeze3A_387 : f32 to vector<16xf32>
        %mul3A_404 = arith.mulf %get3A_402, %mul3A_403 : vector<16xf32>
        %swap3A_405 = arith.index_cast %add3A_391 : i32 to index
        %swap3A_406 = arith.constant 16 : index
        %swap3A_407 = tpu.vector_load %arg25[%swap3A_405, %swap3A_406] {strides = array<i32>} : memref<192x32xf32, #tpu.memory_space<vmem>>, vector<16xf32>,
        tpu.vector_store %arg25[%swap3A_405, %swap3A_406], %mul3A_404 {strides = array<i32>} : memref<192x32xf32, #tpu.memory_space<vmem>>, vector<16xf32>,
        %slice3A_408 = vector.extract_strided_slice %get3A_168 {offsets = [11], sizes = [1], strides = [1]} : vector<16xf32> to vector<1xf32>
        %squeeze3A_409 = vector.extract %slice3A_408[0] : f32 from vector<1xf32>
        %mul3A_410 = arith.constant 16 : i32
        %mul3A_411 = arith.muli %scan3A_165, %mul3A_410 : i32
        %add3A_412 = arith.constant 11 : i32
        %add3A_413 = arith.addi %mul3A_411, %add3A_412 : i32
        %get3A_414 = arith.index_cast %add3A_413 : i32 to index
        %get3A_415 = arith.constant 0 : index
        %get3A_416 = tpu.vector_load %arg25[%get3A_414, %get3A_415] {strides = array<i32>} : memref<192x32xf32, #tpu.memory_space<vmem>>, vector<16xf32>,
        %mul3A_417 = vector.broadcast %squeeze3A_409 : f32 to vector<16xf32>
        %mul3A_418 = arith.mulf %get3A_416, %mul3A_417 : vector<16xf32>
        %swap3A_419 = arith.index_cast %add3A_413 : i32 to index
        %swap3A_420 = arith.constant 0 : index
        %swap3A_421 = tpu.vector_load %arg25[%swap3A_419, %swap3A_420] {strides = array<i32>} : memref<192x32xf32, #tpu.memory_space<vmem>>, vector<16xf32>,
        tpu.vector_store %arg25[%swap3A_419, %swap3A_420], %mul3A_418 {strides = array<i32>} : memref<192x32xf32, #tpu.memory_space<vmem>>, vector<16xf32>,
        %get3A_422 = arith.index_cast %add3A_413 : i32 to index
        %get3A_423 = arith.constant 16 : index
        %get3A_424 = tpu.vector_load %arg25[%get3A_422, %get3A_423] {strides = array<i32>} : memref<192x32xf32, #tpu.memory_space<vmem>>, vector<16xf32>,
        %mul3A_425 = vector.broadcast %squeeze3A_409 : f32 to vector<16xf32>
        %mul3A_426 = arith.mulf %get3A_424, %mul3A_425 : vector<16xf32>
        %swap3A_427 = arith.index_cast %add3A_413 : i32 to index
        %swap3A_428 = arith.constant 16 : index
        %swap3A_429 = tpu.vector_load %arg25[%swap3A_427, %swap3A_428] {strides = array<i32>} : memref<192x32xf32, #tpu.memory_space<vmem>>, vector<16xf32>,
        tpu.vector_store %arg25[%swap3A_427, %swap3A_428], %mul3A_426 {strides = array<i32>} : memref<192x32xf32, #tpu.memory_space<vmem>>, vector<16xf32>,
        %slice3A_430 = vector.extract_strided_slice %get3A_168 {offsets = [12], sizes = [1], strides = [1]} : vector<16xf32> to vector<1xf32>
        %squeeze3A_431 = vector.extract %slice3A_430[0] : f32 from vector<1xf32>
        %mul3A_432 = arith.constant 16 : i32
        %mul3A_433 = arith.muli %scan3A_165, %mul3A_432 : i32
        %add3A_434 = arith.constant 12 : i32
        %add3A_435 = arith.addi %mul3A_433, %add3A_434 : i32
        %get3A_436 = arith.index_cast %add3A_435 : i32 to index
        %get3A_437 = arith.constant 0 : index
        %get3A_438 = tpu.vector_load %arg25[%get3A_436, %get3A_437] {strides = array<i32>} : memref<192x32xf32, #tpu.memory_space<vmem>>, vector<16xf32>,
        %mul3A_439 = vector.broadcast %squeeze3A_431 : f32 to vector<16xf32>
        %mul3A_440 = arith.mulf %get3A_438, %mul3A_439 : vector<16xf32>
        %swap3A_441 = arith.index_cast %add3A_435 : i32 to index
        %swap3A_442 = arith.constant 0 : index
        %swap3A_443 = tpu.vector_load %arg25[%swap3A_441, %swap3A_442] {strides = array<i32>} : memref<192x32xf32, #tpu.memory_space<vmem>>, vector<16xf32>,
        tpu.vector_store %arg25[%swap3A_441, %swap3A_442], %mul3A_440 {strides = array<i32>} : memref<192x32xf32, #tpu.memory_space<vmem>>, vector<16xf32>,
        %get3A_444 = arith.index_cast %add3A_435 : i32 to index
        %get3A_445 = arith.constant 16 : index
        %get3A_446 = tpu.vector_load %arg25[%get3A_444, %get3A_445] {strides = array<i32>} : memref<192x32xf32, #tpu.memory_space<vmem>>, vector<16xf32>,
        %mul3A_447 = vector.broadcast %squeeze3A_431 : f32 to vector<16xf32>
        %mul3A_448 = arith.mulf %get3A_446, %mul3A_447 : vector<16xf32>
        %swap3A_449 = arith.index_cast %add3A_435 : i32 to index
        %swap3A_450 = arith.constant 16 : index
        %swap3A_451 = tpu.vector_load %arg25[%swap3A_449, %swap3A_450] {strides = array<i32>} : memref<192x32xf32, #tpu.memory_space<vmem>>, vector<16xf32>,
        tpu.vector_store %arg25[%swap3A_449, %swap3A_450], %mul3A_448 {strides = array<i32>} : memref<192x32xf32, #tpu.memory_space<vmem>>, vector<16xf32>,
        %slice3A_452 = vector.extract_strided_slice %get3A_168 {offsets = [13], sizes = [1], strides = [1]} : vector<16xf32> to vector<1xf32>
        %squeeze3A_453 = vector.extract %slice3A_452[0] : f32 from vector<1xf32>
        %mul3A_454 = arith.constant 16 : i32
        %mul3A_455 = arith.muli %scan3A_165, %mul3A_454 : i32
        %add3A_456 = arith.constant 13 : i32
        %add3A_457 = arith.addi %mul3A_455, %add3A_456 : i32
        %get3A_458 = arith.index_cast %add3A_457 : i32 to index
        %get3A_459 = arith.constant 0 : index
        %get3A_460 = tpu.vector_load %arg25[%get3A_458, %get3A_459] {strides = array<i32>} : memref<192x32xf32, #tpu.memory_space<vmem>>, vector<16xf32>,
        %mul3A_461 = vector.broadcast %squeeze3A_453 : f32 to vector<16xf32>
        %mul3A_462 = arith.mulf %get3A_460, %mul3A_461 : vector<16xf32>
        %swap3A_463 = arith.index_cast %add3A_457 : i32 to index
        %swap3A_464 = arith.constant 0 : index
        %swap3A_465 = tpu.vector_load %arg25[%swap3A_463, %swap3A_464] {strides = array<i32>} : memref<192x32xf32, #tpu.memory_space<vmem>>, vector<16xf32>,
        tpu.vector_store %arg25[%swap3A_463, %swap3A_464], %mul3A_462 {strides = array<i32>} : memref<192x32xf32, #tpu.memory_space<vmem>>, vector<16xf32>,
        %get3A_466 = arith.index_cast %add3A_457 : i32 to index
        %get3A_467 = arith.constant 16 : index
        %get3A_468 = tpu.vector_load %arg25[%get3A_466, %get3A_467] {strides = array<i32>} : memref<192x32xf32, #tpu.memory_space<vmem>>, vector<16xf32>,
        %mul3A_469 = vector.broadcast %squeeze3A_453 : f32 to vector<16xf32>
        %mul3A_470 = arith.mulf %get3A_468, %mul3A_469 : vector<16xf32>
        %swap3A_471 = arith.index_cast %add3A_457 : i32 to index
        %swap3A_472 = arith.constant 16 : index
        %swap3A_473 = tpu.vector_load %arg25[%swap3A_471, %swap3A_472] {strides = array<i32>} : memref<192x32xf32, #tpu.memory_space<vmem>>, vector<16xf32>,
        tpu.vector_store %arg25[%swap3A_471, %swap3A_472], %mul3A_470 {strides = array<i32>} : memref<192x32xf32, #tpu.memory_space<vmem>>, vector<16xf32>,
        %slice3A_474 = vector.extract_strided_slice %get3A_168 {offsets = [14], sizes = [1], strides = [1]} : vector<16xf32> to vector<1xf32>
        %squeeze3A_475 = vector.extract %slice3A_474[0] : f32 from vector<1xf32>
        %mul3A_476 = arith.constant 16 : i32
        %mul3A_477 = arith.muli %scan3A_165, %mul3A_476 : i32
        %add3A_478 = arith.constant 14 : i32
        %add3A_479 = arith.addi %mul3A_477, %add3A_478 : i32
        %get3A_480 = arith.index_cast %add3A_479 : i32 to index
        %get3A_481 = arith.constant 0 : index
        %get3A_482 = tpu.vector_load %arg25[%get3A_480, %get3A_481] {strides = array<i32>} : memref<192x32xf32, #tpu.memory_space<vmem>>, vector<16xf32>,
        %mul3A_483 = vector.broadcast %squeeze3A_475 : f32 to vector<16xf32>
        %mul3A_484 = arith.mulf %get3A_482, %mul3A_483 : vector<16xf32>
        %swap3A_485 = arith.index_cast %add3A_479 : i32 to index
        %swap3A_486 = arith.constant 0 : index
        %swap3A_487 = tpu.vector_load %arg25[%swap3A_485, %swap3A_486] {strides = array<i32>} : memref<192x32xf32, #tpu.memory_space<vmem>>, vector<16xf32>,
        tpu.vector_store %arg25[%swap3A_485, %swap3A_486], %mul3A_484 {strides = array<i32>} : memref<192x32xf32, #tpu.memory_space<vmem>>, vector<16xf32>,
        %get3A_488 = arith.index_cast %add3A_479 : i32 to index
        %get3A_489 = arith.constant 16 : index
        %get3A_490 = tpu.vector_load %arg25[%get3A_488, %get3A_489] {strides = array<i32>} : memref<192x32xf32, #tpu.memory_space<vmem>>, vector<16xf32>,
        %mul3A_491 = vector.broadcast %squeeze3A_475 : f32 to vector<16xf32>
        %mul3A_492 = arith.mulf %get3A_490, %mul3A_491 : vector<16xf32>
        %swap3A_493 = arith.index_cast %add3A_479 : i32 to index
        %swap3A_494 = arith.constant 16 : index
        %swap3A_495 = tpu.vector_load %arg25[%swap3A_493, %swap3A_494] {strides = array<i32>} : memref<192x32xf32, #tpu.memory_space<vmem>>, vector<16xf32>,
        tpu.vector_store %arg25[%swap3A_493, %swap3A_494], %mul3A_492 {strides = array<i32>} : memref<192x32xf32, #tpu.memory_space<vmem>>, vector<16xf32>,
        %slice3A_496 = vector.extract_strided_slice %get3A_168 {offsets = [15], sizes = [1], strides = [1]} : vector<16xf32> to vector<1xf32>
        %squeeze3A_497 = vector.extract %slice3A_496[0] : f32 from vector<1xf32>
        %mul3A_498 = arith.constant 16 : i32
        %mul3A_499 = arith.muli %scan3A_165, %mul3A_498 : i32
        %add3A_500 = arith.constant 15 : i32
        %add3A_501 = arith.addi %mul3A_499, %add3A_500 : i32
        %get3A_502 = arith.index_cast %add3A_501 : i32 to index
        %get3A_503 = arith.constant 0 : index
        %get3A_504 = tpu.vector_load %arg25[%get3A_502, %get3A_503] {strides = array<i32>} : memref<192x32xf32, #tpu.memory_space<vmem>>, vector<16xf32>,
        %mul3A_505 = vector.broadcast %squeeze3A_497 : f32 to vector<16xf32>
        %mul3A_506 = arith.mulf %get3A_504, %mul3A_505 : vector<16xf32>
        %swap3A_507 = arith.index_cast %add3A_501 : i32 to index
        %swap3A_508 = arith.constant 0 : index
        %swap3A_509 = tpu.vector_load %arg25[%swap3A_507, %swap3A_508] {strides = array<i32>} : memref<192x32xf32, #tpu.memory_space<vmem>>, vector<16xf32>,
        tpu.vector_store %arg25[%swap3A_507, %swap3A_508], %mul3A_506 {strides = array<i32>} : memref<192x32xf32, #tpu.memory_space<vmem>>, vector<16xf32>,
        %get3A_510 = arith.index_cast %add3A_501 : i32 to index
        %get3A_511 = arith.constant 16 : index
        %get3A_512 = tpu.vector_load %arg25[%get3A_510, %get3A_511] {strides = array<i32>} : memref<192x32xf32, #tpu.memory_space<vmem>>, vector<16xf32>,
        %mul3A_513 = vector.broadcast %squeeze3A_497 : f32 to vector<16xf32>
        %mul3A_514 = arith.mulf %get3A_512, %mul3A_513 : vector<16xf32>
        %swap3A_515 = arith.index_cast %add3A_501 : i32 to index
        %swap3A_516 = arith.constant 16 : index
        %swap3A_517 = tpu.vector_load %arg25[%swap3A_515, %swap3A_516] {strides = array<i32>} : memref<192x32xf32, #tpu.memory_space<vmem>>, vector<16xf32>,
        tpu.vector_store %arg25[%swap3A_515, %swap3A_516], %mul3A_514 {strides = array<i32>} : memref<192x32xf32, #tpu.memory_space<vmem>>, vector<16xf32>,
      }
      %scan3A_151 = arith.constant 12 : i32
      %dma_start3A_152 = arith.constant 0 : i32
      %dma_start3A_153 = arith.constant 0 : i32
      %dma_start3A_154 = tpu.memref_slice %arg11[%dma_start3A_152, %dma_start3A_153] : memref<50000x32xf32, #tpu.memory_space<vmem_shared>> -> memref<50000x32xf32, #tpu.memory_space<vmem_shared>>
      tpu.enqueue_indirect_dma source(%arg25 : memref<192x32xf32, #tpu.memory_space<vmem>>) target(%dma_start3A_154 : memref<50000x32xf32, #tpu.memory_space<vmem_shared>>) offsets(%arg17 : memref<192xi32, #tpu.memory_space<vmem>>) semaphore(%arg33 : memref<!tpu.dma_semaphore, #tpu.memory_space<semaphore_mem>>) {add = true}
      %dma_wait3A_155 = arith.constant 0 : i32
      %dma_wait3A_156 = tpu.memref_slice %arg10[%dma_wait3A_155] : memref<50000xf32, #tpu.memory_space<vmem_shared>> -> memref<50000xf32, #tpu.memory_space<vmem_shared>>
      tpu.wait_indirect_dma semaphore(%arg32 : memref<!tpu.dma_semaphore, #tpu.memory_space<semaphore_mem>>) src(%arg22 : memref<208xf32, #tpu.memory_space<vmem>>) dst(%dma_wait3A_156 : memref<50000xf32, #tpu.memory_space<vmem_shared>>)
      %dma_wait3A_157 = arith.constant 0 : i32
      %dma_wait3A_158 = arith.constant 0 : i32
      %dma_wait3A_159 = tpu.memref_slice %arg11[%dma_wait3A_157, %dma_wait3A_158] : memref<50000x32xf32, #tpu.memory_space<vmem_shared>> -> memref<50000x32xf32, #tpu.memory_space<vmem_shared>>
      tpu.wait_indirect_dma semaphore(%arg33 : memref<!tpu.dma_semaphore, #tpu.memory_space<semaphore_mem>>) src(%arg24 : memref<208x32xf32, #tpu.memory_space<vmem>>) dst(%dma_wait3A_159 : memref<50000x32xf32, #tpu.memory_space<vmem_shared>>)
      %dma_wait3A_160 = arith.constant 0 : i32
      %dma_wait3A_161 = tpu.memref_slice %arg10[%dma_wait3A_160] : memref<50000xf32, #tpu.memory_space<vmem_shared>> -> memref<50000xf32, #tpu.memory_space<vmem_shared>>
      tpu.wait_indirect_dma semaphore(%arg32 : memref<!tpu.dma_semaphore, #tpu.memory_space<semaphore_mem>>) src(%arg23 : memref<192xf32, #tpu.memory_space<vmem>>) dst(%dma_wait3A_161 : memref<50000xf32, #tpu.memory_space<vmem_shared>>)
      %dma_wait3A_162 = arith.constant 0 : i32
      %dma_wait3A_163 = arith.constant 0 : i32
      %dma_wait3A_164 = tpu.memref_slice %arg11[%dma_wait3A_162, %dma_wait3A_163] : memref<50000x32xf32, #tpu.memory_space<vmem_shared>> -> memref<50000x32xf32, #tpu.memory_space<vmem_shared>>
      tpu.wait_indirect_dma semaphore(%arg33 : memref<!tpu.dma_semaphore, #tpu.memory_space<semaphore_mem>>) src(%arg25 : memref<192x32xf32, #tpu.memory_space<vmem>>) dst(%dma_wait3A_164 : memref<50000x32xf32, #tpu.memory_space<vmem_shared>>)
    }
    %scan3A_16 = arith.constant 125 : i32
    %barrier3A_17 = arith.constant 0 : index
    tpu.barrier barrier_id(%barrier3A_17)
    %mul3A_18 = arith.constant 3125 : i32
    %mul3A_19 = arith.muli %arg1, %mul3A_18 : i32
    "tpu.region"() ({
      %run_scoped3A = tpu.sem_alloc : memref<!tpu.dma_semaphore, #tpu.memory_space<semaphore_mem>>
      %dma_start3A = arith.constant 0 : i32
      %dma_start3A_30 = tpu.memref_slice %arg8[%arg0, %mul3A_19, %dma_start3A] : memref<2x50000x32xf32, #tpu.memory_space<hbm>> -> memref<1x3125x32xf32, #tpu.memory_space<hbm>>
      %dma_start3A_31 = tpu.memref_squeeze %dma_start3A_30 : memref<1x3125x32xf32, #tpu.memory_space<hbm>> -> memref<3125x32xf32, #tpu.memory_space<hbm>>
      %dma_start3A_32 = arith.constant 0 : i32
      %dma_start3A_33 = tpu.memref_slice %arg11[%mul3A_19, %dma_start3A_32] : memref<50000x32xf32, #tpu.memory_space<vmem_shared>> -> memref<3125x32xf32, #tpu.memory_space<vmem_shared>>
      tpu.enqueue_dma source(%dma_start3A_33 : memref<3125x32xf32, #tpu.memory_space<vmem_shared>>) target(%dma_start3A_31 : memref<3125x32xf32, #tpu.memory_space<hbm>>) target_semaphore(%run_scoped3A : memref<!tpu.dma_semaphore, #tpu.memory_space<semaphore_mem>>)
      %dma_wait3A = arith.constant 0 : i32
      %dma_wait3A_34 = tpu.memref_slice %arg8[%arg0, %mul3A_19, %dma_wait3A] : memref<2x50000x32xf32, #tpu.memory_space<hbm>> -> memref<1x3125x32xf32, #tpu.memory_space<hbm>>
      %dma_wait3A_35 = tpu.memref_squeeze %dma_wait3A_34 : memref<1x3125x32xf32, #tpu.memory_space<hbm>> -> memref<3125x32xf32, #tpu.memory_space<hbm>>
      %dma_wait3A_36 = arith.constant 0 : i32
      %dma_wait3A_37 = tpu.memref_slice %arg11[%mul3A_19, %dma_wait3A_36] : memref<50000x32xf32, #tpu.memory_space<vmem_shared>> -> memref<3125x32xf32, #tpu.memory_space<vmem_shared>>
      tpu.wait_dma2 semaphore(%run_scoped3A : memref<!tpu.dma_semaphore, #tpu.memory_space<semaphore_mem>>) src(%dma_wait3A_37 : memref<3125x32xf32, #tpu.memory_space<vmem_shared>>) dst(%dma_wait3A_35 : memref<3125x32xf32, #tpu.memory_space<hbm>>)
      tpu.yield
    }) : () -> ()
    %lt3A_20 = arith.constant 15 : i32
    %lt3A_21 = arith.cmpi slt, %arg1, %lt3A_20 : i32
    %convert_element_type3A_22 = arith.extui %lt3A_21 : i1 to i32
    %cond3A_23 = arith.constant 0 : i32
    %cond3A_24 = arith.cmpi ne, %convert_element_type3A_22, %cond3A_23 : i32
    scf.if %cond3A_24 {
      %mul3A_30 = arith.constant 3128 : i32
      %mul3A_31 = arith.muli %arg1, %mul3A_30 : i32
      %mul3A_32 = arith.constant 3128 : i32
      %mul3A_33 = arith.muli %arg1, %mul3A_32 : i32
      "tpu.region"() ({
        %run_scoped3A = tpu.sem_alloc : memref<!tpu.dma_semaphore, #tpu.memory_space<semaphore_mem>>
        %dma_start3A = tpu.memref_slice %arg9[%arg0, %mul3A_33] : memref<2x50000xf32, #tpu.memory_space<hbm>> -> memref<1x3128xf32, #tpu.memory_space<hbm>>
        %dma_start3A_34 = tpu.memref_squeeze %dma_start3A : memref<1x3128xf32, #tpu.memory_space<hbm>> -> memref<3128xf32, #tpu.memory_space<hbm>>
        %dma_start3A_35 = tpu.memref_slice %arg10[%mul3A_31] : memref<50000xf32, #tpu.memory_space<vmem_shared>> -> memref<3128xf32, #tpu.memory_space<vmem_shared>>
        tpu.enqueue_dma source(%dma_start3A_35 : memref<3128xf32, #tpu.memory_space<vmem_shared>>) target(%dma_start3A_34 : memref<3128xf32, #tpu.memory_space<hbm>>) target_semaphore(%run_scoped3A : memref<!tpu.dma_semaphore, #tpu.memory_space<semaphore_mem>>)
        %dma_wait3A = tpu.memref_slice %arg9[%arg0, %mul3A_33] : memref<2x50000xf32, #tpu.memory_space<hbm>> -> memref<1x3128xf32, #tpu.memory_space<hbm>>
        %dma_wait3A_36 = tpu.memref_squeeze %dma_wait3A : memref<1x3128xf32, #tpu.memory_space<hbm>> -> memref<3128xf32, #tpu.memory_space<hbm>>
        %dma_wait3A_37 = tpu.memref_slice %arg10[%mul3A_31] : memref<50000xf32, #tpu.memory_space<vmem_shared>> -> memref<3128xf32, #tpu.memory_space<vmem_shared>>
        tpu.wait_dma2 semaphore(%run_scoped3A : memref<!tpu.dma_semaphore, #tpu.memory_space<semaphore_mem>>) src(%dma_wait3A_37 : memref<3128xf32, #tpu.memory_space<vmem_shared>>) dst(%dma_wait3A_36 : memref<3128xf32, #tpu.memory_space<hbm>>)
        tpu.yield
      }) : () -> ()
    } else {
    }
    %eq3A_25 = arith.constant 15 : i32
    %eq3A_26 = arith.cmpi eq, %arg1, %eq3A_25 : i32
    %convert_element_type3A_27 = arith.extui %eq3A_26 : i1 to i32
    %cond3A_28 = arith.constant 0 : i32
    %cond3A_29 = arith.cmpi ne, %convert_element_type3A_27, %cond3A_28 : i32
    scf.if %cond3A_29 {
      "tpu.region"() ({
        %run_scoped3A = tpu.sem_alloc : memref<!tpu.dma_semaphore, #tpu.memory_space<semaphore_mem>>
        %dma_start3A = arith.constant 46920 : i32
        %dma_start3A_30 = tpu.memref_slice %arg9[%arg0, %dma_start3A] : memref<2x50000xf32, #tpu.memory_space<hbm>> -> memref<1x3080xf32, #tpu.memory_space<hbm>>
        %dma_start3A_31 = tpu.memref_squeeze %dma_start3A_30 : memref<1x3080xf32, #tpu.memory_space<hbm>> -> memref<3080xf32, #tpu.memory_space<hbm>>
        %dma_start3A_32 = arith.constant 46920 : i32
        %dma_start3A_33 = tpu.memref_slice %arg10[%dma_start3A_32] : memref<50000xf32, #tpu.memory_space<vmem_shared>> -> memref<3080xf32, #tpu.memory_space<vmem_shared>>
        tpu.enqueue_dma source(%dma_start3A_33 : memref<3080xf32, #tpu.memory_space<vmem_shared>>) target(%dma_start3A_31 : memref<3080xf32, #tpu.memory_space<hbm>>) target_semaphore(%run_scoped3A : memref<!tpu.dma_semaphore, #tpu.memory_space<semaphore_mem>>)
        %dma_wait3A = arith.constant 46920 : i32
        %dma_wait3A_34 = tpu.memref_slice %arg9[%arg0, %dma_wait3A] : memref<2x50000xf32, #tpu.memory_space<hbm>> -> memref<1x3080xf32, #tpu.memory_space<hbm>>
        %dma_wait3A_35 = tpu.memref_squeeze %dma_wait3A_34 : memref<1x3080xf32, #tpu.memory_space<hbm>> -> memref<3080xf32, #tpu.memory_space<hbm>>
        %dma_wait3A_36 = arith.constant 46920 : i32
        %dma_wait3A_37 = tpu.memref_slice %arg10[%dma_wait3A_36] : memref<50000xf32, #tpu.memory_space<vmem_shared>> -> memref<3080xf32, #tpu.memory_space<vmem_shared>>
        tpu.wait_dma2 semaphore(%run_scoped3A : memref<!tpu.dma_semaphore, #tpu.memory_space<semaphore_mem>>) src(%dma_wait3A_37 : memref<3080xf32, #tpu.memory_space<vmem_shared>>) dst(%dma_wait3A_35 : memref<3080xf32, #tpu.memory_space<hbm>>)
        tpu.yield
      }) : () -> ()
    } else {
    }
    return
  }
}

#map = affine_map<(d0, d1) -> (0, 0, 0)>
#map1 = affine_map<(d0, d1) -> (0, 0)>
#map2 = affine_map<(d0, d1) -> (0)>
module attributes {stable_mosaic.version = 14 : i64} {
  func.func @_sc_body(%arg0: i32, %arg1: i32, %arg2: memref<2x50000x32xf32, #tpu.memory_space<hbm>>, %arg3: memref<2x50000xf32, #tpu.memory_space<hbm>>, %arg4: memref<2x50000xf32, #tpu.memory_space<hbm>>, %arg5: memref<2x800000xi32, #tpu.memory_space<hbm>>, %arg6: memref<3136xf32, #tpu.memory_space<hbm>>, %arg7: memref<3136x32xf32, #tpu.memory_space<hbm>>, %arg8: memref<2x50000x32xf32, #tpu.memory_space<hbm>>, %arg9: memref<2x50000xf32, #tpu.memory_space<hbm>>, %arg10: memref<50000xf32, #tpu.memory_space<vmem_shared>>, %arg11: memref<50000x32xf32, #tpu.memory_space<vmem_shared>>, %arg12: memref<50000xf32, #tpu.memory_space<vmem_shared>>, %arg13: memref<50000xf32, #tpu.memory_space<vmem_shared>>, %arg14: memref<208xi32, #tpu.memory_space<vmem>>, %arg15: memref<192xi32, #tpu.memory_space<vmem>>, %arg16: memref<208xi32, #tpu.memory_space<vmem>>, %arg17: memref<192xi32, #tpu.memory_space<vmem>>, %arg18: memref<208xf32, #tpu.memory_space<vmem>>, %arg19: memref<192xf32, #tpu.memory_space<vmem>>, %arg20: memref<208xf32, #tpu.memory_space<vmem>>, %arg21: memref<192xf32, #tpu.memory_space<vmem>>, %arg22: memref<208xf32, #tpu.memory_space<vmem>>, %arg23: memref<192xf32, #tpu.memory_space<vmem>>, %arg24: memref<208x32xf32, #tpu.memory_space<vmem>>, %arg25: memref<192x32xf32, #tpu.memory_space<vmem>>, %arg26: memref<!tpu.dma_semaphore, #tpu.memory_space<semaphore_mem>>, %arg27: memref<!tpu.dma_semaphore, #tpu.memory_space<semaphore_mem>>, %arg28: memref<!tpu.dma_semaphore, #tpu.memory_space<semaphore_mem>>, %arg29: memref<!tpu.dma_semaphore, #tpu.memory_space<semaphore_mem>>, %arg30: memref<!tpu.dma_semaphore, #tpu.memory_space<semaphore_mem>>, %arg31: memref<!tpu.dma_semaphore, #tpu.memory_space<semaphore_mem>>, %arg32: memref<!tpu.dma_semaphore, #tpu.memory_space<semaphore_mem>>, %arg33: memref<!tpu.dma_semaphore, #tpu.memory_space<semaphore_mem>>) attributes {dimension_semantics = [#tpu.dimension_semantics<core_parallel>, #tpu.dimension_semantics<subcore_parallel>], iteration_bounds = array<i64: 2, 16>, scalar_prefetch = 0 : i64, scratch_operands = 24 : i64, tpu.core_type = #tpu.core_type<sc_vector_subcore>, window_params = [{transform_indices = #map}, {transform_indices = #map1}, {transform_indices = #map1}, {transform_indices = #map1}, {transform_indices = #map2}, {transform_indices = #map1}, {transform_indices = #map}, {transform_indices = #map1}]} {
    %eq3A = arith.constant 0 : i32
    %eq3A_0 = arith.cmpi eq, %arg1, %eq3A : i32
    %convert_element_type3A = arith.extui %eq3A_0 : i1 to i32
    %cond3A = arith.constant 0 : i32
    %cond3A_1 = arith.cmpi ne, %convert_element_type3A, %cond3A : i32
    scf.if %cond3A_1 {
      "tpu.region"() ({
        %run_scoped3A = tpu.sem_alloc : memref<!tpu.dma_semaphore, #tpu.memory_space<semaphore_mem>>
        %dma_start3A = arith.constant 0 : i32
        %dma_start3A_30 = tpu.memref_slice %arg3[%arg0, %dma_start3A] : memref<2x50000xf32, #tpu.memory_space<hbm>> -> memref<1x50000xf32, #tpu.memory_space<hbm>>
        %dma_start3A_31 = tpu.memref_squeeze %dma_start3A_30 : memref<1x50000xf32, #tpu.memory_space<hbm>> -> memref<50000xf32, #tpu.memory_space<hbm>>
        tpu.enqueue_dma source(%dma_start3A_31 : memref<50000xf32, #tpu.memory_space<hbm>>) target(%arg12 : memref<50000xf32, #tpu.memory_space<vmem_shared>>) target_semaphore(%run_scoped3A : memref<!tpu.dma_semaphore, #tpu.memory_space<semaphore_mem>>)
        %dma_wait3A = arith.constant 0 : i32
        %dma_wait3A_32 = tpu.memref_slice %arg3[%arg0, %dma_wait3A] : memref<2x50000xf32, #tpu.memory_space<hbm>> -> memref<1x50000xf32, #tpu.memory_space<hbm>>
        %dma_wait3A_33 = tpu.memref_squeeze %dma_wait3A_32 : memref<1x50000xf32, #tpu.memory_space<hbm>> -> memref<50000xf32, #tpu.memory_space<hbm>>
        tpu.wait_dma2 semaphore(%run_scoped3A : memref<!tpu.dma_semaphore, #tpu.memory_space<semaphore_mem>>) src(%dma_wait3A_33 : memref<50000xf32, #tpu.memory_space<hbm>>) dst(%arg12 : memref<50000xf32, #tpu.memory_space<vmem_shared>>)
        tpu.yield
      }) : () -> ()
      "tpu.region"() ({
        %run_scoped3A = tpu.sem_alloc : memref<!tpu.dma_semaphore, #tpu.memory_space<semaphore_mem>>
        %dma_start3A = arith.constant 0 : i32
        %dma_start3A_30 = tpu.memref_slice %arg4[%arg0, %dma_start3A] : memref<2x50000xf32, #tpu.memory_space<hbm>> -> memref<1x50000xf32, #tpu.memory_space<hbm>>
        %dma_start3A_31 = tpu.memref_squeeze %dma_start3A_30 : memref<1x50000xf32, #tpu.memory_space<hbm>> -> memref<50000xf32, #tpu.memory_space<hbm>>
        tpu.enqueue_dma source(%dma_start3A_31 : memref<50000xf32, #tpu.memory_space<hbm>>) target(%arg13 : memref<50000xf32, #tpu.memory_space<vmem_shared>>) target_semaphore(%run_scoped3A : memref<!tpu.dma_semaphore, #tpu.memory_space<semaphore_mem>>)
        %dma_wait3A = arith.constant 0 : i32
        %dma_wait3A_32 = tpu.memref_slice %arg4[%arg0, %dma_wait3A] : memref<2x50000xf32, #tpu.memory_space<hbm>> -> memref<1x50000xf32, #tpu.memory_space<hbm>>
        %dma_wait3A_33 = tpu.memref_squeeze %dma_wait3A_32 : memref<1x50000xf32, #tpu.memory_space<hbm>> -> memref<50000xf32, #tpu.memory_space<hbm>>
        tpu.wait_dma2 semaphore(%run_scoped3A : memref<!tpu.dma_semaphore, #tpu.memory_space<semaphore_mem>>) src(%dma_wait3A_33 : memref<50000xf32, #tpu.memory_space<hbm>>) dst(%arg13 : memref<50000xf32, #tpu.memory_space<vmem_shared>>)
        tpu.yield
      }) : () -> ()
    } else {
    }
    %lt3A = arith.constant 15 : i32
    %lt3A_2 = arith.cmpi slt, %arg1, %lt3A : i32
    %convert_element_type3A_3 = arith.extui %lt3A_2 : i1 to i32
    %cond3A_4 = arith.constant 0 : i32
    %cond3A_5 = arith.cmpi ne, %convert_element_type3A_3, %cond3A_4 : i32
    scf.if %cond3A_5 {
      %mul3A_30 = arith.constant 3128 : i32
      %mul3A_31 = arith.muli %arg1, %mul3A_30 : i32
      "tpu.region"() ({
        %run_scoped3A = tpu.sem_alloc : memref<!tpu.dma_semaphore, #tpu.memory_space<semaphore_mem>>
        %dma_start3A = tpu.memref_slice %arg10[%mul3A_31] : memref<50000xf32, #tpu.memory_space<vmem_shared>> -> memref<3128xf32, #tpu.memory_space<vmem_shared>>
        %dma_start3A_32 = arith.constant 0 : i32
        %dma_start3A_33 = tpu.memref_slice %arg6[%dma_start3A_32] : memref<3136xf32, #tpu.memory_space<hbm>> -> memref<3128xf32, #tpu.memory_space<hbm>>
        tpu.enqueue_dma source(%dma_start3A_33 : memref<3128xf32, #tpu.memory_space<hbm>>) target(%dma_start3A : memref<3128xf32, #tpu.memory_space<vmem_shared>>) target_semaphore(%run_scoped3A : memref<!tpu.dma_semaphore, #tpu.memory_space<semaphore_mem>>)
        %dma_wait3A = tpu.memref_slice %arg10[%mul3A_31] : memref<50000xf32, #tpu.memory_space<vmem_shared>> -> memref<3128xf32, #tpu.memory_space<vmem_shared>>
        %dma_wait3A_34 = arith.constant 0 : i32
        %dma_wait3A_35 = tpu.memref_slice %arg6[%dma_wait3A_34] : memref<3136xf32, #tpu.memory_space<hbm>> -> memref<3128xf32, #tpu.memory_space<hbm>>
        tpu.wait_dma2 semaphore(%run_scoped3A : memref<!tpu.dma_semaphore, #tpu.memory_space<semaphore_mem>>) src(%dma_wait3A_35 : memref<3128xf32, #tpu.memory_space<hbm>>) dst(%dma_wait3A : memref<3128xf32, #tpu.memory_space<vmem_shared>>)
        tpu.yield
      }) : () -> ()
    } else {
    }
    %eq3A_6 = arith.constant 15 : i32
    %eq3A_7 = arith.cmpi eq, %arg1, %eq3A_6 : i32
    %convert_element_type3A_8 = arith.extui %eq3A_7 : i1 to i32
    %cond3A_9 = arith.constant 0 : i32
    %cond3A_10 = arith.cmpi ne, %convert_element_type3A_8, %cond3A_9 : i32
    scf.if %cond3A_10 {
      "tpu.region"() ({
        %run_scoped3A = tpu.sem_alloc : memref<!tpu.dma_semaphore, #tpu.memory_space<semaphore_mem>>
        %dma_start3A = arith.constant 46920 : i32
        %dma_start3A_30 = tpu.memref_slice %arg10[%dma_start3A] : memref<50000xf32, #tpu.memory_space<vmem_shared>> -> memref<3080xf32, #tpu.memory_space<vmem_shared>>
        %dma_start3A_31 = arith.constant 0 : i32
        %dma_start3A_32 = tpu.memref_slice %arg6[%dma_start3A_31] : memref<3136xf32, #tpu.memory_space<hbm>> -> memref<3080xf32, #tpu.memory_space<hbm>>
        tpu.enqueue_dma source(%dma_start3A_32 : memref<3080xf32, #tpu.memory_space<hbm>>) target(%dma_start3A_30 : memref<3080xf32, #tpu.memory_space<vmem_shared>>) target_semaphore(%run_scoped3A : memref<!tpu.dma_semaphore, #tpu.memory_space<semaphore_mem>>)
        %dma_wait3A = arith.constant 46920 : i32
        %dma_wait3A_33 = tpu.memref_slice %arg10[%dma_wait3A] : memref<50000xf32, #tpu.memory_space<vmem_shared>> -> memref<3080xf32, #tpu.memory_space<vmem_shared>>
        %dma_wait3A_34 = arith.constant 0 : i32
        %dma_wait3A_35 = tpu.memref_slice %arg6[%dma_wait3A_34] : memref<3136xf32, #tpu.memory_space<hbm>> -> memref<3080xf32, #tpu.memory_space<hbm>>
        tpu.wait_dma2 semaphore(%run_scoped3A : memref<!tpu.dma_semaphore, #tpu.memory_space<semaphore_mem>>) src(%dma_wait3A_35 : memref<3080xf32, #tpu.memory_space<hbm>>) dst(%dma_wait3A_33 : memref<3080xf32, #tpu.memory_space<vmem_shared>>)
        tpu.yield
      }) : () -> ()
    } else {
    }
    %mul3A = arith.constant 3125 : i32
    %mul3A_11 = arith.muli %arg1, %mul3A : i32
    "tpu.region"() ({
      %run_scoped3A = tpu.sem_alloc : memref<!tpu.dma_semaphore, #tpu.memory_space<semaphore_mem>>
      %dma_start3A = arith.constant 0 : i32
      %dma_start3A_30 = tpu.memref_slice %arg11[%mul3A_11, %dma_start3A] : memref<50000x32xf32, #tpu.memory_space<vmem_shared>> -> memref<3125x32xf32, #tpu.memory_space<vmem_shared>>
      %dma_start3A_31 = arith.constant 0 : i32
      %dma_start3A_32 = arith.constant 0 : i32
      %dma_start3A_33 = tpu.memref_slice %arg7[%dma_start3A_31, %dma_start3A_32] : memref<3136x32xf32, #tpu.memory_space<hbm>> -> memref<3125x32xf32, #tpu.memory_space<hbm>>
      tpu.enqueue_dma source(%dma_start3A_33 : memref<3125x32xf32, #tpu.memory_space<hbm>>) target(%dma_start3A_30 : memref<3125x32xf32, #tpu.memory_space<vmem_shared>>) target_semaphore(%run_scoped3A : memref<!tpu.dma_semaphore, #tpu.memory_space<semaphore_mem>>)
      %dma_wait3A = arith.constant 0 : i32
      %dma_wait3A_34 = tpu.memref_slice %arg11[%mul3A_11, %dma_wait3A] : memref<50000x32xf32, #tpu.memory_space<vmem_shared>> -> memref<3125x32xf32, #tpu.memory_space<vmem_shared>>
      %dma_wait3A_35 = arith.constant 0 : i32
      %dma_wait3A_36 = arith.constant 0 : i32
      %dma_wait3A_37 = tpu.memref_slice %arg7[%dma_wait3A_35, %dma_wait3A_36] : memref<3136x32xf32, #tpu.memory_space<hbm>> -> memref<3125x32xf32, #tpu.memory_space<hbm>>
      tpu.wait_dma2 semaphore(%run_scoped3A : memref<!tpu.dma_semaphore, #tpu.memory_space<semaphore_mem>>) src(%dma_wait3A_37 : memref<3125x32xf32, #tpu.memory_space<hbm>>) dst(%dma_wait3A_34 : memref<3125x32xf32, #tpu.memory_space<vmem_shared>>)
      tpu.yield
    }) : () -> ()
    %barrier3A = arith.constant 0 : index
    tpu.barrier barrier_id(%barrier3A)
    %scan3A = arith.constant 0 : i32
    %scan3A_12 = arith.constant 0 : i32
    %scan3A_13 = arith.constant 125 : i32
    %scan3A_14 = arith.addi %scan3A_12, %scan3A_13 : i32
    %scan3A_15 = arith.constant 1 : i32
    scf.for %scan3A_30 = %scan3A_12 to %scan3A_14 step %scan3A_15  : i32 {
      %mul3A_31 = arith.constant 50000 : i32
      %mul3A_32 = arith.muli %arg1, %mul3A_31 : i32
      %mul3A_33 = arith.constant 400 : i32
      %mul3A_34 = arith.muli %scan3A_30, %mul3A_33 : i32
      %add3A = arith.addi %mul3A_32, %mul3A_34 : i32
      %dma_start3A = arith.constant 0 : i32
      %dma_start3A_35 = tpu.memref_slice %arg5[%dma_start3A, %add3A] : memref<2x800000xi32, #tpu.memory_space<hbm>> -> memref<1x208xi32, #tpu.memory_space<hbm>>
      %dma_start3A_36 = tpu.memref_squeeze %dma_start3A_35 : memref<1x208xi32, #tpu.memory_space<hbm>> -> memref<208xi32, #tpu.memory_space<hbm>>
      %dma_start3A_37 = tpu.memref_slice %arg5[%dma_start3A, %add3A] : memref<2x800000xi32, #tpu.memory_space<hbm>> -> memref<1x208xi32, #tpu.memory_space<hbm>>
      %dma_start3A_38 = tpu.memref_squeeze %dma_start3A_37 : memref<1x208xi32, #tpu.memory_space<hbm>> -> memref<208xi32, #tpu.memory_space<hbm>>
      tpu.enqueue_dma source(%dma_start3A_38 : memref<208xi32, #tpu.memory_space<hbm>>) target(%arg14 : memref<208xi32, #tpu.memory_space<vmem>>) target_semaphore(%arg26 : memref<!tpu.dma_semaphore, #tpu.memory_space<semaphore_mem>>)
      %dma_start3A_39 = arith.constant 1 : i32
      %dma_start3A_40 = tpu.memref_slice %arg5[%dma_start3A_39, %add3A] : memref<2x800000xi32, #tpu.memory_space<hbm>> -> memref<1x208xi32, #tpu.memory_space<hbm>>
      %dma_start3A_41 = tpu.memref_squeeze %dma_start3A_40 : memref<1x208xi32, #tpu.memory_space<hbm>> -> memref<208xi32, #tpu.memory_space<hbm>>
      %dma_start3A_42 = tpu.memref_slice %arg5[%dma_start3A_39, %add3A] : memref<2x800000xi32, #tpu.memory_space<hbm>> -> memref<1x208xi32, #tpu.memory_space<hbm>>
      %dma_start3A_43 = tpu.memref_squeeze %dma_start3A_42 : memref<1x208xi32, #tpu.memory_space<hbm>> -> memref<208xi32, #tpu.memory_space<hbm>>
      tpu.enqueue_dma source(%dma_start3A_43 : memref<208xi32, #tpu.memory_space<hbm>>) target(%arg16 : memref<208xi32, #tpu.memory_space<vmem>>) target_semaphore(%arg27 : memref<!tpu.dma_semaphore, #tpu.memory_space<semaphore_mem>>)
      %add3A_44 = arith.constant 208 : i32
      %add3A_45 = arith.addi %add3A, %add3A_44 : i32
      %dma_start3A_46 = arith.constant 0 : i32
      %dma_start3A_47 = tpu.memref_slice %arg5[%dma_start3A_46, %add3A_45] : memref<2x800000xi32, #tpu.memory_space<hbm>> -> memref<1x192xi32, #tpu.memory_space<hbm>>
      %dma_start3A_48 = tpu.memref_squeeze %dma_start3A_47 : memref<1x192xi32, #tpu.memory_space<hbm>> -> memref<192xi32, #tpu.memory_space<hbm>>
      %dma_start3A_49 = tpu.memref_slice %arg5[%dma_start3A_46, %add3A_45] : memref<2x800000xi32, #tpu.memory_space<hbm>> -> memref<1x192xi32, #tpu.memory_space<hbm>>
      %dma_start3A_50 = tpu.memref_squeeze %dma_start3A_49 : memref<1x192xi32, #tpu.memory_space<hbm>> -> memref<192xi32, #tpu.memory_space<hbm>>
      tpu.enqueue_dma source(%dma_start3A_50 : memref<192xi32, #tpu.memory_space<hbm>>) target(%arg15 : memref<192xi32, #tpu.memory_space<vmem>>) target_semaphore(%arg28 : memref<!tpu.dma_semaphore, #tpu.memory_space<semaphore_mem>>)
      %add3A_51 = arith.constant 208 : i32
      %add3A_52 = arith.addi %add3A, %add3A_51 : i32
      %dma_start3A_53 = arith.constant 1 : i32
      %dma_start3A_54 = tpu.memref_slice %arg5[%dma_start3A_53, %add3A_52] : memref<2x800000xi32, #tpu.memory_space<hbm>> -> memref<1x192xi32, #tpu.memory_space<hbm>>
      %dma_start3A_55 = tpu.memref_squeeze %dma_start3A_54 : memref<1x192xi32, #tpu.memory_space<hbm>> -> memref<192xi32, #tpu.memory_space<hbm>>
      %dma_start3A_56 = tpu.memref_slice %arg5[%dma_start3A_53, %add3A_52] : memref<2x800000xi32, #tpu.memory_space<hbm>> -> memref<1x192xi32, #tpu.memory_space<hbm>>
      %dma_start3A_57 = tpu.memref_squeeze %dma_start3A_56 : memref<1x192xi32, #tpu.memory_space<hbm>> -> memref<192xi32, #tpu.memory_space<hbm>>
      tpu.enqueue_dma source(%dma_start3A_57 : memref<192xi32, #tpu.memory_space<hbm>>) target(%arg17 : memref<192xi32, #tpu.memory_space<vmem>>) target_semaphore(%arg29 : memref<!tpu.dma_semaphore, #tpu.memory_space<semaphore_mem>>)
      %dma_wait3A = arith.constant 0 : i32
      %dma_wait3A_58 = tpu.memref_slice %arg5[%dma_wait3A, %add3A] : memref<2x800000xi32, #tpu.memory_space<hbm>> -> memref<1x208xi32, #tpu.memory_space<hbm>>
      %dma_wait3A_59 = tpu.memref_squeeze %dma_wait3A_58 : memref<1x208xi32, #tpu.memory_space<hbm>> -> memref<208xi32, #tpu.memory_space<hbm>>
      %dma_wait3A_60 = tpu.memref_slice %arg5[%dma_wait3A, %add3A] : memref<2x800000xi32, #tpu.memory_space<hbm>> -> memref<1x208xi32, #tpu.memory_space<hbm>>
      %dma_wait3A_61 = tpu.memref_squeeze %dma_wait3A_60 : memref<1x208xi32, #tpu.memory_space<hbm>> -> memref<208xi32, #tpu.memory_space<hbm>>
      tpu.wait_dma2 semaphore(%arg26 : memref<!tpu.dma_semaphore, #tpu.memory_space<semaphore_mem>>) src(%dma_wait3A_61 : memref<208xi32, #tpu.memory_space<hbm>>) dst(%arg14 : memref<208xi32, #tpu.memory_space<vmem>>)
      %dma_start3A_62 = arith.constant 0 : i32
      %dma_start3A_63 = arith.constant 0 : i32
      %dma_start3A_64 = tpu.memref_slice %arg2[%arg0, %dma_start3A_62, %dma_start3A_63] : memref<2x50000x32xf32, #tpu.memory_space<hbm>> -> memref<1x50000x32xf32, #tpu.memory_space<hbm>>
      %dma_start3A_65 = tpu.memref_squeeze %dma_start3A_64 : memref<1x50000x32xf32, #tpu.memory_space<hbm>> -> memref<50000x32xf32, #tpu.memory_space<hbm>>
      %dma_start3A_66 = arith.constant 0 : i32
      %dma_start3A_67 = arith.constant 0 : i32
      %dma_start3A_68 = tpu.memref_slice %dma_start3A_65[%dma_start3A_66, %dma_start3A_67] : memref<50000x32xf32, #tpu.memory_space<hbm>> -> memref<50000x32xf32, #tpu.memory_space<hbm>>
      tpu.enqueue_indirect_dma source(%dma_start3A_68 : memref<50000x32xf32, #tpu.memory_space<hbm>>) target(%arg24 : memref<208x32xf32, #tpu.memory_space<vmem>>) offsets(%arg14 : memref<208xi32, #tpu.memory_space<vmem>>) semaphore(%arg30 : memref<!tpu.dma_semaphore, #tpu.memory_space<semaphore_mem>>)
      %dma_start3A_69 = arith.constant 0 : i32
      %dma_start3A_70 = tpu.memref_slice %arg12[%dma_start3A_69] : memref<50000xf32, #tpu.memory_space<vmem_shared>> -> memref<50000xf32, #tpu.memory_space<vmem_shared>>
      tpu.enqueue_indirect_dma source(%dma_start3A_70 : memref<50000xf32, #tpu.memory_space<vmem_shared>>) target(%arg18 : memref<208xf32, #tpu.memory_space<vmem>>) offsets(%arg14 : memref<208xi32, #tpu.memory_space<vmem>>) semaphore(%arg26 : memref<!tpu.dma_semaphore, #tpu.memory_space<semaphore_mem>>)
      %dma_wait3A_71 = arith.constant 1 : i32
      %dma_wait3A_72 = tpu.memref_slice %arg5[%dma_wait3A_71, %add3A] : memref<2x800000xi32, #tpu.memory_space<hbm>> -> memref<1x208xi32, #tpu.memory_space<hbm>>
      %dma_wait3A_73 = tpu.memref_squeeze %dma_wait3A_72 : memref<1x208xi32, #tpu.memory_space<hbm>> -> memref<208xi32, #tpu.memory_space<hbm>>
      %dma_wait3A_74 = tpu.memref_slice %arg5[%dma_wait3A_71, %add3A] : memref<2x800000xi32, #tpu.memory_space<hbm>> -> memref<1x208xi32, #tpu.memory_space<hbm>>
      %dma_wait3A_75 = tpu.memref_squeeze %dma_wait3A_74 : memref<1x208xi32, #tpu.memory_space<hbm>> -> memref<208xi32, #tpu.memory_space<hbm>>
      tpu.wait_dma2 semaphore(%arg27 : memref<!tpu.dma_semaphore, #tpu.memory_space<semaphore_mem>>) src(%dma_wait3A_75 : memref<208xi32, #tpu.memory_space<hbm>>) dst(%arg16 : memref<208xi32, #tpu.memory_space<vmem>>)
      %dma_start3A_76 = arith.constant 0 : i32
      %dma_start3A_77 = tpu.memref_slice %arg13[%dma_start3A_76] : memref<50000xf32, #tpu.memory_space<vmem_shared>> -> memref<50000xf32, #tpu.memory_space<vmem_shared>>
      tpu.enqueue_indirect_dma source(%dma_start3A_77 : memref<50000xf32, #tpu.memory_space<vmem_shared>>) target(%arg20 : memref<208xf32, #tpu.memory_space<vmem>>) offsets(%arg16 : memref<208xi32, #tpu.memory_space<vmem>>) semaphore(%arg27 : memref<!tpu.dma_semaphore, #tpu.memory_space<semaphore_mem>>)
      %dma_wait3A_78 = arith.constant 0 : i32
      %dma_wait3A_79 = tpu.memref_slice %arg5[%dma_wait3A_78, %add3A_45] : memref<2x800000xi32, #tpu.memory_space<hbm>> -> memref<1x192xi32, #tpu.memory_space<hbm>>
      %dma_wait3A_80 = tpu.memref_squeeze %dma_wait3A_79 : memref<1x192xi32, #tpu.memory_space<hbm>> -> memref<192xi32, #tpu.memory_space<hbm>>
      %dma_wait3A_81 = tpu.memref_slice %arg5[%dma_wait3A_78, %add3A_45] : memref<2x800000xi32, #tpu.memory_space<hbm>> -> memref<1x192xi32, #tpu.memory_space<hbm>>
      %dma_wait3A_82 = tpu.memref_squeeze %dma_wait3A_81 : memref<1x192xi32, #tpu.memory_space<hbm>> -> memref<192xi32, #tpu.memory_space<hbm>>
      tpu.wait_dma2 semaphore(%arg28 : memref<!tpu.dma_semaphore, #tpu.memory_space<semaphore_mem>>) src(%dma_wait3A_82 : memref<192xi32, #tpu.memory_space<hbm>>) dst(%arg15 : memref<192xi32, #tpu.memory_space<vmem>>)
      %dma_start3A_83 = arith.constant 0 : i32
      %dma_start3A_84 = arith.constant 0 : i32
      %dma_start3A_85 = tpu.memref_slice %arg2[%arg0, %dma_start3A_83, %dma_start3A_84] : memref<2x50000x32xf32, #tpu.memory_space<hbm>> -> memref<1x50000x32xf32, #tpu.memory_space<hbm>>
      %dma_start3A_86 = tpu.memref_squeeze %dma_start3A_85 : memref<1x50000x32xf32, #tpu.memory_space<hbm>> -> memref<50000x32xf32, #tpu.memory_space<hbm>>
      %dma_start3A_87 = arith.constant 0 : i32
      %dma_start3A_88 = arith.constant 0 : i32
      %dma_start3A_89 = tpu.memref_slice %dma_start3A_86[%dma_start3A_87, %dma_start3A_88] : memref<50000x32xf32, #tpu.memory_space<hbm>> -> memref<50000x32xf32, #tpu.memory_space<hbm>>
      tpu.enqueue_indirect_dma source(%dma_start3A_89 : memref<50000x32xf32, #tpu.memory_space<hbm>>) target(%arg25 : memref<192x32xf32, #tpu.memory_space<vmem>>) offsets(%arg15 : memref<192xi32, #tpu.memory_space<vmem>>) semaphore(%arg31 : memref<!tpu.dma_semaphore, #tpu.memory_space<semaphore_mem>>)
      %dma_start3A_90 = arith.constant 0 : i32
      %dma_start3A_91 = tpu.memref_slice %arg12[%dma_start3A_90] : memref<50000xf32, #tpu.memory_space<vmem_shared>> -> memref<50000xf32, #tpu.memory_space<vmem_shared>>
      tpu.enqueue_indirect_dma source(%dma_start3A_91 : memref<50000xf32, #tpu.memory_space<vmem_shared>>) target(%arg19 : memref<192xf32, #tpu.memory_space<vmem>>) offsets(%arg15 : memref<192xi32, #tpu.memory_space<vmem>>) semaphore(%arg28 : memref<!tpu.dma_semaphore, #tpu.memory_space<semaphore_mem>>)
      %dma_wait3A_92 = arith.constant 1 : i32
      %dma_wait3A_93 = tpu.memref_slice %arg5[%dma_wait3A_92, %add3A_52] : memref<2x800000xi32, #tpu.memory_space<hbm>> -> memref<1x192xi32, #tpu.memory_space<hbm>>
      %dma_wait3A_94 = tpu.memref_squeeze %dma_wait3A_93 : memref<1x192xi32, #tpu.memory_space<hbm>> -> memref<192xi32, #tpu.memory_space<hbm>>
      %dma_wait3A_95 = tpu.memref_slice %arg5[%dma_wait3A_92, %add3A_52] : memref<2x800000xi32, #tpu.memory_space<hbm>> -> memref<1x192xi32, #tpu.memory_space<hbm>>
      %dma_wait3A_96 = tpu.memref_squeeze %dma_wait3A_95 : memref<1x192xi32, #tpu.memory_space<hbm>> -> memref<192xi32, #tpu.memory_space<hbm>>
      tpu.wait_dma2 semaphore(%arg29 : memref<!tpu.dma_semaphore, #tpu.memory_space<semaphore_mem>>) src(%dma_wait3A_96 : memref<192xi32, #tpu.memory_space<hbm>>) dst(%arg17 : memref<192xi32, #tpu.memory_space<vmem>>)
      %dma_start3A_97 = arith.constant 0 : i32
      %dma_start3A_98 = tpu.memref_slice %arg13[%dma_start3A_97] : memref<50000xf32, #tpu.memory_space<vmem_shared>> -> memref<50000xf32, #tpu.memory_space<vmem_shared>>
      tpu.enqueue_indirect_dma source(%dma_start3A_98 : memref<50000xf32, #tpu.memory_space<vmem_shared>>) target(%arg21 : memref<192xf32, #tpu.memory_space<vmem>>) offsets(%arg17 : memref<192xi32, #tpu.memory_space<vmem>>) semaphore(%arg29 : memref<!tpu.dma_semaphore, #tpu.memory_space<semaphore_mem>>)
      %dma_wait3A_99 = arith.constant 0 : i32
      %dma_wait3A_100 = tpu.memref_slice %arg12[%dma_wait3A_99] : memref<50000xf32, #tpu.memory_space<vmem_shared>> -> memref<50000xf32, #tpu.memory_space<vmem_shared>>
      tpu.wait_indirect_dma semaphore(%arg26 : memref<!tpu.dma_semaphore, #tpu.memory_space<semaphore_mem>>) src(%dma_wait3A_100 : memref<50000xf32, #tpu.memory_space<vmem_shared>>) dst(%arg18 : memref<208xf32, #tpu.memory_space<vmem>>)
      %dma_wait3A_101 = arith.constant 0 : i32
      %dma_wait3A_102 = tpu.memref_slice %arg13[%dma_wait3A_101] : memref<50000xf32, #tpu.memory_space<vmem_shared>> -> memref<50000xf32, #tpu.memory_space<vmem_shared>>
      tpu.wait_indirect_dma semaphore(%arg27 : memref<!tpu.dma_semaphore, #tpu.memory_space<semaphore_mem>>) src(%dma_wait3A_102 : memref<50000xf32, #tpu.memory_space<vmem_shared>>) dst(%arg20 : memref<208xf32, #tpu.memory_space<vmem>>)
      %scan3A_103 = arith.constant 0 : i32
      %scan3A_104 = arith.constant 0 : i32
      %scan3A_105 = arith.constant 13 : i32
      %scan3A_106 = arith.addi %scan3A_104, %scan3A_105 : i32
      %scan3A_107 = arith.constant 1 : i32
      scf.for %scan3A_165 = %scan3A_104 to %scan3A_106 step %scan3A_107  : i32 {
        %mul3A_166 = arith.constant 16 : i32
        %mul3A_167 = arith.muli %scan3A_165, %mul3A_166 : i32
        %get3A = arith.index_cast %mul3A_167 : i32 to index
        %get3A_168 = tpu.vector_load %arg18[%get3A] {strides = array<i32>} : memref<208xf32, #tpu.memory_space<vmem>>, vector<16xf32>,
        %mul3A_169 = arith.constant 16 : i32
        %mul3A_170 = arith.muli %scan3A_165, %mul3A_169 : i32
        %get3A_171 = arith.index_cast %mul3A_170 : i32 to index
        %get3A_172 = tpu.vector_load %arg20[%get3A_171] {strides = array<i32>} : memref<208xf32, #tpu.memory_space<vmem>>, vector<16xf32>,
        %add3A_173 = arith.addf %get3A_168, %get3A_172 : vector<16xf32>
        %ge3A = arith.constant 0.000000e+00 : f32
        %ge3A_174 = vector.broadcast %ge3A : f32 to vector<16xf32>
        %ge3A_175 = arith.cmpf oge, %add3A_173, %ge3A_174 : vector<16xf32>
        %mul3A_176 = arith.constant 2.000000e-01 : f32
        %mul3A_177 = vector.broadcast %mul3A_176 : f32 to vector<16xf32>
        %mul3A_178 = arith.mulf %mul3A_177, %add3A_173 : vector<16xf32>
        %select_n3A = arith.select %ge3A_175, %add3A_173, %mul3A_178 : vector<16xi1>, vector<16xf32>
        %exp3A = math.exp %select_n3A : vector<16xf32>
        %mul3A_179 = arith.constant 16 : i32
        %mul3A_180 = arith.muli %scan3A_165, %mul3A_179 : i32
        %swap3A = arith.index_cast %mul3A_180 : i32 to index
        %swap3A_181 = tpu.vector_load %arg22[%swap3A] {strides = array<i32>} : memref<208xf32, #tpu.memory_space<vmem>>, vector<16xf32>,
        tpu.vector_store %arg22[%swap3A], %exp3A {strides = array<i32>} : memref<208xf32, #tpu.memory_space<vmem>>, vector<16xf32>,
      }
      %scan3A_108 = arith.constant 13 : i32
      %dma_start3A_109 = arith.constant 0 : i32
      %dma_start3A_110 = tpu.memref_slice %arg10[%dma_start3A_109] : memref<50000xf32, #tpu.memory_space<vmem_shared>> -> memref<50000xf32, #tpu.memory_space<vmem_shared>>
      tpu.enqueue_indirect_dma source(%arg22 : memref<208xf32, #tpu.memory_space<vmem>>) target(%dma_start3A_110 : memref<50000xf32, #tpu.memory_space<vmem_shared>>) offsets(%arg16 : memref<208xi32, #tpu.memory_space<vmem>>) semaphore(%arg32 : memref<!tpu.dma_semaphore, #tpu.memory_space<semaphore_mem>>) {add = true}
      %dma_wait3A_111 = arith.constant 0 : i32
      %dma_wait3A_112 = arith.constant 0 : i32
      %dma_wait3A_113 = tpu.memref_slice %arg2[%arg0, %dma_wait3A_111, %dma_wait3A_112] : memref<2x50000x32xf32, #tpu.memory_space<hbm>> -> memref<1x50000x32xf32, #tpu.memory_space<hbm>>
      %dma_wait3A_114 = tpu.memref_squeeze %dma_wait3A_113 : memref<1x50000x32xf32, #tpu.memory_space<hbm>> -> memref<50000x32xf32, #tpu.memory_space<hbm>>
      %dma_wait3A_115 = arith.constant 0 : i32
      %dma_wait3A_116 = arith.constant 0 : i32
      %dma_wait3A_117 = tpu.memref_slice %dma_wait3A_114[%dma_wait3A_115, %dma_wait3A_116] : memref<50000x32xf32, #tpu.memory_space<hbm>> -> memref<50000x32xf32, #tpu.memory_space<hbm>>
      tpu.wait_indirect_dma semaphore(%arg30 : memref<!tpu.dma_semaphore, #tpu.memory_space<semaphore_mem>>) src(%dma_wait3A_117 : memref<50000x32xf32, #tpu.memory_space<hbm>>) dst(%arg24 : memref<208x32xf32, #tpu.memory_space<vmem>>)
      %scan3A_118 = arith.constant 0 : i32
      %scan3A_119 = arith.constant 0 : i32
      %scan3A_120 = arith.constant 13 : i32
      %scan3A_121 = arith.addi %scan3A_119, %scan3A_120 : i32
      %scan3A_122 = arith.constant 1 : i32
      scf.for %scan3A_165 = %scan3A_119 to %scan3A_121 step %scan3A_122  : i32 {
        %mul3A_166 = arith.constant 16 : i32
        %mul3A_167 = arith.muli %scan3A_165, %mul3A_166 : i32
        %get3A = arith.index_cast %mul3A_167 : i32 to index
        %get3A_168 = tpu.vector_load %arg22[%get3A] {strides = array<i32>} : memref<208xf32, #tpu.memory_space<vmem>>, vector<16xf32>,
        %slice3A = vector.extract_strided_slice %get3A_168 {offsets = [0], sizes = [1], strides = [1]} : vector<16xf32> to vector<1xf32>
        %squeeze3A = vector.extract %slice3A[0] : f32 from vector<1xf32>
        %mul3A_169 = arith.constant 16 : i32
        %mul3A_170 = arith.muli %scan3A_165, %mul3A_169 : i32
        %add3A_171 = arith.constant 0 : i32
        %add3A_172 = arith.addi %mul3A_170, %add3A_171 : i32
        %get3A_173 = arith.index_cast %add3A_172 : i32 to index
        %get3A_174 = arith.constant 0 : index
        %get3A_175 = tpu.vector_load %arg24[%get3A_173, %get3A_174] {strides = array<i32>} : memref<208x32xf32, #tpu.memory_space<vmem>>, vector<16xf32>,
        %mul3A_176 = vector.broadcast %squeeze3A : f32 to vector<16xf32>
        %mul3A_177 = arith.mulf %get3A_175, %mul3A_176 : vector<16xf32>
        %swap3A = arith.index_cast %add3A_172 : i32 to index
        %swap3A_178 = arith.constant 0 : index
        %swap3A_179 = tpu.vector_load %arg24[%swap3A, %swap3A_178] {strides = array<i32>} : memref<208x32xf32, #tpu.memory_space<vmem>>, vector<16xf32>,
        tpu.vector_store %arg24[%swap3A, %swap3A_178], %mul3A_177 {strides = array<i32>} : memref<208x32xf32, #tpu.memory_space<vmem>>, vector<16xf32>,
        %get3A_180 = arith.index_cast %add3A_172 : i32 to index
        %get3A_181 = arith.constant 16 : index
        %get3A_182 = tpu.vector_load %arg24[%get3A_180, %get3A_181] {strides = array<i32>} : memref<208x32xf32, #tpu.memory_space<vmem>>, vector<16xf32>,
        %mul3A_183 = vector.broadcast %squeeze3A : f32 to vector<16xf32>
        %mul3A_184 = arith.mulf %get3A_182, %mul3A_183 : vector<16xf32>
        %swap3A_185 = arith.index_cast %add3A_172 : i32 to index
        %swap3A_186 = arith.constant 16 : index
        %swap3A_187 = tpu.vector_load %arg24[%swap3A_185, %swap3A_186] {strides = array<i32>} : memref<208x32xf32, #tpu.memory_space<vmem>>, vector<16xf32>,
        tpu.vector_store %arg24[%swap3A_185, %swap3A_186], %mul3A_184 {strides = array<i32>} : memref<208x32xf32, #tpu.memory_space<vmem>>, vector<16xf32>,
        %slice3A_188 = vector.extract_strided_slice %get3A_168 {offsets = [1], sizes = [1], strides = [1]} : vector<16xf32> to vector<1xf32>
        %squeeze3A_189 = vector.extract %slice3A_188[0] : f32 from vector<1xf32>
        %mul3A_190 = arith.constant 16 : i32
        %mul3A_191 = arith.muli %scan3A_165, %mul3A_190 : i32
        %add3A_192 = arith.constant 1 : i32
        %add3A_193 = arith.addi %mul3A_191, %add3A_192 : i32
        %get3A_194 = arith.index_cast %add3A_193 : i32 to index
        %get3A_195 = arith.constant 0 : index
        %get3A_196 = tpu.vector_load %arg24[%get3A_194, %get3A_195] {strides = array<i32>} : memref<208x32xf32, #tpu.memory_space<vmem>>, vector<16xf32>,
        %mul3A_197 = vector.broadcast %squeeze3A_189 : f32 to vector<16xf32>
        %mul3A_198 = arith.mulf %get3A_196, %mul3A_197 : vector<16xf32>
        %swap3A_199 = arith.index_cast %add3A_193 : i32 to index
        %swap3A_200 = arith.constant 0 : index
        %swap3A_201 = tpu.vector_load %arg24[%swap3A_199, %swap3A_200] {strides = array<i32>} : memref<208x32xf32, #tpu.memory_space<vmem>>, vector<16xf32>,
        tpu.vector_store %arg24[%swap3A_199, %swap3A_200], %mul3A_198 {strides = array<i32>} : memref<208x32xf32, #tpu.memory_space<vmem>>, vector<16xf32>,
        %get3A_202 = arith.index_cast %add3A_193 : i32 to index
        %get3A_203 = arith.constant 16 : index
        %get3A_204 = tpu.vector_load %arg24[%get3A_202, %get3A_203] {strides = array<i32>} : memref<208x32xf32, #tpu.memory_space<vmem>>, vector<16xf32>,
        %mul3A_205 = vector.broadcast %squeeze3A_189 : f32 to vector<16xf32>
        %mul3A_206 = arith.mulf %get3A_204, %mul3A_205 : vector<16xf32>
        %swap3A_207 = arith.index_cast %add3A_193 : i32 to index
        %swap3A_208 = arith.constant 16 : index
        %swap3A_209 = tpu.vector_load %arg24[%swap3A_207, %swap3A_208] {strides = array<i32>} : memref<208x32xf32, #tpu.memory_space<vmem>>, vector<16xf32>,
        tpu.vector_store %arg24[%swap3A_207, %swap3A_208], %mul3A_206 {strides = array<i32>} : memref<208x32xf32, #tpu.memory_space<vmem>>, vector<16xf32>,
        %slice3A_210 = vector.extract_strided_slice %get3A_168 {offsets = [2], sizes = [1], strides = [1]} : vector<16xf32> to vector<1xf32>
        %squeeze3A_211 = vector.extract %slice3A_210[0] : f32 from vector<1xf32>
        %mul3A_212 = arith.constant 16 : i32
        %mul3A_213 = arith.muli %scan3A_165, %mul3A_212 : i32
        %add3A_214 = arith.constant 2 : i32
        %add3A_215 = arith.addi %mul3A_213, %add3A_214 : i32
        %get3A_216 = arith.index_cast %add3A_215 : i32 to index
        %get3A_217 = arith.constant 0 : index
        %get3A_218 = tpu.vector_load %arg24[%get3A_216, %get3A_217] {strides = array<i32>} : memref<208x32xf32, #tpu.memory_space<vmem>>, vector<16xf32>,
        %mul3A_219 = vector.broadcast %squeeze3A_211 : f32 to vector<16xf32>
        %mul3A_220 = arith.mulf %get3A_218, %mul3A_219 : vector<16xf32>
        %swap3A_221 = arith.index_cast %add3A_215 : i32 to index
        %swap3A_222 = arith.constant 0 : index
        %swap3A_223 = tpu.vector_load %arg24[%swap3A_221, %swap3A_222] {strides = array<i32>} : memref<208x32xf32, #tpu.memory_space<vmem>>, vector<16xf32>,
        tpu.vector_store %arg24[%swap3A_221, %swap3A_222], %mul3A_220 {strides = array<i32>} : memref<208x32xf32, #tpu.memory_space<vmem>>, vector<16xf32>,
        %get3A_224 = arith.index_cast %add3A_215 : i32 to index
        %get3A_225 = arith.constant 16 : index
        %get3A_226 = tpu.vector_load %arg24[%get3A_224, %get3A_225] {strides = array<i32>} : memref<208x32xf32, #tpu.memory_space<vmem>>, vector<16xf32>,
        %mul3A_227 = vector.broadcast %squeeze3A_211 : f32 to vector<16xf32>
        %mul3A_228 = arith.mulf %get3A_226, %mul3A_227 : vector<16xf32>
        %swap3A_229 = arith.index_cast %add3A_215 : i32 to index
        %swap3A_230 = arith.constant 16 : index
        %swap3A_231 = tpu.vector_load %arg24[%swap3A_229, %swap3A_230] {strides = array<i32>} : memref<208x32xf32, #tpu.memory_space<vmem>>, vector<16xf32>,
        tpu.vector_store %arg24[%swap3A_229, %swap3A_230], %mul3A_228 {strides = array<i32>} : memref<208x32xf32, #tpu.memory_space<vmem>>, vector<16xf32>,
        %slice3A_232 = vector.extract_strided_slice %get3A_168 {offsets = [3], sizes = [1], strides = [1]} : vector<16xf32> to vector<1xf32>
        %squeeze3A_233 = vector.extract %slice3A_232[0] : f32 from vector<1xf32>
        %mul3A_234 = arith.constant 16 : i32
        %mul3A_235 = arith.muli %scan3A_165, %mul3A_234 : i32
        %add3A_236 = arith.constant 3 : i32
        %add3A_237 = arith.addi %mul3A_235, %add3A_236 : i32
        %get3A_238 = arith.index_cast %add3A_237 : i32 to index
        %get3A_239 = arith.constant 0 : index
        %get3A_240 = tpu.vector_load %arg24[%get3A_238, %get3A_239] {strides = array<i32>} : memref<208x32xf32, #tpu.memory_space<vmem>>, vector<16xf32>,
        %mul3A_241 = vector.broadcast %squeeze3A_233 : f32 to vector<16xf32>
        %mul3A_242 = arith.mulf %get3A_240, %mul3A_241 : vector<16xf32>
        %swap3A_243 = arith.index_cast %add3A_237 : i32 to index
        %swap3A_244 = arith.constant 0 : index
        %swap3A_245 = tpu.vector_load %arg24[%swap3A_243, %swap3A_244] {strides = array<i32>} : memref<208x32xf32, #tpu.memory_space<vmem>>, vector<16xf32>,
        tpu.vector_store %arg24[%swap3A_243, %swap3A_244], %mul3A_242 {strides = array<i32>} : memref<208x32xf32, #tpu.memory_space<vmem>>, vector<16xf32>,
        %get3A_246 = arith.index_cast %add3A_237 : i32 to index
        %get3A_247 = arith.constant 16 : index
        %get3A_248 = tpu.vector_load %arg24[%get3A_246, %get3A_247] {strides = array<i32>} : memref<208x32xf32, #tpu.memory_space<vmem>>, vector<16xf32>,
        %mul3A_249 = vector.broadcast %squeeze3A_233 : f32 to vector<16xf32>
        %mul3A_250 = arith.mulf %get3A_248, %mul3A_249 : vector<16xf32>
        %swap3A_251 = arith.index_cast %add3A_237 : i32 to index
        %swap3A_252 = arith.constant 16 : index
        %swap3A_253 = tpu.vector_load %arg24[%swap3A_251, %swap3A_252] {strides = array<i32>} : memref<208x32xf32, #tpu.memory_space<vmem>>, vector<16xf32>,
        tpu.vector_store %arg24[%swap3A_251, %swap3A_252], %mul3A_250 {strides = array<i32>} : memref<208x32xf32, #tpu.memory_space<vmem>>, vector<16xf32>,
        %slice3A_254 = vector.extract_strided_slice %get3A_168 {offsets = [4], sizes = [1], strides = [1]} : vector<16xf32> to vector<1xf32>
        %squeeze3A_255 = vector.extract %slice3A_254[0] : f32 from vector<1xf32>
        %mul3A_256 = arith.constant 16 : i32
        %mul3A_257 = arith.muli %scan3A_165, %mul3A_256 : i32
        %add3A_258 = arith.constant 4 : i32
        %add3A_259 = arith.addi %mul3A_257, %add3A_258 : i32
        %get3A_260 = arith.index_cast %add3A_259 : i32 to index
        %get3A_261 = arith.constant 0 : index
        %get3A_262 = tpu.vector_load %arg24[%get3A_260, %get3A_261] {strides = array<i32>} : memref<208x32xf32, #tpu.memory_space<vmem>>, vector<16xf32>,
        %mul3A_263 = vector.broadcast %squeeze3A_255 : f32 to vector<16xf32>
        %mul3A_264 = arith.mulf %get3A_262, %mul3A_263 : vector<16xf32>
        %swap3A_265 = arith.index_cast %add3A_259 : i32 to index
        %swap3A_266 = arith.constant 0 : index
        %swap3A_267 = tpu.vector_load %arg24[%swap3A_265, %swap3A_266] {strides = array<i32>} : memref<208x32xf32, #tpu.memory_space<vmem>>, vector<16xf32>,
        tpu.vector_store %arg24[%swap3A_265, %swap3A_266], %mul3A_264 {strides = array<i32>} : memref<208x32xf32, #tpu.memory_space<vmem>>, vector<16xf32>,
        %get3A_268 = arith.index_cast %add3A_259 : i32 to index
        %get3A_269 = arith.constant 16 : index
        %get3A_270 = tpu.vector_load %arg24[%get3A_268, %get3A_269] {strides = array<i32>} : memref<208x32xf32, #tpu.memory_space<vmem>>, vector<16xf32>,
        %mul3A_271 = vector.broadcast %squeeze3A_255 : f32 to vector<16xf32>
        %mul3A_272 = arith.mulf %get3A_270, %mul3A_271 : vector<16xf32>
        %swap3A_273 = arith.index_cast %add3A_259 : i32 to index
        %swap3A_274 = arith.constant 16 : index
        %swap3A_275 = tpu.vector_load %arg24[%swap3A_273, %swap3A_274] {strides = array<i32>} : memref<208x32xf32, #tpu.memory_space<vmem>>, vector<16xf32>,
        tpu.vector_store %arg24[%swap3A_273, %swap3A_274], %mul3A_272 {strides = array<i32>} : memref<208x32xf32, #tpu.memory_space<vmem>>, vector<16xf32>,
        %slice3A_276 = vector.extract_strided_slice %get3A_168 {offsets = [5], sizes = [1], strides = [1]} : vector<16xf32> to vector<1xf32>
        %squeeze3A_277 = vector.extract %slice3A_276[0] : f32 from vector<1xf32>
        %mul3A_278 = arith.constant 16 : i32
        %mul3A_279 = arith.muli %scan3A_165, %mul3A_278 : i32
        %add3A_280 = arith.constant 5 : i32
        %add3A_281 = arith.addi %mul3A_279, %add3A_280 : i32
        %get3A_282 = arith.index_cast %add3A_281 : i32 to index
        %get3A_283 = arith.constant 0 : index
        %get3A_284 = tpu.vector_load %arg24[%get3A_282, %get3A_283] {strides = array<i32>} : memref<208x32xf32, #tpu.memory_space<vmem>>, vector<16xf32>,
        %mul3A_285 = vector.broadcast %squeeze3A_277 : f32 to vector<16xf32>
        %mul3A_286 = arith.mulf %get3A_284, %mul3A_285 : vector<16xf32>
        %swap3A_287 = arith.index_cast %add3A_281 : i32 to index
        %swap3A_288 = arith.constant 0 : index
        %swap3A_289 = tpu.vector_load %arg24[%swap3A_287, %swap3A_288] {strides = array<i32>} : memref<208x32xf32, #tpu.memory_space<vmem>>, vector<16xf32>,
        tpu.vector_store %arg24[%swap3A_287, %swap3A_288], %mul3A_286 {strides = array<i32>} : memref<208x32xf32, #tpu.memory_space<vmem>>, vector<16xf32>,
        %get3A_290 = arith.index_cast %add3A_281 : i32 to index
        %get3A_291 = arith.constant 16 : index
        %get3A_292 = tpu.vector_load %arg24[%get3A_290, %get3A_291] {strides = array<i32>} : memref<208x32xf32, #tpu.memory_space<vmem>>, vector<16xf32>,
        %mul3A_293 = vector.broadcast %squeeze3A_277 : f32 to vector<16xf32>
        %mul3A_294 = arith.mulf %get3A_292, %mul3A_293 : vector<16xf32>
        %swap3A_295 = arith.index_cast %add3A_281 : i32 to index
        %swap3A_296 = arith.constant 16 : index
        %swap3A_297 = tpu.vector_load %arg24[%swap3A_295, %swap3A_296] {strides = array<i32>} : memref<208x32xf32, #tpu.memory_space<vmem>>, vector<16xf32>,
        tpu.vector_store %arg24[%swap3A_295, %swap3A_296], %mul3A_294 {strides = array<i32>} : memref<208x32xf32, #tpu.memory_space<vmem>>, vector<16xf32>,
        %slice3A_298 = vector.extract_strided_slice %get3A_168 {offsets = [6], sizes = [1], strides = [1]} : vector<16xf32> to vector<1xf32>
        %squeeze3A_299 = vector.extract %slice3A_298[0] : f32 from vector<1xf32>
        %mul3A_300 = arith.constant 16 : i32
        %mul3A_301 = arith.muli %scan3A_165, %mul3A_300 : i32
        %add3A_302 = arith.constant 6 : i32
        %add3A_303 = arith.addi %mul3A_301, %add3A_302 : i32
        %get3A_304 = arith.index_cast %add3A_303 : i32 to index
        %get3A_305 = arith.constant 0 : index
        %get3A_306 = tpu.vector_load %arg24[%get3A_304, %get3A_305] {strides = array<i32>} : memref<208x32xf32, #tpu.memory_space<vmem>>, vector<16xf32>,
        %mul3A_307 = vector.broadcast %squeeze3A_299 : f32 to vector<16xf32>
        %mul3A_308 = arith.mulf %get3A_306, %mul3A_307 : vector<16xf32>
        %swap3A_309 = arith.index_cast %add3A_303 : i32 to index
        %swap3A_310 = arith.constant 0 : index
        %swap3A_311 = tpu.vector_load %arg24[%swap3A_309, %swap3A_310] {strides = array<i32>} : memref<208x32xf32, #tpu.memory_space<vmem>>, vector<16xf32>,
        tpu.vector_store %arg24[%swap3A_309, %swap3A_310], %mul3A_308 {strides = array<i32>} : memref<208x32xf32, #tpu.memory_space<vmem>>, vector<16xf32>,
        %get3A_312 = arith.index_cast %add3A_303 : i32 to index
        %get3A_313 = arith.constant 16 : index
        %get3A_314 = tpu.vector_load %arg24[%get3A_312, %get3A_313] {strides = array<i32>} : memref<208x32xf32, #tpu.memory_space<vmem>>, vector<16xf32>,
        %mul3A_315 = vector.broadcast %squeeze3A_299 : f32 to vector<16xf32>
        %mul3A_316 = arith.mulf %get3A_314, %mul3A_315 : vector<16xf32>
        %swap3A_317 = arith.index_cast %add3A_303 : i32 to index
        %swap3A_318 = arith.constant 16 : index
        %swap3A_319 = tpu.vector_load %arg24[%swap3A_317, %swap3A_318] {strides = array<i32>} : memref<208x32xf32, #tpu.memory_space<vmem>>, vector<16xf32>,
        tpu.vector_store %arg24[%swap3A_317, %swap3A_318], %mul3A_316 {strides = array<i32>} : memref<208x32xf32, #tpu.memory_space<vmem>>, vector<16xf32>,
        %slice3A_320 = vector.extract_strided_slice %get3A_168 {offsets = [7], sizes = [1], strides = [1]} : vector<16xf32> to vector<1xf32>
        %squeeze3A_321 = vector.extract %slice3A_320[0] : f32 from vector<1xf32>
        %mul3A_322 = arith.constant 16 : i32
        %mul3A_323 = arith.muli %scan3A_165, %mul3A_322 : i32
        %add3A_324 = arith.constant 7 : i32
        %add3A_325 = arith.addi %mul3A_323, %add3A_324 : i32
        %get3A_326 = arith.index_cast %add3A_325 : i32 to index
        %get3A_327 = arith.constant 0 : index
        %get3A_328 = tpu.vector_load %arg24[%get3A_326, %get3A_327] {strides = array<i32>} : memref<208x32xf32, #tpu.memory_space<vmem>>, vector<16xf32>,
        %mul3A_329 = vector.broadcast %squeeze3A_321 : f32 to vector<16xf32>
        %mul3A_330 = arith.mulf %get3A_328, %mul3A_329 : vector<16xf32>
        %swap3A_331 = arith.index_cast %add3A_325 : i32 to index
        %swap3A_332 = arith.constant 0 : index
        %swap3A_333 = tpu.vector_load %arg24[%swap3A_331, %swap3A_332] {strides = array<i32>} : memref<208x32xf32, #tpu.memory_space<vmem>>, vector<16xf32>,
        tpu.vector_store %arg24[%swap3A_331, %swap3A_332], %mul3A_330 {strides = array<i32>} : memref<208x32xf32, #tpu.memory_space<vmem>>, vector<16xf32>,
        %get3A_334 = arith.index_cast %add3A_325 : i32 to index
        %get3A_335 = arith.constant 16 : index
        %get3A_336 = tpu.vector_load %arg24[%get3A_334, %get3A_335] {strides = array<i32>} : memref<208x32xf32, #tpu.memory_space<vmem>>, vector<16xf32>,
        %mul3A_337 = vector.broadcast %squeeze3A_321 : f32 to vector<16xf32>
        %mul3A_338 = arith.mulf %get3A_336, %mul3A_337 : vector<16xf32>
        %swap3A_339 = arith.index_cast %add3A_325 : i32 to index
        %swap3A_340 = arith.constant 16 : index
        %swap3A_341 = tpu.vector_load %arg24[%swap3A_339, %swap3A_340] {strides = array<i32>} : memref<208x32xf32, #tpu.memory_space<vmem>>, vector<16xf32>,
        tpu.vector_store %arg24[%swap3A_339, %swap3A_340], %mul3A_338 {strides = array<i32>} : memref<208x32xf32, #tpu.memory_space<vmem>>, vector<16xf32>,
        %slice3A_342 = vector.extract_strided_slice %get3A_168 {offsets = [8], sizes = [1], strides = [1]} : vector<16xf32> to vector<1xf32>
        %squeeze3A_343 = vector.extract %slice3A_342[0] : f32 from vector<1xf32>
        %mul3A_344 = arith.constant 16 : i32
        %mul3A_345 = arith.muli %scan3A_165, %mul3A_344 : i32
        %add3A_346 = arith.constant 8 : i32
        %add3A_347 = arith.addi %mul3A_345, %add3A_346 : i32
        %get3A_348 = arith.index_cast %add3A_347 : i32 to index
        %get3A_349 = arith.constant 0 : index
        %get3A_350 = tpu.vector_load %arg24[%get3A_348, %get3A_349] {strides = array<i32>} : memref<208x32xf32, #tpu.memory_space<vmem>>, vector<16xf32>,
        %mul3A_351 = vector.broadcast %squeeze3A_343 : f32 to vector<16xf32>
        %mul3A_352 = arith.mulf %get3A_350, %mul3A_351 : vector<16xf32>
        %swap3A_353 = arith.index_cast %add3A_347 : i32 to index
        %swap3A_354 = arith.constant 0 : index
        %swap3A_355 = tpu.vector_load %arg24[%swap3A_353, %swap3A_354] {strides = array<i32>} : memref<208x32xf32, #tpu.memory_space<vmem>>, vector<16xf32>,
        tpu.vector_store %arg24[%swap3A_353, %swap3A_354], %mul3A_352 {strides = array<i32>} : memref<208x32xf32, #tpu.memory_space<vmem>>, vector<16xf32>,
        %get3A_356 = arith.index_cast %add3A_347 : i32 to index
        %get3A_357 = arith.constant 16 : index
        %get3A_358 = tpu.vector_load %arg24[%get3A_356, %get3A_357] {strides = array<i32>} : memref<208x32xf32, #tpu.memory_space<vmem>>, vector<16xf32>,
        %mul3A_359 = vector.broadcast %squeeze3A_343 : f32 to vector<16xf32>
        %mul3A_360 = arith.mulf %get3A_358, %mul3A_359 : vector<16xf32>
        %swap3A_361 = arith.index_cast %add3A_347 : i32 to index
        %swap3A_362 = arith.constant 16 : index
        %swap3A_363 = tpu.vector_load %arg24[%swap3A_361, %swap3A_362] {strides = array<i32>} : memref<208x32xf32, #tpu.memory_space<vmem>>, vector<16xf32>,
        tpu.vector_store %arg24[%swap3A_361, %swap3A_362], %mul3A_360 {strides = array<i32>} : memref<208x32xf32, #tpu.memory_space<vmem>>, vector<16xf32>,
        %slice3A_364 = vector.extract_strided_slice %get3A_168 {offsets = [9], sizes = [1], strides = [1]} : vector<16xf32> to vector<1xf32>
        %squeeze3A_365 = vector.extract %slice3A_364[0] : f32 from vector<1xf32>
        %mul3A_366 = arith.constant 16 : i32
        %mul3A_367 = arith.muli %scan3A_165, %mul3A_366 : i32
        %add3A_368 = arith.constant 9 : i32
        %add3A_369 = arith.addi %mul3A_367, %add3A_368 : i32
        %get3A_370 = arith.index_cast %add3A_369 : i32 to index
        %get3A_371 = arith.constant 0 : index
        %get3A_372 = tpu.vector_load %arg24[%get3A_370, %get3A_371] {strides = array<i32>} : memref<208x32xf32, #tpu.memory_space<vmem>>, vector<16xf32>,
        %mul3A_373 = vector.broadcast %squeeze3A_365 : f32 to vector<16xf32>
        %mul3A_374 = arith.mulf %get3A_372, %mul3A_373 : vector<16xf32>
        %swap3A_375 = arith.index_cast %add3A_369 : i32 to index
        %swap3A_376 = arith.constant 0 : index
        %swap3A_377 = tpu.vector_load %arg24[%swap3A_375, %swap3A_376] {strides = array<i32>} : memref<208x32xf32, #tpu.memory_space<vmem>>, vector<16xf32>,
        tpu.vector_store %arg24[%swap3A_375, %swap3A_376], %mul3A_374 {strides = array<i32>} : memref<208x32xf32, #tpu.memory_space<vmem>>, vector<16xf32>,
        %get3A_378 = arith.index_cast %add3A_369 : i32 to index
        %get3A_379 = arith.constant 16 : index
        %get3A_380 = tpu.vector_load %arg24[%get3A_378, %get3A_379] {strides = array<i32>} : memref<208x32xf32, #tpu.memory_space<vmem>>, vector<16xf32>,
        %mul3A_381 = vector.broadcast %squeeze3A_365 : f32 to vector<16xf32>
        %mul3A_382 = arith.mulf %get3A_380, %mul3A_381 : vector<16xf32>
        %swap3A_383 = arith.index_cast %add3A_369 : i32 to index
        %swap3A_384 = arith.constant 16 : index
        %swap3A_385 = tpu.vector_load %arg24[%swap3A_383, %swap3A_384] {strides = array<i32>} : memref<208x32xf32, #tpu.memory_space<vmem>>, vector<16xf32>,
        tpu.vector_store %arg24[%swap3A_383, %swap3A_384], %mul3A_382 {strides = array<i32>} : memref<208x32xf32, #tpu.memory_space<vmem>>, vector<16xf32>,
        %slice3A_386 = vector.extract_strided_slice %get3A_168 {offsets = [10], sizes = [1], strides = [1]} : vector<16xf32> to vector<1xf32>
        %squeeze3A_387 = vector.extract %slice3A_386[0] : f32 from vector<1xf32>
        %mul3A_388 = arith.constant 16 : i32
        %mul3A_389 = arith.muli %scan3A_165, %mul3A_388 : i32
        %add3A_390 = arith.constant 10 : i32
        %add3A_391 = arith.addi %mul3A_389, %add3A_390 : i32
        %get3A_392 = arith.index_cast %add3A_391 : i32 to index
        %get3A_393 = arith.constant 0 : index
        %get3A_394 = tpu.vector_load %arg24[%get3A_392, %get3A_393] {strides = array<i32>} : memref<208x32xf32, #tpu.memory_space<vmem>>, vector<16xf32>,
        %mul3A_395 = vector.broadcast %squeeze3A_387 : f32 to vector<16xf32>
        %mul3A_396 = arith.mulf %get3A_394, %mul3A_395 : vector<16xf32>
        %swap3A_397 = arith.index_cast %add3A_391 : i32 to index
        %swap3A_398 = arith.constant 0 : index
        %swap3A_399 = tpu.vector_load %arg24[%swap3A_397, %swap3A_398] {strides = array<i32>} : memref<208x32xf32, #tpu.memory_space<vmem>>, vector<16xf32>,
        tpu.vector_store %arg24[%swap3A_397, %swap3A_398], %mul3A_396 {strides = array<i32>} : memref<208x32xf32, #tpu.memory_space<vmem>>, vector<16xf32>,
        %get3A_400 = arith.index_cast %add3A_391 : i32 to index
        %get3A_401 = arith.constant 16 : index
        %get3A_402 = tpu.vector_load %arg24[%get3A_400, %get3A_401] {strides = array<i32>} : memref<208x32xf32, #tpu.memory_space<vmem>>, vector<16xf32>,
        %mul3A_403 = vector.broadcast %squeeze3A_387 : f32 to vector<16xf32>
        %mul3A_404 = arith.mulf %get3A_402, %mul3A_403 : vector<16xf32>
        %swap3A_405 = arith.index_cast %add3A_391 : i32 to index
        %swap3A_406 = arith.constant 16 : index
        %swap3A_407 = tpu.vector_load %arg24[%swap3A_405, %swap3A_406] {strides = array<i32>} : memref<208x32xf32, #tpu.memory_space<vmem>>, vector<16xf32>,
        tpu.vector_store %arg24[%swap3A_405, %swap3A_406], %mul3A_404 {strides = array<i32>} : memref<208x32xf32, #tpu.memory_space<vmem>>, vector<16xf32>,
        %slice3A_408 = vector.extract_strided_slice %get3A_168 {offsets = [11], sizes = [1], strides = [1]} : vector<16xf32> to vector<1xf32>
        %squeeze3A_409 = vector.extract %slice3A_408[0] : f32 from vector<1xf32>
        %mul3A_410 = arith.constant 16 : i32
        %mul3A_411 = arith.muli %scan3A_165, %mul3A_410 : i32
        %add3A_412 = arith.constant 11 : i32
        %add3A_413 = arith.addi %mul3A_411, %add3A_412 : i32
        %get3A_414 = arith.index_cast %add3A_413 : i32 to index
        %get3A_415 = arith.constant 0 : index
        %get3A_416 = tpu.vector_load %arg24[%get3A_414, %get3A_415] {strides = array<i32>} : memref<208x32xf32, #tpu.memory_space<vmem>>, vector<16xf32>,
        %mul3A_417 = vector.broadcast %squeeze3A_409 : f32 to vector<16xf32>
        %mul3A_418 = arith.mulf %get3A_416, %mul3A_417 : vector<16xf32>
        %swap3A_419 = arith.index_cast %add3A_413 : i32 to index
        %swap3A_420 = arith.constant 0 : index
        %swap3A_421 = tpu.vector_load %arg24[%swap3A_419, %swap3A_420] {strides = array<i32>} : memref<208x32xf32, #tpu.memory_space<vmem>>, vector<16xf32>,
        tpu.vector_store %arg24[%swap3A_419, %swap3A_420], %mul3A_418 {strides = array<i32>} : memref<208x32xf32, #tpu.memory_space<vmem>>, vector<16xf32>,
        %get3A_422 = arith.index_cast %add3A_413 : i32 to index
        %get3A_423 = arith.constant 16 : index
        %get3A_424 = tpu.vector_load %arg24[%get3A_422, %get3A_423] {strides = array<i32>} : memref<208x32xf32, #tpu.memory_space<vmem>>, vector<16xf32>,
        %mul3A_425 = vector.broadcast %squeeze3A_409 : f32 to vector<16xf32>
        %mul3A_426 = arith.mulf %get3A_424, %mul3A_425 : vector<16xf32>
        %swap3A_427 = arith.index_cast %add3A_413 : i32 to index
        %swap3A_428 = arith.constant 16 : index
        %swap3A_429 = tpu.vector_load %arg24[%swap3A_427, %swap3A_428] {strides = array<i32>} : memref<208x32xf32, #tpu.memory_space<vmem>>, vector<16xf32>,
        tpu.vector_store %arg24[%swap3A_427, %swap3A_428], %mul3A_426 {strides = array<i32>} : memref<208x32xf32, #tpu.memory_space<vmem>>, vector<16xf32>,
        %slice3A_430 = vector.extract_strided_slice %get3A_168 {offsets = [12], sizes = [1], strides = [1]} : vector<16xf32> to vector<1xf32>
        %squeeze3A_431 = vector.extract %slice3A_430[0] : f32 from vector<1xf32>
        %mul3A_432 = arith.constant 16 : i32
        %mul3A_433 = arith.muli %scan3A_165, %mul3A_432 : i32
        %add3A_434 = arith.constant 12 : i32
        %add3A_435 = arith.addi %mul3A_433, %add3A_434 : i32
        %get3A_436 = arith.index_cast %add3A_435 : i32 to index
        %get3A_437 = arith.constant 0 : index
        %get3A_438 = tpu.vector_load %arg24[%get3A_436, %get3A_437] {strides = array<i32>} : memref<208x32xf32, #tpu.memory_space<vmem>>, vector<16xf32>,
        %mul3A_439 = vector.broadcast %squeeze3A_431 : f32 to vector<16xf32>
        %mul3A_440 = arith.mulf %get3A_438, %mul3A_439 : vector<16xf32>
        %swap3A_441 = arith.index_cast %add3A_435 : i32 to index
        %swap3A_442 = arith.constant 0 : index
        %swap3A_443 = tpu.vector_load %arg24[%swap3A_441, %swap3A_442] {strides = array<i32>} : memref<208x32xf32, #tpu.memory_space<vmem>>, vector<16xf32>,
        tpu.vector_store %arg24[%swap3A_441, %swap3A_442], %mul3A_440 {strides = array<i32>} : memref<208x32xf32, #tpu.memory_space<vmem>>, vector<16xf32>,
        %get3A_444 = arith.index_cast %add3A_435 : i32 to index
        %get3A_445 = arith.constant 16 : index
        %get3A_446 = tpu.vector_load %arg24[%get3A_444, %get3A_445] {strides = array<i32>} : memref<208x32xf32, #tpu.memory_space<vmem>>, vector<16xf32>,
        %mul3A_447 = vector.broadcast %squeeze3A_431 : f32 to vector<16xf32>
        %mul3A_448 = arith.mulf %get3A_446, %mul3A_447 : vector<16xf32>
        %swap3A_449 = arith.index_cast %add3A_435 : i32 to index
        %swap3A_450 = arith.constant 16 : index
        %swap3A_451 = tpu.vector_load %arg24[%swap3A_449, %swap3A_450] {strides = array<i32>} : memref<208x32xf32, #tpu.memory_space<vmem>>, vector<16xf32>,
        tpu.vector_store %arg24[%swap3A_449, %swap3A_450], %mul3A_448 {strides = array<i32>} : memref<208x32xf32, #tpu.memory_space<vmem>>, vector<16xf32>,
        %slice3A_452 = vector.extract_strided_slice %get3A_168 {offsets = [13], sizes = [1], strides = [1]} : vector<16xf32> to vector<1xf32>
        %squeeze3A_453 = vector.extract %slice3A_452[0] : f32 from vector<1xf32>
        %mul3A_454 = arith.constant 16 : i32
        %mul3A_455 = arith.muli %scan3A_165, %mul3A_454 : i32
        %add3A_456 = arith.constant 13 : i32
        %add3A_457 = arith.addi %mul3A_455, %add3A_456 : i32
        %get3A_458 = arith.index_cast %add3A_457 : i32 to index
        %get3A_459 = arith.constant 0 : index
        %get3A_460 = tpu.vector_load %arg24[%get3A_458, %get3A_459] {strides = array<i32>} : memref<208x32xf32, #tpu.memory_space<vmem>>, vector<16xf32>,
        %mul3A_461 = vector.broadcast %squeeze3A_453 : f32 to vector<16xf32>
        %mul3A_462 = arith.mulf %get3A_460, %mul3A_461 : vector<16xf32>
        %swap3A_463 = arith.index_cast %add3A_457 : i32 to index
        %swap3A_464 = arith.constant 0 : index
        %swap3A_465 = tpu.vector_load %arg24[%swap3A_463, %swap3A_464] {strides = array<i32>} : memref<208x32xf32, #tpu.memory_space<vmem>>, vector<16xf32>,
        tpu.vector_store %arg24[%swap3A_463, %swap3A_464], %mul3A_462 {strides = array<i32>} : memref<208x32xf32, #tpu.memory_space<vmem>>, vector<16xf32>,
        %get3A_466 = arith.index_cast %add3A_457 : i32 to index
        %get3A_467 = arith.constant 16 : index
        %get3A_468 = tpu.vector_load %arg24[%get3A_466, %get3A_467] {strides = array<i32>} : memref<208x32xf32, #tpu.memory_space<vmem>>, vector<16xf32>,
        %mul3A_469 = vector.broadcast %squeeze3A_453 : f32 to vector<16xf32>
        %mul3A_470 = arith.mulf %get3A_468, %mul3A_469 : vector<16xf32>
        %swap3A_471 = arith.index_cast %add3A_457 : i32 to index
        %swap3A_472 = arith.constant 16 : index
        %swap3A_473 = tpu.vector_load %arg24[%swap3A_471, %swap3A_472] {strides = array<i32>} : memref<208x32xf32, #tpu.memory_space<vmem>>, vector<16xf32>,
        tpu.vector_store %arg24[%swap3A_471, %swap3A_472], %mul3A_470 {strides = array<i32>} : memref<208x32xf32, #tpu.memory_space<vmem>>, vector<16xf32>,
        %slice3A_474 = vector.extract_strided_slice %get3A_168 {offsets = [14], sizes = [1], strides = [1]} : vector<16xf32> to vector<1xf32>
        %squeeze3A_475 = vector.extract %slice3A_474[0] : f32 from vector<1xf32>
        %mul3A_476 = arith.constant 16 : i32
        %mul3A_477 = arith.muli %scan3A_165, %mul3A_476 : i32
        %add3A_478 = arith.constant 14 : i32
        %add3A_479 = arith.addi %mul3A_477, %add3A_478 : i32
        %get3A_480 = arith.index_cast %add3A_479 : i32 to index
        %get3A_481 = arith.constant 0 : index
        %get3A_482 = tpu.vector_load %arg24[%get3A_480, %get3A_481] {strides = array<i32>} : memref<208x32xf32, #tpu.memory_space<vmem>>, vector<16xf32>,
        %mul3A_483 = vector.broadcast %squeeze3A_475 : f32 to vector<16xf32>
        %mul3A_484 = arith.mulf %get3A_482, %mul3A_483 : vector<16xf32>
        %swap3A_485 = arith.index_cast %add3A_479 : i32 to index
        %swap3A_486 = arith.constant 0 : index
        %swap3A_487 = tpu.vector_load %arg24[%swap3A_485, %swap3A_486] {strides = array<i32>} : memref<208x32xf32, #tpu.memory_space<vmem>>, vector<16xf32>,
        tpu.vector_store %arg24[%swap3A_485, %swap3A_486], %mul3A_484 {strides = array<i32>} : memref<208x32xf32, #tpu.memory_space<vmem>>, vector<16xf32>,
        %get3A_488 = arith.index_cast %add3A_479 : i32 to index
        %get3A_489 = arith.constant 16 : index
        %get3A_490 = tpu.vector_load %arg24[%get3A_488, %get3A_489] {strides = array<i32>} : memref<208x32xf32, #tpu.memory_space<vmem>>, vector<16xf32>,
        %mul3A_491 = vector.broadcast %squeeze3A_475 : f32 to vector<16xf32>
        %mul3A_492 = arith.mulf %get3A_490, %mul3A_491 : vector<16xf32>
        %swap3A_493 = arith.index_cast %add3A_479 : i32 to index
        %swap3A_494 = arith.constant 16 : index
        %swap3A_495 = tpu.vector_load %arg24[%swap3A_493, %swap3A_494] {strides = array<i32>} : memref<208x32xf32, #tpu.memory_space<vmem>>, vector<16xf32>,
        tpu.vector_store %arg24[%swap3A_493, %swap3A_494], %mul3A_492 {strides = array<i32>} : memref<208x32xf32, #tpu.memory_space<vmem>>, vector<16xf32>,
        %slice3A_496 = vector.extract_strided_slice %get3A_168 {offsets = [15], sizes = [1], strides = [1]} : vector<16xf32> to vector<1xf32>
        %squeeze3A_497 = vector.extract %slice3A_496[0] : f32 from vector<1xf32>
        %mul3A_498 = arith.constant 16 : i32
        %mul3A_499 = arith.muli %scan3A_165, %mul3A_498 : i32
        %add3A_500 = arith.constant 15 : i32
        %add3A_501 = arith.addi %mul3A_499, %add3A_500 : i32
        %get3A_502 = arith.index_cast %add3A_501 : i32 to index
        %get3A_503 = arith.constant 0 : index
        %get3A_504 = tpu.vector_load %arg24[%get3A_502, %get3A_503] {strides = array<i32>} : memref<208x32xf32, #tpu.memory_space<vmem>>, vector<16xf32>,
        %mul3A_505 = vector.broadcast %squeeze3A_497 : f32 to vector<16xf32>
        %mul3A_506 = arith.mulf %get3A_504, %mul3A_505 : vector<16xf32>
        %swap3A_507 = arith.index_cast %add3A_501 : i32 to index
        %swap3A_508 = arith.constant 0 : index
        %swap3A_509 = tpu.vector_load %arg24[%swap3A_507, %swap3A_508] {strides = array<i32>} : memref<208x32xf32, #tpu.memory_space<vmem>>, vector<16xf32>,
        tpu.vector_store %arg24[%swap3A_507, %swap3A_508], %mul3A_506 {strides = array<i32>} : memref<208x32xf32, #tpu.memory_space<vmem>>, vector<16xf32>,
        %get3A_510 = arith.index_cast %add3A_501 : i32 to index
        %get3A_511 = arith.constant 16 : index
        %get3A_512 = tpu.vector_load %arg24[%get3A_510, %get3A_511] {strides = array<i32>} : memref<208x32xf32, #tpu.memory_space<vmem>>, vector<16xf32>,
        %mul3A_513 = vector.broadcast %squeeze3A_497 : f32 to vector<16xf32>
        %mul3A_514 = arith.mulf %get3A_512, %mul3A_513 : vector<16xf32>
        %swap3A_515 = arith.index_cast %add3A_501 : i32 to index
        %swap3A_516 = arith.constant 16 : index
        %swap3A_517 = tpu.vector_load %arg24[%swap3A_515, %swap3A_516] {strides = array<i32>} : memref<208x32xf32, #tpu.memory_space<vmem>>, vector<16xf32>,
        tpu.vector_store %arg24[%swap3A_515, %swap3A_516], %mul3A_514 {strides = array<i32>} : memref<208x32xf32, #tpu.memory_space<vmem>>, vector<16xf32>,
      }
      %scan3A_123 = arith.constant 13 : i32
      %dma_start3A_124 = arith.constant 0 : i32
      %dma_start3A_125 = arith.constant 0 : i32
      %dma_start3A_126 = tpu.memref_slice %arg11[%dma_start3A_124, %dma_start3A_125] : memref<50000x32xf32, #tpu.memory_space<vmem_shared>> -> memref<50000x32xf32, #tpu.memory_space<vmem_shared>>
      tpu.enqueue_indirect_dma source(%arg24 : memref<208x32xf32, #tpu.memory_space<vmem>>) target(%dma_start3A_126 : memref<50000x32xf32, #tpu.memory_space<vmem_shared>>) offsets(%arg16 : memref<208xi32, #tpu.memory_space<vmem>>) semaphore(%arg33 : memref<!tpu.dma_semaphore, #tpu.memory_space<semaphore_mem>>) {add = true}
      %dma_wait3A_127 = arith.constant 0 : i32
      %dma_wait3A_128 = tpu.memref_slice %arg12[%dma_wait3A_127] : memref<50000xf32, #tpu.memory_space<vmem_shared>> -> memref<50000xf32, #tpu.memory_space<vmem_shared>>
      tpu.wait_indirect_dma semaphore(%arg28 : memref<!tpu.dma_semaphore, #tpu.memory_space<semaphore_mem>>) src(%dma_wait3A_128 : memref<50000xf32, #tpu.memory_space<vmem_shared>>) dst(%arg19 : memref<192xf32, #tpu.memory_space<vmem>>)
      %dma_wait3A_129 = arith.constant 0 : i32
      %dma_wait3A_130 = tpu.memref_slice %arg13[%dma_wait3A_129] : memref<50000xf32, #tpu.memory_space<vmem_shared>> -> memref<50000xf32, #tpu.memory_space<vmem_shared>>
      tpu.wait_indirect_dma semaphore(%arg29 : memref<!tpu.dma_semaphore, #tpu.memory_space<semaphore_mem>>) src(%dma_wait3A_130 : memref<50000xf32, #tpu.memory_space<vmem_shared>>) dst(%arg21 : memref<192xf32, #tpu.memory_space<vmem>>)
      %scan3A_131 = arith.constant 0 : i32
      %scan3A_132 = arith.constant 0 : i32
      %scan3A_133 = arith.constant 12 : i32
      %scan3A_134 = arith.addi %scan3A_132, %scan3A_133 : i32
      %scan3A_135 = arith.constant 1 : i32
      scf.for %scan3A_165 = %scan3A_132 to %scan3A_134 step %scan3A_135  : i32 {
        %mul3A_166 = arith.constant 16 : i32
        %mul3A_167 = arith.muli %scan3A_165, %mul3A_166 : i32
        %get3A = arith.index_cast %mul3A_167 : i32 to index
        %get3A_168 = tpu.vector_load %arg19[%get3A] {strides = array<i32>} : memref<192xf32, #tpu.memory_space<vmem>>, vector<16xf32>,
        %mul3A_169 = arith.constant 16 : i32
        %mul3A_170 = arith.muli %scan3A_165, %mul3A_169 : i32
        %get3A_171 = arith.index_cast %mul3A_170 : i32 to index
        %get3A_172 = tpu.vector_load %arg21[%get3A_171] {strides = array<i32>} : memref<192xf32, #tpu.memory_space<vmem>>, vector<16xf32>,
        %add3A_173 = arith.addf %get3A_168, %get3A_172 : vector<16xf32>
        %ge3A = arith.constant 0.000000e+00 : f32
        %ge3A_174 = vector.broadcast %ge3A : f32 to vector<16xf32>
        %ge3A_175 = arith.cmpf oge, %add3A_173, %ge3A_174 : vector<16xf32>
        %mul3A_176 = arith.constant 2.000000e-01 : f32
        %mul3A_177 = vector.broadcast %mul3A_176 : f32 to vector<16xf32>
        %mul3A_178 = arith.mulf %mul3A_177, %add3A_173 : vector<16xf32>
        %select_n3A = arith.select %ge3A_175, %add3A_173, %mul3A_178 : vector<16xi1>, vector<16xf32>
        %exp3A = math.exp %select_n3A : vector<16xf32>
        %mul3A_179 = arith.constant 16 : i32
        %mul3A_180 = arith.muli %scan3A_165, %mul3A_179 : i32
        %swap3A = arith.index_cast %mul3A_180 : i32 to index
        %swap3A_181 = tpu.vector_load %arg23[%swap3A] {strides = array<i32>} : memref<192xf32, #tpu.memory_space<vmem>>, vector<16xf32>,
        tpu.vector_store %arg23[%swap3A], %exp3A {strides = array<i32>} : memref<192xf32, #tpu.memory_space<vmem>>, vector<16xf32>,
      }
      %scan3A_136 = arith.constant 12 : i32
      %dma_start3A_137 = arith.constant 0 : i32
      %dma_start3A_138 = tpu.memref_slice %arg10[%dma_start3A_137] : memref<50000xf32, #tpu.memory_space<vmem_shared>> -> memref<50000xf32, #tpu.memory_space<vmem_shared>>
      tpu.enqueue_indirect_dma source(%arg23 : memref<192xf32, #tpu.memory_space<vmem>>) target(%dma_start3A_138 : memref<50000xf32, #tpu.memory_space<vmem_shared>>) offsets(%arg17 : memref<192xi32, #tpu.memory_space<vmem>>) semaphore(%arg32 : memref<!tpu.dma_semaphore, #tpu.memory_space<semaphore_mem>>) {add = true}
      %dma_wait3A_139 = arith.constant 0 : i32
      %dma_wait3A_140 = arith.constant 0 : i32
      %dma_wait3A_141 = tpu.memref_slice %arg2[%arg0, %dma_wait3A_139, %dma_wait3A_140] : memref<2x50000x32xf32, #tpu.memory_space<hbm>> -> memref<1x50000x32xf32, #tpu.memory_space<hbm>>
      %dma_wait3A_142 = tpu.memref_squeeze %dma_wait3A_141 : memref<1x50000x32xf32, #tpu.memory_space<hbm>> -> memref<50000x32xf32, #tpu.memory_space<hbm>>
      %dma_wait3A_143 = arith.constant 0 : i32
      %dma_wait3A_144 = arith.constant 0 : i32
      %dma_wait3A_145 = tpu.memref_slice %dma_wait3A_142[%dma_wait3A_143, %dma_wait3A_144] : memref<50000x32xf32, #tpu.memory_space<hbm>> -> memref<50000x32xf32, #tpu.memory_space<hbm>>
      tpu.wait_indirect_dma semaphore(%arg31 : memref<!tpu.dma_semaphore, #tpu.memory_space<semaphore_mem>>) src(%dma_wait3A_145 : memref<50000x32xf32, #tpu.memory_space<hbm>>) dst(%arg25 : memref<192x32xf32, #tpu.memory_space<vmem>>)
      %scan3A_146 = arith.constant 0 : i32
      %scan3A_147 = arith.constant 0 : i32
      %scan3A_148 = arith.constant 12 : i32
      %scan3A_149 = arith.addi %scan3A_147, %scan3A_148 : i32
      %scan3A_150 = arith.constant 1 : i32
      scf.for %scan3A_165 = %scan3A_147 to %scan3A_149 step %scan3A_150  : i32 {
        %mul3A_166 = arith.constant 16 : i32
        %mul3A_167 = arith.muli %scan3A_165, %mul3A_166 : i32
        %get3A = arith.index_cast %mul3A_167 : i32 to index
        %get3A_168 = tpu.vector_load %arg23[%get3A] {strides = array<i32>} : memref<192xf32, #tpu.memory_space<vmem>>, vector<16xf32>,
        %slice3A = vector.extract_strided_slice %get3A_168 {offsets = [0], sizes = [1], strides = [1]} : vector<16xf32> to vector<1xf32>
        %squeeze3A = vector.extract %slice3A[0] : f32 from vector<1xf32>
        %mul3A_169 = arith.constant 16 : i32
        %mul3A_170 = arith.muli %scan3A_165, %mul3A_169 : i32
        %add3A_171 = arith.constant 0 : i32
        %add3A_172 = arith.addi %mul3A_170, %add3A_171 : i32
        %get3A_173 = arith.index_cast %add3A_172 : i32 to index
        %get3A_174 = arith.constant 0 : index
        %get3A_175 = tpu.vector_load %arg25[%get3A_173, %get3A_174] {strides = array<i32>} : memref<192x32xf32, #tpu.memory_space<vmem>>, vector<16xf32>,
        %mul3A_176 = vector.broadcast %squeeze3A : f32 to vector<16xf32>
        %mul3A_177 = arith.mulf %get3A_175, %mul3A_176 : vector<16xf32>
        %swap3A = arith.index_cast %add3A_172 : i32 to index
        %swap3A_178 = arith.constant 0 : index
        %swap3A_179 = tpu.vector_load %arg25[%swap3A, %swap3A_178] {strides = array<i32>} : memref<192x32xf32, #tpu.memory_space<vmem>>, vector<16xf32>,
        tpu.vector_store %arg25[%swap3A, %swap3A_178], %mul3A_177 {strides = array<i32>} : memref<192x32xf32, #tpu.memory_space<vmem>>, vector<16xf32>,
        %get3A_180 = arith.index_cast %add3A_172 : i32 to index
        %get3A_181 = arith.constant 16 : index
        %get3A_182 = tpu.vector_load %arg25[%get3A_180, %get3A_181] {strides = array<i32>} : memref<192x32xf32, #tpu.memory_space<vmem>>, vector<16xf32>,
        %mul3A_183 = vector.broadcast %squeeze3A : f32 to vector<16xf32>
        %mul3A_184 = arith.mulf %get3A_182, %mul3A_183 : vector<16xf32>
        %swap3A_185 = arith.index_cast %add3A_172 : i32 to index
        %swap3A_186 = arith.constant 16 : index
        %swap3A_187 = tpu.vector_load %arg25[%swap3A_185, %swap3A_186] {strides = array<i32>} : memref<192x32xf32, #tpu.memory_space<vmem>>, vector<16xf32>,
        tpu.vector_store %arg25[%swap3A_185, %swap3A_186], %mul3A_184 {strides = array<i32>} : memref<192x32xf32, #tpu.memory_space<vmem>>, vector<16xf32>,
        %slice3A_188 = vector.extract_strided_slice %get3A_168 {offsets = [1], sizes = [1], strides = [1]} : vector<16xf32> to vector<1xf32>
        %squeeze3A_189 = vector.extract %slice3A_188[0] : f32 from vector<1xf32>
        %mul3A_190 = arith.constant 16 : i32
        %mul3A_191 = arith.muli %scan3A_165, %mul3A_190 : i32
        %add3A_192 = arith.constant 1 : i32
        %add3A_193 = arith.addi %mul3A_191, %add3A_192 : i32
        %get3A_194 = arith.index_cast %add3A_193 : i32 to index
        %get3A_195 = arith.constant 0 : index
        %get3A_196 = tpu.vector_load %arg25[%get3A_194, %get3A_195] {strides = array<i32>} : memref<192x32xf32, #tpu.memory_space<vmem>>, vector<16xf32>,
        %mul3A_197 = vector.broadcast %squeeze3A_189 : f32 to vector<16xf32>
        %mul3A_198 = arith.mulf %get3A_196, %mul3A_197 : vector<16xf32>
        %swap3A_199 = arith.index_cast %add3A_193 : i32 to index
        %swap3A_200 = arith.constant 0 : index
        %swap3A_201 = tpu.vector_load %arg25[%swap3A_199, %swap3A_200] {strides = array<i32>} : memref<192x32xf32, #tpu.memory_space<vmem>>, vector<16xf32>,
        tpu.vector_store %arg25[%swap3A_199, %swap3A_200], %mul3A_198 {strides = array<i32>} : memref<192x32xf32, #tpu.memory_space<vmem>>, vector<16xf32>,
        %get3A_202 = arith.index_cast %add3A_193 : i32 to index
        %get3A_203 = arith.constant 16 : index
        %get3A_204 = tpu.vector_load %arg25[%get3A_202, %get3A_203] {strides = array<i32>} : memref<192x32xf32, #tpu.memory_space<vmem>>, vector<16xf32>,
        %mul3A_205 = vector.broadcast %squeeze3A_189 : f32 to vector<16xf32>
        %mul3A_206 = arith.mulf %get3A_204, %mul3A_205 : vector<16xf32>
        %swap3A_207 = arith.index_cast %add3A_193 : i32 to index
        %swap3A_208 = arith.constant 16 : index
        %swap3A_209 = tpu.vector_load %arg25[%swap3A_207, %swap3A_208] {strides = array<i32>} : memref<192x32xf32, #tpu.memory_space<vmem>>, vector<16xf32>,
        tpu.vector_store %arg25[%swap3A_207, %swap3A_208], %mul3A_206 {strides = array<i32>} : memref<192x32xf32, #tpu.memory_space<vmem>>, vector<16xf32>,
        %slice3A_210 = vector.extract_strided_slice %get3A_168 {offsets = [2], sizes = [1], strides = [1]} : vector<16xf32> to vector<1xf32>
        %squeeze3A_211 = vector.extract %slice3A_210[0] : f32 from vector<1xf32>
        %mul3A_212 = arith.constant 16 : i32
        %mul3A_213 = arith.muli %scan3A_165, %mul3A_212 : i32
        %add3A_214 = arith.constant 2 : i32
        %add3A_215 = arith.addi %mul3A_213, %add3A_214 : i32
        %get3A_216 = arith.index_cast %add3A_215 : i32 to index
        %get3A_217 = arith.constant 0 : index
        %get3A_218 = tpu.vector_load %arg25[%get3A_216, %get3A_217] {strides = array<i32>} : memref<192x32xf32, #tpu.memory_space<vmem>>, vector<16xf32>,
        %mul3A_219 = vector.broadcast %squeeze3A_211 : f32 to vector<16xf32>
        %mul3A_220 = arith.mulf %get3A_218, %mul3A_219 : vector<16xf32>
        %swap3A_221 = arith.index_cast %add3A_215 : i32 to index
        %swap3A_222 = arith.constant 0 : index
        %swap3A_223 = tpu.vector_load %arg25[%swap3A_221, %swap3A_222] {strides = array<i32>} : memref<192x32xf32, #tpu.memory_space<vmem>>, vector<16xf32>,
        tpu.vector_store %arg25[%swap3A_221, %swap3A_222], %mul3A_220 {strides = array<i32>} : memref<192x32xf32, #tpu.memory_space<vmem>>, vector<16xf32>,
        %get3A_224 = arith.index_cast %add3A_215 : i32 to index
        %get3A_225 = arith.constant 16 : index
        %get3A_226 = tpu.vector_load %arg25[%get3A_224, %get3A_225] {strides = array<i32>} : memref<192x32xf32, #tpu.memory_space<vmem>>, vector<16xf32>,
        %mul3A_227 = vector.broadcast %squeeze3A_211 : f32 to vector<16xf32>
        %mul3A_228 = arith.mulf %get3A_226, %mul3A_227 : vector<16xf32>
        %swap3A_229 = arith.index_cast %add3A_215 : i32 to index
        %swap3A_230 = arith.constant 16 : index
        %swap3A_231 = tpu.vector_load %arg25[%swap3A_229, %swap3A_230] {strides = array<i32>} : memref<192x32xf32, #tpu.memory_space<vmem>>, vector<16xf32>,
        tpu.vector_store %arg25[%swap3A_229, %swap3A_230], %mul3A_228 {strides = array<i32>} : memref<192x32xf32, #tpu.memory_space<vmem>>, vector<16xf32>,
        %slice3A_232 = vector.extract_strided_slice %get3A_168 {offsets = [3], sizes = [1], strides = [1]} : vector<16xf32> to vector<1xf32>
        %squeeze3A_233 = vector.extract %slice3A_232[0] : f32 from vector<1xf32>
        %mul3A_234 = arith.constant 16 : i32
        %mul3A_235 = arith.muli %scan3A_165, %mul3A_234 : i32
        %add3A_236 = arith.constant 3 : i32
        %add3A_237 = arith.addi %mul3A_235, %add3A_236 : i32
        %get3A_238 = arith.index_cast %add3A_237 : i32 to index
        %get3A_239 = arith.constant 0 : index
        %get3A_240 = tpu.vector_load %arg25[%get3A_238, %get3A_239] {strides = array<i32>} : memref<192x32xf32, #tpu.memory_space<vmem>>, vector<16xf32>,
        %mul3A_241 = vector.broadcast %squeeze3A_233 : f32 to vector<16xf32>
        %mul3A_242 = arith.mulf %get3A_240, %mul3A_241 : vector<16xf32>
        %swap3A_243 = arith.index_cast %add3A_237 : i32 to index
        %swap3A_244 = arith.constant 0 : index
        %swap3A_245 = tpu.vector_load %arg25[%swap3A_243, %swap3A_244] {strides = array<i32>} : memref<192x32xf32, #tpu.memory_space<vmem>>, vector<16xf32>,
        tpu.vector_store %arg25[%swap3A_243, %swap3A_244], %mul3A_242 {strides = array<i32>} : memref<192x32xf32, #tpu.memory_space<vmem>>, vector<16xf32>,
        %get3A_246 = arith.index_cast %add3A_237 : i32 to index
        %get3A_247 = arith.constant 16 : index
        %get3A_248 = tpu.vector_load %arg25[%get3A_246, %get3A_247] {strides = array<i32>} : memref<192x32xf32, #tpu.memory_space<vmem>>, vector<16xf32>,
        %mul3A_249 = vector.broadcast %squeeze3A_233 : f32 to vector<16xf32>
        %mul3A_250 = arith.mulf %get3A_248, %mul3A_249 : vector<16xf32>
        %swap3A_251 = arith.index_cast %add3A_237 : i32 to index
        %swap3A_252 = arith.constant 16 : index
        %swap3A_253 = tpu.vector_load %arg25[%swap3A_251, %swap3A_252] {strides = array<i32>} : memref<192x32xf32, #tpu.memory_space<vmem>>, vector<16xf32>,
        tpu.vector_store %arg25[%swap3A_251, %swap3A_252], %mul3A_250 {strides = array<i32>} : memref<192x32xf32, #tpu.memory_space<vmem>>, vector<16xf32>,
        %slice3A_254 = vector.extract_strided_slice %get3A_168 {offsets = [4], sizes = [1], strides = [1]} : vector<16xf32> to vector<1xf32>
        %squeeze3A_255 = vector.extract %slice3A_254[0] : f32 from vector<1xf32>
        %mul3A_256 = arith.constant 16 : i32
        %mul3A_257 = arith.muli %scan3A_165, %mul3A_256 : i32
        %add3A_258 = arith.constant 4 : i32
        %add3A_259 = arith.addi %mul3A_257, %add3A_258 : i32
        %get3A_260 = arith.index_cast %add3A_259 : i32 to index
        %get3A_261 = arith.constant 0 : index
        %get3A_262 = tpu.vector_load %arg25[%get3A_260, %get3A_261] {strides = array<i32>} : memref<192x32xf32, #tpu.memory_space<vmem>>, vector<16xf32>,
        %mul3A_263 = vector.broadcast %squeeze3A_255 : f32 to vector<16xf32>
        %mul3A_264 = arith.mulf %get3A_262, %mul3A_263 : vector<16xf32>
        %swap3A_265 = arith.index_cast %add3A_259 : i32 to index
        %swap3A_266 = arith.constant 0 : index
        %swap3A_267 = tpu.vector_load %arg25[%swap3A_265, %swap3A_266] {strides = array<i32>} : memref<192x32xf32, #tpu.memory_space<vmem>>, vector<16xf32>,
        tpu.vector_store %arg25[%swap3A_265, %swap3A_266], %mul3A_264 {strides = array<i32>} : memref<192x32xf32, #tpu.memory_space<vmem>>, vector<16xf32>,
        %get3A_268 = arith.index_cast %add3A_259 : i32 to index
        %get3A_269 = arith.constant 16 : index
        %get3A_270 = tpu.vector_load %arg25[%get3A_268, %get3A_269] {strides = array<i32>} : memref<192x32xf32, #tpu.memory_space<vmem>>, vector<16xf32>,
        %mul3A_271 = vector.broadcast %squeeze3A_255 : f32 to vector<16xf32>
        %mul3A_272 = arith.mulf %get3A_270, %mul3A_271 : vector<16xf32>
        %swap3A_273 = arith.index_cast %add3A_259 : i32 to index
        %swap3A_274 = arith.constant 16 : index
        %swap3A_275 = tpu.vector_load %arg25[%swap3A_273, %swap3A_274] {strides = array<i32>} : memref<192x32xf32, #tpu.memory_space<vmem>>, vector<16xf32>,
        tpu.vector_store %arg25[%swap3A_273, %swap3A_274], %mul3A_272 {strides = array<i32>} : memref<192x32xf32, #tpu.memory_space<vmem>>, vector<16xf32>,
        %slice3A_276 = vector.extract_strided_slice %get3A_168 {offsets = [5], sizes = [1], strides = [1]} : vector<16xf32> to vector<1xf32>
        %squeeze3A_277 = vector.extract %slice3A_276[0] : f32 from vector<1xf32>
        %mul3A_278 = arith.constant 16 : i32
        %mul3A_279 = arith.muli %scan3A_165, %mul3A_278 : i32
        %add3A_280 = arith.constant 5 : i32
        %add3A_281 = arith.addi %mul3A_279, %add3A_280 : i32
        %get3A_282 = arith.index_cast %add3A_281 : i32 to index
        %get3A_283 = arith.constant 0 : index
        %get3A_284 = tpu.vector_load %arg25[%get3A_282, %get3A_283] {strides = array<i32>} : memref<192x32xf32, #tpu.memory_space<vmem>>, vector<16xf32>,
        %mul3A_285 = vector.broadcast %squeeze3A_277 : f32 to vector<16xf32>
        %mul3A_286 = arith.mulf %get3A_284, %mul3A_285 : vector<16xf32>
        %swap3A_287 = arith.index_cast %add3A_281 : i32 to index
        %swap3A_288 = arith.constant 0 : index
        %swap3A_289 = tpu.vector_load %arg25[%swap3A_287, %swap3A_288] {strides = array<i32>} : memref<192x32xf32, #tpu.memory_space<vmem>>, vector<16xf32>,
        tpu.vector_store %arg25[%swap3A_287, %swap3A_288], %mul3A_286 {strides = array<i32>} : memref<192x32xf32, #tpu.memory_space<vmem>>, vector<16xf32>,
        %get3A_290 = arith.index_cast %add3A_281 : i32 to index
        %get3A_291 = arith.constant 16 : index
        %get3A_292 = tpu.vector_load %arg25[%get3A_290, %get3A_291] {strides = array<i32>} : memref<192x32xf32, #tpu.memory_space<vmem>>, vector<16xf32>,
        %mul3A_293 = vector.broadcast %squeeze3A_277 : f32 to vector<16xf32>
        %mul3A_294 = arith.mulf %get3A_292, %mul3A_293 : vector<16xf32>
        %swap3A_295 = arith.index_cast %add3A_281 : i32 to index
        %swap3A_296 = arith.constant 16 : index
        %swap3A_297 = tpu.vector_load %arg25[%swap3A_295, %swap3A_296] {strides = array<i32>} : memref<192x32xf32, #tpu.memory_space<vmem>>, vector<16xf32>,
        tpu.vector_store %arg25[%swap3A_295, %swap3A_296], %mul3A_294 {strides = array<i32>} : memref<192x32xf32, #tpu.memory_space<vmem>>, vector<16xf32>,
        %slice3A_298 = vector.extract_strided_slice %get3A_168 {offsets = [6], sizes = [1], strides = [1]} : vector<16xf32> to vector<1xf32>
        %squeeze3A_299 = vector.extract %slice3A_298[0] : f32 from vector<1xf32>
        %mul3A_300 = arith.constant 16 : i32
        %mul3A_301 = arith.muli %scan3A_165, %mul3A_300 : i32
        %add3A_302 = arith.constant 6 : i32
        %add3A_303 = arith.addi %mul3A_301, %add3A_302 : i32
        %get3A_304 = arith.index_cast %add3A_303 : i32 to index
        %get3A_305 = arith.constant 0 : index
        %get3A_306 = tpu.vector_load %arg25[%get3A_304, %get3A_305] {strides = array<i32>} : memref<192x32xf32, #tpu.memory_space<vmem>>, vector<16xf32>,
        %mul3A_307 = vector.broadcast %squeeze3A_299 : f32 to vector<16xf32>
        %mul3A_308 = arith.mulf %get3A_306, %mul3A_307 : vector<16xf32>
        %swap3A_309 = arith.index_cast %add3A_303 : i32 to index
        %swap3A_310 = arith.constant 0 : index
        %swap3A_311 = tpu.vector_load %arg25[%swap3A_309, %swap3A_310] {strides = array<i32>} : memref<192x32xf32, #tpu.memory_space<vmem>>, vector<16xf32>,
        tpu.vector_store %arg25[%swap3A_309, %swap3A_310], %mul3A_308 {strides = array<i32>} : memref<192x32xf32, #tpu.memory_space<vmem>>, vector<16xf32>,
        %get3A_312 = arith.index_cast %add3A_303 : i32 to index
        %get3A_313 = arith.constant 16 : index
        %get3A_314 = tpu.vector_load %arg25[%get3A_312, %get3A_313] {strides = array<i32>} : memref<192x32xf32, #tpu.memory_space<vmem>>, vector<16xf32>,
        %mul3A_315 = vector.broadcast %squeeze3A_299 : f32 to vector<16xf32>
        %mul3A_316 = arith.mulf %get3A_314, %mul3A_315 : vector<16xf32>
        %swap3A_317 = arith.index_cast %add3A_303 : i32 to index
        %swap3A_318 = arith.constant 16 : index
        %swap3A_319 = tpu.vector_load %arg25[%swap3A_317, %swap3A_318] {strides = array<i32>} : memref<192x32xf32, #tpu.memory_space<vmem>>, vector<16xf32>,
        tpu.vector_store %arg25[%swap3A_317, %swap3A_318], %mul3A_316 {strides = array<i32>} : memref<192x32xf32, #tpu.memory_space<vmem>>, vector<16xf32>,
        %slice3A_320 = vector.extract_strided_slice %get3A_168 {offsets = [7], sizes = [1], strides = [1]} : vector<16xf32> to vector<1xf32>
        %squeeze3A_321 = vector.extract %slice3A_320[0] : f32 from vector<1xf32>
        %mul3A_322 = arith.constant 16 : i32
        %mul3A_323 = arith.muli %scan3A_165, %mul3A_322 : i32
        %add3A_324 = arith.constant 7 : i32
        %add3A_325 = arith.addi %mul3A_323, %add3A_324 : i32
        %get3A_326 = arith.index_cast %add3A_325 : i32 to index
        %get3A_327 = arith.constant 0 : index
        %get3A_328 = tpu.vector_load %arg25[%get3A_326, %get3A_327] {strides = array<i32>} : memref<192x32xf32, #tpu.memory_space<vmem>>, vector<16xf32>,
        %mul3A_329 = vector.broadcast %squeeze3A_321 : f32 to vector<16xf32>
        %mul3A_330 = arith.mulf %get3A_328, %mul3A_329 : vector<16xf32>
        %swap3A_331 = arith.index_cast %add3A_325 : i32 to index
        %swap3A_332 = arith.constant 0 : index
        %swap3A_333 = tpu.vector_load %arg25[%swap3A_331, %swap3A_332] {strides = array<i32>} : memref<192x32xf32, #tpu.memory_space<vmem>>, vector<16xf32>,
        tpu.vector_store %arg25[%swap3A_331, %swap3A_332], %mul3A_330 {strides = array<i32>} : memref<192x32xf32, #tpu.memory_space<vmem>>, vector<16xf32>,
        %get3A_334 = arith.index_cast %add3A_325 : i32 to index
        %get3A_335 = arith.constant 16 : index
        %get3A_336 = tpu.vector_load %arg25[%get3A_334, %get3A_335] {strides = array<i32>} : memref<192x32xf32, #tpu.memory_space<vmem>>, vector<16xf32>,
        %mul3A_337 = vector.broadcast %squeeze3A_321 : f32 to vector<16xf32>
        %mul3A_338 = arith.mulf %get3A_336, %mul3A_337 : vector<16xf32>
        %swap3A_339 = arith.index_cast %add3A_325 : i32 to index
        %swap3A_340 = arith.constant 16 : index
        %swap3A_341 = tpu.vector_load %arg25[%swap3A_339, %swap3A_340] {strides = array<i32>} : memref<192x32xf32, #tpu.memory_space<vmem>>, vector<16xf32>,
        tpu.vector_store %arg25[%swap3A_339, %swap3A_340], %mul3A_338 {strides = array<i32>} : memref<192x32xf32, #tpu.memory_space<vmem>>, vector<16xf32>,
        %slice3A_342 = vector.extract_strided_slice %get3A_168 {offsets = [8], sizes = [1], strides = [1]} : vector<16xf32> to vector<1xf32>
        %squeeze3A_343 = vector.extract %slice3A_342[0] : f32 from vector<1xf32>
        %mul3A_344 = arith.constant 16 : i32
        %mul3A_345 = arith.muli %scan3A_165, %mul3A_344 : i32
        %add3A_346 = arith.constant 8 : i32
        %add3A_347 = arith.addi %mul3A_345, %add3A_346 : i32
        %get3A_348 = arith.index_cast %add3A_347 : i32 to index
        %get3A_349 = arith.constant 0 : index
        %get3A_350 = tpu.vector_load %arg25[%get3A_348, %get3A_349] {strides = array<i32>} : memref<192x32xf32, #tpu.memory_space<vmem>>, vector<16xf32>,
        %mul3A_351 = vector.broadcast %squeeze3A_343 : f32 to vector<16xf32>
        %mul3A_352 = arith.mulf %get3A_350, %mul3A_351 : vector<16xf32>
        %swap3A_353 = arith.index_cast %add3A_347 : i32 to index
        %swap3A_354 = arith.constant 0 : index
        %swap3A_355 = tpu.vector_load %arg25[%swap3A_353, %swap3A_354] {strides = array<i32>} : memref<192x32xf32, #tpu.memory_space<vmem>>, vector<16xf32>,
        tpu.vector_store %arg25[%swap3A_353, %swap3A_354], %mul3A_352 {strides = array<i32>} : memref<192x32xf32, #tpu.memory_space<vmem>>, vector<16xf32>,
        %get3A_356 = arith.index_cast %add3A_347 : i32 to index
        %get3A_357 = arith.constant 16 : index
        %get3A_358 = tpu.vector_load %arg25[%get3A_356, %get3A_357] {strides = array<i32>} : memref<192x32xf32, #tpu.memory_space<vmem>>, vector<16xf32>,
        %mul3A_359 = vector.broadcast %squeeze3A_343 : f32 to vector<16xf32>
        %mul3A_360 = arith.mulf %get3A_358, %mul3A_359 : vector<16xf32>
        %swap3A_361 = arith.index_cast %add3A_347 : i32 to index
        %swap3A_362 = arith.constant 16 : index
        %swap3A_363 = tpu.vector_load %arg25[%swap3A_361, %swap3A_362] {strides = array<i32>} : memref<192x32xf32, #tpu.memory_space<vmem>>, vector<16xf32>,
        tpu.vector_store %arg25[%swap3A_361, %swap3A_362], %mul3A_360 {strides = array<i32>} : memref<192x32xf32, #tpu.memory_space<vmem>>, vector<16xf32>,
        %slice3A_364 = vector.extract_strided_slice %get3A_168 {offsets = [9], sizes = [1], strides = [1]} : vector<16xf32> to vector<1xf32>
        %squeeze3A_365 = vector.extract %slice3A_364[0] : f32 from vector<1xf32>
        %mul3A_366 = arith.constant 16 : i32
        %mul3A_367 = arith.muli %scan3A_165, %mul3A_366 : i32
        %add3A_368 = arith.constant 9 : i32
        %add3A_369 = arith.addi %mul3A_367, %add3A_368 : i32
        %get3A_370 = arith.index_cast %add3A_369 : i32 to index
        %get3A_371 = arith.constant 0 : index
        %get3A_372 = tpu.vector_load %arg25[%get3A_370, %get3A_371] {strides = array<i32>} : memref<192x32xf32, #tpu.memory_space<vmem>>, vector<16xf32>,
        %mul3A_373 = vector.broadcast %squeeze3A_365 : f32 to vector<16xf32>
        %mul3A_374 = arith.mulf %get3A_372, %mul3A_373 : vector<16xf32>
        %swap3A_375 = arith.index_cast %add3A_369 : i32 to index
        %swap3A_376 = arith.constant 0 : index
        %swap3A_377 = tpu.vector_load %arg25[%swap3A_375, %swap3A_376] {strides = array<i32>} : memref<192x32xf32, #tpu.memory_space<vmem>>, vector<16xf32>,
        tpu.vector_store %arg25[%swap3A_375, %swap3A_376], %mul3A_374 {strides = array<i32>} : memref<192x32xf32, #tpu.memory_space<vmem>>, vector<16xf32>,
        %get3A_378 = arith.index_cast %add3A_369 : i32 to index
        %get3A_379 = arith.constant 16 : index
        %get3A_380 = tpu.vector_load %arg25[%get3A_378, %get3A_379] {strides = array<i32>} : memref<192x32xf32, #tpu.memory_space<vmem>>, vector<16xf32>,
        %mul3A_381 = vector.broadcast %squeeze3A_365 : f32 to vector<16xf32>
        %mul3A_382 = arith.mulf %get3A_380, %mul3A_381 : vector<16xf32>
        %swap3A_383 = arith.index_cast %add3A_369 : i32 to index
        %swap3A_384 = arith.constant 16 : index
        %swap3A_385 = tpu.vector_load %arg25[%swap3A_383, %swap3A_384] {strides = array<i32>} : memref<192x32xf32, #tpu.memory_space<vmem>>, vector<16xf32>,
        tpu.vector_store %arg25[%swap3A_383, %swap3A_384], %mul3A_382 {strides = array<i32>} : memref<192x32xf32, #tpu.memory_space<vmem>>, vector<16xf32>,
        %slice3A_386 = vector.extract_strided_slice %get3A_168 {offsets = [10], sizes = [1], strides = [1]} : vector<16xf32> to vector<1xf32>
        %squeeze3A_387 = vector.extract %slice3A_386[0] : f32 from vector<1xf32>
        %mul3A_388 = arith.constant 16 : i32
        %mul3A_389 = arith.muli %scan3A_165, %mul3A_388 : i32
        %add3A_390 = arith.constant 10 : i32
        %add3A_391 = arith.addi %mul3A_389, %add3A_390 : i32
        %get3A_392 = arith.index_cast %add3A_391 : i32 to index
        %get3A_393 = arith.constant 0 : index
        %get3A_394 = tpu.vector_load %arg25[%get3A_392, %get3A_393] {strides = array<i32>} : memref<192x32xf32, #tpu.memory_space<vmem>>, vector<16xf32>,
        %mul3A_395 = vector.broadcast %squeeze3A_387 : f32 to vector<16xf32>
        %mul3A_396 = arith.mulf %get3A_394, %mul3A_395 : vector<16xf32>
        %swap3A_397 = arith.index_cast %add3A_391 : i32 to index
        %swap3A_398 = arith.constant 0 : index
        %swap3A_399 = tpu.vector_load %arg25[%swap3A_397, %swap3A_398] {strides = array<i32>} : memref<192x32xf32, #tpu.memory_space<vmem>>, vector<16xf32>,
        tpu.vector_store %arg25[%swap3A_397, %swap3A_398], %mul3A_396 {strides = array<i32>} : memref<192x32xf32, #tpu.memory_space<vmem>>, vector<16xf32>,
        %get3A_400 = arith.index_cast %add3A_391 : i32 to index
        %get3A_401 = arith.constant 16 : index
        %get3A_402 = tpu.vector_load %arg25[%get3A_400, %get3A_401] {strides = array<i32>} : memref<192x32xf32, #tpu.memory_space<vmem>>, vector<16xf32>,
        %mul3A_403 = vector.broadcast %squeeze3A_387 : f32 to vector<16xf32>
        %mul3A_404 = arith.mulf %get3A_402, %mul3A_403 : vector<16xf32>
        %swap3A_405 = arith.index_cast %add3A_391 : i32 to index
        %swap3A_406 = arith.constant 16 : index
        %swap3A_407 = tpu.vector_load %arg25[%swap3A_405, %swap3A_406] {strides = array<i32>} : memref<192x32xf32, #tpu.memory_space<vmem>>, vector<16xf32>,
        tpu.vector_store %arg25[%swap3A_405, %swap3A_406], %mul3A_404 {strides = array<i32>} : memref<192x32xf32, #tpu.memory_space<vmem>>, vector<16xf32>,
        %slice3A_408 = vector.extract_strided_slice %get3A_168 {offsets = [11], sizes = [1], strides = [1]} : vector<16xf32> to vector<1xf32>
        %squeeze3A_409 = vector.extract %slice3A_408[0] : f32 from vector<1xf32>
        %mul3A_410 = arith.constant 16 : i32
        %mul3A_411 = arith.muli %scan3A_165, %mul3A_410 : i32
        %add3A_412 = arith.constant 11 : i32
        %add3A_413 = arith.addi %mul3A_411, %add3A_412 : i32
        %get3A_414 = arith.index_cast %add3A_413 : i32 to index
        %get3A_415 = arith.constant 0 : index
        %get3A_416 = tpu.vector_load %arg25[%get3A_414, %get3A_415] {strides = array<i32>} : memref<192x32xf32, #tpu.memory_space<vmem>>, vector<16xf32>,
        %mul3A_417 = vector.broadcast %squeeze3A_409 : f32 to vector<16xf32>
        %mul3A_418 = arith.mulf %get3A_416, %mul3A_417 : vector<16xf32>
        %swap3A_419 = arith.index_cast %add3A_413 : i32 to index
        %swap3A_420 = arith.constant 0 : index
        %swap3A_421 = tpu.vector_load %arg25[%swap3A_419, %swap3A_420] {strides = array<i32>} : memref<192x32xf32, #tpu.memory_space<vmem>>, vector<16xf32>,
        tpu.vector_store %arg25[%swap3A_419, %swap3A_420], %mul3A_418 {strides = array<i32>} : memref<192x32xf32, #tpu.memory_space<vmem>>, vector<16xf32>,
        %get3A_422 = arith.index_cast %add3A_413 : i32 to index
        %get3A_423 = arith.constant 16 : index
        %get3A_424 = tpu.vector_load %arg25[%get3A_422, %get3A_423] {strides = array<i32>} : memref<192x32xf32, #tpu.memory_space<vmem>>, vector<16xf32>,
        %mul3A_425 = vector.broadcast %squeeze3A_409 : f32 to vector<16xf32>
        %mul3A_426 = arith.mulf %get3A_424, %mul3A_425 : vector<16xf32>
        %swap3A_427 = arith.index_cast %add3A_413 : i32 to index
        %swap3A_428 = arith.constant 16 : index
        %swap3A_429 = tpu.vector_load %arg25[%swap3A_427, %swap3A_428] {strides = array<i32>} : memref<192x32xf32, #tpu.memory_space<vmem>>, vector<16xf32>,
        tpu.vector_store %arg25[%swap3A_427, %swap3A_428], %mul3A_426 {strides = array<i32>} : memref<192x32xf32, #tpu.memory_space<vmem>>, vector<16xf32>,
        %slice3A_430 = vector.extract_strided_slice %get3A_168 {offsets = [12], sizes = [1], strides = [1]} : vector<16xf32> to vector<1xf32>
        %squeeze3A_431 = vector.extract %slice3A_430[0] : f32 from vector<1xf32>
        %mul3A_432 = arith.constant 16 : i32
        %mul3A_433 = arith.muli %scan3A_165, %mul3A_432 : i32
        %add3A_434 = arith.constant 12 : i32
        %add3A_435 = arith.addi %mul3A_433, %add3A_434 : i32
        %get3A_436 = arith.index_cast %add3A_435 : i32 to index
        %get3A_437 = arith.constant 0 : index
        %get3A_438 = tpu.vector_load %arg25[%get3A_436, %get3A_437] {strides = array<i32>} : memref<192x32xf32, #tpu.memory_space<vmem>>, vector<16xf32>,
        %mul3A_439 = vector.broadcast %squeeze3A_431 : f32 to vector<16xf32>
        %mul3A_440 = arith.mulf %get3A_438, %mul3A_439 : vector<16xf32>
        %swap3A_441 = arith.index_cast %add3A_435 : i32 to index
        %swap3A_442 = arith.constant 0 : index
        %swap3A_443 = tpu.vector_load %arg25[%swap3A_441, %swap3A_442] {strides = array<i32>} : memref<192x32xf32, #tpu.memory_space<vmem>>, vector<16xf32>,
        tpu.vector_store %arg25[%swap3A_441, %swap3A_442], %mul3A_440 {strides = array<i32>} : memref<192x32xf32, #tpu.memory_space<vmem>>, vector<16xf32>,
        %get3A_444 = arith.index_cast %add3A_435 : i32 to index
        %get3A_445 = arith.constant 16 : index
        %get3A_446 = tpu.vector_load %arg25[%get3A_444, %get3A_445] {strides = array<i32>} : memref<192x32xf32, #tpu.memory_space<vmem>>, vector<16xf32>,
        %mul3A_447 = vector.broadcast %squeeze3A_431 : f32 to vector<16xf32>
        %mul3A_448 = arith.mulf %get3A_446, %mul3A_447 : vector<16xf32>
        %swap3A_449 = arith.index_cast %add3A_435 : i32 to index
        %swap3A_450 = arith.constant 16 : index
        %swap3A_451 = tpu.vector_load %arg25[%swap3A_449, %swap3A_450] {strides = array<i32>} : memref<192x32xf32, #tpu.memory_space<vmem>>, vector<16xf32>,
        tpu.vector_store %arg25[%swap3A_449, %swap3A_450], %mul3A_448 {strides = array<i32>} : memref<192x32xf32, #tpu.memory_space<vmem>>, vector<16xf32>,
        %slice3A_452 = vector.extract_strided_slice %get3A_168 {offsets = [13], sizes = [1], strides = [1]} : vector<16xf32> to vector<1xf32>
        %squeeze3A_453 = vector.extract %slice3A_452[0] : f32 from vector<1xf32>
        %mul3A_454 = arith.constant 16 : i32
        %mul3A_455 = arith.muli %scan3A_165, %mul3A_454 : i32
        %add3A_456 = arith.constant 13 : i32
        %add3A_457 = arith.addi %mul3A_455, %add3A_456 : i32
        %get3A_458 = arith.index_cast %add3A_457 : i32 to index
        %get3A_459 = arith.constant 0 : index
        %get3A_460 = tpu.vector_load %arg25[%get3A_458, %get3A_459] {strides = array<i32>} : memref<192x32xf32, #tpu.memory_space<vmem>>, vector<16xf32>,
        %mul3A_461 = vector.broadcast %squeeze3A_453 : f32 to vector<16xf32>
        %mul3A_462 = arith.mulf %get3A_460, %mul3A_461 : vector<16xf32>
        %swap3A_463 = arith.index_cast %add3A_457 : i32 to index
        %swap3A_464 = arith.constant 0 : index
        %swap3A_465 = tpu.vector_load %arg25[%swap3A_463, %swap3A_464] {strides = array<i32>} : memref<192x32xf32, #tpu.memory_space<vmem>>, vector<16xf32>,
        tpu.vector_store %arg25[%swap3A_463, %swap3A_464], %mul3A_462 {strides = array<i32>} : memref<192x32xf32, #tpu.memory_space<vmem>>, vector<16xf32>,
        %get3A_466 = arith.index_cast %add3A_457 : i32 to index
        %get3A_467 = arith.constant 16 : index
        %get3A_468 = tpu.vector_load %arg25[%get3A_466, %get3A_467] {strides = array<i32>} : memref<192x32xf32, #tpu.memory_space<vmem>>, vector<16xf32>,
        %mul3A_469 = vector.broadcast %squeeze3A_453 : f32 to vector<16xf32>
        %mul3A_470 = arith.mulf %get3A_468, %mul3A_469 : vector<16xf32>
        %swap3A_471 = arith.index_cast %add3A_457 : i32 to index
        %swap3A_472 = arith.constant 16 : index
        %swap3A_473 = tpu.vector_load %arg25[%swap3A_471, %swap3A_472] {strides = array<i32>} : memref<192x32xf32, #tpu.memory_space<vmem>>, vector<16xf32>,
        tpu.vector_store %arg25[%swap3A_471, %swap3A_472], %mul3A_470 {strides = array<i32>} : memref<192x32xf32, #tpu.memory_space<vmem>>, vector<16xf32>,
        %slice3A_474 = vector.extract_strided_slice %get3A_168 {offsets = [14], sizes = [1], strides = [1]} : vector<16xf32> to vector<1xf32>
        %squeeze3A_475 = vector.extract %slice3A_474[0] : f32 from vector<1xf32>
        %mul3A_476 = arith.constant 16 : i32
        %mul3A_477 = arith.muli %scan3A_165, %mul3A_476 : i32
        %add3A_478 = arith.constant 14 : i32
        %add3A_479 = arith.addi %mul3A_477, %add3A_478 : i32
        %get3A_480 = arith.index_cast %add3A_479 : i32 to index
        %get3A_481 = arith.constant 0 : index
        %get3A_482 = tpu.vector_load %arg25[%get3A_480, %get3A_481] {strides = array<i32>} : memref<192x32xf32, #tpu.memory_space<vmem>>, vector<16xf32>,
        %mul3A_483 = vector.broadcast %squeeze3A_475 : f32 to vector<16xf32>
        %mul3A_484 = arith.mulf %get3A_482, %mul3A_483 : vector<16xf32>
        %swap3A_485 = arith.index_cast %add3A_479 : i32 to index
        %swap3A_486 = arith.constant 0 : index
        %swap3A_487 = tpu.vector_load %arg25[%swap3A_485, %swap3A_486] {strides = array<i32>} : memref<192x32xf32, #tpu.memory_space<vmem>>, vector<16xf32>,
        tpu.vector_store %arg25[%swap3A_485, %swap3A_486], %mul3A_484 {strides = array<i32>} : memref<192x32xf32, #tpu.memory_space<vmem>>, vector<16xf32>,
        %get3A_488 = arith.index_cast %add3A_479 : i32 to index
        %get3A_489 = arith.constant 16 : index
        %get3A_490 = tpu.vector_load %arg25[%get3A_488, %get3A_489] {strides = array<i32>} : memref<192x32xf32, #tpu.memory_space<vmem>>, vector<16xf32>,
        %mul3A_491 = vector.broadcast %squeeze3A_475 : f32 to vector<16xf32>
        %mul3A_492 = arith.mulf %get3A_490, %mul3A_491 : vector<16xf32>
        %swap3A_493 = arith.index_cast %add3A_479 : i32 to index
        %swap3A_494 = arith.constant 16 : index
        %swap3A_495 = tpu.vector_load %arg25[%swap3A_493, %swap3A_494] {strides = array<i32>} : memref<192x32xf32, #tpu.memory_space<vmem>>, vector<16xf32>,
        tpu.vector_store %arg25[%swap3A_493, %swap3A_494], %mul3A_492 {strides = array<i32>} : memref<192x32xf32, #tpu.memory_space<vmem>>, vector<16xf32>,
        %slice3A_496 = vector.extract_strided_slice %get3A_168 {offsets = [15], sizes = [1], strides = [1]} : vector<16xf32> to vector<1xf32>
        %squeeze3A_497 = vector.extract %slice3A_496[0] : f32 from vector<1xf32>
        %mul3A_498 = arith.constant 16 : i32
        %mul3A_499 = arith.muli %scan3A_165, %mul3A_498 : i32
        %add3A_500 = arith.constant 15 : i32
        %add3A_501 = arith.addi %mul3A_499, %add3A_500 : i32
        %get3A_502 = arith.index_cast %add3A_501 : i32 to index
        %get3A_503 = arith.constant 0 : index
        %get3A_504 = tpu.vector_load %arg25[%get3A_502, %get3A_503] {strides = array<i32>} : memref<192x32xf32, #tpu.memory_space<vmem>>, vector<16xf32>,
        %mul3A_505 = vector.broadcast %squeeze3A_497 : f32 to vector<16xf32>
        %mul3A_506 = arith.mulf %get3A_504, %mul3A_505 : vector<16xf32>
        %swap3A_507 = arith.index_cast %add3A_501 : i32 to index
        %swap3A_508 = arith.constant 0 : index
        %swap3A_509 = tpu.vector_load %arg25[%swap3A_507, %swap3A_508] {strides = array<i32>} : memref<192x32xf32, #tpu.memory_space<vmem>>, vector<16xf32>,
        tpu.vector_store %arg25[%swap3A_507, %swap3A_508], %mul3A_506 {strides = array<i32>} : memref<192x32xf32, #tpu.memory_space<vmem>>, vector<16xf32>,
        %get3A_510 = arith.index_cast %add3A_501 : i32 to index
        %get3A_511 = arith.constant 16 : index
        %get3A_512 = tpu.vector_load %arg25[%get3A_510, %get3A_511] {strides = array<i32>} : memref<192x32xf32, #tpu.memory_space<vmem>>, vector<16xf32>,
        %mul3A_513 = vector.broadcast %squeeze3A_497 : f32 to vector<16xf32>
        %mul3A_514 = arith.mulf %get3A_512, %mul3A_513 : vector<16xf32>
        %swap3A_515 = arith.index_cast %add3A_501 : i32 to index
        %swap3A_516 = arith.constant 16 : index
        %swap3A_517 = tpu.vector_load %arg25[%swap3A_515, %swap3A_516] {strides = array<i32>} : memref<192x32xf32, #tpu.memory_space<vmem>>, vector<16xf32>,
        tpu.vector_store %arg25[%swap3A_515, %swap3A_516], %mul3A_514 {strides = array<i32>} : memref<192x32xf32, #tpu.memory_space<vmem>>, vector<16xf32>,
      }
      %scan3A_151 = arith.constant 12 : i32
      %dma_start3A_152 = arith.constant 0 : i32
      %dma_start3A_153 = arith.constant 0 : i32
      %dma_start3A_154 = tpu.memref_slice %arg11[%dma_start3A_152, %dma_start3A_153] : memref<50000x32xf32, #tpu.memory_space<vmem_shared>> -> memref<50000x32xf32, #tpu.memory_space<vmem_shared>>
      tpu.enqueue_indirect_dma source(%arg25 : memref<192x32xf32, #tpu.memory_space<vmem>>) target(%dma_start3A_154 : memref<50000x32xf32, #tpu.memory_space<vmem_shared>>) offsets(%arg17 : memref<192xi32, #tpu.memory_space<vmem>>) semaphore(%arg33 : memref<!tpu.dma_semaphore, #tpu.memory_space<semaphore_mem>>) {add = true}
      %dma_wait3A_155 = arith.constant 0 : i32
      %dma_wait3A_156 = tpu.memref_slice %arg10[%dma_wait3A_155] : memref<50000xf32, #tpu.memory_space<vmem_shared>> -> memref<50000xf32, #tpu.memory_space<vmem_shared>>
      tpu.wait_indirect_dma semaphore(%arg32 : memref<!tpu.dma_semaphore, #tpu.memory_space<semaphore_mem>>) src(%arg22 : memref<208xf32, #tpu.memory_space<vmem>>) dst(%dma_wait3A_156 : memref<50000xf32, #tpu.memory_space<vmem_shared>>)
      %dma_wait3A_157 = arith.constant 0 : i32
      %dma_wait3A_158 = arith.constant 0 : i32
      %dma_wait3A_159 = tpu.memref_slice %arg11[%dma_wait3A_157, %dma_wait3A_158] : memref<50000x32xf32, #tpu.memory_space<vmem_shared>> -> memref<50000x32xf32, #tpu.memory_space<vmem_shared>>
      tpu.wait_indirect_dma semaphore(%arg33 : memref<!tpu.dma_semaphore, #tpu.memory_space<semaphore_mem>>) src(%arg24 : memref<208x32xf32, #tpu.memory_space<vmem>>) dst(%dma_wait3A_159 : memref<50000x32xf32, #tpu.memory_space<vmem_shared>>)
      %dma_wait3A_160 = arith.constant 0 : i32
      %dma_wait3A_161 = tpu.memref_slice %arg10[%dma_wait3A_160] : memref<50000xf32, #tpu.memory_space<vmem_shared>> -> memref<50000xf32, #tpu.memory_space<vmem_shared>>
      tpu.wait_indirect_dma semaphore(%arg32 : memref<!tpu.dma_semaphore, #tpu.memory_space<semaphore_mem>>) src(%arg23 : memref<192xf32, #tpu.memory_space<vmem>>) dst(%dma_wait3A_161 : memref<50000xf32, #tpu.memory_space<vmem_shared>>)
      %dma_wait3A_162 = arith.constant 0 : i32
      %dma_wait3A_163 = arith.constant 0 : i32
      %dma_wait3A_164 = tpu.memref_slice %arg11[%dma_wait3A_162, %dma_wait3A_163] : memref<50000x32xf32, #tpu.memory_space<vmem_shared>> -> memref<50000x32xf32, #tpu.memory_space<vmem_shared>>
      tpu.wait_indirect_dma semaphore(%arg33 : memref<!tpu.dma_semaphore, #tpu.memory_space<semaphore_mem>>) src(%arg25 : memref<192x32xf32, #tpu.memory_space<vmem>>) dst(%dma_wait3A_164 : memref<50000x32xf32, #tpu.memory_space<vmem_shared>>)
    }
    %scan3A_16 = arith.constant 125 : i32
    %barrier3A_17 = arith.constant 0 : index
    tpu.barrier barrier_id(%barrier3A_17)
    %mul3A_18 = arith.constant 3125 : i32
    %mul3A_19 = arith.muli %arg1, %mul3A_18 : i32
    "tpu.region"() ({
      %run_scoped3A = tpu.sem_alloc : memref<!tpu.dma_semaphore, #tpu.memory_space<semaphore_mem>>
      %dma_start3A = arith.constant 0 : i32
      %dma_start3A_30 = tpu.memref_slice %arg8[%arg0, %mul3A_19, %dma_start3A] : memref<2x50000x32xf32, #tpu.memory_space<hbm>> -> memref<1x3125x32xf32, #tpu.memory_space<hbm>>
      %dma_start3A_31 = tpu.memref_squeeze %dma_start3A_30 : memref<1x3125x32xf32, #tpu.memory_space<hbm>> -> memref<3125x32xf32, #tpu.memory_space<hbm>>
      %dma_start3A_32 = arith.constant 0 : i32
      %dma_start3A_33 = tpu.memref_slice %arg11[%mul3A_19, %dma_start3A_32] : memref<50000x32xf32, #tpu.memory_space<vmem_shared>> -> memref<3125x32xf32, #tpu.memory_space<vmem_shared>>
      tpu.enqueue_dma source(%dma_start3A_33 : memref<3125x32xf32, #tpu.memory_space<vmem_shared>>) target(%dma_start3A_31 : memref<3125x32xf32, #tpu.memory_space<hbm>>) target_semaphore(%run_scoped3A : memref<!tpu.dma_semaphore, #tpu.memory_space<semaphore_mem>>)
      %dma_wait3A = arith.constant 0 : i32
      %dma_wait3A_34 = tpu.memref_slice %arg8[%arg0, %mul3A_19, %dma_wait3A] : memref<2x50000x32xf32, #tpu.memory_space<hbm>> -> memref<1x3125x32xf32, #tpu.memory_space<hbm>>
      %dma_wait3A_35 = tpu.memref_squeeze %dma_wait3A_34 : memref<1x3125x32xf32, #tpu.memory_space<hbm>> -> memref<3125x32xf32, #tpu.memory_space<hbm>>
      %dma_wait3A_36 = arith.constant 0 : i32
      %dma_wait3A_37 = tpu.memref_slice %arg11[%mul3A_19, %dma_wait3A_36] : memref<50000x32xf32, #tpu.memory_space<vmem_shared>> -> memref<3125x32xf32, #tpu.memory_space<vmem_shared>>
      tpu.wait_dma2 semaphore(%run_scoped3A : memref<!tpu.dma_semaphore, #tpu.memory_space<semaphore_mem>>) src(%dma_wait3A_37 : memref<3125x32xf32, #tpu.memory_space<vmem_shared>>) dst(%dma_wait3A_35 : memref<3125x32xf32, #tpu.memory_space<hbm>>)
      tpu.yield
    }) : () -> ()
    %lt3A_20 = arith.constant 15 : i32
    %lt3A_21 = arith.cmpi slt, %arg1, %lt3A_20 : i32
    %convert_element_type3A_22 = arith.extui %lt3A_21 : i1 to i32
    %cond3A_23 = arith.constant 0 : i32
    %cond3A_24 = arith.cmpi ne, %convert_element_type3A_22, %cond3A_23 : i32
    scf.if %cond3A_24 {
      %mul3A_30 = arith.constant 3128 : i32
      %mul3A_31 = arith.muli %arg1, %mul3A_30 : i32
      %mul3A_32 = arith.constant 3128 : i32
      %mul3A_33 = arith.muli %arg1, %mul3A_32 : i32
      "tpu.region"() ({
        %run_scoped3A = tpu.sem_alloc : memref<!tpu.dma_semaphore, #tpu.memory_space<semaphore_mem>>
        %dma_start3A = tpu.memref_slice %arg9[%arg0, %mul3A_33] : memref<2x50000xf32, #tpu.memory_space<hbm>> -> memref<1x3128xf32, #tpu.memory_space<hbm>>
        %dma_start3A_34 = tpu.memref_squeeze %dma_start3A : memref<1x3128xf32, #tpu.memory_space<hbm>> -> memref<3128xf32, #tpu.memory_space<hbm>>
        %dma_start3A_35 = tpu.memref_slice %arg10[%mul3A_31] : memref<50000xf32, #tpu.memory_space<vmem_shared>> -> memref<3128xf32, #tpu.memory_space<vmem_shared>>
        tpu.enqueue_dma source(%dma_start3A_35 : memref<3128xf32, #tpu.memory_space<vmem_shared>>) target(%dma_start3A_34 : memref<3128xf32, #tpu.memory_space<hbm>>) target_semaphore(%run_scoped3A : memref<!tpu.dma_semaphore, #tpu.memory_space<semaphore_mem>>)
        %dma_wait3A = tpu.memref_slice %arg9[%arg0, %mul3A_33] : memref<2x50000xf32, #tpu.memory_space<hbm>> -> memref<1x3128xf32, #tpu.memory_space<hbm>>
        %dma_wait3A_36 = tpu.memref_squeeze %dma_wait3A : memref<1x3128xf32, #tpu.memory_space<hbm>> -> memref<3128xf32, #tpu.memory_space<hbm>>
        %dma_wait3A_37 = tpu.memref_slice %arg10[%mul3A_31] : memref<50000xf32, #tpu.memory_space<vmem_shared>> -> memref<3128xf32, #tpu.memory_space<vmem_shared>>
        tpu.wait_dma2 semaphore(%run_scoped3A : memref<!tpu.dma_semaphore, #tpu.memory_space<semaphore_mem>>) src(%dma_wait3A_37 : memref<3128xf32, #tpu.memory_space<vmem_shared>>) dst(%dma_wait3A_36 : memref<3128xf32, #tpu.memory_space<hbm>>)
        tpu.yield
      }) : () -> ()
    } else {
    }
    %eq3A_25 = arith.constant 15 : i32
    %eq3A_26 = arith.cmpi eq, %arg1, %eq3A_25 : i32
    %convert_element_type3A_27 = arith.extui %eq3A_26 : i1 to i32
    %cond3A_28 = arith.constant 0 : i32
    %cond3A_29 = arith.cmpi ne, %convert_element_type3A_27, %cond3A_28 : i32
    scf.if %cond3A_29 {
      "tpu.region"() ({
        %run_scoped3A = tpu.sem_alloc : memref<!tpu.dma_semaphore, #tpu.memory_space<semaphore_mem>>
        %dma_start3A = arith.constant 46920 : i32
        %dma_start3A_30 = tpu.memref_slice %arg9[%arg0, %dma_start3A] : memref<2x50000xf32, #tpu.memory_space<hbm>> -> memref<1x3080xf32, #tpu.memory_space<hbm>>
        %dma_start3A_31 = tpu.memref_squeeze %dma_start3A_30 : memref<1x3080xf32, #tpu.memory_space<hbm>> -> memref<3080xf32, #tpu.memory_space<hbm>>
        %dma_start3A_32 = arith.constant 46920 : i32
        %dma_start3A_33 = tpu.memref_slice %arg10[%dma_start3A_32] : memref<50000xf32, #tpu.memory_space<vmem_shared>> -> memref<3080xf32, #tpu.memory_space<vmem_shared>>
        tpu.enqueue_dma source(%dma_start3A_33 : memref<3080xf32, #tpu.memory_space<vmem_shared>>) target(%dma_start3A_31 : memref<3080xf32, #tpu.memory_space<hbm>>) target_semaphore(%run_scoped3A : memref<!tpu.dma_semaphore, #tpu.memory_space<semaphore_mem>>)
        %dma_wait3A = arith.constant 46920 : i32
        %dma_wait3A_34 = tpu.memref_slice %arg9[%arg0, %dma_wait3A] : memref<2x50000xf32, #tpu.memory_space<hbm>> -> memref<1x3080xf32, #tpu.memory_space<hbm>>
        %dma_wait3A_35 = tpu.memref_squeeze %dma_wait3A_34 : memref<1x3080xf32, #tpu.memory_space<hbm>> -> memref<3080xf32, #tpu.memory_space<hbm>>
        %dma_wait3A_36 = arith.constant 46920 : i32
        %dma_wait3A_37 = tpu.memref_slice %arg10[%dma_wait3A_36] : memref<50000xf32, #tpu.memory_space<vmem_shared>> -> memref<3080xf32, #tpu.memory_space<vmem_shared>>
        tpu.wait_dma2 semaphore(%run_scoped3A : memref<!tpu.dma_semaphore, #tpu.memory_space<semaphore_mem>>) src(%dma_wait3A_37 : memref<3080xf32, #tpu.memory_space<vmem_shared>>) dst(%dma_wait3A_35 : memref<3080xf32, #tpu.memory_space<hbm>>)
        tpu.yield
      }) : () -> ()
    } else {
    }
    return
  }
}

module attributes {stable_mosaic.version = 14 : i64} {
  func.func @_pre_body(%arg0: i32, %arg1: memref<2x2048x12xf32, #tpu.memory_space<vmem>>, %arg2: memref<12x32xf32, #tpu.memory_space<vmem>>, %arg3: memref<1x32xf32, #tpu.memory_space<vmem>>, %arg4: memref<1x32xf32, #tpu.memory_space<vmem>>, %arg5: memref<2x2048x32xf32, #tpu.memory_space<vmem>>, %arg6: memref<2x2048xf32, #tpu.memory_space<vmem>>, %arg7: memref<2x2048xf32, #tpu.memory_space<vmem>>) attributes {dimension_semantics = [#tpu.dimension_semantics<arbitrary>], iteration_bounds = array<i64: 25>, scalar_prefetch = 0 : i64, scratch_operands = 0 : i64, tpu.core_type = #tpu.core_type<tc>, window_params = [{transform_indices = @transform_0, window_bounds = array<i64: 2, 2048, 12>}, {pipeline_mode = #tpu.pipeline_mode<synchronous>, transform_indices = @transform_1, window_bounds = array<i64: 12, 32>}, {pipeline_mode = #tpu.pipeline_mode<synchronous>, transform_indices = @transform_2, window_bounds = array<i64: 1, 32>}, {pipeline_mode = #tpu.pipeline_mode<synchronous>, transform_indices = @transform_3, window_bounds = array<i64: 1, 32>}, {transform_indices = @transform_4, window_bounds = array<i64: 2, 2048, 32>}, {transform_indices = @transform_5, window_bounds = array<i64: 2, 2048>}, {transform_indices = @transform_6, window_bounds = array<i64: 2, 2048>}]} {
    %get3A = arith.constant 0 : index
    %get3A_0 = arith.constant 0 : index
    %get3A_1 = arith.constant 0 : index
    %get3A_2 = vector.load %arg1[%get3A, %get3A_0, %get3A_1] : memref<2x2048x12xf32, #tpu.memory_space<vmem>>, vector<2x2048x12xf32>
    %reshape3A = vector.shape_cast %get3A_2 : vector<2x2048x12xf32> to vector<4096x12xf32>
    %get3A_3 = arith.constant 0 : index
    %get3A_4 = arith.constant 0 : index
    %get3A_5 = vector.load %arg2[%get3A_3, %get3A_4] : memref<12x32xf32, #tpu.memory_space<vmem>>, vector<12x32xf32>
    %dot_general3A = arith.constant dense<0.000000e+00> : vector<4096x32xf32>
    %dot_general3A_6 = tpu.matmul %reshape3A, %get3A_5, %dot_general3A {dimension_numbers = #tpu.dot_dimension_numbers<[1], [0], [0], [1], [0, 0, 1, 1], [], []>, transpose_lhs_hint = false} : vector<4096x12xf32>, vector<12x32xf32>, vector<4096x32xf32> -> vector<4096x32xf32>
    %reshape3A_7 = vector.shape_cast %dot_general3A_6 : vector<4096x32xf32> to vector<2x2048x32xf32>
    %swap3A = arith.constant 0 : index
    %swap3A_8 = arith.constant 0 : index
    %swap3A_9 = arith.constant 0 : index
    %swap3A_10 = vector.load %arg5[%swap3A, %swap3A_8, %swap3A_9] : memref<2x2048x32xf32, #tpu.memory_space<vmem>>, vector<2x2048x32xf32>
    tpu.vector_store %arg5[%swap3A, %swap3A_8, %swap3A_9], %reshape3A_7 {strides = array<i32>} : memref<2x2048x32xf32, #tpu.memory_space<vmem>>, vector<2x2048x32xf32>,
    %get3A_11 = arith.constant 0 : index
    %get3A_12 = arith.constant 0 : index
    %get3A_13 = vector.load %arg3[%get3A_11, %get3A_12] : memref<1x32xf32, #tpu.memory_space<vmem>>, vector<1x32xf32>
    %reshape3A_14 = vector.shape_cast %get3A_13 : vector<1x32xf32> to vector<1x1x32xf32>
    %mul3A = vector.broadcast %reshape3A_14 : vector<1x1x32xf32> to vector<2x2048x32xf32>
    %mul3A_15 = arith.mulf %reshape3A_7, %mul3A : vector<2x2048x32xf32>
    %reduce_sum3A = arith.constant dense<0.000000e+00> : vector<2x2048xf32>
    %reduce_sum3A_16 = vector.multi_reduction <add>, %mul3A_15, %reduce_sum3A [2] : vector<2x2048x32xf32> to vector<2x2048xf32>
    %swap3A_17 = arith.constant 0 : index
    %swap3A_18 = arith.constant 0 : index
    %swap3A_19 = vector.load %arg6[%swap3A_17, %swap3A_18] : memref<2x2048xf32, #tpu.memory_space<vmem>>, vector<2x2048xf32>
    tpu.vector_store %arg6[%swap3A_17, %swap3A_18], %reduce_sum3A_16 {strides = array<i32>} : memref<2x2048xf32, #tpu.memory_space<vmem>>, vector<2x2048xf32>,
    %get3A_20 = arith.constant 0 : index
    %get3A_21 = arith.constant 0 : index
    %get3A_22 = vector.load %arg4[%get3A_20, %get3A_21] : memref<1x32xf32, #tpu.memory_space<vmem>>, vector<1x32xf32>
    %reshape3A_23 = vector.shape_cast %get3A_22 : vector<1x32xf32> to vector<1x1x32xf32>
    %mul3A_24 = vector.broadcast %reshape3A_23 : vector<1x1x32xf32> to vector<2x2048x32xf32>
    %mul3A_25 = arith.mulf %reshape3A_7, %mul3A_24 : vector<2x2048x32xf32>
    %reduce_sum3A_26 = arith.constant dense<0.000000e+00> : vector<2x2048xf32>
    %reduce_sum3A_27 = vector.multi_reduction <add>, %mul3A_25, %reduce_sum3A_26 [2] : vector<2x2048x32xf32> to vector<2x2048xf32>
    %swap3A_28 = arith.constant 0 : index
    %swap3A_29 = arith.constant 0 : index
    %swap3A_30 = vector.load %arg7[%swap3A_28, %swap3A_29] : memref<2x2048xf32, #tpu.memory_space<vmem>>, vector<2x2048xf32>
    tpu.vector_store %arg7[%swap3A_28, %swap3A_29], %reduce_sum3A_27 {strides = array<i32>} : memref<2x2048xf32, #tpu.memory_space<vmem>>, vector<2x2048xf32>,
    return
  }
  func.func @transform_0(%arg0: i32) -> (i32, i32, i32) {
    %c0_i32 = arith.constant 0 : i32
    %c0_i32_0 = arith.constant 0 : i32
    %c0_i32_1 = arith.constant 0 : i32
    return %c0_i32, %arg0, %c0_i32_0 : i32, i32, i32
  }
  func.func @transform_1(%arg0: i32) -> (i32, i32) {
    %c0_i32 = arith.constant 0 : i32
    %c0_i32_0 = arith.constant 0 : i32
    %c0_i32_1 = arith.constant 0 : i32
    return %c0_i32, %c0_i32_0 : i32, i32
  }
  func.func @transform_2(%arg0: i32) -> (i32, i32) {
    %c0_i32 = arith.constant 0 : i32
    %c0_i32_0 = arith.constant 0 : i32
    %c0_i32_1 = arith.constant 0 : i32
    return %c0_i32, %c0_i32_0 : i32, i32
  }
  func.func @transform_3(%arg0: i32) -> (i32, i32) {
    %c0_i32 = arith.constant 0 : i32
    %c0_i32_0 = arith.constant 0 : i32
    %c0_i32_1 = arith.constant 0 : i32
    return %c0_i32, %c0_i32_0 : i32, i32
  }
  func.func @transform_4(%arg0: i32) -> (i32, i32, i32) {
    %c0_i32 = arith.constant 0 : i32
    %c0_i32_0 = arith.constant 0 : i32
    %c0_i32_1 = arith.constant 0 : i32
    return %c0_i32, %arg0, %c0_i32_0 : i32, i32, i32
  }
  func.func @transform_5(%arg0: i32) -> (i32, i32) {
    %c0_i32 = arith.constant 0 : i32
    %c0_i32_0 = arith.constant 0 : i32
    return %c0_i32, %arg0 : i32, i32
  }
  func.func @transform_6(%arg0: i32) -> (i32, i32) {
    %c0_i32 = arith.constant 0 : i32
    %c0_i32_0 = arith.constant 0 : i32
    return %c0_i32, %arg0 : i32, i32
  }
}

module attributes {stable_mosaic.version = 14 : i64} {
  func.func @_mid_body(%arg0: i32, %arg1: memref<2x2048x32xf32, #tpu.memory_space<vmem>>, %arg2: memref<2x2048xf32, #tpu.memory_space<vmem>>, %arg3: memref<32x12xf32, #tpu.memory_space<vmem>>, %arg4: memref<1x12xf32, #tpu.memory_space<vmem>>, %arg5: memref<12x32xf32, #tpu.memory_space<vmem>>, %arg6: memref<1x32xf32, #tpu.memory_space<vmem>>, %arg7: memref<1x32xf32, #tpu.memory_space<vmem>>, %arg8: memref<2x2048x32xf32, #tpu.memory_space<vmem>>, %arg9: memref<2x2048xf32, #tpu.memory_space<vmem>>, %arg10: memref<2x2048xf32, #tpu.memory_space<vmem>>) attributes {dimension_semantics = [#tpu.dimension_semantics<arbitrary>], iteration_bounds = array<i64: 25>, scalar_prefetch = 0 : i64, scratch_operands = 0 : i64, tpu.core_type = #tpu.core_type<tc>, window_params = [{transform_indices = @transform_0, window_bounds = array<i64: 2, 2048, 32>}, {transform_indices = @transform_1, window_bounds = array<i64: 2, 2048>}, {pipeline_mode = #tpu.pipeline_mode<synchronous>, transform_indices = @transform_2, window_bounds = array<i64: 32, 12>}, {pipeline_mode = #tpu.pipeline_mode<synchronous>, transform_indices = @transform_3, window_bounds = array<i64: 1, 12>}, {pipeline_mode = #tpu.pipeline_mode<synchronous>, transform_indices = @transform_4, window_bounds = array<i64: 12, 32>}, {pipeline_mode = #tpu.pipeline_mode<synchronous>, transform_indices = @transform_5, window_bounds = array<i64: 1, 32>}, {pipeline_mode = #tpu.pipeline_mode<synchronous>, transform_indices = @transform_6, window_bounds = array<i64: 1, 32>}, {transform_indices = @transform_7, window_bounds = array<i64: 2, 2048, 32>}, {transform_indices = @transform_8, window_bounds = array<i64: 2, 2048>}, {transform_indices = @transform_9, window_bounds = array<i64: 2, 2048>}]} {
    %get3A = arith.constant 0 : index
    %get3A_0 = arith.constant 0 : index
    %get3A_1 = arith.constant 0 : index
    %get3A_2 = vector.load %arg1[%get3A, %get3A_0, %get3A_1] : memref<2x2048x32xf32, #tpu.memory_space<vmem>>, vector<2x2048x32xf32>
    %get3A_3 = arith.constant 0 : index
    %get3A_4 = arith.constant 0 : index
    %get3A_5 = vector.load %arg2[%get3A_3, %get3A_4] : memref<2x2048xf32, #tpu.memory_space<vmem>>, vector<2x2048xf32>
    %broadcast_in_dim3A = vector.shape_cast %get3A_5 : vector<2x2048xf32> to vector<2x2048x1xf32>
    %add3A = arith.constant 1.000000e-30 : f32
    %add3A_6 = vector.broadcast %add3A : f32 to vector<2x2048x1xf32>
    %add3A_7 = arith.addf %broadcast_in_dim3A, %add3A_6 : vector<2x2048x1xf32>
    %div3A = vector.broadcast %add3A_7 : vector<2x2048x1xf32> to vector<2x2048x32xf32>
    %div3A_8 = arith.divf %get3A_2, %div3A : vector<2x2048x32xf32>
    %reshape3A = vector.shape_cast %div3A_8 : vector<2x2048x32xf32> to vector<4096x32xf32>
    %get3A_9 = arith.constant 0 : index
    %get3A_10 = arith.constant 0 : index
    %get3A_11 = vector.load %arg3[%get3A_9, %get3A_10] : memref<32x12xf32, #tpu.memory_space<vmem>>, vector<32x12xf32>
    %dot_general3A = arith.constant dense<0.000000e+00> : vector<4096x12xf32>
    %dot_general3A_12 = tpu.matmul %reshape3A, %get3A_11, %dot_general3A {dimension_numbers = #tpu.dot_dimension_numbers<[1], [0], [0], [1], [0, 0, 1, 1], [], []>, transpose_lhs_hint = false} : vector<4096x32xf32>, vector<32x12xf32>, vector<4096x12xf32> -> vector<4096x12xf32>
    %get3A_13 = arith.constant 0 : index
    %get3A_14 = arith.constant 0 : index
    %get3A_15 = vector.load %arg4[%get3A_13, %get3A_14] : memref<1x12xf32, #tpu.memory_space<vmem>>, vector<1x12xf32>
    %add3A_16 = vector.broadcast %get3A_15 : vector<1x12xf32> to vector<4096x12xf32>
    %add3A_17 = arith.addf %dot_general3A_12, %add3A_16 : vector<4096x12xf32>
    %max3A = arith.constant 0.000000e+00 : f32
    %max3A_18 = vector.broadcast %max3A : f32 to vector<4096x12xf32>
    %max3A_19 = arith.maximumf %add3A_17, %max3A_18 : vector<4096x12xf32>
    %get3A_20 = arith.constant 0 : index
    %get3A_21 = arith.constant 0 : index
    %get3A_22 = vector.load %arg5[%get3A_20, %get3A_21] : memref<12x32xf32, #tpu.memory_space<vmem>>, vector<12x32xf32>
    %dot_general3A_23 = arith.constant dense<0.000000e+00> : vector<4096x32xf32>
    %dot_general3A_24 = tpu.matmul %max3A_19, %get3A_22, %dot_general3A_23 {dimension_numbers = #tpu.dot_dimension_numbers<[1], [0], [0], [1], [0, 0, 1, 1], [], []>, transpose_lhs_hint = false} : vector<4096x12xf32>, vector<12x32xf32>, vector<4096x32xf32> -> vector<4096x32xf32>
    %reshape3A_25 = vector.shape_cast %dot_general3A_24 : vector<4096x32xf32> to vector<2x2048x32xf32>
    %swap3A = arith.constant 0 : index
    %swap3A_26 = arith.constant 0 : index
    %swap3A_27 = arith.constant 0 : index
    %swap3A_28 = vector.load %arg8[%swap3A, %swap3A_26, %swap3A_27] : memref<2x2048x32xf32, #tpu.memory_space<vmem>>, vector<2x2048x32xf32>
    tpu.vector_store %arg8[%swap3A, %swap3A_26, %swap3A_27], %reshape3A_25 {strides = array<i32>} : memref<2x2048x32xf32, #tpu.memory_space<vmem>>, vector<2x2048x32xf32>,
    %get3A_29 = arith.constant 0 : index
    %get3A_30 = arith.constant 0 : index
    %get3A_31 = vector.load %arg6[%get3A_29, %get3A_30] : memref<1x32xf32, #tpu.memory_space<vmem>>, vector<1x32xf32>
    %reshape3A_32 = vector.shape_cast %get3A_31 : vector<1x32xf32> to vector<1x1x32xf32>
    %mul3A = vector.broadcast %reshape3A_32 : vector<1x1x32xf32> to vector<2x2048x32xf32>
    %mul3A_33 = arith.mulf %reshape3A_25, %mul3A : vector<2x2048x32xf32>
    %reduce_sum3A = arith.constant dense<0.000000e+00> : vector<2x2048xf32>
    %reduce_sum3A_34 = vector.multi_reduction <add>, %mul3A_33, %reduce_sum3A [2] : vector<2x2048x32xf32> to vector<2x2048xf32>
    %swap3A_35 = arith.constant 0 : index
    %swap3A_36 = arith.constant 0 : index
    %swap3A_37 = vector.load %arg9[%swap3A_35, %swap3A_36] : memref<2x2048xf32, #tpu.memory_space<vmem>>, vector<2x2048xf32>
    tpu.vector_store %arg9[%swap3A_35, %swap3A_36], %reduce_sum3A_34 {strides = array<i32>} : memref<2x2048xf32, #tpu.memory_space<vmem>>, vector<2x2048xf32>,
    %get3A_38 = arith.constant 0 : index
    %get3A_39 = arith.constant 0 : index
    %get3A_40 = vector.load %arg7[%get3A_38, %get3A_39] : memref<1x32xf32, #tpu.memory_space<vmem>>, vector<1x32xf32>
    %reshape3A_41 = vector.shape_cast %get3A_40 : vector<1x32xf32> to vector<1x1x32xf32>
    %mul3A_42 = vector.broadcast %reshape3A_41 : vector<1x1x32xf32> to vector<2x2048x32xf32>
    %mul3A_43 = arith.mulf %reshape3A_25, %mul3A_42 : vector<2x2048x32xf32>
    %reduce_sum3A_44 = arith.constant dense<0.000000e+00> : vector<2x2048xf32>
    %reduce_sum3A_45 = vector.multi_reduction <add>, %mul3A_43, %reduce_sum3A_44 [2] : vector<2x2048x32xf32> to vector<2x2048xf32>
    %swap3A_46 = arith.constant 0 : index
    %swap3A_47 = arith.constant 0 : index
    %swap3A_48 = vector.load %arg10[%swap3A_46, %swap3A_47] : memref<2x2048xf32, #tpu.memory_space<vmem>>, vector<2x2048xf32>
    tpu.vector_store %arg10[%swap3A_46, %swap3A_47], %reduce_sum3A_45 {strides = array<i32>} : memref<2x2048xf32, #tpu.memory_space<vmem>>, vector<2x2048xf32>,
    return
  }
  func.func @transform_0(%arg0: i32) -> (i32, i32, i32) {
    %c0_i32 = arith.constant 0 : i32
    %c0_i32_0 = arith.constant 0 : i32
    %c0_i32_1 = arith.constant 0 : i32
    return %c0_i32, %arg0, %c0_i32_0 : i32, i32, i32
  }
  func.func @transform_1(%arg0: i32) -> (i32, i32) {
    %c0_i32 = arith.constant 0 : i32
    %c0_i32_0 = arith.constant 0 : i32
    return %c0_i32, %arg0 : i32, i32
  }
  func.func @transform_2(%arg0: i32) -> (i32, i32) {
    %c0_i32 = arith.constant 0 : i32
    %c0_i32_0 = arith.constant 0 : i32
    %c0_i32_1 = arith.constant 0 : i32
    return %c0_i32, %c0_i32_0 : i32, i32
  }
  func.func @transform_3(%arg0: i32) -> (i32, i32) {
    %c0_i32 = arith.constant 0 : i32
    %c0_i32_0 = arith.constant 0 : i32
    %c0_i32_1 = arith.constant 0 : i32
    return %c0_i32, %c0_i32_0 : i32, i32
  }
  func.func @transform_4(%arg0: i32) -> (i32, i32) {
    %c0_i32 = arith.constant 0 : i32
    %c0_i32_0 = arith.constant 0 : i32
    %c0_i32_1 = arith.constant 0 : i32
    return %c0_i32, %c0_i32_0 : i32, i32
  }
  func.func @transform_5(%arg0: i32) -> (i32, i32) {
    %c0_i32 = arith.constant 0 : i32
    %c0_i32_0 = arith.constant 0 : i32
    %c0_i32_1 = arith.constant 0 : i32
    return %c0_i32, %c0_i32_0 : i32, i32
  }
  func.func @transform_6(%arg0: i32) -> (i32, i32) {
    %c0_i32 = arith.constant 0 : i32
    %c0_i32_0 = arith.constant 0 : i32
    %c0_i32_1 = arith.constant 0 : i32
    return %c0_i32, %c0_i32_0 : i32, i32
  }
  func.func @transform_7(%arg0: i32) -> (i32, i32, i32) {
    %c0_i32 = arith.constant 0 : i32
    %c0_i32_0 = arith.constant 0 : i32
    %c0_i32_1 = arith.constant 0 : i32
    return %c0_i32, %arg0, %c0_i32_0 : i32, i32, i32
  }
  func.func @transform_8(%arg0: i32) -> (i32, i32) {
    %c0_i32 = arith.constant 0 : i32
    %c0_i32_0 = arith.constant 0 : i32
    return %c0_i32, %arg0 : i32, i32
  }
  func.func @transform_9(%arg0: i32) -> (i32, i32) {
    %c0_i32 = arith.constant 0 : i32
    %c0_i32_0 = arith.constant 0 : i32
    return %c0_i32, %arg0 : i32, i32
  }
}

module attributes {stable_mosaic.version = 14 : i64} {
  func.func @_post_body(%arg0: i32, %arg1: memref<2x2048x32xf32, #tpu.memory_space<vmem>>, %arg2: memref<2x2048xf32, #tpu.memory_space<vmem>>, %arg3: memref<32x12xf32, #tpu.memory_space<vmem>>, %arg4: memref<1x12xf32, #tpu.memory_space<vmem>>, %arg5: memref<12x12xf32, #tpu.memory_space<vmem>>, %arg6: memref<1x12xf32, #tpu.memory_space<vmem>>, %arg7: memref<2x2xf32, #tpu.memory_space<smem>>, %arg8: memref<1x2xf32, #tpu.memory_space<smem>>, %arg9: memref<24x12xf32, #tpu.memory_space<vmem>>, %arg10: memref<1x12xf32, #tpu.memory_space<vmem>>, %arg11: memref<2x2048x12xf32, #tpu.memory_space<vmem>>) attributes {dimension_semantics = [#tpu.dimension_semantics<arbitrary>], iteration_bounds = array<i64: 25>, scalar_prefetch = 0 : i64, scratch_operands = 0 : i64, tpu.core_type = #tpu.core_type<tc>, window_params = [{transform_indices = @transform_0, window_bounds = array<i64: 2, 2048, 32>}, {transform_indices = @transform_1, window_bounds = array<i64: 2, 2048>}, {pipeline_mode = #tpu.pipeline_mode<synchronous>, transform_indices = @transform_2, window_bounds = array<i64: 32, 12>}, {pipeline_mode = #tpu.pipeline_mode<synchronous>, transform_indices = @transform_3, window_bounds = array<i64: 1, 12>}, {pipeline_mode = #tpu.pipeline_mode<synchronous>, transform_indices = @transform_4, window_bounds = array<i64: 12, 12>}, {pipeline_mode = #tpu.pipeline_mode<synchronous>, transform_indices = @transform_5, window_bounds = array<i64: 1, 12>}, {transform_indices = @transform_6, window_bounds = array<i64: 2, 2>}, {transform_indices = @transform_7, window_bounds = array<i64: 1, 2>}, {pipeline_mode = #tpu.pipeline_mode<synchronous>, transform_indices = @transform_8, window_bounds = array<i64: 24, 12>}, {pipeline_mode = #tpu.pipeline_mode<synchronous>, transform_indices = @transform_9, window_bounds = array<i64: 1, 12>}, {transform_indices = @transform_10, window_bounds = array<i64: 2, 2048, 12>}]} {
    %get3A = arith.constant 0 : index
    %get3A_0 = arith.constant 0 : index
    %get3A_1 = arith.constant 0 : index
    %get3A_2 = vector.load %arg1[%get3A, %get3A_0, %get3A_1] : memref<2x2048x32xf32, #tpu.memory_space<vmem>>, vector<2x2048x32xf32>
    %get3A_3 = arith.constant 0 : index
    %get3A_4 = arith.constant 0 : index
    %get3A_5 = vector.load %arg2[%get3A_3, %get3A_4] : memref<2x2048xf32, #tpu.memory_space<vmem>>, vector<2x2048xf32>
    %broadcast_in_dim3A = vector.shape_cast %get3A_5 : vector<2x2048xf32> to vector<2x2048x1xf32>
    %add3A = arith.constant 1.000000e-30 : f32
    %add3A_6 = vector.broadcast %add3A : f32 to vector<2x2048x1xf32>
    %add3A_7 = arith.addf %broadcast_in_dim3A, %add3A_6 : vector<2x2048x1xf32>
    %div3A = vector.broadcast %add3A_7 : vector<2x2048x1xf32> to vector<2x2048x32xf32>
    %div3A_8 = arith.divf %get3A_2, %div3A : vector<2x2048x32xf32>
    %reshape3A = vector.shape_cast %div3A_8 : vector<2x2048x32xf32> to vector<4096x32xf32>
    %get3A_9 = arith.constant 0 : index
    %get3A_10 = arith.constant 0 : index
    %get3A_11 = vector.load %arg3[%get3A_9, %get3A_10] : memref<32x12xf32, #tpu.memory_space<vmem>>, vector<32x12xf32>
    %dot_general3A = arith.constant dense<0.000000e+00> : vector<4096x12xf32>
    %dot_general3A_12 = tpu.matmul %reshape3A, %get3A_11, %dot_general3A {dimension_numbers = #tpu.dot_dimension_numbers<[1], [0], [0], [1], [0, 0, 1, 1], [], []>, transpose_lhs_hint = false} : vector<4096x32xf32>, vector<32x12xf32>, vector<4096x12xf32> -> vector<4096x12xf32>
    %get3A_13 = arith.constant 0 : index
    %get3A_14 = arith.constant 0 : index
    %get3A_15 = vector.load %arg4[%get3A_13, %get3A_14] : memref<1x12xf32, #tpu.memory_space<vmem>>, vector<1x12xf32>
    %add3A_16 = vector.broadcast %get3A_15 : vector<1x12xf32> to vector<4096x12xf32>
    %add3A_17 = arith.addf %dot_general3A_12, %add3A_16 : vector<4096x12xf32>
    %max3A = arith.constant 0.000000e+00 : f32
    %max3A_18 = vector.broadcast %max3A : f32 to vector<4096x12xf32>
    %max3A_19 = arith.maximumf %add3A_17, %max3A_18 : vector<4096x12xf32>
    %get3A_20 = arith.constant 0 : index
    %get3A_21 = arith.constant 0 : index
    %get3A_22 = vector.load %arg5[%get3A_20, %get3A_21] : memref<12x12xf32, #tpu.memory_space<vmem>>, vector<12x12xf32>
    %dot_general3A_23 = arith.constant dense<0.000000e+00> : vector<4096x12xf32>
    %dot_general3A_24 = tpu.matmul %max3A_19, %get3A_22, %dot_general3A_23 {dimension_numbers = #tpu.dot_dimension_numbers<[1], [0], [0], [1], [0, 0, 1, 1], [], []>, transpose_lhs_hint = false} : vector<4096x12xf32>, vector<12x12xf32>, vector<4096x12xf32> -> vector<4096x12xf32>
    %get3A_25 = arith.constant 0 : index
    %get3A_26 = arith.constant 0 : index
    %get3A_27 = vector.load %arg6[%get3A_25, %get3A_26] : memref<1x12xf32, #tpu.memory_space<vmem>>, vector<1x12xf32>
    %add3A_28 = vector.broadcast %get3A_27 : vector<1x12xf32> to vector<4096x12xf32>
    %add3A_29 = arith.addf %dot_general3A_24, %add3A_28 : vector<4096x12xf32>
    %broadcast_in_dim3A_30 = arith.constant 0.000000e+00 : f32
    %broadcast_in_dim3A_31 = vector.broadcast %broadcast_in_dim3A_30 : f32 to vector<4096x2xf32>
    %slice3A = vector.extract_strided_slice %add3A_29 {offsets = [0, 0], sizes = [4096, 10], strides = [1, 1]} : vector<4096x12xf32> to vector<4096x10xf32>
    %concatenate3A = tpu.concatenate %broadcast_in_dim3A_31, %slice3A in 1 : vector<4096x2xf32>, vector<4096x10xf32> -> vector<4096x12xf32>
    %get3A_32 = arith.constant 0 : index
    %get3A_33 = arith.constant 0 : index
    %get3A_34 = memref.load %arg7[%get3A_32, %get3A_33] : memref<2x2xf32, #tpu.memory_space<smem>>
    %mul3A = vector.broadcast %get3A_34 : f32 to vector<4096x12xf32>
    %mul3A_35 = arith.mulf %mul3A, %concatenate3A : vector<4096x12xf32>
    %get3A_36 = arith.constant 0 : index
    %get3A_37 = arith.constant 1 : index
    %get3A_38 = memref.load %arg7[%get3A_36, %get3A_37] : memref<2x2xf32, #tpu.memory_space<smem>>
    %mul3A_39 = vector.broadcast %get3A_38 : f32 to vector<4096x12xf32>
    %mul3A_40 = arith.mulf %mul3A_39, %add3A_29 : vector<4096x12xf32>
    %add3A_41 = arith.addf %mul3A_35, %mul3A_40 : vector<4096x12xf32>
    %get3A_42 = arith.constant 0 : index
    %get3A_43 = arith.constant 0 : index
    %get3A_44 = memref.load %arg8[%get3A_42, %get3A_43] : memref<1x2xf32, #tpu.memory_space<smem>>
    %add3A_45 = vector.broadcast %get3A_44 : f32 to vector<4096x12xf32>
    %add3A_46 = arith.addf %add3A_41, %add3A_45 : vector<4096x12xf32>
    %max3A_47 = arith.constant 0.000000e+00 : f32
    %max3A_48 = vector.broadcast %max3A_47 : f32 to vector<4096x12xf32>
    %max3A_49 = arith.maximumf %add3A_46, %max3A_48 : vector<4096x12xf32>
    %broadcast_in_dim3A_50 = arith.constant 0.000000e+00 : f32
    %broadcast_in_dim3A_51 = vector.broadcast %broadcast_in_dim3A_50 : f32 to vector<4096x2xf32>
    %slice3A_52 = vector.extract_strided_slice %max3A_49 {offsets = [0, 0], sizes = [4096, 10], strides = [1, 1]} : vector<4096x12xf32> to vector<4096x10xf32>
    %concatenate3A_53 = tpu.concatenate %broadcast_in_dim3A_51, %slice3A_52 in 1 : vector<4096x2xf32>, vector<4096x10xf32> -> vector<4096x12xf32>
    %get3A_54 = arith.constant 1 : index
    %get3A_55 = arith.constant 0 : index
    %get3A_56 = memref.load %arg7[%get3A_54, %get3A_55] : memref<2x2xf32, #tpu.memory_space<smem>>
    %mul3A_57 = vector.broadcast %get3A_56 : f32 to vector<4096x12xf32>
    %mul3A_58 = arith.mulf %mul3A_57, %concatenate3A_53 : vector<4096x12xf32>
    %get3A_59 = arith.constant 1 : index
    %get3A_60 = arith.constant 1 : index
    %get3A_61 = memref.load %arg7[%get3A_59, %get3A_60] : memref<2x2xf32, #tpu.memory_space<smem>>
    %mul3A_62 = vector.broadcast %get3A_61 : f32 to vector<4096x12xf32>
    %mul3A_63 = arith.mulf %mul3A_62, %max3A_49 : vector<4096x12xf32>
    %add3A_64 = arith.addf %mul3A_58, %mul3A_63 : vector<4096x12xf32>
    %get3A_65 = arith.constant 0 : index
    %get3A_66 = arith.constant 1 : index
    %get3A_67 = memref.load %arg8[%get3A_65, %get3A_66] : memref<1x2xf32, #tpu.memory_space<smem>>
    %add3A_68 = vector.broadcast %get3A_67 : f32 to vector<4096x12xf32>
    %add3A_69 = arith.addf %add3A_64, %add3A_68 : vector<4096x12xf32>
    %max3A_70 = arith.constant 0.000000e+00 : f32
    %max3A_71 = vector.broadcast %max3A_70 : f32 to vector<4096x12xf32>
    %max3A_72 = arith.maximumf %add3A_69, %max3A_71 : vector<4096x12xf32>
    %concatenate3A_73 = tpu.concatenate %add3A_29, %max3A_72 in 1 : vector<4096x12xf32>, vector<4096x12xf32> -> vector<4096x24xf32>
    %get3A_74 = arith.constant 0 : index
    %get3A_75 = arith.constant 0 : index
    %get3A_76 = vector.load %arg9[%get3A_74, %get3A_75] : memref<24x12xf32, #tpu.memory_space<vmem>>, vector<24x12xf32>
    %dot_general3A_77 = arith.constant dense<0.000000e+00> : vector<4096x12xf32>
    %dot_general3A_78 = tpu.matmul %concatenate3A_73, %get3A_76, %dot_general3A_77 {dimension_numbers = #tpu.dot_dimension_numbers<[1], [0], [0], [1], [0, 0, 1, 1], [], []>, transpose_lhs_hint = false} : vector<4096x24xf32>, vector<24x12xf32>, vector<4096x12xf32> -> vector<4096x12xf32>
    %get3A_79 = arith.constant 0 : index
    %get3A_80 = arith.constant 0 : index
    %get3A_81 = vector.load %arg10[%get3A_79, %get3A_80] : memref<1x12xf32, #tpu.memory_space<vmem>>, vector<1x12xf32>
    %add3A_82 = vector.broadcast %get3A_81 : vector<1x12xf32> to vector<4096x12xf32>
    %add3A_83 = arith.addf %dot_general3A_78, %add3A_82 : vector<4096x12xf32>
    %reshape3A_84 = vector.shape_cast %add3A_83 : vector<4096x12xf32> to vector<2x2048x12xf32>
    %swap3A = arith.constant 0 : index
    %swap3A_85 = arith.constant 0 : index
    %swap3A_86 = arith.constant 0 : index
    %swap3A_87 = vector.load %arg11[%swap3A, %swap3A_85, %swap3A_86] : memref<2x2048x12xf32, #tpu.memory_space<vmem>>, vector<2x2048x12xf32>
    tpu.vector_store %arg11[%swap3A, %swap3A_85, %swap3A_86], %reshape3A_84 {strides = array<i32>} : memref<2x2048x12xf32, #tpu.memory_space<vmem>>, vector<2x2048x12xf32>,
    return
  }
  func.func @transform_0(%arg0: i32) -> (i32, i32, i32) {
    %c0_i32 = arith.constant 0 : i32
    %c0_i32_0 = arith.constant 0 : i32
    %c0_i32_1 = arith.constant 0 : i32
    return %c0_i32, %arg0, %c0_i32_0 : i32, i32, i32
  }
  func.func @transform_1(%arg0: i32) -> (i32, i32) {
    %c0_i32 = arith.constant 0 : i32
    %c0_i32_0 = arith.constant 0 : i32
    return %c0_i32, %arg0 : i32, i32
  }
  func.func @transform_2(%arg0: i32) -> (i32, i32) {
    %c0_i32 = arith.constant 0 : i32
    %c0_i32_0 = arith.constant 0 : i32
    %c0_i32_1 = arith.constant 0 : i32
    return %c0_i32, %c0_i32_0 : i32, i32
  }
  func.func @transform_3(%arg0: i32) -> (i32, i32) {
    %c0_i32 = arith.constant 0 : i32
    %c0_i32_0 = arith.constant 0 : i32
    %c0_i32_1 = arith.constant 0 : i32
    return %c0_i32, %c0_i32_0 : i32, i32
  }
  func.func @transform_4(%arg0: i32) -> (i32, i32) {
    %c0_i32 = arith.constant 0 : i32
    %c0_i32_0 = arith.constant 0 : i32
    %c0_i32_1 = arith.constant 0 : i32
    return %c0_i32, %c0_i32_0 : i32, i32
  }
  func.func @transform_5(%arg0: i32) -> (i32, i32) {
    %c0_i32 = arith.constant 0 : i32
    %c0_i32_0 = arith.constant 0 : i32
    %c0_i32_1 = arith.constant 0 : i32
    return %c0_i32, %c0_i32_0 : i32, i32
  }
  func.func @transform_6(%arg0: i32) -> (i32, i32) {
    %c0_i32 = arith.constant 0 : i32
    %c0_i32_0 = arith.constant 0 : i32
    %c0_i32_1 = arith.constant 0 : i32
    return %c0_i32, %c0_i32_0 : i32, i32
  }
  func.func @transform_7(%arg0: i32) -> (i32, i32) {
    %c0_i32 = arith.constant 0 : i32
    %c0_i32_0 = arith.constant 0 : i32
    %c0_i32_1 = arith.constant 0 : i32
    return %c0_i32, %c0_i32_0 : i32, i32
  }
  func.func @transform_8(%arg0: i32) -> (i32, i32) {
    %c0_i32 = arith.constant 0 : i32
    %c0_i32_0 = arith.constant 0 : i32
    %c0_i32_1 = arith.constant 0 : i32
    return %c0_i32, %c0_i32_0 : i32, i32
  }
  func.func @transform_9(%arg0: i32) -> (i32, i32) {
    %c0_i32 = arith.constant 0 : i32
    %c0_i32_0 = arith.constant 0 : i32
    %c0_i32_1 = arith.constant 0 : i32
    return %c0_i32, %c0_i32_0 : i32, i32
  }
  func.func @transform_10(%arg0: i32) -> (i32, i32, i32) {
    %c0_i32 = arith.constant 0 : i32
    %c0_i32_0 = arith.constant 0 : i32
    %c0_i32_1 = arith.constant 0 : i32
    return %c0_i32, %arg0, %c0_i32_0 : i32, i32, i32
  }
}

</mosaic_0001>

<sc_bundles>
// kernel: kernel.10.cloned.1.call-start
scs
__scs_entry_jumppad:
0x0: {  	(pc) =	sbr.rel $0x88, $3  }
0x1: {  	(tag) =	ssettag $0x0;
	lr =	simm.s32 $0x1  }
0x2: {  	[smem:$0x3F94] =	sst lr;
	_ =	strace $0xD0000000  }
0x3: {  	_ = 	snop  }
0x4: {  	_ = 	snop  }
0x5: {  	_ = 	snop  }
0x6: {  	_ = 	snop  }
0x7: {  	_ = 	snop  }
__scs_overlays_trampoline_lowered:
0x8: {  	[smem:$0x3FA3] =	sst s0  }
0x9: {  	[smem:$0x3FA4] =	sst s1  }
0xa: {  	[smem:$0x3FA5] =	sst s2  }
0xb: {  	[smem:$0x3FA6] =	sst s3  }
0xc: {  	[smem:$0x3FA7] =	sst s4  }
0xd: {  	[smem:$0x3FA8] =	sst s5  }
0xe: {  	[smem:$0x3FA9] =	sst s6  }
0xf: {  	[smem:$0x3FAA] =	sst s7  }
0x10: {  	[smem:$0x3FAB] =	sst s8  }
0x11: {  	[smem:$0x3FAC] =	sst s9;
	s0 =	simm.s32 @!p0 $0x0  }
0x12: {  	s1 =	sld [smem:$0x3F92];
	s0 =	simm.s32 @p0 $0x1  }
0x13: {  	[smem:$0x3FAD] =	sst s0;
	s0 =	simm.s32 @!p1 $0x0  }
0x14: {  	s2 =	sld [smem:$0x3F91];
	s0 =	simm.s32 @p1 $0x1  }
0x15: {  	[smem:$0x3FAE] =	sst s0;
	s0 =	simm.s32 @!p2 $0x0  }
0x16: {  	s3 =	sld [smem:$0x3FDB];
	s0 =	simm.s32 @p2 $0x1  }
0x17: {  	s4 =	simm.s32 $0x1BF5;
	[smem:$0x3FB0] =	sst s0  }
0x18: {  	s0 =	sld [smem:$0x3F93];
	_ =	swait.ge [sflag:s4], $0x0  }
0x19: {  	s7 =	sld [smem:$0x3F94]  }
0x1a: {  	s8 =	sadd.s32 $0xFFFFE003, lr  }
0x1b: {  	s9 =	sadd.s32 $0xFFFFFEF7, lr;
	s5 =	simm.s32 $0xFFFFFFFF;
	p2 =	slt.u32 s8, $0xFFFFF086  }
0x1c: {  	p1 =	slt.u32 s9, $0xF7A;
	s5 =	simm.s32 @!p2 $0x0  }
0x1d: {  	s5 =	simm.s32 @p1 $0x1;
	p0 =	seq.s32 s7, s2  }
0x1e: {  	s7 =	smul.u32 @!p0 $0xF7A, s2;
	p2 =	seq.s32 @!p0 s5, $0x0  }
0x1f: {  	s9 =	smul.u32 $0xF7A, s1;
	s8 =	simm.s32 @!p0 $0x1BF5;
	p2 =	por !p2, p0  }
0x20: {  	[sflag:s8] =	ssyncset.s32 @!p0 $0xFFFFF086;
	s6 =	sadd.s32 @!p0 s3, s7;
	s7 =	simm.s32 @!p0 $0x108  }
0x21: {  	s3 =	sadd.s32 s3, s9;
	s6 =	sadd.s32 @!p0 $0x88, s6;
	s7 =	simm.s32 @p2 $0x1082  }
0x22: {  	[simem:s7], [sflag:s8] =	dma.local @!p0 [hbm:s6], $0xF7A  }
0x23: {  	s9 =	sor.u32 $0xD0000000, s2;
	s6 =	simm.s32 $0x108;
	_ =	swait.ge @!p0 [sflag:s8], $0x0  }
0x24: {  	s3 =	sadd.s32 $0x88, s3;
	s6 =	simm.s32 @!p1 $0x1082;
	[sflag:s4] =	ssyncset.s32 $0xFFFFF086  }
0x25: {  	[simem:s6], [sflag:s4] =	dma.local [hbm:s3], $0xF7A  }
0x26: {  	[smem:$0x3F94] =	sst s1;
	(tag) =	ssettag s2;
	_ =	strace s9  }
0x27: {  	s1 =	sld [smem:$0x3FA4]  }
0x28: {  	s2 =	sld [smem:$0x3FA5]  }
0x29: {  	s4 =	sld [smem:$0x3FA7]  }
0x2a: {  	p0 =	seq.s32 s5, $0x0;
	s5 =	sld [smem:$0x3FA8]  }
0x2b: {  	s6 =	sld [smem:$0x3FA9]  }
0x2c: {  	s7 =	sld [smem:$0x3FAA]  }
0x2d: {  	s3 =	simm.s32 $0x108;
	s8 =	sld [smem:$0x3FAB]  }
0x2e: {  	s3 =	simm.s32 @!p0 $0x1082;
	s9 =	sld [smem:$0x3FAC]  }
0x2f: {  	lr =	sadd.s32 s0, s3;
	s0 =	sld [smem:$0x3FA3]  }
0x30: {  	s3 =	sld [smem:$0x3FA6]  }
0x31: {  	[smem:$0x3FAF] =	sst s10  }
0x32: {  	s10 =	sld [smem:$0x3FAD];
	_ =	sdelay $0x3  }
0x33: {  	p0 =	seq.s32 s10, $0x1;
	s10 =	sld [smem:$0x3FAF];
	_ =	sdelay $0x3  }
0x34: {  	[smem:$0x3FAF] =	sst s10  }
0x35: {  	s10 =	sld [smem:$0x3FAE];
	_ =	sdelay $0x3  }
0x36: {  	p1 =	seq.s32 s10, $0x1;
	s10 =	sld [smem:$0x3FAF];
	_ =	sdelay $0x3  }
0x37: {  	[smem:$0x3FAF] =	sst s10  }
0x38: {  	s10 =	sld [smem:$0x3FB0]  }
0x39: {  	_ = 	snop;
	(pc) =	sbr.ind lr, $3  }
0x3a: {  	_ = 	snop  }
0x3b: {  	_ = 	snop  }
0x3c: {  	p2 =	seq.s32 s10, $0x1;
	s10 =	sld [smem:$0x3FAF]  }
0x3d: {  	_ =	shalt  }
0x3e: {  	_ =	shalt  }
0x3f: {  	_ =	shalt  }
0x40: {  	_ =	shalt  }
0x41: {  	_ =	shalt  }
0x42: {  	_ =	shalt  }
0x43: {  	_ =	shalt  }
0x44: {  	_ =	shalt  }
0x45: {  	_ =	shalt  }
0x46: {  	_ =	shalt  }
0x47: {  	_ =	shalt  }
0x48: {  	_ =	shalt  }
0x49: {  	_ =	shalt  }
0x4a: {  	_ =	shalt  }
0x4b: {  	_ =	shalt  }
0x4c: {  	_ =	shalt  }
0x4d: {  	_ =	shalt  }
0x4e: {  	_ =	shalt  }
0x4f: {  	_ =	shalt  }
0x50: {  	_ =	shalt  }
0x51: {  	_ =	shalt  }
0x52: {  	_ =	shalt  }
0x53: {  	_ =	shalt  }
0x54: {  	_ =	shalt  }
0x55: {  	_ =	shalt  }
0x56: {  	_ =	shalt  }
0x57: {  	_ =	shalt  }
0x58: {  	_ =	shalt  }
0x59: {  	_ =	shalt  }
0x5a: {  	_ =	shalt  }
0x5b: {  	_ =	shalt  }
0x5c: {  	_ =	shalt  }
0x5d: {  	_ =	shalt  }
0x5e: {  	_ =	shalt  }
0x5f: {  	_ =	shalt  }
0x60: {  	_ =	shalt  }
0x61: {  	_ =	shalt  }
0x62: {  	_ =	shalt  }
0x63: {  	_ =	shalt  }
0x64: {  	_ =	shalt  }
0x65: {  	_ =	shalt  }
0x66: {  	_ =	shalt  }
0x67: {  	_ =	shalt  }
0x68: {  	_ =	shalt  }
0x69: {  	_ =	shalt  }
0x6a: {  	_ =	shalt  }
0x6b: {  	_ =	shalt  }
0x6c: {  	_ =	shalt  }
0x6d: {  	_ =	shalt  }
0x6e: {  	_ =	shalt  }
0x6f: {  	_ =	shalt  }
0x70: {  	_ =	shalt  }
0x71: {  	_ =	shalt  }
0x72: {  	_ =	shalt  }
0x73: {  	_ =	shalt  }
0x74: {  	_ =	shalt  }
0x75: {  	_ =	shalt  }
0x76: {  	_ =	shalt  }
0x77: {  	_ =	shalt  }
0x78: {  	_ =	shalt  }
0x79: {  	_ =	shalt  }
0x7a: {  	_ =	shalt  }
0x7b: {  	_ =	shalt  }
0x7c: {  	_ =	shalt  }
0x7d: {  	_ =	shalt  }
0x7e: {  	_ =	shalt  }
0x7f: {  	_ =	shalt  }
0x80: {  	_ =	shalt  }
0x81: {  	_ =	shalt  }
0x82: {  	_ =	shalt  }
0x83: {  	_ =	shalt  }
0x84: {  	_ =	shalt  }
0x85: {  	_ =	shalt  }
0x86: {  	_ =	shalt  }
0x87: {  	_ =	shalt  }
.Lfunc_end0:
.L_simem_size_0:
called_computation.1_lowered:
.L_overlay_start_0:
0x88: {  	s2 =	sld [smem:$0x3FD9]  }
0x89: {  	s3 =	sld [smem:$0x3FFE];
	_ =	sdelay $0x1  }
0x8a: {  	s1 =	srdreg.scid  }
0x8b: {  	s0 =	sand.u32 $0x1, s1  }
0x8c: {  	s17 =	sshll.u32 s0, $0xA;
	s2 =	sadd.s32 s3, s2  }
0x8d: {  	s2 =	sadd.s32 s2, s17  }
0x8e: {  	[smem:$0x3FBB] =	sst s2  }
0x8f: {  	_ = 	snop  }
0x90: {  	s2 =	sld [smem:$0x3FD0];
	(tm) =	ssettm $0x1  }
0x91: {  	s18 =	sld [smem:$0x3FFB];
	_ =	sdelay $0x3  }
0x92: {  	_ =	strace s18  }
0x93: {  	s3 =	sld [smem:$0x3FFC];
	_ =	sdelay $0x3  }
0x94: {  	_ =	strace s3  }
0x95: {  	s3 =	sld [smem:$0x3FFD];
	_ =	sdelay $0x3  }
0x96: {  	_ =	strace s3  }
0x97: {  	_ =	strace $0x8FFFFFFF  }
0x98: {  	s19 =	sld [smem:$0x3FDB];
	_ =	sdelay $0x1  }
0x99: {  	s4 =	simm.s32 $_scs_section_size  }
0x9a: {  	s5 =	simm.s32 $_size__tile_overlayer_lowered;
	s6 =	simm.s32 $_tile_overlayer_lowered  }
0x9b: {  	s22 =	simm.s32 $0x1BFF;
	s21 =	sshll.u32 s6, $0x1;
	s3 =	sadd.s32 s4, s19  }
0x9c: {  	s7 =	simm.s32 $0x0;
	s20 =	sshll.u32 s5, $0x1;
	s5 =	sadd.s32 s21, s3  }
0x9d: {  	[timem:s7], [sflag:s22] =	dma.local [hbm:s5], s20  }
0x9e: {  	_ =	swait.ge [sflag:s22], s20  }
0x9f: {  	s4 =	ssub.s32 $0x0, s20;
	[sflag:s22] =	ssyncset.done $0x0  }
0xa0: {  	[sflag:s22] =	ssyncadd.s32 s4;
	_ =	sdelay $0x1  }
0xa1: {  	s23 =	simm.s32 $0x1B8B  }
0xa2: {  	_ =	swait.ge [sflag:s23], $0x1  }
0xa3: {  	[sflag:s23] =	ssyncset.done $0x0  }
0xa4: {  	s25 =	simm.s32 $0x1B8E;
	s24 =	sld [smem:$0x3FFE];
	[sflag:s23] =	ssyncadd.s32 $0xFFFFFFFF  }
0xa5: {  	s26 =	simm.s32 $execute0_lowered;
	[smem:$0x3FD2] =	sst s25  }
0xa6: {  	s5 =	sshll.u32 s26, $0x1;
	_ =	strace $0x80000049;
	[dreg:$0x1] =	wrdreg $0xFFFFFFFF  }
0xa7: {  	s28 =	simm.s32 $_size_execute0_lowered;
	s3 =	sadd.s32 s3, s5;
	[dreg:$0x0] =	wrdreg $0x0  }
0xa8: {  	s5 =	sshll.u32 s28, $0x1;
	[dreg:$0x2] =	wrdreg s3  }
0xa9: {  	[dreg:$0x3] =	wrdreg s5  }
0xaa: {  	[dreg:$0x4] =	wrdreg $0xC0  }
0xab: {  	_ =	task [dreg:s7], $0x5FFFF  }
0xac: {  	[dreg:$0x1] =	wrdreg $0xFFFFFFFF  }
0xad: {  	[dreg:$0x0] =	wrdreg $0x60  }
0xae: {  	[dreg:$0x2] =	wrdreg s24  }
0xaf: {  	[dreg:$0x3] =	wrdreg s2  }
0xb0: {  	[dreg:$0x4] =	wrdreg $0x192D80  }
0xb1: {  	[dreg:$0x5] =	wrdreg $0x19F100  }
0xb2: {  	[dreg:$0x6] =	wrdreg $0x0  }
0xb3: {  	[dreg:$0x7] =	wrdreg $0xC380  }
0xb4: {  	[dreg:$0x8] =	wrdreg $0x9  }
0xb5: {  	_ =	task.clear_ibuf [dreg:s7], $0x9FFFF;
	_ =	strace $0x90000049  }
0xb6: {  	s29 =	simm.s32 $0x9;
	_ =	strace $0x8000004B  }
0xb7: {  	_ =	swait.ge [sflag:s29], $0x1  }
0xb8: {  	[sflag:s29] =	ssyncadd.s32 $0xFFFFFFFF  }
0xb9: {  	_ =	strace $0x9000004B  }
0xba: {  	_ =	sfence  }
0xbb: {  	s30 =	sld [smem:$0x0];
	_ =	sdelay $0x2  }
0xbc: {  	s31 =	sshll.u32 s1, $0xD;
	s1 =	sshrl.u32 s1, $0x2  }
0xbd: {  	s3 =	sand.u32 $0x4000, s31;
	s1 =	sadd.s32 s1, s30  }
0xbe: {  	s0 =	sor.u32 s3, s0;
	s1 =	sshll.u32 s1, $0x11  }
0xbf: {  	s0 =	sor.u32 s1, s0  }
0xc0: {  	s0 =	sadd.s32 $0x8F2B, s0  }
0xc1: {  	[sflag:s0] =	ssyncadd.remote.s32 $0x1  }
0xc2: {  	_ =	sfence.sel $0xFFFF  }
0xc3: {  	[dreg:$0x0] =	wrdreg $0xFFFFFFFF;
	(pc) =	sbr.abs _section_cstart, $3  }
0xc4: {  	[dreg:$0x1] =	wrdreg $0xFFFFFFFF  }
0xc5: {  	_ =	task.clear_ibuf [dreg:s7], $0x2FFFF;
	_ =	strace $0x9FFFFFFF  }
0xc6: {  	(tm) =	ssettm $0x7FFFFFFF  }
0xc7: {  	_ =	shalt  }
tec
execute0_lowered:
.L_overlay_start_1:
0x0: {  	(tag) =	ssettag $0x1  }
0x1: {  	s2 =	rddreg [dreg:$0x0]  }
0x2: {  	s4 =	rddreg [dreg:$0x1]  }
0x3: {  	s0 =	rddreg [dreg:$0x2]  }
0x4: {  	s1 =	rddreg [dreg:$0x3]  }
0x5: {  	s5 =	srdreg.scid;
	s3 =	rddreg [dreg:$0x4]  }
0x6: {  	s16 =	stileid.u32;
	s17 =	simm.s32 $0x0;
	s20 =	simm.s32 $0x9  }
0x7: {  	s28 =	simm.s32 $0x1ADA8;
	s29 =	simm.s32 $0x1;
	s30 =	simm.s32 $0xD0  }
0x8: {  	s6 =	sand.u32 $0x1, s5;
	s5 =	rddreg [dreg:$0x5];
	s9 =	smul.u32 $0x186A0, s16  }
0x9: {  	s31 =	simm.s32 $0x1B318;
	[smem:$0x7FF] =	sst s17;
	s15 =	smul.u32 $0x30E0, s16  }
0xa: {  	s13 =	sadd.s32 $0x9CC00, s2;
	s21 =	sadd.s32 $0x99A00, s2;
	s24 =	smul.u32 $0xC38, s16  }
0xb: {  	s18 =	sadd.s32 $0xB748, s3;
	p0 =	seq.s32 s16, $0xF;
	s7 =	smul.u32 $0x30D40, s6  }
0xc: {  	s8 =	smul.u32 $0x186A, s6;
	_ =	strace $0x8000004A;
	[dreg:$0x8] =	wrdreg s13  }
0xd: {  	s10 =	smul.u32 $0x186A00, s6;
	[dreg:$0x9] =	wrdreg s21;
	s22 =	ssub.s32 $0x2, s6  }
0xe: {  	s6 =	smul.u32 $0xC350, s6;
	p1 =	sne.s32 @!p0 s16, $0x0;
	[dreg:$0xa] =	wrdreg s18  }
0xf: {  	s21 =	simm.s32 $0x5;
	s14 =	sshrl.u32 s22, $0x1;
	s23 =	sshrl.u32 s15, $0x2  }
0x10: {  	p1 =	por p1, p0;
	s11 =	sadd.s32 s7, s2;
	s12 =	sadd.s32 s8, s2  }
0x11: {  	s10 =	sadd.s32 s9, s10;
	s7 =	sadd.s32 $0x68C00, s2;
	s13 =	ssub.s32 s22, s14  }
0x12: {  	s4 =	sadd.s32 s4, s8;
	s9 =	sadd.s32 s9, s5;
	s14 =	smul.u32 $0xC350, s16  }
0x13: {  	s25 =	sadd.s32 s24, s6;
	s6 =	sadd.s32 $0xB748, s6;
	s8 =	sadd.s32 s24, s3  }
0x14: {  	s24 =	simm.s32 $0x1AB48;
	s16 =	simm.s32 $0x1CD18;
	s22 =	simm.s32 $0x1B258  }
0x15: {  	s10 =	sshrl.u32 s10, $0x3;
	[dreg:$0xb] =	wrdreg s4;
	s12 =	sadd.s32 $0x65A00, s12  }
0x16: {  	s4 =	sadd.s32 s23, s3;
	[dreg:$0xd] =	wrdreg s9;
	s15 =	sadd.s32 $0x3E00, s11  }
0x17: {  	s9 =	sshrl.u32 s25, $0x3;
	s6 =	sshrl.u32 s6, $0x3;
	[dreg:$0x10] =	wrdreg s8  }
0x18: {  	s26 =	smax.u32 s13, $0x1;
	s25 =	simm.s32 $0x1ACD8;
	s13 =	simm.s32 $0xC0  }
0x19: {  	s8 =	simm.s32 $0x8;
	s10 =	sadd.s32 s10, s2;
	[dreg:$0xc] =	wrdreg s12  }
0x1a: {  	s2 =	sadd.s32 $0xFEA00, s2;
	[dreg:$0x12] =	wrdreg s26;
	s10 =	sadd.s32 $0x9CE00, s10  }
0x1b: {  	s26 =	simm.s32 $0x1AC18;
	s9 =	sadd.s32 s2, s9;
	[dreg:$0xe] =	wrdreg s10  }
0x1c: {  	s12 =	simm.s32 $0x3;
	s2 =	sadd.s32 s2, s6;
	[dreg:$0xf] =	wrdreg s9  }
0x1d: {  	[dreg:$0x11] =	wrdreg s2;
	s2 =	sshrl.u32 @p0 s18, $0x3;
	s9 =	simm.s32 $0x2  }
0x1e: {  	s18 =	simm.s32 $0x4;
	[dreg:$0x13] =	wrdreg s2;
	s2 =	sshrl.u32 @!p0 s4, $0x3  }
0x1f: {  	s10 =	simm.s32 $0x6;
	s4 =	simm.s32 $0x7;
	[dreg:$0x14] =	wrdreg s2  }
.LBB2_1:
0x20: {  	[dreg:$0x7] =	wrdreg s17  }
0x21: {  	s17 =	rddreg [dreg:$0x8]  }
0x22: {  	s2 =	simm.s32 @p0 $0x1FC9;
	s6 =	rddreg [dreg:$0x13]  }
0x23: {  	[spmem:s6], [sflag:s2] =	dma.local @p0 [hbm:s17], $0x181  }
0x24: {  	s2 =	simm.s32 @p0 $0x9  }
0x25: {  	_ =	swait.ge @p0 [sflag:s2], $0x181  }
0x26: {  	s6 =	simm.s32 @!p1 $0x1C09;
	[sflag:s2] =	ssyncset.done @p0 $0x0  }
0x27: {  	s11 =	rddreg [dreg:$0xb];
	[sflag:s2] =	ssyncadd.s32 @p0 $0xFFFFFE7F;
	s2 =	sshrl.u32 @!p1 s0, $0x3  }
0x28: {  	[spmem:s2], [sflag:s6] =	dma.local @!p1 [hbm:s11], $0x186A  }
0x29: {  	s2 =	simm.s32 @!p1 $0x9  }
0x2a: {  	_ =	swait.ge @!p1 [sflag:s2], $0x186A  }
0x2b: {  	[sflag:s2] =	ssyncset.done @!p1 $0x0  }
0x2c: {  	s11 =	sshrl.u32 @!p1 s1, $0x3;
	s19 =	rddreg [dreg:$0xc];
	[sflag:s2] =	ssyncadd.s32 @!p1 $0xFFFFE796  }
0x2d: {  	[spmem:s11], [sflag:s6] =	dma.local @!p1 [hbm:s19], $0x186A  }
0x2e: {  	s11 =	stileid.u32;
	_ =	swait.ge @!p1 [sflag:s2], $0x186A  }
0x2f: {  	s6 =	sshll.u32 @!p0 s11, $0x6;
	s11 =	sshll.u32 s11, $0x6;
	[sflag:s2] =	ssyncset.done @!p1 $0x0  }
0x30: {  	[sflag:s2] =	ssyncadd.s32 @!p1 $0xFFFFE796;
	s2 =	sor.u32 @!p0 $0x1C09, s6;
	s6 =	rddreg [dreg:$0x14]  }
0x31: {  	[spmem:s6], [sflag:s2] =	dma.local @!p0 [hbm:s17], $0x187  }
0x32: {  	s2 =	simm.s32 @!p0 $0x9;
	s6 =	sor.u32 $0x1C09, s11  }
0x33: {  	_ =	swait.ge @!p0 [sflag:s2], $0x187;
	[dreg:$0x15] =	wrdreg s6  }
0x34: {  	s17 =	rddreg [dreg:$0xd]  }
0x35: {  	[sflag:s2] =	ssyncset.done @!p0 $0x0;
	s23 =	rddreg [dreg:$0x9];
	s19 =	sshrl.u32 s17, $0x3  }
0x36: {  	[sflag:s2] =	ssyncadd.s32 @!p0 $0xFFFFFE79;
	[dreg:$0x16] =	wrdreg s19  }
0x37: {  	[spmem:s19], [sflag:s6] =	dma.local [hbm:s23], $0x30D4  }
0x38: {  	_ =	swait.ge [sflag:s20], $0x30D4  }
0x39: {  	[sflag:s20] =	ssyncset.done $0x0  }
0x3a: {  	p2 =	por @p0 $0x1, $0x1;
	p3 =	por @!p0 $0x0, $0x0;
	[sflag:s20] =	ssyncadd.s32 $0xFFFFCF2C  }
0x3b: {  	p2 =	por @!p0 p3, p3;
	s23 =	simm.s32 $0x0;
	[bflag:$0x0] =	sbarrier.arrive $0xFFFF  }
.LBB2_2:
0x3c: {  	s2 =	smul.u32 $0x190, s23;
	_ =	sdelay $0x1  }
0x3d: {  	s2 =	sadd.s32 s14, s2  }
0x3e: {  	s2 =	sshrl.u32 s2, $0x3  }
0x3f: {  	s6 =	simm.s32 $0x0;
	s2 =	sadd.s32 s7, s2  }
0x40: {  	[tilespmem:s24], [sflag:$0x1] =	stream.linear.gather [hbm4b:s2+s6], $0xD0, $0x38;
	[tilespmem:$0x1E518] =	vst v63  }
0x41: {  	s11 =	sadd.s32 $0x186A0, s2  }
0x42: {  	[tilespmem:s25], [sflag:$0x2] =	stream.linear.gather [hbm4b:s11+s6], $0xD0, $0x38;
	[tilespmem:$0x1E518] =	vst v63  }
0x43: {  	s20 =	sadd.s32 $0x1A, s2  }
0x44: {  	[tilespmem:s26], [sflag:$0x3] =	stream.linear.gather [hbm4b:s20+s6], $0xC0, $0x38;
	[tilespmem:$0x1E518] =	vst v63  }
0x45: {  	s2 =	sadd.s32 $0x186BA, s2  }
0x46: {  	[tilespmem:s28], [sflag:$0x4] =	stream.linear.gather [hbm4b:s2+s6], $0xC0, $0x38;
	[tilespmem:$0x1E518] =	vst v63  }
0x47: {  	_ =	swait.ge [sflag:s29], $0xD0  }
0x48: {  	[sflag:s29] =	ssyncset.done $0x0  }
0x49: {  	[sflag:s29] =	ssyncadd.s32 $0xFFFFFF30  }
0x4a: {  	[tilespmem:s31], [sflag:$0x5] =	stream.indirect.gather [hbm4b:s15+s30], $0x20, s24, s30, $0xb8;
	[tilespmem:$0x1E518] =	vst v63  }
0x4b: {  	s11 =	simm.s32 $0x1AE68  }
0x4c: {  	[tilespmem:s11], [sflag:$0x1] =	stream.indirect.gather [spmem:s0], $0x1, s24, s30, $0xb8;
	[tilespmem:$0x1E518] =	vst v63  }
0x4d: {  	_ =	swait.ge [sflag:s9], $0xD0  }
0x4e: {  	[sflag:s9] =	ssyncset.done $0x0  }
0x4f: {  	s17 =	simm.s32 $0x1AFF8;
	[sflag:s9] =	ssyncadd.s32 $0xFFFFFF30  }
0x50: {  	[tilespmem:s17], [sflag:$0x2] =	stream.indirect.gather [spmem:s1], $0x1, s25, s30, $0xb8;
	[tilespmem:$0x1E518] =	vst v63  }
0x51: {  	_ =	swait.ge [sflag:s12], $0xC0  }
0x52: {  	[sflag:s12] =	ssyncset.done $0x0  }
0x53: {  	[sflag:s12] =	ssyncadd.s32 $0xFFFFFF40  }
0x54: {  	[tilespmem:s16], [sflag:$0x6] =	stream.indirect.gather [hbm4b:s15+s13], $0x20, s26, s13, $0xb8;
	[tilespmem:$0x1E518] =	vst v63  }
0x55: {  	s19 =	simm.s32 $0x1AF38  }
0x56: {  	[tilespmem:s19], [sflag:$0x3] =	stream.indirect.gather [spmem:s0], $0x1, s26, s13, $0xb8;
	[tilespmem:$0x1E518] =	vst v63  }
0x57: {  	_ =	swait.ge [sflag:s18], $0xC0  }
0x58: {  	[sflag:s18] =	ssyncset.done $0x0  }
0x59: {  	s20 =	simm.s32 $0x1B0C8;
	[sflag:s18] =	ssyncadd.s32 $0xFFFFFF40  }
0x5a: {  	[tilespmem:s20], [sflag:$0x4] =	stream.indirect.gather [spmem:s1], $0x1, s28, s13, $0xb8;
	[tilespmem:$0x1E518] =	vst v63  }
0x5b: {  	_ =	swait.ge [sflag:s29], $0xD0  }
0x5c: {  	[sflag:s29] =	ssyncset.done $0x0  }
0x5d: {  	[sflag:s29] =	ssyncadd.s32 $0xFFFFFF30  }
0x5e: {  	_ =	swait.ge [sflag:s9], $0xD0  }
0x5f: {  	[sflag:s9] =	ssyncset.done $0x0  }
0x60: {  	s2 =	simm.s32 $0x0;
	[sflag:s9] =	ssyncadd.s32 $0xFFFFFF30  }
0x61: {  	v0 =	vld [tilespmem:s2+$0x1AE68]  }
0x62: {  	v1 =	vld [tilespmem:s2+$0x1AFF8];
	_ =	sdelay $0x4  }
0x63: {  	v0 =	vadd.f32 v1, v0;
	_ =	sdelay $0x1  }
0x64: {  	s6 =	simm.s32 $0x10;
	v1 =	vmul.f32 $2.000000030e-01, v0  }
0x65: {  	v2 =	vld [tilespmem:s6+$0x1AE68];
	vm0 =	vge.f32 v0, $0.0e+00  }
0x66: {  	v3 =	vld [tilespmem:s6+$0x1AFF8];
	v0 =	vsel vm0, v0, v1  }
0x67: {  	s11 =	simm.s32 $0x20;
	v0 =	vmul.f32 $1.442695020e+00, v0  }
0x68: {  	v1 =	vld [tilespmem:s11+$0x1AE68]  }
0x69: {  	(erf) = vpow2.f32 v0;
	v0 =	vld [tilespmem:s11+$0x1AFF8];
	_ =	sdelay $0x1  }
0x6a: {  	v2 =	vadd.f32 v3, v2;
	_ =	sdelay $0x1  }
0x6b: {  	v3 =	vmul.f32 $2.000000030e-01, v2  }
0x6c: {  	vm14 =	vge.f32 v2, $0.0e+00;
	v4 =	vadd.f32 v0, v1  }
0x6d: {  	v0 =	vsel vm14, v2, v3  }
0x6e: {  	s17 =	simm.s32 $0x30;
	v1 =	vmul.f32 $1.442695020e+00, v0;
	v2 =	vmul.f32 $2.000000030e-01, v4  }
0x6f: {  	v0 =	vld [tilespmem:s17+$0x1AE68]  }
0x70: {  	(erf) = vpow2.f32 v1;
	v1 =	vld [tilespmem:s17+$0x1AFF8]  }
0x71: {  	vm15 =	vge.f32 v4, $0.0e+00  }
0x72: {  	s19 =	simm.s32 $0x100;
	v3 =	vsel vm15, v4, v2;
	v2 =	vpop (erf)  }
.LBB2_3:
0x73: {  	s20 =	sshra.s32 s19, $0x2  }
0x74: {  	v3 =	vmul.f32 $1.442695020e+00, v3;
	[tilespmem:s2+$0x1B188] =	vst v2;
	s2 =	smov.u32 s6;
	s6 =	smov.u32 s11;
	p3 =	sne.s32 s19, $0x300  }
.Ltmp0:
0x75: {  	s19 =	sadd.s32 $0x40, s19;
	v2 =	vadd.f32 v1, v0;
	v0 =	vld [tilespmem:s20+$0x1AE68];
	(pc) =	sbr.rel @p3 .LBB2_3-.Ltmp0, $4  }
0x76: {  	s11 =	smov.u32 s17;
	s17 =	smov.u32 s20;
	v1 =	vld [tilespmem:s20+$0x1AFF8];
	(erf) = vpow2.f32 v3  }
0x77: {  	v3 =	vmul.f32 $2.000000030e-01, v2  }
0x78: {  	vm0 =	vge.f32 v2, $0.0e+00  }
0x79: {  	v3 =	vsel vm0, v2, v3;
	v2 =	vpop (erf)  }
0x7a: {  	_ = 	snop  }
0x7b: {  	v0 =	vadd.f32 v1, v0;
	_ =	sdelay $0x1  }
0x7c: {  	v1 =	vmul.f32 $2.000000030e-01, v0  }
0x7d: {  	vm0 =	vge.f32 v0, $0.0e+00  }
0x7e: {  	v3 =	vmul.f32 $1.442695020e+00, v3;
	v0 =	vsel vm0, v0, v1  }
0x7f: {  	v0 =	vmul.f32 $1.442695020e+00, v0  }
0x80: {  	(erf) = vpow2.f32 v3  }
0x81: {  	(erf) = vpow2.f32 v0;
	_ =	sdelay $0x6  }
0x82: {  	[tilespmem:s2+$0x1B188] =	vst v2;
	v0 =	vpop (erf)  }
0x83: {  	[tilespmem:s6+$0x1B188] =	vst v0;
	v0 =	vpop (erf)  }
0x84: {  	[tilespmem:s11+$0x1B188] =	vst v0;
	v0 =	vpop (erf)  }
0x85: {  	s19 =	simm.s32 $0x1B188;
	[tilespmem:s17+$0x1B188] =	vst v0  }
0x86: {  	[spmem:s3] =	stream.indirect.scatter.add.f32 [tilespmem:s19], [sflag:$0x7], $0x1, s25, s30, $0xb8;
	[tilespmem:$0x1E518] =	vst v63  }
0x87: {  	_ =	swait.ge [sflag:s21], $0x1A00  }
0x88: {  	[sflag:s21] =	ssyncset.done $0x0  }
0x89: {  	s6 =	simm.s32 $0x1B418;
	[sflag:s21] =	ssyncadd.s32 $0xFFFFE600  }
0x8a: {  	v5 =	vld [tilespmem:s6+$0xFFFFFFA0]  }
0x8b: {  	v3 =	vld [tilespmem:s6+$0xFFFFFFF0]  }
0x8c: {  	v0 =	vld [tilespmem:s6+$0xFFFFFF60]  }
0x8d: {  	v6 =	vld [tilespmem:s6+$0xFFFFFFD0]  }
0x8e: {  	v7 =	vld [tilespmem:s6+$0x80]  }
0x8f: {  	v10 =	vld [tilespmem:s6+$0xFFFFFF10]  }
0x90: {  	v14 =	vld [tilespmem:s6+$0xE0]  }
0x91: {  	v9 =	vld [tilespmem:s6+$0xFFFFFF40]  }
0x92: {  	s20 =	simm.s32 $0x0;
	v1 =	vld [tilespmem:s6+$0xFFFFFF90]  }
0x93: {  	v2 =	vld [tilespmem:s20+$0x1B188]  }
0x94: {  	v8 =	vld [tilespmem:s6+$0xFFFFFFC0]  }
0x95: {  	v11 =	vld [tilespmem:s6+$0xFFFFFF00]  }
0x96: {  	v12 =	vld [tilespmem:s6+$0xD0]  }
0x97: {  	v21 =	vld [tilespmem:s6+$0xC0]  }
0x98: {  	v19 =	vld [tilespmem:s6+$0x90];
	v17 =	vbroadcast v2, $0x0;
	v4 =	vbroadcast v2, $0xF  }
0x99: {  	v20 =	vld [tilespmem:s6+$0xFFFFFF50];
	v18 =	vbroadcast v2, $0x2;
	v16 =	vbroadcast v2, $0xE  }
0x9a: {  	v15 =	vld [tilespmem:s6+$0xB0];
	v13 =	vbroadcast v2, $0xC;
	v23 =	vmul.f32 v17, v11  }
0x9b: {  	s2 =	simm.s32 $0x40;
	s11 =	simm.s32 $0x1B418;
	v11 =	vbroadcast v2, $0xD;
	v22 =	vmul.f32 v9, v18;
	v9 =	vld [tilespmem:s6+$0x60]  }
.LBB2_5:
0x9c: {  	p3 =	sne.s32 s2, $0x300  }
0x9d: {  	[tilespmem:s6+$0xFFFFFF00] =	vst v23;
	v23 =	vld [tilespmem:s6+$0xFFFFFFB0];
	v21 =	vmul.f32 v21, v16;
	v14 =	vmul.f32 v14, v4;
	s11 =	sadd.s32 $0x200, s11;
	s17 =	smov.u32 s2;
	s2 =	sadd.s32 $0x40, s2  }
0x9e: {  	[tilespmem:s6+$0xFFFFFF40] =	vst v22;
	v22 =	vbroadcast v2, $0xA;
	v19 =	vmul.f32 v19, v13;
	v24 =	vld [tilespmem:s6+$0xA0]  }
0x9f: {  	v10 =	vmul.f32 v10, v17;
	v17 =	vmul.f32 v20, v18;
	v18 =	vld [tilespmem:s6+$0x70];
	[tilespmem:s6+$0xE0] =	vst v14  }
0xa0: {  	v14 =	vbroadcast v2, $0x5;
	v20 =	vld [tilespmem:s6+$0xFFFFFFE0];
	v15 =	vmul.f32 v15, v11;
	[tilespmem:s6+$0xC0] =	vst v21  }
0xa1: {  	v12 =	vmul.f32 v12, v16;
	[tilespmem:s6+$0xFFFFFF10] =	vst v10;
	v10 =	vbroadcast v2, $0x6;
	v21 =	vld [tilespmem:s6+$0x40]  }
0xa2: {  	v25 =	vbroadcast v2, $0xB;
	v5 =	vmul.f32 v5, v14;
	v16 =	vld [tilespmem:s6+$0xFFFFFF20];
	[tilespmem:s6+$0x90] =	vst v19  }
0xa3: {  	v19 =	vbroadcast v2, $0x9;
	[tilespmem:s6+$0xFFFFFF50] =	vst v17;
	v17 =	vld [tilespmem:s6+$0x20];
	v11 =	vmul.f32 v24, v11  }
0xa4: {  	v14 =	vmul.f32 v23, v14;
	v23 =	vld [tilespmem:s6+$0x50];
	v18 =	vmul.f32 v18, v25;
	[tilespmem:s6+$0xD0] =	vst v12  }
0xa5: {  	v7 =	vmul.f32 v7, v13;
	v12 =	vbroadcast v2, $0x7;
	v24 =	vld [tilespmem:s6+$0x30];
	[tilespmem:s6+$0xA0] =	vst v11  }
0xa6: {  	v8 =	vmul.f32 v8, v10;
	v11 =	vbroadcast v2, $0x3;
	v13 =	vld [tilespmem:s6+$0x0];
	[tilespmem:s6+$0x70] =	vst v18  }
0xa7: {  	v9 =	vmul.f32 v9, v25;
	v6 =	vmul.f32 v6, v10;
	v10 =	vld [tilespmem:s6+$0x10];
	[tilespmem:s6+$0x80] =	vst v7  }
0xa8: {  	v18 =	vbroadcast v2, $0x8;
	v21 =	vmul.f32 v21, v22;
	v7 =	vld [tilespmem:s6+$0xFFFFFF30];
	[tilespmem:s6+$0xB0] =	vst v15  }
0xa9: {  	v15 =	vbroadcast v2, $0x1;
	v25 =	vld [tilespmem:s6+$0xFFFFFF70];
	[tilespmem:s6+$0xFFFFFFD0] =	vst v6;
	v22 =	vmul.f32 v23, v22  }
0xaa: {  	v3 =	vmul.f32 v3, v12;
	v6 =	vmul.f32 v20, v12;
	[tilespmem:s6+$0xFFFFFFC0] =	vst v8;
	v8 =	vld [tilespmem:s6+$0xF0]  }
0xab: {  	v20 =	vmul.f32 v24, v19;
	v12 =	vld [tilespmem:s6+$0xFFFFFF80];
	[tilespmem:s6+$0xFFFFFFA0] =	vst v5;
	v13 =	vmul.f32 v13, v18  }
0xac: {  	v5 =	vld [tilespmem:s11+$0xFFFFFFA0];
	[tilespmem:s6+$0xFFFFFFF0] =	vst v3;
	v18 =	vmul.f32 v10, v18;
	v10 =	vmul.f32 v17, v19  }
0xad: {  	v3 =	vmul.f32 v16, v15;
	v15 =	vmul.f32 v7, v15;
	[tilespmem:s6+$0x60] =	vst v9  }
0xae: {  	v0 =	vmul.f32 v0, v11;
	v7 =	vmul.f32 v25, v11;
	[tilespmem:s6+$0xFFFFFFB0] =	vst v14  }
0xaf: {  	v2 =	vbroadcast v2, $0x4;
	[tilespmem:s6+$0xFFFFFF20] =	vst v3;
	v3 =	vmul.f32 v8, v4  }
0xb0: {  	[tilespmem:s6+$0xFFFFFF60] =	vst v0  }
0xb1: {  	v4 =	vmul.f32 v12, v2;
	v0 =	vmul.f32 v1, v2;
	[tilespmem:s6+$0x40] =	vst v21  }
0xb2: {  	[tilespmem:s6+$0xFFFFFFE0] =	vst v6  }
0xb3: {  	[tilespmem:s6+$0xF0] =	vst v3  }
0xb4: {  	[tilespmem:s6+$0xFFFFFF90] =	vst v0  }
0xb5: {  	v3 =	vld [tilespmem:s11+$0xFFFFFFF0];
	[tilespmem:s6+$0xFFFFFF70] =	vst v7  }
0xb6: {  	v0 =	vld [tilespmem:s11+$0xFFFFFF60];
	[tilespmem:s6+$0x20] =	vst v10  }
0xb7: {  	v6 =	vld [tilespmem:s11+$0xFFFFFFD0];
	[tilespmem:s6+$0x30] =	vst v20  }
0xb8: {  	v7 =	vld [tilespmem:s11+$0x80];
	[tilespmem:s6+$0xFFFFFF80] =	vst v4  }
0xb9: {  	v10 =	vld [tilespmem:s11+$0xFFFFFF10];
	[tilespmem:s6+$0x50] =	vst v22  }
0xba: {  	v14 =	vld [tilespmem:s11+$0xE0];
	[tilespmem:s6+$0x0] =	vst v13  }
0xbb: {  	v9 =	vld [tilespmem:s11+$0xFFFFFF40];
	[tilespmem:s6+$0xFFFFFF30] =	vst v15  }
0xbc: {  	s17 =	sshra.s32 s17, $0x2;
	v1 =	vld [tilespmem:s11+$0xFFFFFF90];
	[tilespmem:s6+$0x10] =	vst v18;
	s6 =	smov.u32 s11  }
0xbd: {  	v2 =	vld [tilespmem:s17+$0x1B188]  }
0xbe: {  	v8 =	vld [tilespmem:s11+$0xFFFFFFC0]  }
0xbf: {  	v11 =	vld [tilespmem:s11+$0xFFFFFF00]  }
0xc0: {  	v12 =	vld [tilespmem:s11+$0xD0]  }
.Ltmp1:
0xc1: {  	v21 =	vld [tilespmem:s11+$0xC0];
	(pc) =	sbr.rel @p3 .LBB2_5-.Ltmp1, $4  }
0xc2: {  	v17 =	vbroadcast v2, $0x0;
	v19 =	vld [tilespmem:s11+$0x90];
	v4 =	vbroadcast v2, $0xF  }
0xc3: {  	v18 =	vbroadcast v2, $0x2;
	v16 =	vbroadcast v2, $0xE;
	v20 =	vld [tilespmem:s11+$0xFFFFFF50]  }
0xc4: {  	v23 =	vmul.f32 v17, v11;
	v11 =	vbroadcast v2, $0xD;
	v15 =	vld [tilespmem:s11+$0xB0]  }
0xc5: {  	v13 =	vbroadcast v2, $0xC;
	v22 =	vmul.f32 v9, v18;
	v9 =	vld [tilespmem:s11+$0x60]  }
0xc6: {  	[tilespmem:s6+$0xFFFFFF00] =	vst v23;
	v14 =	vmul.f32 v14, v4  }
0xc7: {  	v21 =	vmul.f32 v21, v16;
	[tilespmem:s6+$0xFFFFFF40] =	vst v22  }
0xc8: {  	v10 =	vmul.f32 v10, v17;
	[tilespmem:s6+$0xE0] =	vst v14  }
0xc9: {  	v42 =	vmul.f32 v12, v16;
	[tilespmem:s6+$0xC0] =	vst v21  }
0xca: {  	v40 =	vmul.f32 v19, v13;
	[tilespmem:s6+$0xFFFFFF10] =	vst v10  }
0xcb: {  	v48 =	vbroadcast v2, $0x6;
	v7 =	vmul.f32 v7, v13;
	[tilespmem:s6+$0xD0] =	vst v42  }
0xcc: {  	v18 =	vmul.f32 v20, v18;
	[tilespmem:s6+$0x90] =	vst v40  }
0xcd: {  	v52 =	vbroadcast v2, $0x5;
	v6 =	vmul.f32 v6, v48;
	[tilespmem:s6+$0x80] =	vst v7  }
0xce: {  	v54 =	vbroadcast v2, $0x7;
	v8 =	vmul.f32 v8, v48;
	[tilespmem:s6+$0xFFFFFF50] =	vst v18  }
0xcf: {  	v60 =	vbroadcast v2, $0x3;
	v5 =	vmul.f32 v5, v52;
	[tilespmem:s6+$0xFFFFFFD0] =	vst v6  }
0xd0: {  	v38 =	vld [tilespmem:s6+$0xA0];
	v63 =	vbroadcast v2, $0x4;
	v3 =	vmul.f32 v3, v54;
	[tilespmem:s6+$0xFFFFFFC0] =	vst v8  }
0xd1: {  	v39 =	vld [tilespmem:s6+$0x70];
	v0 =	vmul.f32 v0, v60;
	[tilespmem:s6+$0xFFFFFFA0] =	vst v5  }
0xd2: {  	v41 =	vld [tilespmem:s6+$0xFFFFFFB0];
	v44 =	vbroadcast v2, $0xB;
	v1 =	vmul.f32 v1, v63;
	[tilespmem:s6+$0xFFFFFFF0] =	vst v3  }
0xd3: {  	v43 =	vld [tilespmem:s6+$0xFFFFFF20];
	v50 =	vmul.f32 v15, v11;
	[tilespmem:s6+$0xFFFFFF60] =	vst v0  }
0xd4: {  	v45 =	vld [tilespmem:s6+$0xFFFFFFE0];
	v9 =	vmul.f32 v9, v44;
	[tilespmem:s6+$0xFFFFFF90] =	vst v1  }
0xd5: {  	v61 =	vld [tilespmem:s6+$0xF0];
	v46 =	vmul.f32 v38, v11;
	[tilespmem:s6+$0xB0] =	vst v50  }
0xd6: {  	v47 =	vld [tilespmem:s6+$0x40];
	v59 =	vbroadcast v2, $0x1;
	v17 =	vmul.f32 v39, v44;
	[tilespmem:s6+$0x60] =	vst v9  }
0xd7: {  	v51 =	vld [tilespmem:s6+$0x20];
	v5 =	vmul.f32 v41, v52;
	[tilespmem:s6+$0xA0] =	vst v46  }
0xd8: {  	v53 =	vld [tilespmem:s6+$0x30];
	v12 =	vmul.f32 v43, v59;
	[tilespmem:s6+$0x70] =	vst v17  }
0xd9: {  	v57 =	vld [tilespmem:s6+$0xFFFFFF80];
	v3 =	vbroadcast v2, $0xA;
	v7 =	vmul.f32 v45, v54;
	[tilespmem:s6+$0xFFFFFFB0] =	vst v5  }
0xda: {  	v56 =	vld [tilespmem:s6+$0xFFFFFF70];
	v0 =	vmul.f32 v61, v4;
	v4 =	vbroadcast v2, $0x9;
	[tilespmem:s6+$0xFFFFFF20] =	vst v12  }
0xdb: {  	v49 =	vld [tilespmem:s6+$0x50];
	v5 =	vmul.f32 v47, v3;
	[tilespmem:s6+$0xFFFFFFE0] =	vst v7  }
0xdc: {  	v55 =	vld [tilespmem:s6+$0x0];
	[tilespmem:s6+$0xF0] =	vst v0;
	v0 =	vmul.f32 v51, v4  }
0xdd: {  	v62 =	vld [tilespmem:s6+$0xFFFFFF30];
	v1 =	vmul.f32 v53, v4;
	[tilespmem:s6+$0x40] =	vst v5  }
0xde: {  	v58 =	vld [tilespmem:s6+$0x10];
	v4 =	vmul.f32 v57, v63;
	[tilespmem:s6+$0x20] =	vst v0  }
0xdf: {  	v2 =	vbroadcast v2, $0x8;
	v5 =	vmul.f32 v56, v60;
	[tilespmem:s6+$0x30] =	vst v1  }
0xe0: {  	v0 =	vmul.f32 v49, v3;
	[tilespmem:s6+$0xFFFFFF80] =	vst v4  }
0xe1: {  	v1 =	vmul.f32 v55, v2;
	[tilespmem:s6+$0xFFFFFF70] =	vst v5  }
0xe2: {  	v3 =	vmul.f32 v62, v59;
	[tilespmem:s6+$0x50] =	vst v0  }
0xe3: {  	v0 =	vmul.f32 v58, v2;
	[tilespmem:s6+$0x0] =	vst v1  }
0xe4: {  	[tilespmem:s6+$0xFFFFFF30] =	vst v3  }
0xe5: {  	[tilespmem:s6+$0x10] =	vst v0  }
0xe6: {  	[spmem:s5] =	stream.indirect.scatter.add.f32 [tilespmem:s31], [sflag:$0x8], $0x20, s25, s30, $0xb8;
	[tilespmem:$0x1E518] =	vst v63  }
0xe7: {  	_ =	swait.ge [sflag:s12], $0xC0  }
0xe8: {  	[sflag:s12] =	ssyncset.done $0x0  }
0xe9: {  	[sflag:s12] =	ssyncadd.s32 $0xFFFFFF40  }
0xea: {  	_ =	swait.ge [sflag:s18], $0xC0  }
0xeb: {  	[sflag:s18] =	ssyncset.done $0x0  }
0xec: {  	s2 =	simm.s32 $0x0;
	[sflag:s18] =	ssyncadd.s32 $0xFFFFFF40  }
0xed: {  	v0 =	vld [tilespmem:s2+$0x1AF38]  }
0xee: {  	v1 =	vld [tilespmem:s2+$0x1B0C8];
	_ =	sdelay $0x4  }
0xef: {  	s6 =	simm.s32 $0x10;
	v0 =	vadd.f32 v1, v0  }
0xf0: {  	v2 =	vld [tilespmem:s6+$0x1AF38]  }
0xf1: {  	v3 =	vld [tilespmem:s6+$0x1B0C8];
	v1 =	vmul.f32 $2.000000030e-01, v0  }
0xf2: {  	vm0 =	vge.f32 v0, $0.0e+00  }
0xf3: {  	v0 =	vsel vm0, v0, v1  }
0xf4: {  	s11 =	simm.s32 $0x20;
	v0 =	vmul.f32 $1.442695020e+00, v0  }
0xf5: {  	v4 =	vld [tilespmem:s11+$0x1B0C8]  }
0xf6: {  	v1 =	vld [tilespmem:s11+$0x1AF38];
	(erf) = vpow2.f32 v0;
	v0 =	vadd.f32 v3, v2;
	_ =	sdelay $0x1  }
0xf7: {  	v2 =	vmul.f32 $2.000000030e-01, v0  }
0xf8: {  	vm14 =	vge.f32 v0, $0.0e+00  }
0xf9: {  	v0 =	vsel vm14, v0, v2  }
0xfa: {  	s17 =	simm.s32 $0x30;
	v3 =	vadd.f32 v4, v1;
	v2 =	vmul.f32 $1.442695020e+00, v0  }
0xfb: {  	v1 =	vld [tilespmem:s17+$0x1B0C8]  }
0xfc: {  	v4 =	vmul.f32 $2.000000030e-01, v3;
	v0 =	vld [tilespmem:s17+$0x1AF38];
	(erf) = vpow2.f32 v2  }
0xfd: {  	vm15 =	vge.f32 v3, $0.0e+00  }
0xfe: {  	s19 =	simm.s32 $0x100;
	v3 =	vsel vm15, v3, v4;
	v2 =	vpop (erf)  }
.LBB2_7:
0xff: {  	s20 =	sshra.s32 s19, $0x2  }
0x100: {  	v3 =	vmul.f32 $1.442695020e+00, v3;
	[tilespmem:s2+$0x1B258] =	vst v2;
	s2 =	smov.u32 s6;
	s6 =	smov.u32 s11;
	p3 =	sne.s32 s19, $0x2C0  }
.Ltmp2:
0x101: {  	s19 =	sadd.s32 $0x40, s19;
	v2 =	vadd.f32 v1, v0;
	v0 =	vld [tilespmem:s20+$0x1AF38];
	(pc) =	sbr.rel @p3 .LBB2_7-.Ltmp2, $4  }
0x102: {  	s11 =	smov.u32 s17;
	s17 =	smov.u32 s20;
	v1 =	vld [tilespmem:s20+$0x1B0C8];
	(erf) = vpow2.f32 v3  }
0x103: {  	v3 =	vmul.f32 $2.000000030e-01, v2  }
0x104: {  	vm0 =	vge.f32 v2, $0.0e+00  }
0x105: {  	v3 =	vsel vm0, v2, v3;
	v2 =	vpop (erf)  }
0x106: {  	_ = 	snop  }
0x107: {  	v0 =	vadd.f32 v1, v0;
	_ =	sdelay $0x1  }
0x108: {  	v1 =	vmul.f32 $2.000000030e-01, v0  }
0x109: {  	vm0 =	vge.f32 v0, $0.0e+00  }
0x10a: {  	v3 =	vmul.f32 $1.442695020e+00, v3;
	v0 =	vsel vm0, v0, v1  }
0x10b: {  	v0 =	vmul.f32 $1.442695020e+00, v0  }
0x10c: {  	(erf) = vpow2.f32 v3  }
0x10d: {  	(erf) = vpow2.f32 v0;
	_ =	sdelay $0x6  }
0x10e: {  	[tilespmem:s2+$0x1B258] =	vst v2;
	v0 =	vpop (erf)  }
0x10f: {  	[tilespmem:s6+$0x1B258] =	vst v0;
	v0 =	vpop (erf)  }
0x110: {  	[tilespmem:s11+$0x1B258] =	vst v0;
	v0 =	vpop (erf)  }
0x111: {  	[tilespmem:s17+$0x1B258] =	vst v0  }
0x112: {  	[spmem:s3] =	stream.indirect.scatter.add.f32 [tilespmem:s22], [sflag:$0x7], $0x1, s28, s13, $0xb8;
	[tilespmem:$0x1E518] =	vst v63  }
0x113: {  	_ =	swait.ge [sflag:s10], $0x1800  }
0x114: {  	[sflag:s10] =	ssyncset.done $0x0  }
0x115: {  	s6 =	simm.s32 $0x1CE18;
	[sflag:s10] =	ssyncadd.s32 $0xFFFFE800  }
0x116: {  	v5 =	vld [tilespmem:s6+$0xFFFFFFA0]  }
0x117: {  	v3 =	vld [tilespmem:s6+$0xFFFFFFF0]  }
0x118: {  	v0 =	vld [tilespmem:s6+$0xFFFFFF60]  }
0x119: {  	v6 =	vld [tilespmem:s6+$0xFFFFFFD0]  }
0x11a: {  	v7 =	vld [tilespmem:s6+$0x80]  }
0x11b: {  	v10 =	vld [tilespmem:s6+$0xFFFFFF10]  }
0x11c: {  	v14 =	vld [tilespmem:s6+$0xE0]  }
0x11d: {  	v9 =	vld [tilespmem:s6+$0xFFFFFF40]  }
0x11e: {  	s20 =	simm.s32 $0x0;
	v1 =	vld [tilespmem:s6+$0xFFFFFF90]  }
0x11f: {  	v2 =	vld [tilespmem:s20+$0x1B258]  }
0x120: {  	v8 =	vld [tilespmem:s6+$0xFFFFFFC0]  }
0x121: {  	v11 =	vld [tilespmem:s6+$0xFFFFFF00]  }
0x122: {  	v12 =	vld [tilespmem:s6+$0xD0]  }
0x123: {  	v21 =	vld [tilespmem:s6+$0xC0]  }
0x124: {  	v19 =	vld [tilespmem:s6+$0x90];
	v17 =	vbroadcast v2, $0x0;
	v4 =	vbroadcast v2, $0xF  }
0x125: {  	v20 =	vld [tilespmem:s6+$0xFFFFFF50];
	v18 =	vbroadcast v2, $0x2;
	v16 =	vbroadcast v2, $0xE  }
0x126: {  	v15 =	vld [tilespmem:s6+$0xB0];
	v13 =	vbroadcast v2, $0xC;
	v23 =	vmul.f32 v17, v11  }
0x127: {  	s2 =	simm.s32 $0x40;
	s11 =	simm.s32 $0x1CE18;
	v11 =	vbroadcast v2, $0xD;
	v22 =	vmul.f32 v9, v18;
	v9 =	vld [tilespmem:s6+$0x60]  }
.LBB2_9:
0x128: {  	p3 =	sne.s32 s2, $0x2C0  }
0x129: {  	[tilespmem:s6+$0xFFFFFF00] =	vst v23;
	v23 =	vld [tilespmem:s6+$0xFFFFFFB0];
	v21 =	vmul.f32 v21, v16;
	v14 =	vmul.f32 v14, v4;
	s11 =	sadd.s32 $0x200, s11;
	s17 =	smov.u32 s2;
	s2 =	sadd.s32 $0x40, s2  }
0x12a: {  	[tilespmem:s6+$0xFFFFFF40] =	vst v22;
	v22 =	vbroadcast v2, $0xA;
	v19 =	vmul.f32 v19, v13;
	v24 =	vld [tilespmem:s6+$0xA0]  }
0x12b: {  	v10 =	vmul.f32 v10, v17;
	v17 =	vmul.f32 v20, v18;
	v18 =	vld [tilespmem:s6+$0x70];
	[tilespmem:s6+$0xE0] =	vst v14  }
0x12c: {  	v14 =	vbroadcast v2, $0x5;
	v20 =	vld [tilespmem:s6+$0xFFFFFFE0];
	v15 =	vmul.f32 v15, v11;
	[tilespmem:s6+$0xC0] =	vst v21  }
0x12d: {  	v12 =	vmul.f32 v12, v16;
	[tilespmem:s6+$0xFFFFFF10] =	vst v10;
	v10 =	vbroadcast v2, $0x6;
	v21 =	vld [tilespmem:s6+$0x40]  }
0x12e: {  	v25 =	vbroadcast v2, $0xB;
	v5 =	vmul.f32 v5, v14;
	v16 =	vld [tilespmem:s6+$0xFFFFFF20];
	[tilespmem:s6+$0x90] =	vst v19  }
0x12f: {  	v19 =	vbroadcast v2, $0x9;
	[tilespmem:s6+$0xFFFFFF50] =	vst v17;
	v17 =	vld [tilespmem:s6+$0x20];
	v11 =	vmul.f32 v24, v11  }
0x130: {  	v14 =	vmul.f32 v23, v14;
	v23 =	vld [tilespmem:s6+$0x50];
	v18 =	vmul.f32 v18, v25;
	[tilespmem:s6+$0xD0] =	vst v12  }
0x131: {  	v7 =	vmul.f32 v7, v13;
	v12 =	vbroadcast v2, $0x7;
	v24 =	vld [tilespmem:s6+$0x30];
	[tilespmem:s6+$0xA0] =	vst v11  }
0x132: {  	v8 =	vmul.f32 v8, v10;
	v11 =	vbroadcast v2, $0x3;
	v13 =	vld [tilespmem:s6+$0x0];
	[tilespmem:s6+$0x70] =	vst v18  }
0x133: {  	v9 =	vmul.f32 v9, v25;
	v6 =	vmul.f32 v6, v10;
	v10 =	vld [tilespmem:s6+$0x10];
	[tilespmem:s6+$0x80] =	vst v7  }
0x134: {  	v18 =	vbroadcast v2, $0x8;
	v21 =	vmul.f32 v21, v22;
	v7 =	vld [tilespmem:s6+$0xFFFFFF30];
	[tilespmem:s6+$0xB0] =	vst v15  }
0x135: {  	v15 =	vbroadcast v2, $0x1;
	v25 =	vld [tilespmem:s6+$0xFFFFFF70];
	[tilespmem:s6+$0xFFFFFFD0] =	vst v6;
	v22 =	vmul.f32 v23, v22  }
0x136: {  	v3 =	vmul.f32 v3, v12;
	v6 =	vmul.f32 v20, v12;
	[tilespmem:s6+$0xFFFFFFC0] =	vst v8;
	v8 =	vld [tilespmem:s6+$0xF0]  }
0x137: {  	v20 =	vmul.f32 v24, v19;
	v12 =	vld [tilespmem:s6+$0xFFFFFF80];
	[tilespmem:s6+$0xFFFFFFA0] =	vst v5;
	v13 =	vmul.f32 v13, v18  }
0x138: {  	v5 =	vld [tilespmem:s11+$0xFFFFFFA0];
	[tilespmem:s6+$0xFFFFFFF0] =	vst v3;
	v18 =	vmul.f32 v10, v18;
	v10 =	vmul.f32 v17, v19  }
0x139: {  	v3 =	vmul.f32 v16, v15;
	v15 =	vmul.f32 v7, v15;
	[tilespmem:s6+$0x60] =	vst v9  }
0x13a: {  	v0 =	vmul.f32 v0, v11;
	v7 =	vmul.f32 v25, v11;
	[tilespmem:s6+$0xFFFFFFB0] =	vst v14  }
0x13b: {  	v2 =	vbroadcast v2, $0x4;
	[tilespmem:s6+$0xFFFFFF20] =	vst v3;
	v3 =	vmul.f32 v8, v4  }
0x13c: {  	[tilespmem:s6+$0xFFFFFF60] =	vst v0  }
0x13d: {  	v4 =	vmul.f32 v12, v2;
	v0 =	vmul.f32 v1, v2;
	[tilespmem:s6+$0x40] =	vst v21  }
0x13e: {  	[tilespmem:s6+$0xFFFFFFE0] =	vst v6  }
0x13f: {  	[tilespmem:s6+$0xF0] =	vst v3  }
0x140: {  	[tilespmem:s6+$0xFFFFFF90] =	vst v0  }
0x141: {  	v3 =	vld [tilespmem:s11+$0xFFFFFFF0];
	[tilespmem:s6+$0xFFFFFF70] =	vst v7  }
0x142: {  	v0 =	vld [tilespmem:s11+$0xFFFFFF60];
	[tilespmem:s6+$0x20] =	vst v10  }
0x143: {  	v6 =	vld [tilespmem:s11+$0xFFFFFFD0];
	[tilespmem:s6+$0x30] =	vst v20  }
0x144: {  	v7 =	vld [tilespmem:s11+$0x80];
	[tilespmem:s6+$0xFFFFFF80] =	vst v4  }
0x145: {  	v10 =	vld [tilespmem:s11+$0xFFFFFF10];
	[tilespmem:s6+$0x50] =	vst v22  }
0x146: {  	v14 =	vld [tilespmem:s11+$0xE0];
	[tilespmem:s6+$0x0] =	vst v13  }
0x147: {  	v9 =	vld [tilespmem:s11+$0xFFFFFF40];
	[tilespmem:s6+$0xFFFFFF30] =	vst v15  }
0x148: {  	s17 =	sshra.s32 s17, $0x2;
	v1 =	vld [tilespmem:s11+$0xFFFFFF90];
	[tilespmem:s6+$0x10] =	vst v18;
	s6 =	smov.u32 s11  }
0x149: {  	v2 =	vld [tilespmem:s17+$0x1B258]  }
0x14a: {  	v8 =	vld [tilespmem:s11+$0xFFFFFFC0]  }
0x14b: {  	v11 =	vld [tilespmem:s11+$0xFFFFFF00]  }
0x14c: {  	v12 =	vld [tilespmem:s11+$0xD0]  }
.Ltmp3:
0x14d: {  	v21 =	vld [tilespmem:s11+$0xC0];
	(pc) =	sbr.rel @p3 .LBB2_9-.Ltmp3, $4  }
0x14e: {  	v17 =	vbroadcast v2, $0x0;
	v19 =	vld [tilespmem:s11+$0x90];
	v4 =	vbroadcast v2, $0xF  }
0x14f: {  	v18 =	vbroadcast v2, $0x2;
	v16 =	vbroadcast v2, $0xE;
	v20 =	vld [tilespmem:s11+$0xFFFFFF50]  }
0x150: {  	v23 =	vmul.f32 v17, v11;
	v11 =	vbroadcast v2, $0xD;
	v15 =	vld [tilespmem:s11+$0xB0]  }
0x151: {  	v13 =	vbroadcast v2, $0xC;
	v22 =	vmul.f32 v9, v18;
	v9 =	vld [tilespmem:s11+$0x60]  }
0x152: {  	[tilespmem:s6+$0xFFFFFF00] =	vst v23;
	v14 =	vmul.f32 v14, v4  }
0x153: {  	v21 =	vmul.f32 v21, v16;
	[tilespmem:s6+$0xFFFFFF40] =	vst v22  }
0x154: {  	v10 =	vmul.f32 v10, v17;
	[tilespmem:s6+$0xE0] =	vst v14  }
0x155: {  	v28 =	vmul.f32 v12, v16;
	[tilespmem:s6+$0xC0] =	vst v21  }
0x156: {  	v26 =	vmul.f32 v19, v13;
	[tilespmem:s6+$0xFFFFFF10] =	vst v10  }
0x157: {  	v34 =	vbroadcast v2, $0x6;
	v7 =	vmul.f32 v7, v13;
	[tilespmem:s6+$0xD0] =	vst v28  }
0x158: {  	v18 =	vmul.f32 v20, v18;
	[tilespmem:s6+$0x90] =	vst v26  }
0x159: {  	v38 =	vbroadcast v2, $0x5;
	v6 =	vmul.f32 v6, v34;
	[tilespmem:s6+$0x80] =	vst v7  }
0x15a: {  	v40 =	vbroadcast v2, $0x7;
	v8 =	vmul.f32 v8, v34;
	[tilespmem:s6+$0xFFFFFF50] =	vst v18  }
0x15b: {  	v47 =	vbroadcast v2, $0x3;
	v5 =	vmul.f32 v5, v38;
	[tilespmem:s6+$0xFFFFFFD0] =	vst v6  }
0x15c: {  	v24 =	vld [tilespmem:s6+$0xA0];
	v52 =	vbroadcast v2, $0x4;
	v3 =	vmul.f32 v3, v40;
	[tilespmem:s6+$0xFFFFFFC0] =	vst v8  }
0x15d: {  	v25 =	vld [tilespmem:s6+$0x70];
	v0 =	vmul.f32 v0, v47;
	[tilespmem:s6+$0xFFFFFFA0] =	vst v5  }
0x15e: {  	v27 =	vld [tilespmem:s6+$0xFFFFFFB0];
	v30 =	vbroadcast v2, $0xB;
	v1 =	vmul.f32 v1, v52;
	[tilespmem:s6+$0xFFFFFFF0] =	vst v3  }
0x15f: {  	v29 =	vld [tilespmem:s6+$0xFFFFFF20];
	v36 =	vmul.f32 v15, v11;
	[tilespmem:s6+$0xFFFFFF60] =	vst v0  }
0x160: {  	v33 =	vld [tilespmem:s6+$0x40];
	v9 =	vmul.f32 v9, v30;
	[tilespmem:s6+$0xFFFFFF90] =	vst v1  }
0x161: {  	v31 =	vld [tilespmem:s6+$0xFFFFFFE0];
	v32 =	vmul.f32 v24, v11;
	[tilespmem:s6+$0xB0] =	vst v36  }
0x162: {  	v45 =	vbroadcast v2, $0x1;
	v48 =	vld [tilespmem:s6+$0xF0];
	v17 =	vmul.f32 v25, v30;
	[tilespmem:s6+$0x60] =	vst v9  }
0x163: {  	v42 =	vld [tilespmem:s6+$0xFFFFFF70];
	v49 =	vbroadcast v2, $0xA;
	v46 =	vmul.f32 v27, v38;
	[tilespmem:s6+$0xA0] =	vst v32  }
0x164: {  	v37 =	vld [tilespmem:s6+$0x20];
	v12 =	vmul.f32 v29, v45;
	[tilespmem:s6+$0x70] =	vst v17  }
0x165: {  	v39 =	vld [tilespmem:s6+$0x30];
	v51 =	vmul.f32 v33, v49;
	[tilespmem:s6+$0xFFFFFFB0] =	vst v46  }
0x166: {  	v43 =	vld [tilespmem:s6+$0xFFFFFF80];
	v7 =	vmul.f32 v31, v40;
	[tilespmem:s6+$0xFFFFFF20] =	vst v12  }
0x167: {  	v35 =	vld [tilespmem:s6+$0x50];
	v54 =	vbroadcast v2, $0x9;
	v53 =	vmul.f32 v48, v4;
	[tilespmem:s6+$0x40] =	vst v51  }
0x168: {  	v41 =	vld [tilespmem:s6+$0x0];
	v55 =	vmul.f32 v42, v47;
	[tilespmem:s6+$0xFFFFFFE0] =	vst v7  }
0x169: {  	v50 =	vld [tilespmem:s6+$0xFFFFFF30];
	v56 =	vmul.f32 v37, v54;
	[tilespmem:s6+$0xF0] =	vst v53  }
0x16a: {  	v44 =	vld [tilespmem:s6+$0x10];
	v57 =	vmul.f32 v39, v54;
	[tilespmem:s6+$0xFFFFFF70] =	vst v55  }
0x16b: {  	v58 =	vbroadcast v2, $0x8;
	v59 =	vmul.f32 v43, v52;
	[tilespmem:s6+$0x20] =	vst v56  }
0x16c: {  	v60 =	vmul.f32 v35, v49;
	[tilespmem:s6+$0x30] =	vst v57  }
0x16d: {  	v61 =	vmul.f32 v41, v58;
	[tilespmem:s6+$0xFFFFFF80] =	vst v59  }
0x16e: {  	v62 =	vmul.f32 v50, v45;
	[tilespmem:s6+$0x50] =	vst v60  }
0x16f: {  	v63 =	vmul.f32 v44, v58;
	[tilespmem:s6+$0x0] =	vst v61  }
0x170: {  	[tilespmem:s6+$0xFFFFFF30] =	vst v62  }
0x171: {  	[tilespmem:s6+$0x10] =	vst v63  }
0x172: {  	[spmem:s5] =	stream.indirect.scatter.add.f32 [tilespmem:s16], [sflag:$0x8], $0x20, s28, s13, $0xb8;
	[tilespmem:$0x1E518] =	vst v63  }
0x173: {  	_ =	swait.ge [sflag:s4], $0xD0  }
0x174: {  	[sflag:s4] =	ssyncset.done $0x0  }
0x175: {  	[sflag:s4] =	ssyncadd.s32 $0xFFFFFF30  }
0x176: {  	_ =	swait.ge [sflag:s8], $0x1A00  }
0x177: {  	[sflag:s8] =	ssyncset.done $0x0  }
0x178: {  	s23 =	sadd.s32 $0x1, s23;
	[sflag:s8] =	ssyncadd.s32 $0xFFFFE600  }
0x179: {  	p3 =	sne.s32 s23, $0x7D;
	_ =	swait.ge [sflag:s4], $0xC0  }
.Ltmp4:
0x17a: {  	[sflag:s4] =	ssyncset.done $0x0;
	(pc) =	sbr.rel @p3 .LBB2_2-.Ltmp4, $4  }
0x17b: {  	[sflag:s4] =	ssyncadd.s32 $0xFFFFFF40  }
0x17c: {  	_ =	swait.ge [sflag:s8], $0x1800  }
0x17d: {  	[sflag:s8] =	ssyncset.done $0x0  }
0x17e: {  	[sflag:s8] =	ssyncadd.s32 $0xFFFFE800  }
0x17f: {  	[bflag:$0x0] =	sbarrier.arrive $0xFFFF  }
0x180: {  	s2 =	rddreg [dreg:$0xe]  }
0x181: {  	s11 =	rddreg [dreg:$0x15]  }
0x182: {  	s20 =	simm.s32 $0x9;
	s6 =	rddreg [dreg:$0x16]  }
0x183: {  	[hbm:s2], [sflag:s11] =	dma.local [spmem:s6], $0x30D4  }
0x184: {  	_ =	swait.ge [sflag:s20], $0x30D4  }
0x185: {  	[sflag:s20] =	ssyncset.done $0x0;
	s2 =	rddreg [dreg:$0xa]  }
0x186: {  	s6 =	rddreg [dreg:$0x11];
	[sflag:s20] =	ssyncadd.s32 $0xFFFFCF2C;
	s2 =	sshrl.u32 @p2 s2, $0x3  }
0x187: {  	[hbm:s6], [sflag:s11] =	dma.local @p2 [spmem:s2], $0x181  }
0x188: {  	s2 =	simm.s32 @p2 $0x9  }
0x189: {  	_ =	swait.ge @p2 [sflag:s2], $0x181  }
0x18a: {  	[sflag:s2] =	ssyncset.done @p2 $0x0  }
0x18b: {  	[sflag:s2] =	ssyncadd.s32 @p2 $0xFFFFFE7F;
	s2 =	rddreg [dreg:$0x10]  }
0x18c: {  	s6 =	rddreg [dreg:$0xf];
	s2 =	sshrl.u32 @!p2 s2, $0x3  }
0x18d: {  	[hbm:s6], [sflag:s11] =	dma.local @!p2 [spmem:s2], $0x187  }
0x18e: {  	s2 =	simm.s32 @!p2 $0x9  }
0x18f: {  	_ =	swait.ge @!p2 [sflag:s2], $0x187  }
0x190: {  	s17 =	rddreg [dreg:$0x7]  }
0x191: {  	s23 =	rddreg [dreg:$0x12];
	s17 =	sadd.s32 $0x1, s17  }
0x192: {  	p3 =	sne.s32 s17, s23  }
.Ltmp5:
0x193: {  	_ = 	snop;
	(pc) =	sbr.rel @p3 .LBB2_1-.Ltmp5, $3  }
0x194: {  	_ =	sdelay $0x1  }
0x195: {  	[sflag:s2] =	ssyncset.done @!p2 $0x0  }
0x196: {  	[sflag:s2] =	ssyncadd.s32 @!p2 $0xFFFFFE79  }
0x197: {  	_ =	sfence.sel $0x180000  }
0x198: {  	[bflag:$0x0] =	sbarrier.arrive $0xFFFF  }
0x199: {  	_ =	strace $0x9000004A  }
0x19a: {  	s0 =	stileid.u32;
	[bflag:$0x2] =	sbarrier.arrive $0xFFFF  }
0x19b: {  	p0 =	sne.s32 s0, $0x0;
	s0 =	rddreg [dreg:$0x6]  }
0x19c: {  	s0 =	sadd.s32 @!p0 $0x100000, s0  }
0x19d: {  	[sflag:s0] =	ssyncadd.tile.s32 @!p0 $0x1;
	_ =	shalt  }
.Lfunc_end2:
_tile_overlayer_lowered:
.L_overlay_start_2:
0x19e: {  	(tag) =	ssettag $0x2  }
0x19f: {  	s0 =	rddreg [dreg:$0x0];
	s2 =	stileid.u32  }
0x1a0: {  	s1 =	rddreg [dreg:$0x1];
	p0 =	sne.s32 s2, $0x0  }
0x1a1: {  	s3 =	rddreg [dreg:$0x2];
	[bflag:$0x3] =	sbarrier.arrive $0xFFFF;
	s2 =	simm.s32 @!p0 $0x1C09  }
0x1a2: {  	[timem:s3], [sflag:s2] =	dma.local @!p0 [hbm:s0], s1  }
0x1a3: {  	s0 =	simm.s32 @!p0 $0x9  }
0x1a4: {  	_ =	swait.ge @!p0 [sflag:s0], s1  }
0x1a5: {  	s1 =	ssub.s32 @!p0 $0x0, s1;
	[sflag:s0] =	ssyncset.done @!p0 $0x0  }
0x1a6: {  	[sflag:s0] =	ssyncadd.s32 @!p0 s1  }
0x1a7: {  	[bflag:$0x3] =	sbarrier.arrive $0xFFFF  }
0x1a8: {  	_ =	shalt  }

// kernel: kernel.7.cloned.1.call-start
scs
__scs_entry_jumppad:
0x0: {  	(pc) =	sbr.rel $0x88, $3  }
0x1: {  	(tag) =	ssettag $0x0;
	lr =	simm.s32 $0x1  }
0x2: {  	[smem:$0x3F94] =	sst lr;
	_ =	strace $0xD0000000  }
0x3: {  	_ = 	snop  }
0x4: {  	_ = 	snop  }
0x5: {  	_ = 	snop  }
0x6: {  	_ = 	snop  }
0x7: {  	_ = 	snop  }
__scs_overlays_trampoline_lowered:
0x8: {  	[smem:$0x3FA3] =	sst s0  }
0x9: {  	[smem:$0x3FA4] =	sst s1  }
0xa: {  	[smem:$0x3FA5] =	sst s2  }
0xb: {  	[smem:$0x3FA6] =	sst s3  }
0xc: {  	[smem:$0x3FA7] =	sst s4  }
0xd: {  	[smem:$0x3FA8] =	sst s5  }
0xe: {  	[smem:$0x3FA9] =	sst s6  }
0xf: {  	[smem:$0x3FAA] =	sst s7  }
0x10: {  	[smem:$0x3FAB] =	sst s8  }
0x11: {  	[smem:$0x3FAC] =	sst s9;
	s0 =	simm.s32 @!p0 $0x0  }
0x12: {  	s1 =	sld [smem:$0x3F92];
	s0 =	simm.s32 @p0 $0x1  }
0x13: {  	[smem:$0x3FAD] =	sst s0;
	s0 =	simm.s32 @!p1 $0x0  }
0x14: {  	s2 =	sld [smem:$0x3F91];
	s0 =	simm.s32 @p1 $0x1  }
0x15: {  	[smem:$0x3FAE] =	sst s0;
	s0 =	simm.s32 @!p2 $0x0  }
0x16: {  	s3 =	sld [smem:$0x3FDB];
	s0 =	simm.s32 @p2 $0x1  }
0x17: {  	s4 =	simm.s32 $0x1BF5;
	[smem:$0x3FB0] =	sst s0  }
0x18: {  	s0 =	sld [smem:$0x3F93];
	_ =	swait.ge [sflag:s4], $0x0  }
0x19: {  	s7 =	sld [smem:$0x3F94]  }
0x1a: {  	s8 =	sadd.s32 $0xFFFFE003, lr  }
0x1b: {  	s9 =	sadd.s32 $0xFFFFFEF7, lr;
	s5 =	simm.s32 $0xFFFFFFFF;
	p2 =	slt.u32 s8, $0xFFFFF086  }
0x1c: {  	p1 =	slt.u32 s9, $0xF7A;
	s5 =	simm.s32 @!p2 $0x0  }
0x1d: {  	s5 =	simm.s32 @p1 $0x1;
	p0 =	seq.s32 s7, s2  }
0x1e: {  	s7 =	smul.u32 @!p0 $0xF7A, s2;
	p2 =	seq.s32 @!p0 s5, $0x0  }
0x1f: {  	s9 =	smul.u32 $0xF7A, s1;
	s8 =	simm.s32 @!p0 $0x1BF5;
	p2 =	por !p2, p0  }
0x20: {  	[sflag:s8] =	ssyncset.s32 @!p0 $0xFFFFF086;
	s6 =	sadd.s32 @!p0 s3, s7;
	s7 =	simm.s32 @!p0 $0x108  }
0x21: {  	s3 =	sadd.s32 s3, s9;
	s6 =	sadd.s32 @!p0 $0x88, s6;
	s7 =	simm.s32 @p2 $0x1082  }
0x22: {  	[simem:s7], [sflag:s8] =	dma.local @!p0 [hbm:s6], $0xF7A  }
0x23: {  	s9 =	sor.u32 $0xD0000000, s2;
	s6 =	simm.s32 $0x108;
	_ =	swait.ge @!p0 [sflag:s8], $0x0  }
0x24: {  	s3 =	sadd.s32 $0x88, s3;
	s6 =	simm.s32 @!p1 $0x1082;
	[sflag:s4] =	ssyncset.s32 $0xFFFFF086  }
0x25: {  	[simem:s6], [sflag:s4] =	dma.local [hbm:s3], $0xF7A  }
0x26: {  	[smem:$0x3F94] =	sst s1;
	(tag) =	ssettag s2;
	_ =	strace s9  }
0x27: {  	s1 =	sld [smem:$0x3FA4]  }
0x28: {  	s2 =	sld [smem:$0x3FA5]  }
0x29: {  	s4 =	sld [smem:$0x3FA7]  }
0x2a: {  	p0 =	seq.s32 s5, $0x0;
	s5 =	sld [smem:$0x3FA8]  }
0x2b: {  	s6 =	sld [smem:$0x3FA9]  }
0x2c: {  	s7 =	sld [smem:$0x3FAA]  }
0x2d: {  	s3 =	simm.s32 $0x108;
	s8 =	sld [smem:$0x3FAB]  }
0x2e: {  	s3 =	simm.s32 @!p0 $0x1082;
	s9 =	sld [smem:$0x3FAC]  }
0x2f: {  	lr =	sadd.s32 s0, s3;
	s0 =	sld [smem:$0x3FA3]  }
0x30: {  	s3 =	sld [smem:$0x3FA6]  }
0x31: {  	[smem:$0x3FAF] =	sst s10  }
0x32: {  	s10 =	sld [smem:$0x3FAD];
	_ =	sdelay $0x3  }
0x33: {  	p0 =	seq.s32 s10, $0x1;
	s10 =	sld [smem:$0x3FAF];
	_ =	sdelay $0x3  }
0x34: {  	[smem:$0x3FAF] =	sst s10  }
0x35: {  	s10 =	sld [smem:$0x3FAE];
	_ =	sdelay $0x3  }
0x36: {  	p1 =	seq.s32 s10, $0x1;
	s10 =	sld [smem:$0x3FAF];
	_ =	sdelay $0x3  }
0x37: {  	[smem:$0x3FAF] =	sst s10  }
0x38: {  	s10 =	sld [smem:$0x3FB0]  }
0x39: {  	_ = 	snop;
	(pc) =	sbr.ind lr, $3  }
0x3a: {  	_ = 	snop  }
0x3b: {  	_ = 	snop  }
0x3c: {  	p2 =	seq.s32 s10, $0x1;
	s10 =	sld [smem:$0x3FAF]  }
0x3d: {  	_ =	shalt  }
0x3e: {  	_ =	shalt  }
0x3f: {  	_ =	shalt  }
0x40: {  	_ =	shalt  }
0x41: {  	_ =	shalt  }
0x42: {  	_ =	shalt  }
0x43: {  	_ =	shalt  }
0x44: {  	_ =	shalt  }
0x45: {  	_ =	shalt  }
0x46: {  	_ =	shalt  }
0x47: {  	_ =	shalt  }
0x48: {  	_ =	shalt  }
0x49: {  	_ =	shalt  }
0x4a: {  	_ =	shalt  }
0x4b: {  	_ =	shalt  }
0x4c: {  	_ =	shalt  }
0x4d: {  	_ =	shalt  }
0x4e: {  	_ =	shalt  }
0x4f: {  	_ =	shalt  }
0x50: {  	_ =	shalt  }
0x51: {  	_ =	shalt  }
0x52: {  	_ =	shalt  }
0x53: {  	_ =	shalt  }
0x54: {  	_ =	shalt  }
0x55: {  	_ =	shalt  }
0x56: {  	_ =	shalt  }
0x57: {  	_ =	shalt  }
0x58: {  	_ =	shalt  }
0x59: {  	_ =	shalt  }
0x5a: {  	_ =	shalt  }
0x5b: {  	_ =	shalt  }
0x5c: {  	_ =	shalt  }
0x5d: {  	_ =	shalt  }
0x5e: {  	_ =	shalt  }
0x5f: {  	_ =	shalt  }
0x60: {  	_ =	shalt  }
0x61: {  	_ =	shalt  }
0x62: {  	_ =	shalt  }
0x63: {  	_ =	shalt  }
0x64: {  	_ =	shalt  }
0x65: {  	_ =	shalt  }
0x66: {  	_ =	shalt  }
0x67: {  	_ =	shalt  }
0x68: {  	_ =	shalt  }
0x69: {  	_ =	shalt  }
0x6a: {  	_ =	shalt  }
0x6b: {  	_ =	shalt  }
0x6c: {  	_ =	shalt  }
0x6d: {  	_ =	shalt  }
0x6e: {  	_ =	shalt  }
0x6f: {  	_ =	shalt  }
0x70: {  	_ =	shalt  }
0x71: {  	_ =	shalt  }
0x72: {  	_ =	shalt  }
0x73: {  	_ =	shalt  }
0x74: {  	_ =	shalt  }
0x75: {  	_ =	shalt  }
0x76: {  	_ =	shalt  }
0x77: {  	_ =	shalt  }
0x78: {  	_ =	shalt  }
0x79: {  	_ =	shalt  }
0x7a: {  	_ =	shalt  }
0x7b: {  	_ =	shalt  }
0x7c: {  	_ =	shalt  }
0x7d: {  	_ =	shalt  }
0x7e: {  	_ =	shalt  }
0x7f: {  	_ =	shalt  }
0x80: {  	_ =	shalt  }
0x81: {  	_ =	shalt  }
0x82: {  	_ =	shalt  }
0x83: {  	_ =	shalt  }
0x84: {  	_ =	shalt  }
0x85: {  	_ =	shalt  }
0x86: {  	_ =	shalt  }
0x87: {  	_ =	shalt  }
.Lfunc_end0:
.L_simem_size_0:
called_computation_lowered:
.L_overlay_start_0:
0x88: {  	s2 =	sld [smem:$0x3FD9]  }
0x89: {  	s3 =	sld [smem:$0x3FFE];
	_ =	sdelay $0x1  }
0x8a: {  	s1 =	srdreg.scid  }
0x8b: {  	s0 =	sand.u32 $0x1, s1  }
0x8c: {  	s17 =	sshll.u32 s0, $0xA;
	s2 =	sadd.s32 s3, s2  }
0x8d: {  	s2 =	sadd.s32 s2, s17  }
0x8e: {  	[smem:$0x3FBB] =	sst s2  }
0x8f: {  	_ = 	snop  }
0x90: {  	s2 =	sld [smem:$0x3FD0];
	(tm) =	ssettm $0x1  }
0x91: {  	s18 =	sld [smem:$0x3FFB];
	_ =	sdelay $0x3  }
0x92: {  	_ =	strace s18  }
0x93: {  	s3 =	sld [smem:$0x3FFC];
	_ =	sdelay $0x3  }
0x94: {  	_ =	strace s3  }
0x95: {  	s3 =	sld [smem:$0x3FFD];
	_ =	sdelay $0x3  }
0x96: {  	_ =	strace s3  }
0x97: {  	_ =	strace $0x8FFFFFFF  }
0x98: {  	s19 =	sld [smem:$0x3FDB];
	_ =	sdelay $0x1  }
0x99: {  	s4 =	simm.s32 $_scs_section_size  }
0x9a: {  	s5 =	simm.s32 $_size__tile_overlayer_lowered;
	s6 =	simm.s32 $_tile_overlayer_lowered  }
0x9b: {  	s22 =	simm.s32 $0x1BFF;
	s21 =	sshll.u32 s6, $0x1;
	s3 =	sadd.s32 s4, s19  }
0x9c: {  	s7 =	simm.s32 $0x0;
	s20 =	sshll.u32 s5, $0x1;
	s5 =	sadd.s32 s21, s3  }
0x9d: {  	[timem:s7], [sflag:s22] =	dma.local [hbm:s5], s20  }
0x9e: {  	_ =	swait.ge [sflag:s22], s20  }
0x9f: {  	s4 =	ssub.s32 $0x0, s20;
	[sflag:s22] =	ssyncset.done $0x0  }
0xa0: {  	[sflag:s22] =	ssyncadd.s32 s4;
	_ =	sdelay $0x1  }
0xa1: {  	s23 =	simm.s32 $0x1B8B  }
0xa2: {  	_ =	swait.ge [sflag:s23], $0x1  }
0xa3: {  	[sflag:s23] =	ssyncset.done $0x0  }
0xa4: {  	s25 =	simm.s32 $0x1B8E;
	s24 =	sld [smem:$0x3FFE];
	[sflag:s23] =	ssyncadd.s32 $0xFFFFFFFF  }
0xa5: {  	s26 =	simm.s32 $execute0_lowered;
	[smem:$0x3FD2] =	sst s25  }
0xa6: {  	s5 =	sshll.u32 s26, $0x1;
	_ =	strace $0x80000046;
	[dreg:$0x1] =	wrdreg $0xFFFFFFFF  }
0xa7: {  	s28 =	simm.s32 $_size_execute0_lowered;
	s3 =	sadd.s32 s3, s5;
	[dreg:$0x0] =	wrdreg $0x0  }
0xa8: {  	s5 =	sshll.u32 s28, $0x1;
	[dreg:$0x2] =	wrdreg s3  }
0xa9: {  	[dreg:$0x3] =	wrdreg s5  }
0xaa: {  	[dreg:$0x4] =	wrdreg $0xC0  }
0xab: {  	_ =	task [dreg:s7], $0x5FFFF  }
0xac: {  	[dreg:$0x1] =	wrdreg $0xFFFFFFFF  }
0xad: {  	[dreg:$0x0] =	wrdreg $0x60  }
0xae: {  	[dreg:$0x2] =	wrdreg s24  }
0xaf: {  	[dreg:$0x3] =	wrdreg s2  }
0xb0: {  	[dreg:$0x4] =	wrdreg $0x192D80  }
0xb1: {  	[dreg:$0x5] =	wrdreg $0x19F100  }
0xb2: {  	[dreg:$0x6] =	wrdreg $0x0  }
0xb3: {  	[dreg:$0x7] =	wrdreg $0xC380  }
0xb4: {  	[dreg:$0x8] =	wrdreg $0x9  }
0xb5: {  	_ =	task.clear_ibuf [dreg:s7], $0x9FFFF;
	_ =	strace $0x90000046  }
0xb6: {  	s29 =	simm.s32 $0x9;
	_ =	strace $0x80000048  }
0xb7: {  	_ =	swait.ge [sflag:s29], $0x1  }
0xb8: {  	[sflag:s29] =	ssyncadd.s32 $0xFFFFFFFF  }
0xb9: {  	_ =	strace $0x90000048  }
0xba: {  	_ =	sfence  }
0xbb: {  	s30 =	sld [smem:$0x0];
	_ =	sdelay $0x2  }
0xbc: {  	s31 =	sshll.u32 s1, $0xD;
	s1 =	sshrl.u32 s1, $0x2  }
0xbd: {  	s3 =	sand.u32 $0x4000, s31;
	s1 =	sadd.s32 s1, s30  }
0xbe: {  	s0 =	sor.u32 s3, s0;
	s1 =	sshll.u32 s1, $0x11  }
0xbf: {  	s0 =	sor.u32 s1, s0  }
0xc0: {  	s0 =	sadd.s32 $0x8F2B, s0  }
0xc1: {  	[sflag:s0] =	ssyncadd.remote.s32 $0x1  }
0xc2: {  	_ =	sfence.sel $0xFFFF  }
0xc3: {  	[dreg:$0x0] =	wrdreg $0xFFFFFFFF;
	(pc) =	sbr.abs _section_cstart, $3  }
0xc4: {  	[dreg:$0x1] =	wrdreg $0xFFFFFFFF  }
0xc5: {  	_ =	task.clear_ibuf [dreg:s7], $0x2FFFF;
	_ =	strace $0x9FFFFFFF  }
0xc6: {  	(tm) =	ssettm $0x7FFFFFFF  }
0xc7: {  	_ =	shalt  }
tec
execute0_lowered:
.L_overlay_start_1:
0x0: {  	(tag) =	ssettag $0x1  }
0x1: {  	s2 =	rddreg [dreg:$0x0]  }
0x2: {  	s4 =	rddreg [dreg:$0x1]  }
0x3: {  	s0 =	rddreg [dreg:$0x2]  }
0x4: {  	s1 =	rddreg [dreg:$0x3]  }
0x5: {  	s5 =	srdreg.scid;
	s3 =	rddreg [dreg:$0x4]  }
0x6: {  	s16 =	stileid.u32;
	s17 =	simm.s32 $0x0;
	s20 =	simm.s32 $0x9  }
0x7: {  	s28 =	simm.s32 $0x1ADA8;
	s29 =	simm.s32 $0x1;
	s30 =	simm.s32 $0xD0  }
0x8: {  	s6 =	sand.u32 $0x1, s5;
	s5 =	rddreg [dreg:$0x5];
	s9 =	smul.u32 $0x186A0, s16  }
0x9: {  	s31 =	simm.s32 $0x1B318;
	[smem:$0x7FF] =	sst s17;
	s15 =	smul.u32 $0x30E0, s16  }
0xa: {  	s13 =	sadd.s32 $0x9CC00, s2;
	s21 =	sadd.s32 $0x99A00, s2;
	s24 =	smul.u32 $0xC38, s16  }
0xb: {  	s18 =	sadd.s32 $0xB748, s3;
	p0 =	seq.s32 s16, $0xF;
	s7 =	smul.u32 $0x30D40, s6  }
0xc: {  	s8 =	smul.u32 $0x186A, s6;
	_ =	strace $0x80000047;
	[dreg:$0x8] =	wrdreg s13  }
0xd: {  	s10 =	smul.u32 $0x186A00, s6;
	[dreg:$0x9] =	wrdreg s21;
	s22 =	ssub.s32 $0x2, s6  }
0xe: {  	s6 =	smul.u32 $0xC350, s6;
	p1 =	sne.s32 @!p0 s16, $0x0;
	[dreg:$0xa] =	wrdreg s18  }
0xf: {  	s21 =	simm.s32 $0x5;
	s14 =	sshrl.u32 s22, $0x1;
	s23 =	sshrl.u32 s15, $0x2  }
0x10: {  	p1 =	por p1, p0;
	s11 =	sadd.s32 s7, s2;
	s12 =	sadd.s32 s8, s2  }
0x11: {  	s10 =	sadd.s32 s9, s10;
	s7 =	sadd.s32 $0x68C00, s2;
	s13 =	ssub.s32 s22, s14  }
0x12: {  	s4 =	sadd.s32 s4, s8;
	s9 =	sadd.s32 s9, s5;
	s14 =	smul.u32 $0xC350, s16  }
0x13: {  	s25 =	sadd.s32 s24, s6;
	s6 =	sadd.s32 $0xB748, s6;
	s8 =	sadd.s32 s24, s3  }
0x14: {  	s24 =	simm.s32 $0x1AB48;
	s16 =	simm.s32 $0x1CD18;
	s22 =	simm.s32 $0x1B258  }
0x15: {  	s10 =	sshrl.u32 s10, $0x3;
	[dreg:$0xb] =	wrdreg s4;
	s12 =	sadd.s32 $0x65A00, s12  }
0x16: {  	s4 =	sadd.s32 s23, s3;
	[dreg:$0xd] =	wrdreg s9;
	s15 =	sadd.s32 $0x3E00, s11  }
0x17: {  	s9 =	sshrl.u32 s25, $0x3;
	s6 =	sshrl.u32 s6, $0x3;
	[dreg:$0x10] =	wrdreg s8  }
0x18: {  	s26 =	smax.u32 s13, $0x1;
	s25 =	simm.s32 $0x1ACD8;
	s13 =	simm.s32 $0xC0  }
0x19: {  	s8 =	simm.s32 $0x8;
	s10 =	sadd.s32 s10, s2;
	[dreg:$0xc] =	wrdreg s12  }
0x1a: {  	s2 =	sadd.s32 $0xFEA00, s2;
	[dreg:$0x12] =	wrdreg s26;
	s10 =	sadd.s32 $0x9CE00, s10  }
0x1b: {  	s26 =	simm.s32 $0x1AC18;
	s9 =	sadd.s32 s2, s9;
	[dreg:$0xe] =	wrdreg s10  }
0x1c: {  	s12 =	simm.s32 $0x3;
	s2 =	sadd.s32 s2, s6;
	[dreg:$0xf] =	wrdreg s9  }
0x1d: {  	[dreg:$0x11] =	wrdreg s2;
	s2 =	sshrl.u32 @p0 s18, $0x3;
	s9 =	simm.s32 $0x2  }
0x1e: {  	s18 =	simm.s32 $0x4;
	[dreg:$0x13] =	wrdreg s2;
	s2 =	sshrl.u32 @!p0 s4, $0x3  }
0x1f: {  	s10 =	simm.s32 $0x6;
	s4 =	simm.s32 $0x7;
	[dreg:$0x14] =	wrdreg s2  }
.LBB2_1:
0x20: {  	[dreg:$0x7] =	wrdreg s17  }
0x21: {  	s17 =	rddreg [dreg:$0x8]  }
0x22: {  	s2 =	simm.s32 @p0 $0x1FC9;
	s6 =	rddreg [dreg:$0x13]  }
0x23: {  	[spmem:s6], [sflag:s2] =	dma.local @p0 [hbm:s17], $0x181  }
0x24: {  	s2 =	simm.s32 @p0 $0x9  }
0x25: {  	_ =	swait.ge @p0 [sflag:s2], $0x181  }
0x26: {  	s6 =	simm.s32 @!p1 $0x1C09;
	[sflag:s2] =	ssyncset.done @p0 $0x0  }
0x27: {  	s11 =	rddreg [dreg:$0xb];
	[sflag:s2] =	ssyncadd.s32 @p0 $0xFFFFFE7F;
	s2 =	sshrl.u32 @!p1 s0, $0x3  }
0x28: {  	[spmem:s2], [sflag:s6] =	dma.local @!p1 [hbm:s11], $0x186A  }
0x29: {  	s2 =	simm.s32 @!p1 $0x9  }
0x2a: {  	_ =	swait.ge @!p1 [sflag:s2], $0x186A  }
0x2b: {  	[sflag:s2] =	ssyncset.done @!p1 $0x0  }
0x2c: {  	s11 =	sshrl.u32 @!p1 s1, $0x3;
	s19 =	rddreg [dreg:$0xc];
	[sflag:s2] =	ssyncadd.s32 @!p1 $0xFFFFE796  }
0x2d: {  	[spmem:s11], [sflag:s6] =	dma.local @!p1 [hbm:s19], $0x186A  }
0x2e: {  	s11 =	stileid.u32;
	_ =	swait.ge @!p1 [sflag:s2], $0x186A  }
0x2f: {  	s6 =	sshll.u32 @!p0 s11, $0x6;
	s11 =	sshll.u32 s11, $0x6;
	[sflag:s2] =	ssyncset.done @!p1 $0x0  }
0x30: {  	[sflag:s2] =	ssyncadd.s32 @!p1 $0xFFFFE796;
	s2 =	sor.u32 @!p0 $0x1C09, s6;
	s6 =	rddreg [dreg:$0x14]  }
0x31: {  	[spmem:s6], [sflag:s2] =	dma.local @!p0 [hbm:s17], $0x187  }
0x32: {  	s2 =	simm.s32 @!p0 $0x9;
	s6 =	sor.u32 $0x1C09, s11  }
0x33: {  	_ =	swait.ge @!p0 [sflag:s2], $0x187;
	[dreg:$0x15] =	wrdreg s6  }
0x34: {  	s17 =	rddreg [dreg:$0xd]  }
0x35: {  	[sflag:s2] =	ssyncset.done @!p0 $0x0;
	s23 =	rddreg [dreg:$0x9];
	s19 =	sshrl.u32 s17, $0x3  }
0x36: {  	[sflag:s2] =	ssyncadd.s32 @!p0 $0xFFFFFE79;
	[dreg:$0x16] =	wrdreg s19  }
0x37: {  	[spmem:s19], [sflag:s6] =	dma.local [hbm:s23], $0x30D4  }
0x38: {  	_ =	swait.ge [sflag:s20], $0x30D4  }
0x39: {  	[sflag:s20] =	ssyncset.done $0x0  }
0x3a: {  	p2 =	por @p0 $0x1, $0x1;
	p3 =	por @!p0 $0x0, $0x0;
	[sflag:s20] =	ssyncadd.s32 $0xFFFFCF2C  }
0x3b: {  	p2 =	por @!p0 p3, p3;
	s23 =	simm.s32 $0x0;
	[bflag:$0x0] =	sbarrier.arrive $0xFFFF  }
.LBB2_2:
0x3c: {  	s2 =	smul.u32 $0x190, s23;
	_ =	sdelay $0x1  }
0x3d: {  	s2 =	sadd.s32 s14, s2  }
0x3e: {  	s2 =	sshrl.u32 s2, $0x3  }
0x3f: {  	s6 =	simm.s32 $0x0;
	s2 =	sadd.s32 s7, s2  }
0x40: {  	[tilespmem:s24], [sflag:$0x1] =	stream.linear.gather [hbm4b:s2+s6], $0xD0, $0x38;
	[tilespmem:$0x1E518] =	vst v63  }
0x41: {  	s11 =	sadd.s32 $0x186A0, s2  }
0x42: {  	[tilespmem:s25], [sflag:$0x2] =	stream.linear.gather [hbm4b:s11+s6], $0xD0, $0x38;
	[tilespmem:$0x1E518] =	vst v63  }
0x43: {  	s20 =	sadd.s32 $0x1A, s2  }
0x44: {  	[tilespmem:s26], [sflag:$0x3] =	stream.linear.gather [hbm4b:s20+s6], $0xC0, $0x38;
	[tilespmem:$0x1E518] =	vst v63  }
0x45: {  	s2 =	sadd.s32 $0x186BA, s2  }
0x46: {  	[tilespmem:s28], [sflag:$0x4] =	stream.linear.gather [hbm4b:s2+s6], $0xC0, $0x38;
	[tilespmem:$0x1E518] =	vst v63  }
0x47: {  	_ =	swait.ge [sflag:s29], $0xD0  }
0x48: {  	[sflag:s29] =	ssyncset.done $0x0  }
0x49: {  	[sflag:s29] =	ssyncadd.s32 $0xFFFFFF30  }
0x4a: {  	[tilespmem:s31], [sflag:$0x5] =	stream.indirect.gather [hbm4b:s15+s30], $0x20, s24, s30, $0xb8;
	[tilespmem:$0x1E518] =	vst v63  }
0x4b: {  	s11 =	simm.s32 $0x1AE68  }
0x4c: {  	[tilespmem:s11], [sflag:$0x1] =	stream.indirect.gather [spmem:s0], $0x1, s24, s30, $0xb8;
	[tilespmem:$0x1E518] =	vst v63  }
0x4d: {  	_ =	swait.ge [sflag:s9], $0xD0  }
0x4e: {  	[sflag:s9] =	ssyncset.done $0x0  }
0x4f: {  	s17 =	simm.s32 $0x1AFF8;
	[sflag:s9] =	ssyncadd.s32 $0xFFFFFF30  }
0x50: {  	[tilespmem:s17], [sflag:$0x2] =	stream.indirect.gather [spmem:s1], $0x1, s25, s30, $0xb8;
	[tilespmem:$0x1E518] =	vst v63  }
0x51: {  	_ =	swait.ge [sflag:s12], $0xC0  }
0x52: {  	[sflag:s12] =	ssyncset.done $0x0  }
0x53: {  	[sflag:s12] =	ssyncadd.s32 $0xFFFFFF40  }
0x54: {  	[tilespmem:s16], [sflag:$0x6] =	stream.indirect.gather [hbm4b:s15+s13], $0x20, s26, s13, $0xb8;
	[tilespmem:$0x1E518] =	vst v63  }
0x55: {  	s19 =	simm.s32 $0x1AF38  }
0x56: {  	[tilespmem:s19], [sflag:$0x3] =	stream.indirect.gather [spmem:s0], $0x1, s26, s13, $0xb8;
	[tilespmem:$0x1E518] =	vst v63  }
0x57: {  	_ =	swait.ge [sflag:s18], $0xC0  }
0x58: {  	[sflag:s18] =	ssyncset.done $0x0  }
0x59: {  	s20 =	simm.s32 $0x1B0C8;
	[sflag:s18] =	ssyncadd.s32 $0xFFFFFF40  }
0x5a: {  	[tilespmem:s20], [sflag:$0x4] =	stream.indirect.gather [spmem:s1], $0x1, s28, s13, $0xb8;
	[tilespmem:$0x1E518] =	vst v63  }
0x5b: {  	_ =	swait.ge [sflag:s29], $0xD0  }
0x5c: {  	[sflag:s29] =	ssyncset.done $0x0  }
0x5d: {  	[sflag:s29] =	ssyncadd.s32 $0xFFFFFF30  }
0x5e: {  	_ =	swait.ge [sflag:s9], $0xD0  }
0x5f: {  	[sflag:s9] =	ssyncset.done $0x0  }
0x60: {  	s2 =	simm.s32 $0x0;
	[sflag:s9] =	ssyncadd.s32 $0xFFFFFF30  }
0x61: {  	v0 =	vld [tilespmem:s2+$0x1AE68]  }
0x62: {  	v1 =	vld [tilespmem:s2+$0x1AFF8];
	_ =	sdelay $0x4  }
0x63: {  	v0 =	vadd.f32 v1, v0;
	_ =	sdelay $0x1  }
0x64: {  	s6 =	simm.s32 $0x10;
	v1 =	vmul.f32 $2.000000030e-01, v0  }
0x65: {  	v2 =	vld [tilespmem:s6+$0x1AE68];
	vm0 =	vge.f32 v0, $0.0e+00  }
0x66: {  	v3 =	vld [tilespmem:s6+$0x1AFF8];
	v0 =	vsel vm0, v0, v1  }
0x67: {  	s11 =	simm.s32 $0x20;
	v0 =	vmul.f32 $1.442695020e+00, v0  }
0x68: {  	v1 =	vld [tilespmem:s11+$0x1AE68]  }
0x69: {  	(erf) = vpow2.f32 v0;
	v0 =	vld [tilespmem:s11+$0x1AFF8];
	_ =	sdelay $0x1  }
0x6a: {  	v2 =	vadd.f32 v3, v2;
	_ =	sdelay $0x1  }
0x6b: {  	v3 =	vmul.f32 $2.000000030e-01, v2  }
0x6c: {  	vm14 =	vge.f32 v2, $0.0e+00;
	v4 =	vadd.f32 v0, v1  }
0x6d: {  	v0 =	vsel vm14, v2, v3  }
0x6e: {  	s17 =	simm.s32 $0x30;
	v1 =	vmul.f32 $1.442695020e+00, v0;
	v2 =	vmul.f32 $2.000000030e-01, v4  }
0x6f: {  	v0 =	vld [tilespmem:s17+$0x1AE68]  }
0x70: {  	(erf) = vpow2.f32 v1;
	v1 =	vld [tilespmem:s17+$0x1AFF8]  }
0x71: {  	vm15 =	vge.f32 v4, $0.0e+00  }
0x72: {  	s19 =	simm.s32 $0x100;
	v3 =	vsel vm15, v4, v2;
	v2 =	vpop (erf)  }
.LBB2_3:
0x73: {  	s20 =	sshra.s32 s19, $0x2  }
0x74: {  	v3 =	vmul.f32 $1.442695020e+00, v3;
	[tilespmem:s2+$0x1B188] =	vst v2;
	s2 =	smov.u32 s6;
	s6 =	smov.u32 s11;
	p3 =	sne.s32 s19, $0x300  }
.Ltmp0:
0x75: {  	s19 =	sadd.s32 $0x40, s19;
	v2 =	vadd.f32 v1, v0;
	v0 =	vld [tilespmem:s20+$0x1AE68];
	(pc) =	sbr.rel @p3 .LBB2_3-.Ltmp0, $4  }
0x76: {  	s11 =	smov.u32 s17;
	s17 =	smov.u32 s20;
	v1 =	vld [tilespmem:s20+$0x1AFF8];
	(erf) = vpow2.f32 v3  }
0x77: {  	v3 =	vmul.f32 $2.000000030e-01, v2  }
0x78: {  	vm0 =	vge.f32 v2, $0.0e+00  }
0x79: {  	v3 =	vsel vm0, v2, v3;
	v2 =	vpop (erf)  }
0x7a: {  	_ = 	snop  }
0x7b: {  	v0 =	vadd.f32 v1, v0;
	_ =	sdelay $0x1  }
0x7c: {  	v1 =	vmul.f32 $2.000000030e-01, v0  }
0x7d: {  	vm0 =	vge.f32 v0, $0.0e+00  }
0x7e: {  	v3 =	vmul.f32 $1.442695020e+00, v3;
	v0 =	vsel vm0, v0, v1  }
0x7f: {  	v0 =	vmul.f32 $1.442695020e+00, v0  }
0x80: {  	(erf) = vpow2.f32 v3  }
0x81: {  	(erf) = vpow2.f32 v0;
	_ =	sdelay $0x6  }
0x82: {  	[tilespmem:s2+$0x1B188] =	vst v2;
	v0 =	vpop (erf)  }
0x83: {  	[tilespmem:s6+$0x1B188] =	vst v0;
	v0 =	vpop (erf)  }
0x84: {  	[tilespmem:s11+$0x1B188] =	vst v0;
	v0 =	vpop (erf)  }
0x85: {  	s19 =	simm.s32 $0x1B188;
	[tilespmem:s17+$0x1B188] =	vst v0  }
0x86: {  	[spmem:s3] =	stream.indirect.scatter.add.f32 [tilespmem:s19], [sflag:$0x7], $0x1, s25, s30, $0xb8;
	[tilespmem:$0x1E518] =	vst v63  }
0x87: {  	_ =	swait.ge [sflag:s21], $0x1A00  }
0x88: {  	[sflag:s21] =	ssyncset.done $0x0  }
0x89: {  	s6 =	simm.s32 $0x1B418;
	[sflag:s21] =	ssyncadd.s32 $0xFFFFE600  }
0x8a: {  	v5 =	vld [tilespmem:s6+$0xFFFFFFA0]  }
0x8b: {  	v3 =	vld [tilespmem:s6+$0xFFFFFFF0]  }
0x8c: {  	v0 =	vld [tilespmem:s6+$0xFFFFFF60]  }
0x8d: {  	v6 =	vld [tilespmem:s6+$0xFFFFFFD0]  }
0x8e: {  	v7 =	vld [tilespmem:s6+$0x80]  }
0x8f: {  	v10 =	vld [tilespmem:s6+$0xFFFFFF10]  }
0x90: {  	v14 =	vld [tilespmem:s6+$0xE0]  }
0x91: {  	v9 =	vld [tilespmem:s6+$0xFFFFFF40]  }
0x92: {  	s20 =	simm.s32 $0x0;
	v1 =	vld [tilespmem:s6+$0xFFFFFF90]  }
0x93: {  	v2 =	vld [tilespmem:s20+$0x1B188]  }
0x94: {  	v8 =	vld [tilespmem:s6+$0xFFFFFFC0]  }
0x95: {  	v11 =	vld [tilespmem:s6+$0xFFFFFF00]  }
0x96: {  	v12 =	vld [tilespmem:s6+$0xD0]  }
0x97: {  	v21 =	vld [tilespmem:s6+$0xC0]  }
0x98: {  	v19 =	vld [tilespmem:s6+$0x90];
	v17 =	vbroadcast v2, $0x0;
	v4 =	vbroadcast v2, $0xF  }
0x99: {  	v20 =	vld [tilespmem:s6+$0xFFFFFF50];
	v18 =	vbroadcast v2, $0x2;
	v16 =	vbroadcast v2, $0xE  }
0x9a: {  	v15 =	vld [tilespmem:s6+$0xB0];
	v13 =	vbroadcast v2, $0xC;
	v23 =	vmul.f32 v17, v11  }
0x9b: {  	s2 =	simm.s32 $0x40;
	s11 =	simm.s32 $0x1B418;
	v11 =	vbroadcast v2, $0xD;
	v22 =	vmul.f32 v9, v18;
	v9 =	vld [tilespmem:s6+$0x60]  }
.LBB2_5:
0x9c: {  	p3 =	sne.s32 s2, $0x300  }
0x9d: {  	[tilespmem:s6+$0xFFFFFF00] =	vst v23;
	v23 =	vld [tilespmem:s6+$0xFFFFFFB0];
	v21 =	vmul.f32 v21, v16;
	v14 =	vmul.f32 v14, v4;
	s11 =	sadd.s32 $0x200, s11;
	s17 =	smov.u32 s2;
	s2 =	sadd.s32 $0x40, s2  }
0x9e: {  	[tilespmem:s6+$0xFFFFFF40] =	vst v22;
	v22 =	vbroadcast v2, $0xA;
	v19 =	vmul.f32 v19, v13;
	v24 =	vld [tilespmem:s6+$0xA0]  }
0x9f: {  	v10 =	vmul.f32 v10, v17;
	v17 =	vmul.f32 v20, v18;
	v18 =	vld [tilespmem:s6+$0x70];
	[tilespmem:s6+$0xE0] =	vst v14  }
0xa0: {  	v14 =	vbroadcast v2, $0x5;
	v20 =	vld [tilespmem:s6+$0xFFFFFFE0];
	v15 =	vmul.f32 v15, v11;
	[tilespmem:s6+$0xC0] =	vst v21  }
0xa1: {  	v12 =	vmul.f32 v12, v16;
	[tilespmem:s6+$0xFFFFFF10] =	vst v10;
	v10 =	vbroadcast v2, $0x6;
	v21 =	vld [tilespmem:s6+$0x40]  }
0xa2: {  	v25 =	vbroadcast v2, $0xB;
	v5 =	vmul.f32 v5, v14;
	v16 =	vld [tilespmem:s6+$0xFFFFFF20];
	[tilespmem:s6+$0x90] =	vst v19  }
0xa3: {  	v19 =	vbroadcast v2, $0x9;
	[tilespmem:s6+$0xFFFFFF50] =	vst v17;
	v17 =	vld [tilespmem:s6+$0x20];
	v11 =	vmul.f32 v24, v11  }
0xa4: {  	v14 =	vmul.f32 v23, v14;
	v23 =	vld [tilespmem:s6+$0x50];
	v18 =	vmul.f32 v18, v25;
	[tilespmem:s6+$0xD0] =	vst v12  }
0xa5: {  	v7 =	vmul.f32 v7, v13;
	v12 =	vbroadcast v2, $0x7;
	v24 =	vld [tilespmem:s6+$0x30];
	[tilespmem:s6+$0xA0] =	vst v11  }
0xa6: {  	v8 =	vmul.f32 v8, v10;
	v11 =	vbroadcast v2, $0x3;
	v13 =	vld [tilespmem:s6+$0x0];
	[tilespmem:s6+$0x70] =	vst v18  }
0xa7: {  	v9 =	vmul.f32 v9, v25;
	v6 =	vmul.f32 v6, v10;
	v10 =	vld [tilespmem:s6+$0x10];
	[tilespmem:s6+$0x80] =	vst v7  }
0xa8: {  	v18 =	vbroadcast v2, $0x8;
	v21 =	vmul.f32 v21, v22;
	v7 =	vld [tilespmem:s6+$0xFFFFFF30];
	[tilespmem:s6+$0xB0] =	vst v15  }
0xa9: {  	v15 =	vbroadcast v2, $0x1;
	v25 =	vld [tilespmem:s6+$0xFFFFFF70];
	[tilespmem:s6+$0xFFFFFFD0] =	vst v6;
	v22 =	vmul.f32 v23, v22  }
0xaa: {  	v3 =	vmul.f32 v3, v12;
	v6 =	vmul.f32 v20, v12;
	[tilespmem:s6+$0xFFFFFFC0] =	vst v8;
	v8 =	vld [tilespmem:s6+$0xF0]  }
0xab: {  	v20 =	vmul.f32 v24, v19;
	v12 =	vld [tilespmem:s6+$0xFFFFFF80];
	[tilespmem:s6+$0xFFFFFFA0] =	vst v5;
	v13 =	vmul.f32 v13, v18  }
0xac: {  	v5 =	vld [tilespmem:s11+$0xFFFFFFA0];
	[tilespmem:s6+$0xFFFFFFF0] =	vst v3;
	v18 =	vmul.f32 v10, v18;
	v10 =	vmul.f32 v17, v19  }
0xad: {  	v3 =	vmul.f32 v16, v15;
	v15 =	vmul.f32 v7, v15;
	[tilespmem:s6+$0x60] =	vst v9  }
0xae: {  	v0 =	vmul.f32 v0, v11;
	v7 =	vmul.f32 v25, v11;
	[tilespmem:s6+$0xFFFFFFB0] =	vst v14  }
0xaf: {  	v2 =	vbroadcast v2, $0x4;
	[tilespmem:s6+$0xFFFFFF20] =	vst v3;
	v3 =	vmul.f32 v8, v4  }
0xb0: {  	[tilespmem:s6+$0xFFFFFF60] =	vst v0  }
0xb1: {  	v4 =	vmul.f32 v12, v2;
	v0 =	vmul.f32 v1, v2;
	[tilespmem:s6+$0x40] =	vst v21  }
0xb2: {  	[tilespmem:s6+$0xFFFFFFE0] =	vst v6  }
0xb3: {  	[tilespmem:s6+$0xF0] =	vst v3  }
0xb4: {  	[tilespmem:s6+$0xFFFFFF90] =	vst v0  }
0xb5: {  	v3 =	vld [tilespmem:s11+$0xFFFFFFF0];
	[tilespmem:s6+$0xFFFFFF70] =	vst v7  }
0xb6: {  	v0 =	vld [tilespmem:s11+$0xFFFFFF60];
	[tilespmem:s6+$0x20] =	vst v10  }
0xb7: {  	v6 =	vld [tilespmem:s11+$0xFFFFFFD0];
	[tilespmem:s6+$0x30] =	vst v20  }
0xb8: {  	v7 =	vld [tilespmem:s11+$0x80];
	[tilespmem:s6+$0xFFFFFF80] =	vst v4  }
0xb9: {  	v10 =	vld [tilespmem:s11+$0xFFFFFF10];
	[tilespmem:s6+$0x50] =	vst v22  }
0xba: {  	v14 =	vld [tilespmem:s11+$0xE0];
	[tilespmem:s6+$0x0] =	vst v13  }
0xbb: {  	v9 =	vld [tilespmem:s11+$0xFFFFFF40];
	[tilespmem:s6+$0xFFFFFF30] =	vst v15  }
0xbc: {  	s17 =	sshra.s32 s17, $0x2;
	v1 =	vld [tilespmem:s11+$0xFFFFFF90];
	[tilespmem:s6+$0x10] =	vst v18;
	s6 =	smov.u32 s11  }
0xbd: {  	v2 =	vld [tilespmem:s17+$0x1B188]  }
0xbe: {  	v8 =	vld [tilespmem:s11+$0xFFFFFFC0]  }
0xbf: {  	v11 =	vld [tilespmem:s11+$0xFFFFFF00]  }
0xc0: {  	v12 =	vld [tilespmem:s11+$0xD0]  }
.Ltmp1:
0xc1: {  	v21 =	vld [tilespmem:s11+$0xC0];
	(pc) =	sbr.rel @p3 .LBB2_5-.Ltmp1, $4  }
0xc2: {  	v17 =	vbroadcast v2, $0x0;
	v19 =	vld [tilespmem:s11+$0x90];
	v4 =	vbroadcast v2, $0xF  }
0xc3: {  	v18 =	vbroadcast v2, $0x2;
	v16 =	vbroadcast v2, $0xE;
	v20 =	vld [tilespmem:s11+$0xFFFFFF50]  }
0xc4: {  	v23 =	vmul.f32 v17, v11;
	v11 =	vbroadcast v2, $0xD;
	v15 =	vld [tilespmem:s11+$0xB0]  }
0xc5: {  	v13 =	vbroadcast v2, $0xC;
	v22 =	vmul.f32 v9, v18;
	v9 =	vld [tilespmem:s11+$0x60]  }
0xc6: {  	[tilespmem:s6+$0xFFFFFF00] =	vst v23;
	v14 =	vmul.f32 v14, v4  }
0xc7: {  	v21 =	vmul.f32 v21, v16;
	[tilespmem:s6+$0xFFFFFF40] =	vst v22  }
0xc8: {  	v10 =	vmul.f32 v10, v17;
	[tilespmem:s6+$0xE0] =	vst v14  }
0xc9: {  	v42 =	vmul.f32 v12, v16;
	[tilespmem:s6+$0xC0] =	vst v21  }
0xca: {  	v40 =	vmul.f32 v19, v13;
	[tilespmem:s6+$0xFFFFFF10] =	vst v10  }
0xcb: {  	v48 =	vbroadcast v2, $0x6;
	v7 =	vmul.f32 v7, v13;
	[tilespmem:s6+$0xD0] =	vst v42  }
0xcc: {  	v18 =	vmul.f32 v20, v18;
	[tilespmem:s6+$0x90] =	vst v40  }
0xcd: {  	v52 =	vbroadcast v2, $0x5;
	v6 =	vmul.f32 v6, v48;
	[tilespmem:s6+$0x80] =	vst v7  }
0xce: {  	v54 =	vbroadcast v2, $0x7;
	v8 =	vmul.f32 v8, v48;
	[tilespmem:s6+$0xFFFFFF50] =	vst v18  }
0xcf: {  	v60 =	vbroadcast v2, $0x3;
	v5 =	vmul.f32 v5, v52;
	[tilespmem:s6+$0xFFFFFFD0] =	vst v6  }
0xd0: {  	v38 =	vld [tilespmem:s6+$0xA0];
	v63 =	vbroadcast v2, $0x4;
	v3 =	vmul.f32 v3, v54;
	[tilespmem:s6+$0xFFFFFFC0] =	vst v8  }
0xd1: {  	v39 =	vld [tilespmem:s6+$0x70];
	v0 =	vmul.f32 v0, v60;
	[tilespmem:s6+$0xFFFFFFA0] =	vst v5  }
0xd2: {  	v41 =	vld [tilespmem:s6+$0xFFFFFFB0];
	v44 =	vbroadcast v2, $0xB;
	v1 =	vmul.f32 v1, v63;
	[tilespmem:s6+$0xFFFFFFF0] =	vst v3  }
0xd3: {  	v43 =	vld [tilespmem:s6+$0xFFFFFF20];
	v50 =	vmul.f32 v15, v11;
	[tilespmem:s6+$0xFFFFFF60] =	vst v0  }
0xd4: {  	v45 =	vld [tilespmem:s6+$0xFFFFFFE0];
	v9 =	vmul.f32 v9, v44;
	[tilespmem:s6+$0xFFFFFF90] =	vst v1  }
0xd5: {  	v61 =	vld [tilespmem:s6+$0xF0];
	v46 =	vmul.f32 v38, v11;
	[tilespmem:s6+$0xB0] =	vst v50  }
0xd6: {  	v47 =	vld [tilespmem:s6+$0x40];
	v59 =	vbroadcast v2, $0x1;
	v17 =	vmul.f32 v39, v44;
	[tilespmem:s6+$0x60] =	vst v9  }
0xd7: {  	v51 =	vld [tilespmem:s6+$0x20];
	v5 =	vmul.f32 v41, v52;
	[tilespmem:s6+$0xA0] =	vst v46  }
0xd8: {  	v53 =	vld [tilespmem:s6+$0x30];
	v12 =	vmul.f32 v43, v59;
	[tilespmem:s6+$0x70] =	vst v17  }
0xd9: {  	v57 =	vld [tilespmem:s6+$0xFFFFFF80];
	v3 =	vbroadcast v2, $0xA;
	v7 =	vmul.f32 v45, v54;
	[tilespmem:s6+$0xFFFFFFB0] =	vst v5  }
0xda: {  	v56 =	vld [tilespmem:s6+$0xFFFFFF70];
	v0 =	vmul.f32 v61, v4;
	v4 =	vbroadcast v2, $0x9;
	[tilespmem:s6+$0xFFFFFF20] =	vst v12  }
0xdb: {  	v49 =	vld [tilespmem:s6+$0x50];
	v5 =	vmul.f32 v47, v3;
	[tilespmem:s6+$0xFFFFFFE0] =	vst v7  }
0xdc: {  	v55 =	vld [tilespmem:s6+$0x0];
	[tilespmem:s6+$0xF0] =	vst v0;
	v0 =	vmul.f32 v51, v4  }
0xdd: {  	v62 =	vld [tilespmem:s6+$0xFFFFFF30];
	v1 =	vmul.f32 v53, v4;
	[tilespmem:s6+$0x40] =	vst v5  }
0xde: {  	v58 =	vld [tilespmem:s6+$0x10];
	v4 =	vmul.f32 v57, v63;
	[tilespmem:s6+$0x20] =	vst v0  }
0xdf: {  	v2 =	vbroadcast v2, $0x8;
	v5 =	vmul.f32 v56, v60;
	[tilespmem:s6+$0x30] =	vst v1  }
0xe0: {  	v0 =	vmul.f32 v49, v3;
	[tilespmem:s6+$0xFFFFFF80] =	vst v4  }
0xe1: {  	v1 =	vmul.f32 v55, v2;
	[tilespmem:s6+$0xFFFFFF70] =	vst v5  }
0xe2: {  	v3 =	vmul.f32 v62, v59;
	[tilespmem:s6+$0x50] =	vst v0  }
0xe3: {  	v0 =	vmul.f32 v58, v2;
	[tilespmem:s6+$0x0] =	vst v1  }
0xe4: {  	[tilespmem:s6+$0xFFFFFF30] =	vst v3  }
0xe5: {  	[tilespmem:s6+$0x10] =	vst v0  }
0xe6: {  	[spmem:s5] =	stream.indirect.scatter.add.f32 [tilespmem:s31], [sflag:$0x8], $0x20, s25, s30, $0xb8;
	[tilespmem:$0x1E518] =	vst v63  }
0xe7: {  	_ =	swait.ge [sflag:s12], $0xC0  }
0xe8: {  	[sflag:s12] =	ssyncset.done $0x0  }
0xe9: {  	[sflag:s12] =	ssyncadd.s32 $0xFFFFFF40  }
0xea: {  	_ =	swait.ge [sflag:s18], $0xC0  }
0xeb: {  	[sflag:s18] =	ssyncset.done $0x0  }
0xec: {  	s2 =	simm.s32 $0x0;
	[sflag:s18] =	ssyncadd.s32 $0xFFFFFF40  }
0xed: {  	v0 =	vld [tilespmem:s2+$0x1AF38]  }
0xee: {  	v1 =	vld [tilespmem:s2+$0x1B0C8];
	_ =	sdelay $0x4  }
0xef: {  	s6 =	simm.s32 $0x10;
	v0 =	vadd.f32 v1, v0  }
0xf0: {  	v2 =	vld [tilespmem:s6+$0x1AF38]  }
0xf1: {  	v3 =	vld [tilespmem:s6+$0x1B0C8];
	v1 =	vmul.f32 $2.000000030e-01, v0  }
0xf2: {  	vm0 =	vge.f32 v0, $0.0e+00  }
0xf3: {  	v0 =	vsel vm0, v0, v1  }
0xf4: {  	s11 =	simm.s32 $0x20;
	v0 =	vmul.f32 $1.442695020e+00, v0  }
0xf5: {  	v4 =	vld [tilespmem:s11+$0x1B0C8]  }
0xf6: {  	v1 =	vld [tilespmem:s11+$0x1AF38];
	(erf) = vpow2.f32 v0;
	v0 =	vadd.f32 v3, v2;
	_ =	sdelay $0x1  }
0xf7: {  	v2 =	vmul.f32 $2.000000030e-01, v0  }
0xf8: {  	vm14 =	vge.f32 v0, $0.0e+00  }
0xf9: {  	v0 =	vsel vm14, v0, v2  }
0xfa: {  	s17 =	simm.s32 $0x30;
	v3 =	vadd.f32 v4, v1;
	v2 =	vmul.f32 $1.442695020e+00, v0  }
0xfb: {  	v1 =	vld [tilespmem:s17+$0x1B0C8]  }
0xfc: {  	v4 =	vmul.f32 $2.000000030e-01, v3;
	v0 =	vld [tilespmem:s17+$0x1AF38];
	(erf) = vpow2.f32 v2  }
0xfd: {  	vm15 =	vge.f32 v3, $0.0e+00  }
0xfe: {  	s19 =	simm.s32 $0x100;
	v3 =	vsel vm15, v3, v4;
	v2 =	vpop (erf)  }
.LBB2_7:
0xff: {  	s20 =	sshra.s32 s19, $0x2  }
0x100: {  	v3 =	vmul.f32 $1.442695020e+00, v3;
	[tilespmem:s2+$0x1B258] =	vst v2;
	s2 =	smov.u32 s6;
	s6 =	smov.u32 s11;
	p3 =	sne.s32 s19, $0x2C0  }
.Ltmp2:
0x101: {  	s19 =	sadd.s32 $0x40, s19;
	v2 =	vadd.f32 v1, v0;
	v0 =	vld [tilespmem:s20+$0x1AF38];
	(pc) =	sbr.rel @p3 .LBB2_7-.Ltmp2, $4  }
0x102: {  	s11 =	smov.u32 s17;
	s17 =	smov.u32 s20;
	v1 =	vld [tilespmem:s20+$0x1B0C8];
	(erf) = vpow2.f32 v3  }
0x103: {  	v3 =	vmul.f32 $2.000000030e-01, v2  }
0x104: {  	vm0 =	vge.f32 v2, $0.0e+00  }
0x105: {  	v3 =	vsel vm0, v2, v3;
	v2 =	vpop (erf)  }
0x106: {  	_ = 	snop  }
0x107: {  	v0 =	vadd.f32 v1, v0;
	_ =	sdelay $0x1  }
0x108: {  	v1 =	vmul.f32 $2.000000030e-01, v0  }
0x109: {  	vm0 =	vge.f32 v0, $0.0e+00  }
0x10a: {  	v3 =	vmul.f32 $1.442695020e+00, v3;
	v0 =	vsel vm0, v0, v1  }
0x10b: {  	v0 =	vmul.f32 $1.442695020e+00, v0  }
0x10c: {  	(erf) = vpow2.f32 v3  }
0x10d: {  	(erf) = vpow2.f32 v0;
	_ =	sdelay $0x6  }
0x10e: {  	[tilespmem:s2+$0x1B258] =	vst v2;
	v0 =	vpop (erf)  }
0x10f: {  	[tilespmem:s6+$0x1B258] =	vst v0;
	v0 =	vpop (erf)  }
0x110: {  	[tilespmem:s11+$0x1B258] =	vst v0;
	v0 =	vpop (erf)  }
0x111: {  	[tilespmem:s17+$0x1B258] =	vst v0  }
0x112: {  	[spmem:s3] =	stream.indirect.scatter.add.f32 [tilespmem:s22], [sflag:$0x7], $0x1, s28, s13, $0xb8;
	[tilespmem:$0x1E518] =	vst v63  }
0x113: {  	_ =	swait.ge [sflag:s10], $0x1800  }
0x114: {  	[sflag:s10] =	ssyncset.done $0x0  }
0x115: {  	s6 =	simm.s32 $0x1CE18;
	[sflag:s10] =	ssyncadd.s32 $0xFFFFE800  }
0x116: {  	v5 =	vld [tilespmem:s6+$0xFFFFFFA0]  }
0x117: {  	v3 =	vld [tilespmem:s6+$0xFFFFFFF0]  }
0x118: {  	v0 =	vld [tilespmem:s6+$0xFFFFFF60]  }
0x119: {  	v6 =	vld [tilespmem:s6+$0xFFFFFFD0]  }
0x11a: {  	v7 =	vld [tilespmem:s6+$0x80]  }
0x11b: {  	v10 =	vld [tilespmem:s6+$0xFFFFFF10]  }
0x11c: {  	v14 =	vld [tilespmem:s6+$0xE0]  }
0x11d: {  	v9 =	vld [tilespmem:s6+$0xFFFFFF40]  }
0x11e: {  	s20 =	simm.s32 $0x0;
	v1 =	vld [tilespmem:s6+$0xFFFFFF90]  }
0x11f: {  	v2 =	vld [tilespmem:s20+$0x1B258]  }
0x120: {  	v8 =	vld [tilespmem:s6+$0xFFFFFFC0]  }
0x121: {  	v11 =	vld [tilespmem:s6+$0xFFFFFF00]  }
0x122: {  	v12 =	vld [tilespmem:s6+$0xD0]  }
0x123: {  	v21 =	vld [tilespmem:s6+$0xC0]  }
0x124: {  	v19 =	vld [tilespmem:s6+$0x90];
	v17 =	vbroadcast v2, $0x0;
	v4 =	vbroadcast v2, $0xF  }
0x125: {  	v20 =	vld [tilespmem:s6+$0xFFFFFF50];
	v18 =	vbroadcast v2, $0x2;
	v16 =	vbroadcast v2, $0xE  }
0x126: {  	v15 =	vld [tilespmem:s6+$0xB0];
	v13 =	vbroadcast v2, $0xC;
	v23 =	vmul.f32 v17, v11  }
0x127: {  	s2 =	simm.s32 $0x40;
	s11 =	simm.s32 $0x1CE18;
	v11 =	vbroadcast v2, $0xD;
	v22 =	vmul.f32 v9, v18;
	v9 =	vld [tilespmem:s6+$0x60]  }
.LBB2_9:
0x128: {  	p3 =	sne.s32 s2, $0x2C0  }
0x129: {  	[tilespmem:s6+$0xFFFFFF00] =	vst v23;
	v23 =	vld [tilespmem:s6+$0xFFFFFFB0];
	v21 =	vmul.f32 v21, v16;
	v14 =	vmul.f32 v14, v4;
	s11 =	sadd.s32 $0x200, s11;
	s17 =	smov.u32 s2;
	s2 =	sadd.s32 $0x40, s2  }
0x12a: {  	[tilespmem:s6+$0xFFFFFF40] =	vst v22;
	v22 =	vbroadcast v2, $0xA;
	v19 =	vmul.f32 v19, v13;
	v24 =	vld [tilespmem:s6+$0xA0]  }
0x12b: {  	v10 =	vmul.f32 v10, v17;
	v17 =	vmul.f32 v20, v18;
	v18 =	vld [tilespmem:s6+$0x70];
	[tilespmem:s6+$0xE0] =	vst v14  }
0x12c: {  	v14 =	vbroadcast v2, $0x5;
	v20 =	vld [tilespmem:s6+$0xFFFFFFE0];
	v15 =	vmul.f32 v15, v11;
	[tilespmem:s6+$0xC0] =	vst v21  }
0x12d: {  	v12 =	vmul.f32 v12, v16;
	[tilespmem:s6+$0xFFFFFF10] =	vst v10;
	v10 =	vbroadcast v2, $0x6;
	v21 =	vld [tilespmem:s6+$0x40]  }
0x12e: {  	v25 =	vbroadcast v2, $0xB;
	v5 =	vmul.f32 v5, v14;
	v16 =	vld [tilespmem:s6+$0xFFFFFF20];
	[tilespmem:s6+$0x90] =	vst v19  }
0x12f: {  	v19 =	vbroadcast v2, $0x9;
	[tilespmem:s6+$0xFFFFFF50] =	vst v17;
	v17 =	vld [tilespmem:s6+$0x20];
	v11 =	vmul.f32 v24, v11  }
0x130: {  	v14 =	vmul.f32 v23, v14;
	v23 =	vld [tilespmem:s6+$0x50];
	v18 =	vmul.f32 v18, v25;
	[tilespmem:s6+$0xD0] =	vst v12  }
0x131: {  	v7 =	vmul.f32 v7, v13;
	v12 =	vbroadcast v2, $0x7;
	v24 =	vld [tilespmem:s6+$0x30];
	[tilespmem:s6+$0xA0] =	vst v11  }
0x132: {  	v8 =	vmul.f32 v8, v10;
	v11 =	vbroadcast v2, $0x3;
	v13 =	vld [tilespmem:s6+$0x0];
	[tilespmem:s6+$0x70] =	vst v18  }
0x133: {  	v9 =	vmul.f32 v9, v25;
	v6 =	vmul.f32 v6, v10;
	v10 =	vld [tilespmem:s6+$0x10];
	[tilespmem:s6+$0x80] =	vst v7  }
0x134: {  	v18 =	vbroadcast v2, $0x8;
	v21 =	vmul.f32 v21, v22;
	v7 =	vld [tilespmem:s6+$0xFFFFFF30];
	[tilespmem:s6+$0xB0] =	vst v15  }
0x135: {  	v15 =	vbroadcast v2, $0x1;
	v25 =	vld [tilespmem:s6+$0xFFFFFF70];
	[tilespmem:s6+$0xFFFFFFD0] =	vst v6;
	v22 =	vmul.f32 v23, v22  }
0x136: {  	v3 =	vmul.f32 v3, v12;
	v6 =	vmul.f32 v20, v12;
	[tilespmem:s6+$0xFFFFFFC0] =	vst v8;
	v8 =	vld [tilespmem:s6+$0xF0]  }
0x137: {  	v20 =	vmul.f32 v24, v19;
	v12 =	vld [tilespmem:s6+$0xFFFFFF80];
	[tilespmem:s6+$0xFFFFFFA0] =	vst v5;
	v13 =	vmul.f32 v13, v18  }
0x138: {  	v5 =	vld [tilespmem:s11+$0xFFFFFFA0];
	[tilespmem:s6+$0xFFFFFFF0] =	vst v3;
	v18 =	vmul.f32 v10, v18;
	v10 =	vmul.f32 v17, v19  }
0x139: {  	v3 =	vmul.f32 v16, v15;
	v15 =	vmul.f32 v7, v15;
	[tilespmem:s6+$0x60] =	vst v9  }
0x13a: {  	v0 =	vmul.f32 v0, v11;
	v7 =	vmul.f32 v25, v11;
	[tilespmem:s6+$0xFFFFFFB0] =	vst v14  }
0x13b: {  	v2 =	vbroadcast v2, $0x4;
	[tilespmem:s6+$0xFFFFFF20] =	vst v3;
	v3 =	vmul.f32 v8, v4  }
0x13c: {  	[tilespmem:s6+$0xFFFFFF60] =	vst v0  }
0x13d: {  	v4 =	vmul.f32 v12, v2;
	v0 =	vmul.f32 v1, v2;
	[tilespmem:s6+$0x40] =	vst v21  }
0x13e: {  	[tilespmem:s6+$0xFFFFFFE0] =	vst v6  }
0x13f: {  	[tilespmem:s6+$0xF0] =	vst v3  }
0x140: {  	[tilespmem:s6+$0xFFFFFF90] =	vst v0  }
0x141: {  	v3 =	vld [tilespmem:s11+$0xFFFFFFF0];
	[tilespmem:s6+$0xFFFFFF70] =	vst v7  }
0x142: {  	v0 =	vld [tilespmem:s11+$0xFFFFFF60];
	[tilespmem:s6+$0x20] =	vst v10  }
0x143: {  	v6 =	vld [tilespmem:s11+$0xFFFFFFD0];
	[tilespmem:s6+$0x30] =	vst v20  }
0x144: {  	v7 =	vld [tilespmem:s11+$0x80];
	[tilespmem:s6+$0xFFFFFF80] =	vst v4  }
0x145: {  	v10 =	vld [tilespmem:s11+$0xFFFFFF10];
	[tilespmem:s6+$0x50] =	vst v22  }
0x146: {  	v14 =	vld [tilespmem:s11+$0xE0];
	[tilespmem:s6+$0x0] =	vst v13  }
0x147: {  	v9 =	vld [tilespmem:s11+$0xFFFFFF40];
	[tilespmem:s6+$0xFFFFFF30] =	vst v15  }
0x148: {  	s17 =	sshra.s32 s17, $0x2;
	v1 =	vld [tilespmem:s11+$0xFFFFFF90];
	[tilespmem:s6+$0x10] =	vst v18;
	s6 =	smov.u32 s11  }
0x149: {  	v2 =	vld [tilespmem:s17+$0x1B258]  }
0x14a: {  	v8 =	vld [tilespmem:s11+$0xFFFFFFC0]  }
0x14b: {  	v11 =	vld [tilespmem:s11+$0xFFFFFF00]  }
0x14c: {  	v12 =	vld [tilespmem:s11+$0xD0]  }
.Ltmp3:
0x14d: {  	v21 =	vld [tilespmem:s11+$0xC0];
	(pc) =	sbr.rel @p3 .LBB2_9-.Ltmp3, $4  }
0x14e: {  	v17 =	vbroadcast v2, $0x0;
	v19 =	vld [tilespmem:s11+$0x90];
	v4 =	vbroadcast v2, $0xF  }
0x14f: {  	v18 =	vbroadcast v2, $0x2;
	v16 =	vbroadcast v2, $0xE;
	v20 =	vld [tilespmem:s11+$0xFFFFFF50]  }
0x150: {  	v23 =	vmul.f32 v17, v11;
	v11 =	vbroadcast v2, $0xD;
	v15 =	vld [tilespmem:s11+$0xB0]  }
0x151: {  	v13 =	vbroadcast v2, $0xC;
	v22 =	vmul.f32 v9, v18;
	v9 =	vld [tilespmem:s11+$0x60]  }
0x152: {  	[tilespmem:s6+$0xFFFFFF00] =	vst v23;
	v14 =	vmul.f32 v14, v4  }
0x153: {  	v21 =	vmul.f32 v21, v16;
	[tilespmem:s6+$0xFFFFFF40] =	vst v22  }
0x154: {  	v10 =	vmul.f32 v10, v17;
	[tilespmem:s6+$0xE0] =	vst v14  }
0x155: {  	v28 =	vmul.f32 v12, v16;
	[tilespmem:s6+$0xC0] =	vst v21  }
0x156: {  	v26 =	vmul.f32 v19, v13;
	[tilespmem:s6+$0xFFFFFF10] =	vst v10  }
0x157: {  	v34 =	vbroadcast v2, $0x6;
	v7 =	vmul.f32 v7, v13;
	[tilespmem:s6+$0xD0] =	vst v28  }
0x158: {  	v18 =	vmul.f32 v20, v18;
	[tilespmem:s6+$0x90] =	vst v26  }
0x159: {  	v38 =	vbroadcast v2, $0x5;
	v6 =	vmul.f32 v6, v34;
	[tilespmem:s6+$0x80] =	vst v7  }
0x15a: {  	v40 =	vbroadcast v2, $0x7;
	v8 =	vmul.f32 v8, v34;
	[tilespmem:s6+$0xFFFFFF50] =	vst v18  }
0x15b: {  	v47 =	vbroadcast v2, $0x3;
	v5 =	vmul.f32 v5, v38;
	[tilespmem:s6+$0xFFFFFFD0] =	vst v6  }
0x15c: {  	v24 =	vld [tilespmem:s6+$0xA0];
	v52 =	vbroadcast v2, $0x4;
	v3 =	vmul.f32 v3, v40;
	[tilespmem:s6+$0xFFFFFFC0] =	vst v8  }
0x15d: {  	v25 =	vld [tilespmem:s6+$0x70];
	v0 =	vmul.f32 v0, v47;
	[tilespmem:s6+$0xFFFFFFA0] =	vst v5  }
0x15e: {  	v27 =	vld [tilespmem:s6+$0xFFFFFFB0];
	v30 =	vbroadcast v2, $0xB;
	v1 =	vmul.f32 v1, v52;
	[tilespmem:s6+$0xFFFFFFF0] =	vst v3  }
0x15f: {  	v29 =	vld [tilespmem:s6+$0xFFFFFF20];
	v36 =	vmul.f32 v15, v11;
	[tilespmem:s6+$0xFFFFFF60] =	vst v0  }
0x160: {  	v33 =	vld [tilespmem:s6+$0x40];
	v9 =	vmul.f32 v9, v30;
	[tilespmem:s6+$0xFFFFFF90] =	vst v1  }
0x161: {  	v31 =	vld [tilespmem:s6+$0xFFFFFFE0];
	v32 =	vmul.f32 v24, v11;
	[tilespmem:s6+$0xB0] =	vst v36  }
0x162: {  	v45 =	vbroadcast v2, $0x1;
	v48 =	vld [tilespmem:s6+$0xF0];
	v17 =	vmul.f32 v25, v30;
	[tilespmem:s6+$0x60] =	vst v9  }
0x163: {  	v42 =	vld [tilespmem:s6+$0xFFFFFF70];
	v49 =	vbroadcast v2, $0xA;
	v46 =	vmul.f32 v27, v38;
	[tilespmem:s6+$0xA0] =	vst v32  }
0x164: {  	v37 =	vld [tilespmem:s6+$0x20];
	v12 =	vmul.f32 v29, v45;
	[tilespmem:s6+$0x70] =	vst v17  }
0x165: {  	v39 =	vld [tilespmem:s6+$0x30];
	v51 =	vmul.f32 v33, v49;
	[tilespmem:s6+$0xFFFFFFB0] =	vst v46  }
0x166: {  	v43 =	vld [tilespmem:s6+$0xFFFFFF80];
	v7 =	vmul.f32 v31, v40;
	[tilespmem:s6+$0xFFFFFF20] =	vst v12  }
0x167: {  	v35 =	vld [tilespmem:s6+$0x50];
	v54 =	vbroadcast v2, $0x9;
	v53 =	vmul.f32 v48, v4;
	[tilespmem:s6+$0x40] =	vst v51  }
0x168: {  	v41 =	vld [tilespmem:s6+$0x0];
	v55 =	vmul.f32 v42, v47;
	[tilespmem:s6+$0xFFFFFFE0] =	vst v7  }
0x169: {  	v50 =	vld [tilespmem:s6+$0xFFFFFF30];
	v56 =	vmul.f32 v37, v54;
	[tilespmem:s6+$0xF0] =	vst v53  }
0x16a: {  	v44 =	vld [tilespmem:s6+$0x10];
	v57 =	vmul.f32 v39, v54;
	[tilespmem:s6+$0xFFFFFF70] =	vst v55  }
0x16b: {  	v58 =	vbroadcast v2, $0x8;
	v59 =	vmul.f32 v43, v52;
	[tilespmem:s6+$0x20] =	vst v56  }
0x16c: {  	v60 =	vmul.f32 v35, v49;
	[tilespmem:s6+$0x30] =	vst v57  }
0x16d: {  	v61 =	vmul.f32 v41, v58;
	[tilespmem:s6+$0xFFFFFF80] =	vst v59  }
0x16e: {  	v62 =	vmul.f32 v50, v45;
	[tilespmem:s6+$0x50] =	vst v60  }
0x16f: {  	v63 =	vmul.f32 v44, v58;
	[tilespmem:s6+$0x0] =	vst v61  }
0x170: {  	[tilespmem:s6+$0xFFFFFF30] =	vst v62  }
0x171: {  	[tilespmem:s6+$0x10] =	vst v63  }
0x172: {  	[spmem:s5] =	stream.indirect.scatter.add.f32 [tilespmem:s16], [sflag:$0x8], $0x20, s28, s13, $0xb8;
	[tilespmem:$0x1E518] =	vst v63  }
0x173: {  	_ =	swait.ge [sflag:s4], $0xD0  }
0x174: {  	[sflag:s4] =	ssyncset.done $0x0  }
0x175: {  	[sflag:s4] =	ssyncadd.s32 $0xFFFFFF30  }
0x176: {  	_ =	swait.ge [sflag:s8], $0x1A00  }
0x177: {  	[sflag:s8] =	ssyncset.done $0x0  }
0x178: {  	s23 =	sadd.s32 $0x1, s23;
	[sflag:s8] =	ssyncadd.s32 $0xFFFFE600  }
0x179: {  	p3 =	sne.s32 s23, $0x7D;
	_ =	swait.ge [sflag:s4], $0xC0  }
.Ltmp4:
0x17a: {  	[sflag:s4] =	ssyncset.done $0x0;
	(pc) =	sbr.rel @p3 .LBB2_2-.Ltmp4, $4  }
0x17b: {  	[sflag:s4] =	ssyncadd.s32 $0xFFFFFF40  }
0x17c: {  	_ =	swait.ge [sflag:s8], $0x1800  }
0x17d: {  	[sflag:s8] =	ssyncset.done $0x0  }
0x17e: {  	[sflag:s8] =	ssyncadd.s32 $0xFFFFE800  }
0x17f: {  	[bflag:$0x0] =	sbarrier.arrive $0xFFFF  }
0x180: {  	s2 =	rddreg [dreg:$0xe]  }
0x181: {  	s11 =	rddreg [dreg:$0x15]  }
0x182: {  	s20 =	simm.s32 $0x9;
	s6 =	rddreg [dreg:$0x16]  }
0x183: {  	[hbm:s2], [sflag:s11] =	dma.local [spmem:s6], $0x30D4  }
0x184: {  	_ =	swait.ge [sflag:s20], $0x30D4  }
0x185: {  	[sflag:s20] =	ssyncset.done $0x0;
	s2 =	rddreg [dreg:$0xa]  }
0x186: {  	s6 =	rddreg [dreg:$0x11];
	[sflag:s20] =	ssyncadd.s32 $0xFFFFCF2C;
	s2 =	sshrl.u32 @p2 s2, $0x3  }
0x187: {  	[hbm:s6], [sflag:s11] =	dma.local @p2 [spmem:s2], $0x181  }
0x188: {  	s2 =	simm.s32 @p2 $0x9  }
0x189: {  	_ =	swait.ge @p2 [sflag:s2], $0x181  }
0x18a: {  	[sflag:s2] =	ssyncset.done @p2 $0x0  }
0x18b: {  	[sflag:s2] =	ssyncadd.s32 @p2 $0xFFFFFE7F;
	s2 =	rddreg [dreg:$0x10]  }
0x18c: {  	s6 =	rddreg [dreg:$0xf];
	s2 =	sshrl.u32 @!p2 s2, $0x3  }
0x18d: {  	[hbm:s6], [sflag:s11] =	dma.local @!p2 [spmem:s2], $0x187  }
0x18e: {  	s2 =	simm.s32 @!p2 $0x9  }
0x18f: {  	_ =	swait.ge @!p2 [sflag:s2], $0x187  }
0x190: {  	s17 =	rddreg [dreg:$0x7]  }
0x191: {  	s23 =	rddreg [dreg:$0x12];
	s17 =	sadd.s32 $0x1, s17  }
0x192: {  	p3 =	sne.s32 s17, s23  }
.Ltmp5:
0x193: {  	_ = 	snop;
	(pc) =	sbr.rel @p3 .LBB2_1-.Ltmp5, $3  }
0x194: {  	_ =	sdelay $0x1  }
0x195: {  	[sflag:s2] =	ssyncset.done @!p2 $0x0  }
0x196: {  	[sflag:s2] =	ssyncadd.s32 @!p2 $0xFFFFFE79  }
0x197: {  	_ =	sfence.sel $0x180000  }
0x198: {  	[bflag:$0x0] =	sbarrier.arrive $0xFFFF  }
0x199: {  	_ =	strace $0x90000047  }
0x19a: {  	s0 =	stileid.u32;
	[bflag:$0x2] =	sbarrier.arrive $0xFFFF  }
0x19b: {  	p0 =	sne.s32 s0, $0x0;
	s0 =	rddreg [dreg:$0x6]  }
0x19c: {  	s0 =	sadd.s32 @!p0 $0x100000, s0  }
0x19d: {  	[sflag:s0] =	ssyncadd.tile.s32 @!p0 $0x1;
	_ =	shalt  }
.Lfunc_end2:
_tile_overlayer_lowered:
.L_overlay_start_2:
0x19e: {  	(tag) =	ssettag $0x2  }
0x19f: {  	s0 =	rddreg [dreg:$0x0];
	s2 =	stileid.u32  }
0x1a0: {  	s1 =	rddreg [dreg:$0x1];
	p0 =	sne.s32 s2, $0x0  }
0x1a1: {  	s3 =	rddreg [dreg:$0x2];
	[bflag:$0x3] =	sbarrier.arrive $0xFFFF;
	s2 =	simm.s32 @!p0 $0x1C09  }
0x1a2: {  	[timem:s3], [sflag:s2] =	dma.local @!p0 [hbm:s0], s1  }
0x1a3: {  	s0 =	simm.s32 @!p0 $0x9  }
0x1a4: {  	_ =	swait.ge @!p0 [sflag:s0], s1  }
0x1a5: {  	s1 =	ssub.s32 @!p0 $0x0, s1;
	[sflag:s0] =	ssyncset.done @!p0 $0x0  }
0x1a6: {  	[sflag:s0] =	ssyncadd.s32 @!p0 s1  }
0x1a7: {  	[bflag:$0x3] =	sbarrier.arrive $0xFFFF  }
0x1a8: {  	_ =	shalt  }

</sc_bundles>
